<compile_context>
chip_gen: v7x
topology: tpu7x:2x2x1
jax: 0.10.2.dev20260603
libtpu: 0.0.44.dev20260713+nightly
codegen_flags: <defaults>
</compile_context>

<pallas_src>
import functools

import jax
import jax.numpy as jnp
from jax import lax
from jax.experimental import pallas as pl
from jax.experimental.pallas import tpu as pltpu
from jax.experimental.pallas import tpu_sc as plsc

B = 4096
D = 32
K = 5
BLK = 512
NB = B // BLK

NS = 16
RPW = B // NS
LANES = 16
CH = RPW // LANES


SCALE = 64.0
OFS = 262144.0
MAGIC = 12582912.0


def _topk_body(z_ref, idx_ref, val_ref):
    pid = pl.program_id(0)
    z = z_ref[...]
    zb = z_ref[pl.ds(pid * BLK, BLK), :]
    zbs = zb * jnp.float32(-SCALE)
    ips = lax.dot_general(z, zbs, (((1,), (1,)), ((), ())),
                          preferred_element_type=jnp.float32)
    colc = (jnp.sum(z * z, axis=1) * jnp.float32(0.5 * SCALE)
            + jnp.float32(OFS + MAGIC))
    f = ips + colc[:, None]
    bits = lax.bitcast_convert_type(f, jnp.int32)
    rowi = lax.broadcasted_iota(jnp.int32, (B, BLK), 0)
    key = lax.shift_left(bits, jnp.int32(12)) | rowi
    HB = B
    for _ in range(4):
        HB //= 2
        key = jnp.minimum(key[:HB, :], key[HB:, :])
    MAXI = jnp.int32(0x7FFFFFFF)
    ms = []
    for k in range(K + 1):
        m = jnp.min(key, axis=0)
        ms.append(m)
        if k < K:
            key = jnp.where(key > m[None, :], key, MAXI)
    g = pid * BLK + lax.iota(jnp.int32, BLK)
    seen = jnp.zeros((BLK,), jnp.bool_)
    c8 = jnp.full((8, D), 1.0, jnp.float32)
    sq_b8 = lax.dot_general(c8, zb * zb, (((1,), (1,)), ((), ())),
                            preferred_element_type=jnp.float32)
    sq_b = sq_b8[0, :]
    for k in range(K):
        seen = jnp.logical_or(seen, (ms[k] & jnp.int32(0xFFF)) == g)
        nb = jnp.where(seen, ms[k + 1], ms[k])
        idx = nb & jnp.int32(0xFFF)
        vi = lax.shift_right_logical(nb, jnp.int32(12)).astype(jnp.float32)
        v = vi * jnp.float32(2.0 / SCALE) + (sq_b - jnp.float32(2.0 * OFS / SCALE))
        idx_ref[pl.ds(k * B + pid * BLK, BLK)] = idx
        val_ref[pl.ds(k * B + pid * BLK, BLK)] = v


def _topk(z):
    return pl.pallas_call(
        _topk_body,
        grid=(NB,),
        in_specs=[pl.BlockSpec((B, D), lambda i: (0, 0))],
        out_specs=[pl.BlockSpec((K * B,), lambda i: (0,)),
                   pl.BlockSpec((K * B,), lambda i: (0,))],
        out_shape=[jax.ShapeDtypeStruct((K * B,), jnp.int32),
                   jax.ShapeDtypeStruct((K * B,), jnp.float32)],
    )(z)


def _recip_body(idx_hbm, val_hbm, parts_hbm, loss_hbm,
                idx_v, val_v, acc_v, all_v, scal_v):
    wid = lax.axis_index("s")
    pltpu.sync_copy(idx_hbm, idx_v)
    for k in range(K):
        pltpu.sync_copy(val_hbm.at[pl.ds(k * B + wid * RPW, RPW)],
                        val_v.at[pl.ds(k * RPW, RPW)])
    lanes = lax.iota(jnp.int32, LANES)
    tot = jnp.zeros((LANES,), jnp.float32)
    rec = jnp.zeros((LANES,), jnp.float32)
    for j in range(CH):
        rl = j * LANES + lanes
        r = wid * RPW + rl
        for k in range(K):
            c = plsc.load_gather(idx_v, [r + k * B])
            v = plsc.load_gather(val_v, [rl + k * RPW])
            m = jnp.zeros((LANES,), jnp.bool_)
            for l in range(K):
                g = plsc.load_gather(idx_v, [c + l * B])
                m = jnp.logical_or(m, g == r)
            tot = tot + v
            rec = rec + jnp.where(m, v, jnp.float32(0.0))
    acc_v[0, :] = tot
    acc_v[1, :] = rec
    pltpu.sync_copy(acc_v, parts_hbm.at[wid])
    plsc.subcore_barrier()

    @pl.when(wid == 0)
    def _():
        pltpu.sync_copy(parts_hbm, all_v)
        tot_l = jnp.zeros((LANES,), jnp.float32)
        rec_l = jnp.zeros((LANES,), jnp.float32)
        for t in range(NS):
            tot_l = tot_l + all_v[t, 0, :]
            rec_l = rec_l + all_v[t, 1, :]
        loss = (jnp.sum(tot_l) - 0.5 * jnp.sum(rec_l)) * jnp.float32(1.0 / B)
        scal_v[...] = jnp.full((LANES,), loss, jnp.float32)
        pltpu.sync_copy(scal_v.at[pl.ds(0, 1)], loss_hbm)


@functools.cache
def _make_recip():
    return pl.kernel(
        _recip_body,
        out_type=(jax.ShapeDtypeStruct((NS, 2, LANES), jnp.float32),
                  jax.ShapeDtypeStruct((1,), jnp.float32)),
        mesh=plsc.VectorSubcoreMesh(core_axis_name="c", subcore_axis_name="s",
                                    num_cores=1, num_subcores=NS),
        scratch_types=[pltpu.VMEM((K * B,), jnp.int32),
                       pltpu.VMEM((K * RPW,), jnp.float32),
                       pltpu.VMEM((2, LANES), jnp.float32),
                       pltpu.VMEM((NS, 2, LANES), jnp.float32),
                       pltpu.VMEM((LANES,), jnp.float32)],
        compiler_params=pltpu.CompilerParams(needs_layout_passes=False),
    )


def kernel(z):
    idx_flat, val_flat = _topk(z)
    _, loss1 = _make_recip()(idx_flat, val_flat)
    return jnp.reshape(loss1, ())

# --- scband reference (transcript-rebuilt; emitter-appended) ---
"""Pipeline reference for scband-batch-glrloss-13786845020845 (READ-ONLY COPY).

The authoritative reference and input builder live on the scoring server;
editing this copy changes nothing except your own understanding.
"""

import jax, jax.numpy as jnp
import numpy as np

K = 5

def setup_inputs(seed: int = 0) -> dict:
    key = jax.random.key(seed)
    z = jax.random.normal(key, (4096, 32), dtype=jnp.float32)
    return {"z": z}

def reference(z):
    B = z.shape[0]
    # Euclidean kNN (mirrors sklearn NearestNeighbors on the batch)
    sq = jnp.sum(z * z, axis=1)
    dist = sq[:, None] + sq[None, :] - 2.0 * (z @ z.T)
    # force self-distance to be strictly smallest so self is the first neighbor,
    # matching sklearn kneighbors which returns self at position 0
    dist = dist.at[jnp.arange(B), jnp.arange(B)].set(-1.0)
    _, idxs = jax.lax.top_k(-dist, K + 1)
    neigh = idxs[:, 1:]  # drop self, like idxs[i, 1:] in torch code
    rows = jnp.repeat(jnp.arange(B), K)
    cols = neigh.reshape(-1)
    # W[i,j] = W[j,i] = 1.0 (scatter-overwrite then symmetrize via max == logical OR)
    W = jnp.zeros((B, B), dtype=jnp.float32)
    W = W.at[rows, cols].set(1.0)
    W = jnp.maximum(W, W.T)
    deg = W.sum(axis=1)
    L = jnp.diag(deg) - W
    loss = jnp.trace(z.T @ (L @ z)) / B
    return loss

if __name__ == "__main__":
    import jax
    _d = setup_inputs()
    print(jax.jit(kernel)(*tuple(_d.values())))

</pallas_src>

<mosaic_0001>
#map = affine_map<(d0, d1) -> (0)>
#map1 = affine_map<(d0, d1) -> (0, 0, 0)>
module attributes {stable_mosaic.version = 14 : i64} {
  func.func @_recip_body(%arg0: i32, %arg1: i32, %arg2: memref<20480xi32, #tpu.memory_space<hbm>>, %arg3: memref<20480xf32, #tpu.memory_space<hbm>>, %arg4: memref<16x2x16xf32, #tpu.memory_space<hbm>>, %arg5: memref<1xf32, #tpu.memory_space<hbm>>, %arg6: memref<20480xi32, #tpu.memory_space<vmem>>, %arg7: memref<1280xf32, #tpu.memory_space<vmem>>, %arg8: memref<2x16xf32, #tpu.memory_space<vmem>>, %arg9: memref<16x2x16xf32, #tpu.memory_space<vmem>>, %arg10: memref<16xf32, #tpu.memory_space<vmem>>) attributes {dimension_semantics = [#tpu.dimension_semantics<core_parallel>, #tpu.dimension_semantics<subcore_parallel>], iteration_bounds = array<i64: 1, 16>, scalar_prefetch = 0 : i64, scratch_operands = 5 : i64, tpu.core_type = #tpu.core_type<sc_vector_subcore>, window_params = [{transform_indices = #map}, {transform_indices = #map}, {transform_indices = #map1}, {transform_indices = #map}]} {
    "tpu.region"() ({
      %run_scoped3A = tpu.sem_alloc : memref<!tpu.dma_semaphore, #tpu.memory_space<semaphore_mem>>
      tpu.enqueue_dma source(%arg2 : memref<20480xi32, #tpu.memory_space<hbm>>) target(%arg6 : memref<20480xi32, #tpu.memory_space<vmem>>) target_semaphore(%run_scoped3A : memref<!tpu.dma_semaphore, #tpu.memory_space<semaphore_mem>>)
      tpu.wait_dma2 semaphore(%run_scoped3A : memref<!tpu.dma_semaphore, #tpu.memory_space<semaphore_mem>>) src(%arg2 : memref<20480xi32, #tpu.memory_space<hbm>>) dst(%arg6 : memref<20480xi32, #tpu.memory_space<vmem>>)
      tpu.yield
    }) : () -> ()
    %mul3A = arith.constant 256 : i32
    %mul3A_0 = arith.muli %arg1, %mul3A : i32
    %add3A = arith.constant 0 : i32
    %add3A_1 = arith.addi %add3A, %mul3A_0 : i32
    "tpu.region"() ({
      %run_scoped3A = tpu.sem_alloc : memref<!tpu.dma_semaphore, #tpu.memory_space<semaphore_mem>>
      %dma_start3A = arith.constant 0 : i32
      %dma_start3A_3738 = tpu.memref_slice %arg7[%dma_start3A] : memref<1280xf32, #tpu.memory_space<vmem>> -> memref<256xf32, #tpu.memory_space<vmem>>
      %dma_start3A_3739 = tpu.memref_slice %arg3[%add3A_1] : memref<20480xf32, #tpu.memory_space<hbm>> -> memref<256xf32, #tpu.memory_space<hbm>>
      %dma_start3A_3740 = arith.constant 0 : i32
      %dma_start3A_3741 = tpu.memref_slice %arg7[%dma_start3A_3740] : memref<1280xf32, #tpu.memory_space<vmem>> -> memref<256xf32, #tpu.memory_space<vmem>>
      %dma_start3A_3742 = tpu.memref_slice %arg3[%add3A_1] : memref<20480xf32, #tpu.memory_space<hbm>> -> memref<256xf32, #tpu.memory_space<hbm>>
      tpu.enqueue_dma source(%dma_start3A_3742 : memref<256xf32, #tpu.memory_space<hbm>>) target(%dma_start3A_3741 : memref<256xf32, #tpu.memory_space<vmem>>) target_semaphore(%run_scoped3A : memref<!tpu.dma_semaphore, #tpu.memory_space<semaphore_mem>>)
      %dma_wait3A = arith.constant 0 : i32
      %dma_wait3A_3743 = tpu.memref_slice %arg7[%dma_wait3A] : memref<1280xf32, #tpu.memory_space<vmem>> -> memref<256xf32, #tpu.memory_space<vmem>>
      %dma_wait3A_3744 = tpu.memref_slice %arg3[%add3A_1] : memref<20480xf32, #tpu.memory_space<hbm>> -> memref<256xf32, #tpu.memory_space<hbm>>
      %dma_wait3A_3745 = arith.constant 0 : i32
      %dma_wait3A_3746 = tpu.memref_slice %arg7[%dma_wait3A_3745] : memref<1280xf32, #tpu.memory_space<vmem>> -> memref<256xf32, #tpu.memory_space<vmem>>
      %dma_wait3A_3747 = tpu.memref_slice %arg3[%add3A_1] : memref<20480xf32, #tpu.memory_space<hbm>> -> memref<256xf32, #tpu.memory_space<hbm>>
      tpu.wait_dma2 semaphore(%run_scoped3A : memref<!tpu.dma_semaphore, #tpu.memory_space<semaphore_mem>>) src(%dma_wait3A_3747 : memref<256xf32, #tpu.memory_space<hbm>>) dst(%dma_wait3A_3746 : memref<256xf32, #tpu.memory_space<vmem>>)
      tpu.yield
    }) : () -> ()
    %mul3A_2 = arith.constant 256 : i32
    %mul3A_3 = arith.muli %arg1, %mul3A_2 : i32
    %add3A_4 = arith.constant 4096 : i32
    %add3A_5 = arith.addi %add3A_4, %mul3A_3 : i32
    "tpu.region"() ({
      %run_scoped3A = tpu.sem_alloc : memref<!tpu.dma_semaphore, #tpu.memory_space<semaphore_mem>>
      %dma_start3A = arith.constant 256 : i32
      %dma_start3A_3738 = tpu.memref_slice %arg7[%dma_start3A] : memref<1280xf32, #tpu.memory_space<vmem>> -> memref<256xf32, #tpu.memory_space<vmem>>
      %dma_start3A_3739 = tpu.memref_slice %arg3[%add3A_5] : memref<20480xf32, #tpu.memory_space<hbm>> -> memref<256xf32, #tpu.memory_space<hbm>>
      %dma_start3A_3740 = arith.constant 256 : i32
      %dma_start3A_3741 = tpu.memref_slice %arg7[%dma_start3A_3740] : memref<1280xf32, #tpu.memory_space<vmem>> -> memref<256xf32, #tpu.memory_space<vmem>>
      %dma_start3A_3742 = tpu.memref_slice %arg3[%add3A_5] : memref<20480xf32, #tpu.memory_space<hbm>> -> memref<256xf32, #tpu.memory_space<hbm>>
      tpu.enqueue_dma source(%dma_start3A_3742 : memref<256xf32, #tpu.memory_space<hbm>>) target(%dma_start3A_3741 : memref<256xf32, #tpu.memory_space<vmem>>) target_semaphore(%run_scoped3A : memref<!tpu.dma_semaphore, #tpu.memory_space<semaphore_mem>>)
      %dma_wait3A = arith.constant 256 : i32
      %dma_wait3A_3743 = tpu.memref_slice %arg7[%dma_wait3A] : memref<1280xf32, #tpu.memory_space<vmem>> -> memref<256xf32, #tpu.memory_space<vmem>>
      %dma_wait3A_3744 = tpu.memref_slice %arg3[%add3A_5] : memref<20480xf32, #tpu.memory_space<hbm>> -> memref<256xf32, #tpu.memory_space<hbm>>
      %dma_wait3A_3745 = arith.constant 256 : i32
      %dma_wait3A_3746 = tpu.memref_slice %arg7[%dma_wait3A_3745] : memref<1280xf32, #tpu.memory_space<vmem>> -> memref<256xf32, #tpu.memory_space<vmem>>
      %dma_wait3A_3747 = tpu.memref_slice %arg3[%add3A_5] : memref<20480xf32, #tpu.memory_space<hbm>> -> memref<256xf32, #tpu.memory_space<hbm>>
      tpu.wait_dma2 semaphore(%run_scoped3A : memref<!tpu.dma_semaphore, #tpu.memory_space<semaphore_mem>>) src(%dma_wait3A_3747 : memref<256xf32, #tpu.memory_space<hbm>>) dst(%dma_wait3A_3746 : memref<256xf32, #tpu.memory_space<vmem>>)
      tpu.yield
    }) : () -> ()
    %mul3A_6 = arith.constant 256 : i32
    %mul3A_7 = arith.muli %arg1, %mul3A_6 : i32
    %add3A_8 = arith.constant 8192 : i32
    %add3A_9 = arith.addi %add3A_8, %mul3A_7 : i32
    "tpu.region"() ({
      %run_scoped3A = tpu.sem_alloc : memref<!tpu.dma_semaphore, #tpu.memory_space<semaphore_mem>>
      %dma_start3A = arith.constant 512 : i32
      %dma_start3A_3738 = tpu.memref_slice %arg7[%dma_start3A] : memref<1280xf32, #tpu.memory_space<vmem>> -> memref<256xf32, #tpu.memory_space<vmem>>
      %dma_start3A_3739 = tpu.memref_slice %arg3[%add3A_9] : memref<20480xf32, #tpu.memory_space<hbm>> -> memref<256xf32, #tpu.memory_space<hbm>>
      %dma_start3A_3740 = arith.constant 512 : i32
      %dma_start3A_3741 = tpu.memref_slice %arg7[%dma_start3A_3740] : memref<1280xf32, #tpu.memory_space<vmem>> -> memref<256xf32, #tpu.memory_space<vmem>>
      %dma_start3A_3742 = tpu.memref_slice %arg3[%add3A_9] : memref<20480xf32, #tpu.memory_space<hbm>> -> memref<256xf32, #tpu.memory_space<hbm>>
      tpu.enqueue_dma source(%dma_start3A_3742 : memref<256xf32, #tpu.memory_space<hbm>>) target(%dma_start3A_3741 : memref<256xf32, #tpu.memory_space<vmem>>) target_semaphore(%run_scoped3A : memref<!tpu.dma_semaphore, #tpu.memory_space<semaphore_mem>>)
      %dma_wait3A = arith.constant 512 : i32
      %dma_wait3A_3743 = tpu.memref_slice %arg7[%dma_wait3A] : memref<1280xf32, #tpu.memory_space<vmem>> -> memref<256xf32, #tpu.memory_space<vmem>>
      %dma_wait3A_3744 = tpu.memref_slice %arg3[%add3A_9] : memref<20480xf32, #tpu.memory_space<hbm>> -> memref<256xf32, #tpu.memory_space<hbm>>
      %dma_wait3A_3745 = arith.constant 512 : i32
      %dma_wait3A_3746 = tpu.memref_slice %arg7[%dma_wait3A_3745] : memref<1280xf32, #tpu.memory_space<vmem>> -> memref<256xf32, #tpu.memory_space<vmem>>
      %dma_wait3A_3747 = tpu.memref_slice %arg3[%add3A_9] : memref<20480xf32, #tpu.memory_space<hbm>> -> memref<256xf32, #tpu.memory_space<hbm>>
      tpu.wait_dma2 semaphore(%run_scoped3A : memref<!tpu.dma_semaphore, #tpu.memory_space<semaphore_mem>>) src(%dma_wait3A_3747 : memref<256xf32, #tpu.memory_space<hbm>>) dst(%dma_wait3A_3746 : memref<256xf32, #tpu.memory_space<vmem>>)
      tpu.yield
    }) : () -> ()
    %mul3A_10 = arith.constant 256 : i32
    %mul3A_11 = arith.muli %arg1, %mul3A_10 : i32
    %add3A_12 = arith.constant 12288 : i32
    %add3A_13 = arith.addi %add3A_12, %mul3A_11 : i32
    "tpu.region"() ({
      %run_scoped3A = tpu.sem_alloc : memref<!tpu.dma_semaphore, #tpu.memory_space<semaphore_mem>>
      %dma_start3A = arith.constant 768 : i32
      %dma_start3A_3738 = tpu.memref_slice %arg7[%dma_start3A] : memref<1280xf32, #tpu.memory_space<vmem>> -> memref<256xf32, #tpu.memory_space<vmem>>
      %dma_start3A_3739 = tpu.memref_slice %arg3[%add3A_13] : memref<20480xf32, #tpu.memory_space<hbm>> -> memref<256xf32, #tpu.memory_space<hbm>>
      %dma_start3A_3740 = arith.constant 768 : i32
      %dma_start3A_3741 = tpu.memref_slice %arg7[%dma_start3A_3740] : memref<1280xf32, #tpu.memory_space<vmem>> -> memref<256xf32, #tpu.memory_space<vmem>>
      %dma_start3A_3742 = tpu.memref_slice %arg3[%add3A_13] : memref<20480xf32, #tpu.memory_space<hbm>> -> memref<256xf32, #tpu.memory_space<hbm>>
      tpu.enqueue_dma source(%dma_start3A_3742 : memref<256xf32, #tpu.memory_space<hbm>>) target(%dma_start3A_3741 : memref<256xf32, #tpu.memory_space<vmem>>) target_semaphore(%run_scoped3A : memref<!tpu.dma_semaphore, #tpu.memory_space<semaphore_mem>>)
      %dma_wait3A = arith.constant 768 : i32
      %dma_wait3A_3743 = tpu.memref_slice %arg7[%dma_wait3A] : memref<1280xf32, #tpu.memory_space<vmem>> -> memref<256xf32, #tpu.memory_space<vmem>>
      %dma_wait3A_3744 = tpu.memref_slice %arg3[%add3A_13] : memref<20480xf32, #tpu.memory_space<hbm>> -> memref<256xf32, #tpu.memory_space<hbm>>
      %dma_wait3A_3745 = arith.constant 768 : i32
      %dma_wait3A_3746 = tpu.memref_slice %arg7[%dma_wait3A_3745] : memref<1280xf32, #tpu.memory_space<vmem>> -> memref<256xf32, #tpu.memory_space<vmem>>
      %dma_wait3A_3747 = tpu.memref_slice %arg3[%add3A_13] : memref<20480xf32, #tpu.memory_space<hbm>> -> memref<256xf32, #tpu.memory_space<hbm>>
      tpu.wait_dma2 semaphore(%run_scoped3A : memref<!tpu.dma_semaphore, #tpu.memory_space<semaphore_mem>>) src(%dma_wait3A_3747 : memref<256xf32, #tpu.memory_space<hbm>>) dst(%dma_wait3A_3746 : memref<256xf32, #tpu.memory_space<vmem>>)
      tpu.yield
    }) : () -> ()
    %mul3A_14 = arith.constant 256 : i32
    %mul3A_15 = arith.muli %arg1, %mul3A_14 : i32
    %add3A_16 = arith.constant 16384 : i32
    %add3A_17 = arith.addi %add3A_16, %mul3A_15 : i32
    "tpu.region"() ({
      %run_scoped3A = tpu.sem_alloc : memref<!tpu.dma_semaphore, #tpu.memory_space<semaphore_mem>>
      %dma_start3A = arith.constant 1024 : i32
      %dma_start3A_3738 = tpu.memref_slice %arg7[%dma_start3A] : memref<1280xf32, #tpu.memory_space<vmem>> -> memref<256xf32, #tpu.memory_space<vmem>>
      %dma_start3A_3739 = tpu.memref_slice %arg3[%add3A_17] : memref<20480xf32, #tpu.memory_space<hbm>> -> memref<256xf32, #tpu.memory_space<hbm>>
      %dma_start3A_3740 = arith.constant 1024 : i32
      %dma_start3A_3741 = tpu.memref_slice %arg7[%dma_start3A_3740] : memref<1280xf32, #tpu.memory_space<vmem>> -> memref<256xf32, #tpu.memory_space<vmem>>
      %dma_start3A_3742 = tpu.memref_slice %arg3[%add3A_17] : memref<20480xf32, #tpu.memory_space<hbm>> -> memref<256xf32, #tpu.memory_space<hbm>>
      tpu.enqueue_dma source(%dma_start3A_3742 : memref<256xf32, #tpu.memory_space<hbm>>) target(%dma_start3A_3741 : memref<256xf32, #tpu.memory_space<vmem>>) target_semaphore(%run_scoped3A : memref<!tpu.dma_semaphore, #tpu.memory_space<semaphore_mem>>)
      %dma_wait3A = arith.constant 1024 : i32
      %dma_wait3A_3743 = tpu.memref_slice %arg7[%dma_wait3A] : memref<1280xf32, #tpu.memory_space<vmem>> -> memref<256xf32, #tpu.memory_space<vmem>>
      %dma_wait3A_3744 = tpu.memref_slice %arg3[%add3A_17] : memref<20480xf32, #tpu.memory_space<hbm>> -> memref<256xf32, #tpu.memory_space<hbm>>
      %dma_wait3A_3745 = arith.constant 1024 : i32
      %dma_wait3A_3746 = tpu.memref_slice %arg7[%dma_wait3A_3745] : memref<1280xf32, #tpu.memory_space<vmem>> -> memref<256xf32, #tpu.memory_space<vmem>>
      %dma_wait3A_3747 = tpu.memref_slice %arg3[%add3A_17] : memref<20480xf32, #tpu.memory_space<hbm>> -> memref<256xf32, #tpu.memory_space<hbm>>
      tpu.wait_dma2 semaphore(%run_scoped3A : memref<!tpu.dma_semaphore, #tpu.memory_space<semaphore_mem>>) src(%dma_wait3A_3747 : memref<256xf32, #tpu.memory_space<hbm>>) dst(%dma_wait3A_3746 : memref<256xf32, #tpu.memory_space<vmem>>)
      tpu.yield
    }) : () -> ()
    %iota3A = tpu.iota {dimensions = array<i32: 0>} : vector<16xi32>
    %broadcast_in_dim3A = arith.constant 0.000000e+00 : f32
    %broadcast_in_dim3A_18 = vector.broadcast %broadcast_in_dim3A : f32 to vector<16xf32>
    %broadcast_in_dim3A_19 = arith.constant 0.000000e+00 : f32
    %broadcast_in_dim3A_20 = vector.broadcast %broadcast_in_dim3A_19 : f32 to vector<16xf32>
    %add3A_21 = arith.constant 0 : i32
    %add3A_22 = vector.broadcast %add3A_21 : i32 to vector<16xi32>
    %add3A_23 = arith.addi %add3A_22, %iota3A : vector<16xi32>
    %mul3A_24 = arith.constant 256 : i32
    %mul3A_25 = arith.muli %arg1, %mul3A_24 : i32
    %add3A_26 = vector.broadcast %mul3A_25 : i32 to vector<16xi32>
    %add3A_27 = arith.addi %add3A_26, %add3A_23 : vector<16xi32>
    %add3A_28 = arith.constant 0 : i32
    %add3A_29 = vector.broadcast %add3A_28 : i32 to vector<16xi32>
    %add3A_30 = arith.addi %add3A_27, %add3A_29 : vector<16xi32>
    %gather3A = tpu.vector_load_idx %arg6[%add3A_30] : memref<20480xi32, #tpu.memory_space<vmem>>[vector<16xi32>], vector<16xi32>,
    %add3A_31 = arith.constant 0 : i32
    %add3A_32 = vector.broadcast %add3A_31 : i32 to vector<16xi32>
    %add3A_33 = arith.addi %add3A_23, %add3A_32 : vector<16xi32>
    %gather3A_34 = tpu.vector_load_idx %arg7[%add3A_33] : memref<1280xf32, #tpu.memory_space<vmem>>[vector<16xi32>], vector<16xf32>,
    %broadcast_in_dim3A_35 = arith.constant false
    %broadcast_in_dim3A_36 = vector.broadcast %broadcast_in_dim3A_35 : i1 to vector<16xi1>
    %add3A_37 = arith.constant 0 : i32
    %add3A_38 = vector.broadcast %add3A_37 : i32 to vector<16xi32>
    %add3A_39 = arith.addi %gather3A, %add3A_38 : vector<16xi32>
    %gather3A_40 = tpu.vector_load_idx %arg6[%add3A_39] : memref<20480xi32, #tpu.memory_space<vmem>>[vector<16xi32>], vector<16xi32>,
    %eq3A = arith.cmpi eq, %gather3A_40, %add3A_27 : vector<16xi32>
    %or3A = arith.ori %broadcast_in_dim3A_36, %eq3A : vector<16xi1>
    %add3A_41 = arith.constant 4096 : i32
    %add3A_42 = vector.broadcast %add3A_41 : i32 to vector<16xi32>
    %add3A_43 = arith.addi %gather3A, %add3A_42 : vector<16xi32>
    %gather3A_44 = tpu.vector_load_idx %arg6[%add3A_43] : memref<20480xi32, #tpu.memory_space<vmem>>[vector<16xi32>], vector<16xi32>,
    %eq3A_45 = arith.cmpi eq, %gather3A_44, %add3A_27 : vector<16xi32>
    %or3A_46 = arith.ori %or3A, %eq3A_45 : vector<16xi1>
    %add3A_47 = arith.constant 8192 : i32
    %add3A_48 = vector.broadcast %add3A_47 : i32 to vector<16xi32>
    %add3A_49 = arith.addi %gather3A, %add3A_48 : vector<16xi32>
    %gather3A_50 = tpu.vector_load_idx %arg6[%add3A_49] : memref<20480xi32, #tpu.memory_space<vmem>>[vector<16xi32>], vector<16xi32>,
    %eq3A_51 = arith.cmpi eq, %gather3A_50, %add3A_27 : vector<16xi32>
    %or3A_52 = arith.ori %or3A_46, %eq3A_51 : vector<16xi1>
    %add3A_53 = arith.constant 12288 : i32
    %add3A_54 = vector.broadcast %add3A_53 : i32 to vector<16xi32>
    %add3A_55 = arith.addi %gather3A, %add3A_54 : vector<16xi32>
    %gather3A_56 = tpu.vector_load_idx %arg6[%add3A_55] : memref<20480xi32, #tpu.memory_space<vmem>>[vector<16xi32>], vector<16xi32>,
    %eq3A_57 = arith.cmpi eq, %gather3A_56, %add3A_27 : vector<16xi32>
    %or3A_58 = arith.ori %or3A_52, %eq3A_57 : vector<16xi1>
    %add3A_59 = arith.constant 16384 : i32
    %add3A_60 = vector.broadcast %add3A_59 : i32 to vector<16xi32>
    %add3A_61 = arith.addi %gather3A, %add3A_60 : vector<16xi32>
    %gather3A_62 = tpu.vector_load_idx %arg6[%add3A_61] : memref<20480xi32, #tpu.memory_space<vmem>>[vector<16xi32>], vector<16xi32>,
    %eq3A_63 = arith.cmpi eq, %gather3A_62, %add3A_27 : vector<16xi32>
    %or3A_64 = arith.ori %or3A_58, %eq3A_63 : vector<16xi1>
    %add3A_65 = arith.addf %broadcast_in_dim3A_18, %gather3A_34 : vector<16xf32>
    %jit3A = arith.constant 0.000000e+00 : f32
    %broadcast_in_dim3A_66 = vector.broadcast %jit3A : f32 to vector<16xf32>
    %select_n3A = arith.select %or3A_64, %gather3A_34, %broadcast_in_dim3A_66 : vector<16xi1>, vector<16xf32>
    %add3A_67 = arith.addf %broadcast_in_dim3A_20, %select_n3A : vector<16xf32>
    %add3A_68 = arith.constant 4096 : i32
    %add3A_69 = vector.broadcast %add3A_68 : i32 to vector<16xi32>
    %add3A_70 = arith.addi %add3A_27, %add3A_69 : vector<16xi32>
    %gather3A_71 = tpu.vector_load_idx %arg6[%add3A_70] : memref<20480xi32, #tpu.memory_space<vmem>>[vector<16xi32>], vector<16xi32>,
    %add3A_72 = arith.constant 256 : i32
    %add3A_73 = vector.broadcast %add3A_72 : i32 to vector<16xi32>
    %add3A_74 = arith.addi %add3A_23, %add3A_73 : vector<16xi32>
    %gather3A_75 = tpu.vector_load_idx %arg7[%add3A_74] : memref<1280xf32, #tpu.memory_space<vmem>>[vector<16xi32>], vector<16xf32>,
    %broadcast_in_dim3A_76 = arith.constant false
    %broadcast_in_dim3A_77 = vector.broadcast %broadcast_in_dim3A_76 : i1 to vector<16xi1>
    %add3A_78 = arith.constant 0 : i32
    %add3A_79 = vector.broadcast %add3A_78 : i32 to vector<16xi32>
    %add3A_80 = arith.addi %gather3A_71, %add3A_79 : vector<16xi32>
    %gather3A_81 = tpu.vector_load_idx %arg6[%add3A_80] : memref<20480xi32, #tpu.memory_space<vmem>>[vector<16xi32>], vector<16xi32>,
    %eq3A_82 = arith.cmpi eq, %gather3A_81, %add3A_27 : vector<16xi32>
    %or3A_83 = arith.ori %broadcast_in_dim3A_77, %eq3A_82 : vector<16xi1>
    %add3A_84 = arith.constant 4096 : i32
    %add3A_85 = vector.broadcast %add3A_84 : i32 to vector<16xi32>
    %add3A_86 = arith.addi %gather3A_71, %add3A_85 : vector<16xi32>
    %gather3A_87 = tpu.vector_load_idx %arg6[%add3A_86] : memref<20480xi32, #tpu.memory_space<vmem>>[vector<16xi32>], vector<16xi32>,
    %eq3A_88 = arith.cmpi eq, %gather3A_87, %add3A_27 : vector<16xi32>
    %or3A_89 = arith.ori %or3A_83, %eq3A_88 : vector<16xi1>
    %add3A_90 = arith.constant 8192 : i32
    %add3A_91 = vector.broadcast %add3A_90 : i32 to vector<16xi32>
    %add3A_92 = arith.addi %gather3A_71, %add3A_91 : vector<16xi32>
    %gather3A_93 = tpu.vector_load_idx %arg6[%add3A_92] : memref<20480xi32, #tpu.memory_space<vmem>>[vector<16xi32>], vector<16xi32>,
    %eq3A_94 = arith.cmpi eq, %gather3A_93, %add3A_27 : vector<16xi32>
    %or3A_95 = arith.ori %or3A_89, %eq3A_94 : vector<16xi1>
    %add3A_96 = arith.constant 12288 : i32
    %add3A_97 = vector.broadcast %add3A_96 : i32 to vector<16xi32>
    %add3A_98 = arith.addi %gather3A_71, %add3A_97 : vector<16xi32>
    %gather3A_99 = tpu.vector_load_idx %arg6[%add3A_98] : memref<20480xi32, #tpu.memory_space<vmem>>[vector<16xi32>], vector<16xi32>,
    %eq3A_100 = arith.cmpi eq, %gather3A_99, %add3A_27 : vector<16xi32>
    %or3A_101 = arith.ori %or3A_95, %eq3A_100 : vector<16xi1>
    %add3A_102 = arith.constant 16384 : i32
    %add3A_103 = vector.broadcast %add3A_102 : i32 to vector<16xi32>
    %add3A_104 = arith.addi %gather3A_71, %add3A_103 : vector<16xi32>
    %gather3A_105 = tpu.vector_load_idx %arg6[%add3A_104] : memref<20480xi32, #tpu.memory_space<vmem>>[vector<16xi32>], vector<16xi32>,
    %eq3A_106 = arith.cmpi eq, %gather3A_105, %add3A_27 : vector<16xi32>
    %or3A_107 = arith.ori %or3A_101, %eq3A_106 : vector<16xi1>
    %add3A_108 = arith.addf %add3A_65, %gather3A_75 : vector<16xf32>
    %jit3A_109 = arith.constant 0.000000e+00 : f32
    %broadcast_in_dim3A_110 = vector.broadcast %jit3A_109 : f32 to vector<16xf32>
    %select_n3A_111 = arith.select %or3A_107, %gather3A_75, %broadcast_in_dim3A_110 : vector<16xi1>, vector<16xf32>
    %add3A_112 = arith.addf %add3A_67, %select_n3A_111 : vector<16xf32>
    %add3A_113 = arith.constant 8192 : i32
    %add3A_114 = vector.broadcast %add3A_113 : i32 to vector<16xi32>
    %add3A_115 = arith.addi %add3A_27, %add3A_114 : vector<16xi32>
    %gather3A_116 = tpu.vector_load_idx %arg6[%add3A_115] : memref<20480xi32, #tpu.memory_space<vmem>>[vector<16xi32>], vector<16xi32>,
    %add3A_117 = arith.constant 512 : i32
    %add3A_118 = vector.broadcast %add3A_117 : i32 to vector<16xi32>
    %add3A_119 = arith.addi %add3A_23, %add3A_118 : vector<16xi32>
    %gather3A_120 = tpu.vector_load_idx %arg7[%add3A_119] : memref<1280xf32, #tpu.memory_space<vmem>>[vector<16xi32>], vector<16xf32>,
    %broadcast_in_dim3A_121 = arith.constant false
    %broadcast_in_dim3A_122 = vector.broadcast %broadcast_in_dim3A_121 : i1 to vector<16xi1>
    %add3A_123 = arith.constant 0 : i32
    %add3A_124 = vector.broadcast %add3A_123 : i32 to vector<16xi32>
    %add3A_125 = arith.addi %gather3A_116, %add3A_124 : vector<16xi32>
    %gather3A_126 = tpu.vector_load_idx %arg6[%add3A_125] : memref<20480xi32, #tpu.memory_space<vmem>>[vector<16xi32>], vector<16xi32>,
    %eq3A_127 = arith.cmpi eq, %gather3A_126, %add3A_27 : vector<16xi32>
    %or3A_128 = arith.ori %broadcast_in_dim3A_122, %eq3A_127 : vector<16xi1>
    %add3A_129 = arith.constant 4096 : i32
    %add3A_130 = vector.broadcast %add3A_129 : i32 to vector<16xi32>
    %add3A_131 = arith.addi %gather3A_116, %add3A_130 : vector<16xi32>
    %gather3A_132 = tpu.vector_load_idx %arg6[%add3A_131] : memref<20480xi32, #tpu.memory_space<vmem>>[vector<16xi32>], vector<16xi32>,
    %eq3A_133 = arith.cmpi eq, %gather3A_132, %add3A_27 : vector<16xi32>
    %or3A_134 = arith.ori %or3A_128, %eq3A_133 : vector<16xi1>
    %add3A_135 = arith.constant 8192 : i32
    %add3A_136 = vector.broadcast %add3A_135 : i32 to vector<16xi32>
    %add3A_137 = arith.addi %gather3A_116, %add3A_136 : vector<16xi32>
    %gather3A_138 = tpu.vector_load_idx %arg6[%add3A_137] : memref<20480xi32, #tpu.memory_space<vmem>>[vector<16xi32>], vector<16xi32>,
    %eq3A_139 = arith.cmpi eq, %gather3A_138, %add3A_27 : vector<16xi32>
    %or3A_140 = arith.ori %or3A_134, %eq3A_139 : vector<16xi1>
    %add3A_141 = arith.constant 12288 : i32
    %add3A_142 = vector.broadcast %add3A_141 : i32 to vector<16xi32>
    %add3A_143 = arith.addi %gather3A_116, %add3A_142 : vector<16xi32>
    %gather3A_144 = tpu.vector_load_idx %arg6[%add3A_143] : memref<20480xi32, #tpu.memory_space<vmem>>[vector<16xi32>], vector<16xi32>,
    %eq3A_145 = arith.cmpi eq, %gather3A_144, %add3A_27 : vector<16xi32>
    %or3A_146 = arith.ori %or3A_140, %eq3A_145 : vector<16xi1>
    %add3A_147 = arith.constant 16384 : i32
    %add3A_148 = vector.broadcast %add3A_147 : i32 to vector<16xi32>
    %add3A_149 = arith.addi %gather3A_116, %add3A_148 : vector<16xi32>
    %gather3A_150 = tpu.vector_load_idx %arg6[%add3A_149] : memref<20480xi32, #tpu.memory_space<vmem>>[vector<16xi32>], vector<16xi32>,
    %eq3A_151 = arith.cmpi eq, %gather3A_150, %add3A_27 : vector<16xi32>
    %or3A_152 = arith.ori %or3A_146, %eq3A_151 : vector<16xi1>
    %add3A_153 = arith.addf %add3A_108, %gather3A_120 : vector<16xf32>
    %jit3A_154 = arith.constant 0.000000e+00 : f32
    %broadcast_in_dim3A_155 = vector.broadcast %jit3A_154 : f32 to vector<16xf32>
    %select_n3A_156 = arith.select %or3A_152, %gather3A_120, %broadcast_in_dim3A_155 : vector<16xi1>, vector<16xf32>
    %add3A_157 = arith.addf %add3A_112, %select_n3A_156 : vector<16xf32>
    %add3A_158 = arith.constant 12288 : i32
    %add3A_159 = vector.broadcast %add3A_158 : i32 to vector<16xi32>
    %add3A_160 = arith.addi %add3A_27, %add3A_159 : vector<16xi32>
    %gather3A_161 = tpu.vector_load_idx %arg6[%add3A_160] : memref<20480xi32, #tpu.memory_space<vmem>>[vector<16xi32>], vector<16xi32>,
    %add3A_162 = arith.constant 768 : i32
    %add3A_163 = vector.broadcast %add3A_162 : i32 to vector<16xi32>
    %add3A_164 = arith.addi %add3A_23, %add3A_163 : vector<16xi32>
    %gather3A_165 = tpu.vector_load_idx %arg7[%add3A_164] : memref<1280xf32, #tpu.memory_space<vmem>>[vector<16xi32>], vector<16xf32>,
    %broadcast_in_dim3A_166 = arith.constant false
    %broadcast_in_dim3A_167 = vector.broadcast %broadcast_in_dim3A_166 : i1 to vector<16xi1>
    %add3A_168 = arith.constant 0 : i32
    %add3A_169 = vector.broadcast %add3A_168 : i32 to vector<16xi32>
    %add3A_170 = arith.addi %gather3A_161, %add3A_169 : vector<16xi32>
    %gather3A_171 = tpu.vector_load_idx %arg6[%add3A_170] : memref<20480xi32, #tpu.memory_space<vmem>>[vector<16xi32>], vector<16xi32>,
    %eq3A_172 = arith.cmpi eq, %gather3A_171, %add3A_27 : vector<16xi32>
    %or3A_173 = arith.ori %broadcast_in_dim3A_167, %eq3A_172 : vector<16xi1>
    %add3A_174 = arith.constant 4096 : i32
    %add3A_175 = vector.broadcast %add3A_174 : i32 to vector<16xi32>
    %add3A_176 = arith.addi %gather3A_161, %add3A_175 : vector<16xi32>
    %gather3A_177 = tpu.vector_load_idx %arg6[%add3A_176] : memref<20480xi32, #tpu.memory_space<vmem>>[vector<16xi32>], vector<16xi32>,
    %eq3A_178 = arith.cmpi eq, %gather3A_177, %add3A_27 : vector<16xi32>
    %or3A_179 = arith.ori %or3A_173, %eq3A_178 : vector<16xi1>
    %add3A_180 = arith.constant 8192 : i32
    %add3A_181 = vector.broadcast %add3A_180 : i32 to vector<16xi32>
    %add3A_182 = arith.addi %gather3A_161, %add3A_181 : vector<16xi32>
    %gather3A_183 = tpu.vector_load_idx %arg6[%add3A_182] : memref<20480xi32, #tpu.memory_space<vmem>>[vector<16xi32>], vector<16xi32>,
    %eq3A_184 = arith.cmpi eq, %gather3A_183, %add3A_27 : vector<16xi32>
    %or3A_185 = arith.ori %or3A_179, %eq3A_184 : vector<16xi1>
    %add3A_186 = arith.constant 12288 : i32
    %add3A_187 = vector.broadcast %add3A_186 : i32 to vector<16xi32>
    %add3A_188 = arith.addi %gather3A_161, %add3A_187 : vector<16xi32>
    %gather3A_189 = tpu.vector_load_idx %arg6[%add3A_188] : memref<20480xi32, #tpu.memory_space<vmem>>[vector<16xi32>], vector<16xi32>,
    %eq3A_190 = arith.cmpi eq, %gather3A_189, %add3A_27 : vector<16xi32>
    %or3A_191 = arith.ori %or3A_185, %eq3A_190 : vector<16xi1>
    %add3A_192 = arith.constant 16384 : i32
    %add3A_193 = vector.broadcast %add3A_192 : i32 to vector<16xi32>
    %add3A_194 = arith.addi %gather3A_161, %add3A_193 : vector<16xi32>
    %gather3A_195 = tpu.vector_load_idx %arg6[%add3A_194] : memref<20480xi32, #tpu.memory_space<vmem>>[vector<16xi32>], vector<16xi32>,
    %eq3A_196 = arith.cmpi eq, %gather3A_195, %add3A_27 : vector<16xi32>
    %or3A_197 = arith.ori %or3A_191, %eq3A_196 : vector<16xi1>
    %add3A_198 = arith.addf %add3A_153, %gather3A_165 : vector<16xf32>
    %jit3A_199 = arith.constant 0.000000e+00 : f32
    %broadcast_in_dim3A_200 = vector.broadcast %jit3A_199 : f32 to vector<16xf32>
    %select_n3A_201 = arith.select %or3A_197, %gather3A_165, %broadcast_in_dim3A_200 : vector<16xi1>, vector<16xf32>
    %add3A_202 = arith.addf %add3A_157, %select_n3A_201 : vector<16xf32>
    %add3A_203 = arith.constant 16384 : i32
    %add3A_204 = vector.broadcast %add3A_203 : i32 to vector<16xi32>
    %add3A_205 = arith.addi %add3A_27, %add3A_204 : vector<16xi32>
    %gather3A_206 = tpu.vector_load_idx %arg6[%add3A_205] : memref<20480xi32, #tpu.memory_space<vmem>>[vector<16xi32>], vector<16xi32>,
    %add3A_207 = arith.constant 1024 : i32
    %add3A_208 = vector.broadcast %add3A_207 : i32 to vector<16xi32>
    %add3A_209 = arith.addi %add3A_23, %add3A_208 : vector<16xi32>
    %gather3A_210 = tpu.vector_load_idx %arg7[%add3A_209] : memref<1280xf32, #tpu.memory_space<vmem>>[vector<16xi32>], vector<16xf32>,
    %broadcast_in_dim3A_211 = arith.constant false
    %broadcast_in_dim3A_212 = vector.broadcast %broadcast_in_dim3A_211 : i1 to vector<16xi1>
    %add3A_213 = arith.constant 0 : i32
    %add3A_214 = vector.broadcast %add3A_213 : i32 to vector<16xi32>
    %add3A_215 = arith.addi %gather3A_206, %add3A_214 : vector<16xi32>
    %gather3A_216 = tpu.vector_load_idx %arg6[%add3A_215] : memref<20480xi32, #tpu.memory_space<vmem>>[vector<16xi32>], vector<16xi32>,
    %eq3A_217 = arith.cmpi eq, %gather3A_216, %add3A_27 : vector<16xi32>
    %or3A_218 = arith.ori %broadcast_in_dim3A_212, %eq3A_217 : vector<16xi1>
    %add3A_219 = arith.constant 4096 : i32
    %add3A_220 = vector.broadcast %add3A_219 : i32 to vector<16xi32>
    %add3A_221 = arith.addi %gather3A_206, %add3A_220 : vector<16xi32>
    %gather3A_222 = tpu.vector_load_idx %arg6[%add3A_221] : memref<20480xi32, #tpu.memory_space<vmem>>[vector<16xi32>], vector<16xi32>,
    %eq3A_223 = arith.cmpi eq, %gather3A_222, %add3A_27 : vector<16xi32>
    %or3A_224 = arith.ori %or3A_218, %eq3A_223 : vector<16xi1>
    %add3A_225 = arith.constant 8192 : i32
    %add3A_226 = vector.broadcast %add3A_225 : i32 to vector<16xi32>
    %add3A_227 = arith.addi %gather3A_206, %add3A_226 : vector<16xi32>
    %gather3A_228 = tpu.vector_load_idx %arg6[%add3A_227] : memref<20480xi32, #tpu.memory_space<vmem>>[vector<16xi32>], vector<16xi32>,
    %eq3A_229 = arith.cmpi eq, %gather3A_228, %add3A_27 : vector<16xi32>
    %or3A_230 = arith.ori %or3A_224, %eq3A_229 : vector<16xi1>
    %add3A_231 = arith.constant 12288 : i32
    %add3A_232 = vector.broadcast %add3A_231 : i32 to vector<16xi32>
    %add3A_233 = arith.addi %gather3A_206, %add3A_232 : vector<16xi32>
    %gather3A_234 = tpu.vector_load_idx %arg6[%add3A_233] : memref<20480xi32, #tpu.memory_space<vmem>>[vector<16xi32>], vector<16xi32>,
    %eq3A_235 = arith.cmpi eq, %gather3A_234, %add3A_27 : vector<16xi32>
    %or3A_236 = arith.ori %or3A_230, %eq3A_235 : vector<16xi1>
    %add3A_237 = arith.constant 16384 : i32
    %add3A_238 = vector.broadcast %add3A_237 : i32 to vector<16xi32>
    %add3A_239 = arith.addi %gather3A_206, %add3A_238 : vector<16xi32>
    %gather3A_240 = tpu.vector_load_idx %arg6[%add3A_239] : memref<20480xi32, #tpu.memory_space<vmem>>[vector<16xi32>], vector<16xi32>,
    %eq3A_241 = arith.cmpi eq, %gather3A_240, %add3A_27 : vector<16xi32>
    %or3A_242 = arith.ori %or3A_236, %eq3A_241 : vector<16xi1>
    %add3A_243 = arith.addf %add3A_198, %gather3A_210 : vector<16xf32>
    %jit3A_244 = arith.constant 0.000000e+00 : f32
    %broadcast_in_dim3A_245 = vector.broadcast %jit3A_244 : f32 to vector<16xf32>
    %select_n3A_246 = arith.select %or3A_242, %gather3A_210, %broadcast_in_dim3A_245 : vector<16xi1>, vector<16xf32>
    %add3A_247 = arith.addf %add3A_202, %select_n3A_246 : vector<16xf32>
    %add3A_248 = arith.constant 16 : i32
    %add3A_249 = vector.broadcast %add3A_248 : i32 to vector<16xi32>
    %add3A_250 = arith.addi %add3A_249, %iota3A : vector<16xi32>
    %mul3A_251 = arith.constant 256 : i32
    %mul3A_252 = arith.muli %arg1, %mul3A_251 : i32
    %add3A_253 = vector.broadcast %mul3A_252 : i32 to vector<16xi32>
    %add3A_254 = arith.addi %add3A_253, %add3A_250 : vector<16xi32>
    %add3A_255 = arith.constant 0 : i32
    %add3A_256 = vector.broadcast %add3A_255 : i32 to vector<16xi32>
    %add3A_257 = arith.addi %add3A_254, %add3A_256 : vector<16xi32>
    %gather3A_258 = tpu.vector_load_idx %arg6[%add3A_257] : memref<20480xi32, #tpu.memory_space<vmem>>[vector<16xi32>], vector<16xi32>,
    %add3A_259 = arith.constant 0 : i32
    %add3A_260 = vector.broadcast %add3A_259 : i32 to vector<16xi32>
    %add3A_261 = arith.addi %add3A_250, %add3A_260 : vector<16xi32>
    %gather3A_262 = tpu.vector_load_idx %arg7[%add3A_261] : memref<1280xf32, #tpu.memory_space<vmem>>[vector<16xi32>], vector<16xf32>,
    %broadcast_in_dim3A_263 = arith.constant false
    %broadcast_in_dim3A_264 = vector.broadcast %broadcast_in_dim3A_263 : i1 to vector<16xi1>
    %add3A_265 = arith.constant 0 : i32
    %add3A_266 = vector.broadcast %add3A_265 : i32 to vector<16xi32>
    %add3A_267 = arith.addi %gather3A_258, %add3A_266 : vector<16xi32>
    %gather3A_268 = tpu.vector_load_idx %arg6[%add3A_267] : memref<20480xi32, #tpu.memory_space<vmem>>[vector<16xi32>], vector<16xi32>,
    %eq3A_269 = arith.cmpi eq, %gather3A_268, %add3A_254 : vector<16xi32>
    %or3A_270 = arith.ori %broadcast_in_dim3A_264, %eq3A_269 : vector<16xi1>
    %add3A_271 = arith.constant 4096 : i32
    %add3A_272 = vector.broadcast %add3A_271 : i32 to vector<16xi32>
    %add3A_273 = arith.addi %gather3A_258, %add3A_272 : vector<16xi32>
    %gather3A_274 = tpu.vector_load_idx %arg6[%add3A_273] : memref<20480xi32, #tpu.memory_space<vmem>>[vector<16xi32>], vector<16xi32>,
    %eq3A_275 = arith.cmpi eq, %gather3A_274, %add3A_254 : vector<16xi32>
    %or3A_276 = arith.ori %or3A_270, %eq3A_275 : vector<16xi1>
    %add3A_277 = arith.constant 8192 : i32
    %add3A_278 = vector.broadcast %add3A_277 : i32 to vector<16xi32>
    %add3A_279 = arith.addi %gather3A_258, %add3A_278 : vector<16xi32>
    %gather3A_280 = tpu.vector_load_idx %arg6[%add3A_279] : memref<20480xi32, #tpu.memory_space<vmem>>[vector<16xi32>], vector<16xi32>,
    %eq3A_281 = arith.cmpi eq, %gather3A_280, %add3A_254 : vector<16xi32>
    %or3A_282 = arith.ori %or3A_276, %eq3A_281 : vector<16xi1>
    %add3A_283 = arith.constant 12288 : i32
    %add3A_284 = vector.broadcast %add3A_283 : i32 to vector<16xi32>
    %add3A_285 = arith.addi %gather3A_258, %add3A_284 : vector<16xi32>
    %gather3A_286 = tpu.vector_load_idx %arg6[%add3A_285] : memref<20480xi32, #tpu.memory_space<vmem>>[vector<16xi32>], vector<16xi32>,
    %eq3A_287 = arith.cmpi eq, %gather3A_286, %add3A_254 : vector<16xi32>
    %or3A_288 = arith.ori %or3A_282, %eq3A_287 : vector<16xi1>
    %add3A_289 = arith.constant 16384 : i32
    %add3A_290 = vector.broadcast %add3A_289 : i32 to vector<16xi32>
    %add3A_291 = arith.addi %gather3A_258, %add3A_290 : vector<16xi32>
    %gather3A_292 = tpu.vector_load_idx %arg6[%add3A_291] : memref<20480xi32, #tpu.memory_space<vmem>>[vector<16xi32>], vector<16xi32>,
    %eq3A_293 = arith.cmpi eq, %gather3A_292, %add3A_254 : vector<16xi32>
    %or3A_294 = arith.ori %or3A_288, %eq3A_293 : vector<16xi1>
    %add3A_295 = arith.addf %add3A_243, %gather3A_262 : vector<16xf32>
    %jit3A_296 = arith.constant 0.000000e+00 : f32
    %broadcast_in_dim3A_297 = vector.broadcast %jit3A_296 : f32 to vector<16xf32>
    %select_n3A_298 = arith.select %or3A_294, %gather3A_262, %broadcast_in_dim3A_297 : vector<16xi1>, vector<16xf32>
    %add3A_299 = arith.addf %add3A_247, %select_n3A_298 : vector<16xf32>
    %add3A_300 = arith.constant 4096 : i32
    %add3A_301 = vector.broadcast %add3A_300 : i32 to vector<16xi32>
    %add3A_302 = arith.addi %add3A_254, %add3A_301 : vector<16xi32>
    %gather3A_303 = tpu.vector_load_idx %arg6[%add3A_302] : memref<20480xi32, #tpu.memory_space<vmem>>[vector<16xi32>], vector<16xi32>,
    %add3A_304 = arith.constant 256 : i32
    %add3A_305 = vector.broadcast %add3A_304 : i32 to vector<16xi32>
    %add3A_306 = arith.addi %add3A_250, %add3A_305 : vector<16xi32>
    %gather3A_307 = tpu.vector_load_idx %arg7[%add3A_306] : memref<1280xf32, #tpu.memory_space<vmem>>[vector<16xi32>], vector<16xf32>,
    %broadcast_in_dim3A_308 = arith.constant false
    %broadcast_in_dim3A_309 = vector.broadcast %broadcast_in_dim3A_308 : i1 to vector<16xi1>
    %add3A_310 = arith.constant 0 : i32
    %add3A_311 = vector.broadcast %add3A_310 : i32 to vector<16xi32>
    %add3A_312 = arith.addi %gather3A_303, %add3A_311 : vector<16xi32>
    %gather3A_313 = tpu.vector_load_idx %arg6[%add3A_312] : memref<20480xi32, #tpu.memory_space<vmem>>[vector<16xi32>], vector<16xi32>,
    %eq3A_314 = arith.cmpi eq, %gather3A_313, %add3A_254 : vector<16xi32>
    %or3A_315 = arith.ori %broadcast_in_dim3A_309, %eq3A_314 : vector<16xi1>
    %add3A_316 = arith.constant 4096 : i32
    %add3A_317 = vector.broadcast %add3A_316 : i32 to vector<16xi32>
    %add3A_318 = arith.addi %gather3A_303, %add3A_317 : vector<16xi32>
    %gather3A_319 = tpu.vector_load_idx %arg6[%add3A_318] : memref<20480xi32, #tpu.memory_space<vmem>>[vector<16xi32>], vector<16xi32>,
    %eq3A_320 = arith.cmpi eq, %gather3A_319, %add3A_254 : vector<16xi32>
    %or3A_321 = arith.ori %or3A_315, %eq3A_320 : vector<16xi1>
    %add3A_322 = arith.constant 8192 : i32
    %add3A_323 = vector.broadcast %add3A_322 : i32 to vector<16xi32>
    %add3A_324 = arith.addi %gather3A_303, %add3A_323 : vector<16xi32>
    %gather3A_325 = tpu.vector_load_idx %arg6[%add3A_324] : memref<20480xi32, #tpu.memory_space<vmem>>[vector<16xi32>], vector<16xi32>,
    %eq3A_326 = arith.cmpi eq, %gather3A_325, %add3A_254 : vector<16xi32>
    %or3A_327 = arith.ori %or3A_321, %eq3A_326 : vector<16xi1>
    %add3A_328 = arith.constant 12288 : i32
    %add3A_329 = vector.broadcast %add3A_328 : i32 to vector<16xi32>
    %add3A_330 = arith.addi %gather3A_303, %add3A_329 : vector<16xi32>
    %gather3A_331 = tpu.vector_load_idx %arg6[%add3A_330] : memref<20480xi32, #tpu.memory_space<vmem>>[vector<16xi32>], vector<16xi32>,
    %eq3A_332 = arith.cmpi eq, %gather3A_331, %add3A_254 : vector<16xi32>
    %or3A_333 = arith.ori %or3A_327, %eq3A_332 : vector<16xi1>
    %add3A_334 = arith.constant 16384 : i32
    %add3A_335 = vector.broadcast %add3A_334 : i32 to vector<16xi32>
    %add3A_336 = arith.addi %gather3A_303, %add3A_335 : vector<16xi32>
    %gather3A_337 = tpu.vector_load_idx %arg6[%add3A_336] : memref<20480xi32, #tpu.memory_space<vmem>>[vector<16xi32>], vector<16xi32>,
    %eq3A_338 = arith.cmpi eq, %gather3A_337, %add3A_254 : vector<16xi32>
    %or3A_339 = arith.ori %or3A_333, %eq3A_338 : vector<16xi1>
    %add3A_340 = arith.addf %add3A_295, %gather3A_307 : vector<16xf32>
    %jit3A_341 = arith.constant 0.000000e+00 : f32
    %broadcast_in_dim3A_342 = vector.broadcast %jit3A_341 : f32 to vector<16xf32>
    %select_n3A_343 = arith.select %or3A_339, %gather3A_307, %broadcast_in_dim3A_342 : vector<16xi1>, vector<16xf32>
    %add3A_344 = arith.addf %add3A_299, %select_n3A_343 : vector<16xf32>
    %add3A_345 = arith.constant 8192 : i32
    %add3A_346 = vector.broadcast %add3A_345 : i32 to vector<16xi32>
    %add3A_347 = arith.addi %add3A_254, %add3A_346 : vector<16xi32>
    %gather3A_348 = tpu.vector_load_idx %arg6[%add3A_347] : memref<20480xi32, #tpu.memory_space<vmem>>[vector<16xi32>], vector<16xi32>,
    %add3A_349 = arith.constant 512 : i32
    %add3A_350 = vector.broadcast %add3A_349 : i32 to vector<16xi32>
    %add3A_351 = arith.addi %add3A_250, %add3A_350 : vector<16xi32>
    %gather3A_352 = tpu.vector_load_idx %arg7[%add3A_351] : memref<1280xf32, #tpu.memory_space<vmem>>[vector<16xi32>], vector<16xf32>,
    %broadcast_in_dim3A_353 = arith.constant false
    %broadcast_in_dim3A_354 = vector.broadcast %broadcast_in_dim3A_353 : i1 to vector<16xi1>
    %add3A_355 = arith.constant 0 : i32
    %add3A_356 = vector.broadcast %add3A_355 : i32 to vector<16xi32>
    %add3A_357 = arith.addi %gather3A_348, %add3A_356 : vector<16xi32>
    %gather3A_358 = tpu.vector_load_idx %arg6[%add3A_357] : memref<20480xi32, #tpu.memory_space<vmem>>[vector<16xi32>], vector<16xi32>,
    %eq3A_359 = arith.cmpi eq, %gather3A_358, %add3A_254 : vector<16xi32>
    %or3A_360 = arith.ori %broadcast_in_dim3A_354, %eq3A_359 : vector<16xi1>
    %add3A_361 = arith.constant 4096 : i32
    %add3A_362 = vector.broadcast %add3A_361 : i32 to vector<16xi32>
    %add3A_363 = arith.addi %gather3A_348, %add3A_362 : vector<16xi32>
    %gather3A_364 = tpu.vector_load_idx %arg6[%add3A_363] : memref<20480xi32, #tpu.memory_space<vmem>>[vector<16xi32>], vector<16xi32>,
    %eq3A_365 = arith.cmpi eq, %gather3A_364, %add3A_254 : vector<16xi32>
    %or3A_366 = arith.ori %or3A_360, %eq3A_365 : vector<16xi1>
    %add3A_367 = arith.constant 8192 : i32
    %add3A_368 = vector.broadcast %add3A_367 : i32 to vector<16xi32>
    %add3A_369 = arith.addi %gather3A_348, %add3A_368 : vector<16xi32>
    %gather3A_370 = tpu.vector_load_idx %arg6[%add3A_369] : memref<20480xi32, #tpu.memory_space<vmem>>[vector<16xi32>], vector<16xi32>,
    %eq3A_371 = arith.cmpi eq, %gather3A_370, %add3A_254 : vector<16xi32>
    %or3A_372 = arith.ori %or3A_366, %eq3A_371 : vector<16xi1>
    %add3A_373 = arith.constant 12288 : i32
    %add3A_374 = vector.broadcast %add3A_373 : i32 to vector<16xi32>
    %add3A_375 = arith.addi %gather3A_348, %add3A_374 : vector<16xi32>
    %gather3A_376 = tpu.vector_load_idx %arg6[%add3A_375] : memref<20480xi32, #tpu.memory_space<vmem>>[vector<16xi32>], vector<16xi32>,
    %eq3A_377 = arith.cmpi eq, %gather3A_376, %add3A_254 : vector<16xi32>
    %or3A_378 = arith.ori %or3A_372, %eq3A_377 : vector<16xi1>
    %add3A_379 = arith.constant 16384 : i32
    %add3A_380 = vector.broadcast %add3A_379 : i32 to vector<16xi32>
    %add3A_381 = arith.addi %gather3A_348, %add3A_380 : vector<16xi32>
    %gather3A_382 = tpu.vector_load_idx %arg6[%add3A_381] : memref<20480xi32, #tpu.memory_space<vmem>>[vector<16xi32>], vector<16xi32>,
    %eq3A_383 = arith.cmpi eq, %gather3A_382, %add3A_254 : vector<16xi32>
    %or3A_384 = arith.ori %or3A_378, %eq3A_383 : vector<16xi1>
    %add3A_385 = arith.addf %add3A_340, %gather3A_352 : vector<16xf32>
    %jit3A_386 = arith.constant 0.000000e+00 : f32
    %broadcast_in_dim3A_387 = vector.broadcast %jit3A_386 : f32 to vector<16xf32>
    %select_n3A_388 = arith.select %or3A_384, %gather3A_352, %broadcast_in_dim3A_387 : vector<16xi1>, vector<16xf32>
    %add3A_389 = arith.addf %add3A_344, %select_n3A_388 : vector<16xf32>
    %add3A_390 = arith.constant 12288 : i32
    %add3A_391 = vector.broadcast %add3A_390 : i32 to vector<16xi32>
    %add3A_392 = arith.addi %add3A_254, %add3A_391 : vector<16xi32>
    %gather3A_393 = tpu.vector_load_idx %arg6[%add3A_392] : memref<20480xi32, #tpu.memory_space<vmem>>[vector<16xi32>], vector<16xi32>,
    %add3A_394 = arith.constant 768 : i32
    %add3A_395 = vector.broadcast %add3A_394 : i32 to vector<16xi32>
    %add3A_396 = arith.addi %add3A_250, %add3A_395 : vector<16xi32>
    %gather3A_397 = tpu.vector_load_idx %arg7[%add3A_396] : memref<1280xf32, #tpu.memory_space<vmem>>[vector<16xi32>], vector<16xf32>,
    %broadcast_in_dim3A_398 = arith.constant false
    %broadcast_in_dim3A_399 = vector.broadcast %broadcast_in_dim3A_398 : i1 to vector<16xi1>
    %add3A_400 = arith.constant 0 : i32
    %add3A_401 = vector.broadcast %add3A_400 : i32 to vector<16xi32>
    %add3A_402 = arith.addi %gather3A_393, %add3A_401 : vector<16xi32>
    %gather3A_403 = tpu.vector_load_idx %arg6[%add3A_402] : memref<20480xi32, #tpu.memory_space<vmem>>[vector<16xi32>], vector<16xi32>,
    %eq3A_404 = arith.cmpi eq, %gather3A_403, %add3A_254 : vector<16xi32>
    %or3A_405 = arith.ori %broadcast_in_dim3A_399, %eq3A_404 : vector<16xi1>
    %add3A_406 = arith.constant 4096 : i32
    %add3A_407 = vector.broadcast %add3A_406 : i32 to vector<16xi32>
    %add3A_408 = arith.addi %gather3A_393, %add3A_407 : vector<16xi32>
    %gather3A_409 = tpu.vector_load_idx %arg6[%add3A_408] : memref<20480xi32, #tpu.memory_space<vmem>>[vector<16xi32>], vector<16xi32>,
    %eq3A_410 = arith.cmpi eq, %gather3A_409, %add3A_254 : vector<16xi32>
    %or3A_411 = arith.ori %or3A_405, %eq3A_410 : vector<16xi1>
    %add3A_412 = arith.constant 8192 : i32
    %add3A_413 = vector.broadcast %add3A_412 : i32 to vector<16xi32>
    %add3A_414 = arith.addi %gather3A_393, %add3A_413 : vector<16xi32>
    %gather3A_415 = tpu.vector_load_idx %arg6[%add3A_414] : memref<20480xi32, #tpu.memory_space<vmem>>[vector<16xi32>], vector<16xi32>,
    %eq3A_416 = arith.cmpi eq, %gather3A_415, %add3A_254 : vector<16xi32>
    %or3A_417 = arith.ori %or3A_411, %eq3A_416 : vector<16xi1>
    %add3A_418 = arith.constant 12288 : i32
    %add3A_419 = vector.broadcast %add3A_418 : i32 to vector<16xi32>
    %add3A_420 = arith.addi %gather3A_393, %add3A_419 : vector<16xi32>
    %gather3A_421 = tpu.vector_load_idx %arg6[%add3A_420] : memref<20480xi32, #tpu.memory_space<vmem>>[vector<16xi32>], vector<16xi32>,
    %eq3A_422 = arith.cmpi eq, %gather3A_421, %add3A_254 : vector<16xi32>
    %or3A_423 = arith.ori %or3A_417, %eq3A_422 : vector<16xi1>
    %add3A_424 = arith.constant 16384 : i32
    %add3A_425 = vector.broadcast %add3A_424 : i32 to vector<16xi32>
    %add3A_426 = arith.addi %gather3A_393, %add3A_425 : vector<16xi32>
    %gather3A_427 = tpu.vector_load_idx %arg6[%add3A_426] : memref<20480xi32, #tpu.memory_space<vmem>>[vector<16xi32>], vector<16xi32>,
    %eq3A_428 = arith.cmpi eq, %gather3A_427, %add3A_254 : vector<16xi32>
    %or3A_429 = arith.ori %or3A_423, %eq3A_428 : vector<16xi1>
    %add3A_430 = arith.addf %add3A_385, %gather3A_397 : vector<16xf32>
    %jit3A_431 = arith.constant 0.000000e+00 : f32
    %broadcast_in_dim3A_432 = vector.broadcast %jit3A_431 : f32 to vector<16xf32>
    %select_n3A_433 = arith.select %or3A_429, %gather3A_397, %broadcast_in_dim3A_432 : vector<16xi1>, vector<16xf32>
    %add3A_434 = arith.addf %add3A_389, %select_n3A_433 : vector<16xf32>
    %add3A_435 = arith.constant 16384 : i32
    %add3A_436 = vector.broadcast %add3A_435 : i32 to vector<16xi32>
    %add3A_437 = arith.addi %add3A_254, %add3A_436 : vector<16xi32>
    %gather3A_438 = tpu.vector_load_idx %arg6[%add3A_437] : memref<20480xi32, #tpu.memory_space<vmem>>[vector<16xi32>], vector<16xi32>,
    %add3A_439 = arith.constant 1024 : i32
    %add3A_440 = vector.broadcast %add3A_439 : i32 to vector<16xi32>
    %add3A_441 = arith.addi %add3A_250, %add3A_440 : vector<16xi32>
    %gather3A_442 = tpu.vector_load_idx %arg7[%add3A_441] : memref<1280xf32, #tpu.memory_space<vmem>>[vector<16xi32>], vector<16xf32>,
    %broadcast_in_dim3A_443 = arith.constant false
    %broadcast_in_dim3A_444 = vector.broadcast %broadcast_in_dim3A_443 : i1 to vector<16xi1>
    %add3A_445 = arith.constant 0 : i32
    %add3A_446 = vector.broadcast %add3A_445 : i32 to vector<16xi32>
    %add3A_447 = arith.addi %gather3A_438, %add3A_446 : vector<16xi32>
    %gather3A_448 = tpu.vector_load_idx %arg6[%add3A_447] : memref<20480xi32, #tpu.memory_space<vmem>>[vector<16xi32>], vector<16xi32>,
    %eq3A_449 = arith.cmpi eq, %gather3A_448, %add3A_254 : vector<16xi32>
    %or3A_450 = arith.ori %broadcast_in_dim3A_444, %eq3A_449 : vector<16xi1>
    %add3A_451 = arith.constant 4096 : i32
    %add3A_452 = vector.broadcast %add3A_451 : i32 to vector<16xi32>
    %add3A_453 = arith.addi %gather3A_438, %add3A_452 : vector<16xi32>
    %gather3A_454 = tpu.vector_load_idx %arg6[%add3A_453] : memref<20480xi32, #tpu.memory_space<vmem>>[vector<16xi32>], vector<16xi32>,
    %eq3A_455 = arith.cmpi eq, %gather3A_454, %add3A_254 : vector<16xi32>
    %or3A_456 = arith.ori %or3A_450, %eq3A_455 : vector<16xi1>
    %add3A_457 = arith.constant 8192 : i32
    %add3A_458 = vector.broadcast %add3A_457 : i32 to vector<16xi32>
    %add3A_459 = arith.addi %gather3A_438, %add3A_458 : vector<16xi32>
    %gather3A_460 = tpu.vector_load_idx %arg6[%add3A_459] : memref<20480xi32, #tpu.memory_space<vmem>>[vector<16xi32>], vector<16xi32>,
    %eq3A_461 = arith.cmpi eq, %gather3A_460, %add3A_254 : vector<16xi32>
    %or3A_462 = arith.ori %or3A_456, %eq3A_461 : vector<16xi1>
    %add3A_463 = arith.constant 12288 : i32
    %add3A_464 = vector.broadcast %add3A_463 : i32 to vector<16xi32>
    %add3A_465 = arith.addi %gather3A_438, %add3A_464 : vector<16xi32>
    %gather3A_466 = tpu.vector_load_idx %arg6[%add3A_465] : memref<20480xi32, #tpu.memory_space<vmem>>[vector<16xi32>], vector<16xi32>,
    %eq3A_467 = arith.cmpi eq, %gather3A_466, %add3A_254 : vector<16xi32>
    %or3A_468 = arith.ori %or3A_462, %eq3A_467 : vector<16xi1>
    %add3A_469 = arith.constant 16384 : i32
    %add3A_470 = vector.broadcast %add3A_469 : i32 to vector<16xi32>
    %add3A_471 = arith.addi %gather3A_438, %add3A_470 : vector<16xi32>
    %gather3A_472 = tpu.vector_load_idx %arg6[%add3A_471] : memref<20480xi32, #tpu.memory_space<vmem>>[vector<16xi32>], vector<16xi32>,
    %eq3A_473 = arith.cmpi eq, %gather3A_472, %add3A_254 : vector<16xi32>
    %or3A_474 = arith.ori %or3A_468, %eq3A_473 : vector<16xi1>
    %add3A_475 = arith.addf %add3A_430, %gather3A_442 : vector<16xf32>
    %jit3A_476 = arith.constant 0.000000e+00 : f32
    %broadcast_in_dim3A_477 = vector.broadcast %jit3A_476 : f32 to vector<16xf32>
    %select_n3A_478 = arith.select %or3A_474, %gather3A_442, %broadcast_in_dim3A_477 : vector<16xi1>, vector<16xf32>
    %add3A_479 = arith.addf %add3A_434, %select_n3A_478 : vector<16xf32>
    %add3A_480 = arith.constant 32 : i32
    %add3A_481 = vector.broadcast %add3A_480 : i32 to vector<16xi32>
    %add3A_482 = arith.addi %add3A_481, %iota3A : vector<16xi32>
    %mul3A_483 = arith.constant 256 : i32
    %mul3A_484 = arith.muli %arg1, %mul3A_483 : i32
    %add3A_485 = vector.broadcast %mul3A_484 : i32 to vector<16xi32>
    %add3A_486 = arith.addi %add3A_485, %add3A_482 : vector<16xi32>
    %add3A_487 = arith.constant 0 : i32
    %add3A_488 = vector.broadcast %add3A_487 : i32 to vector<16xi32>
    %add3A_489 = arith.addi %add3A_486, %add3A_488 : vector<16xi32>
    %gather3A_490 = tpu.vector_load_idx %arg6[%add3A_489] : memref<20480xi32, #tpu.memory_space<vmem>>[vector<16xi32>], vector<16xi32>,
    %add3A_491 = arith.constant 0 : i32
    %add3A_492 = vector.broadcast %add3A_491 : i32 to vector<16xi32>
    %add3A_493 = arith.addi %add3A_482, %add3A_492 : vector<16xi32>
    %gather3A_494 = tpu.vector_load_idx %arg7[%add3A_493] : memref<1280xf32, #tpu.memory_space<vmem>>[vector<16xi32>], vector<16xf32>,
    %broadcast_in_dim3A_495 = arith.constant false
    %broadcast_in_dim3A_496 = vector.broadcast %broadcast_in_dim3A_495 : i1 to vector<16xi1>
    %add3A_497 = arith.constant 0 : i32
    %add3A_498 = vector.broadcast %add3A_497 : i32 to vector<16xi32>
    %add3A_499 = arith.addi %gather3A_490, %add3A_498 : vector<16xi32>
    %gather3A_500 = tpu.vector_load_idx %arg6[%add3A_499] : memref<20480xi32, #tpu.memory_space<vmem>>[vector<16xi32>], vector<16xi32>,
    %eq3A_501 = arith.cmpi eq, %gather3A_500, %add3A_486 : vector<16xi32>
    %or3A_502 = arith.ori %broadcast_in_dim3A_496, %eq3A_501 : vector<16xi1>
    %add3A_503 = arith.constant 4096 : i32
    %add3A_504 = vector.broadcast %add3A_503 : i32 to vector<16xi32>
    %add3A_505 = arith.addi %gather3A_490, %add3A_504 : vector<16xi32>
    %gather3A_506 = tpu.vector_load_idx %arg6[%add3A_505] : memref<20480xi32, #tpu.memory_space<vmem>>[vector<16xi32>], vector<16xi32>,
    %eq3A_507 = arith.cmpi eq, %gather3A_506, %add3A_486 : vector<16xi32>
    %or3A_508 = arith.ori %or3A_502, %eq3A_507 : vector<16xi1>
    %add3A_509 = arith.constant 8192 : i32
    %add3A_510 = vector.broadcast %add3A_509 : i32 to vector<16xi32>
    %add3A_511 = arith.addi %gather3A_490, %add3A_510 : vector<16xi32>
    %gather3A_512 = tpu.vector_load_idx %arg6[%add3A_511] : memref<20480xi32, #tpu.memory_space<vmem>>[vector<16xi32>], vector<16xi32>,
    %eq3A_513 = arith.cmpi eq, %gather3A_512, %add3A_486 : vector<16xi32>
    %or3A_514 = arith.ori %or3A_508, %eq3A_513 : vector<16xi1>
    %add3A_515 = arith.constant 12288 : i32
    %add3A_516 = vector.broadcast %add3A_515 : i32 to vector<16xi32>
    %add3A_517 = arith.addi %gather3A_490, %add3A_516 : vector<16xi32>
    %gather3A_518 = tpu.vector_load_idx %arg6[%add3A_517] : memref<20480xi32, #tpu.memory_space<vmem>>[vector<16xi32>], vector<16xi32>,
    %eq3A_519 = arith.cmpi eq, %gather3A_518, %add3A_486 : vector<16xi32>
    %or3A_520 = arith.ori %or3A_514, %eq3A_519 : vector<16xi1>
    %add3A_521 = arith.constant 16384 : i32
    %add3A_522 = vector.broadcast %add3A_521 : i32 to vector<16xi32>
    %add3A_523 = arith.addi %gather3A_490, %add3A_522 : vector<16xi32>
    %gather3A_524 = tpu.vector_load_idx %arg6[%add3A_523] : memref<20480xi32, #tpu.memory_space<vmem>>[vector<16xi32>], vector<16xi32>,
    %eq3A_525 = arith.cmpi eq, %gather3A_524, %add3A_486 : vector<16xi32>
    %or3A_526 = arith.ori %or3A_520, %eq3A_525 : vector<16xi1>
    %add3A_527 = arith.addf %add3A_475, %gather3A_494 : vector<16xf32>
    %jit3A_528 = arith.constant 0.000000e+00 : f32
    %broadcast_in_dim3A_529 = vector.broadcast %jit3A_528 : f32 to vector<16xf32>
    %select_n3A_530 = arith.select %or3A_526, %gather3A_494, %broadcast_in_dim3A_529 : vector<16xi1>, vector<16xf32>
    %add3A_531 = arith.addf %add3A_479, %select_n3A_530 : vector<16xf32>
    %add3A_532 = arith.constant 4096 : i32
    %add3A_533 = vector.broadcast %add3A_532 : i32 to vector<16xi32>
    %add3A_534 = arith.addi %add3A_486, %add3A_533 : vector<16xi32>
    %gather3A_535 = tpu.vector_load_idx %arg6[%add3A_534] : memref<20480xi32, #tpu.memory_space<vmem>>[vector<16xi32>], vector<16xi32>,
    %add3A_536 = arith.constant 256 : i32
    %add3A_537 = vector.broadcast %add3A_536 : i32 to vector<16xi32>
    %add3A_538 = arith.addi %add3A_482, %add3A_537 : vector<16xi32>
    %gather3A_539 = tpu.vector_load_idx %arg7[%add3A_538] : memref<1280xf32, #tpu.memory_space<vmem>>[vector<16xi32>], vector<16xf32>,
    %broadcast_in_dim3A_540 = arith.constant false
    %broadcast_in_dim3A_541 = vector.broadcast %broadcast_in_dim3A_540 : i1 to vector<16xi1>
    %add3A_542 = arith.constant 0 : i32
    %add3A_543 = vector.broadcast %add3A_542 : i32 to vector<16xi32>
    %add3A_544 = arith.addi %gather3A_535, %add3A_543 : vector<16xi32>
    %gather3A_545 = tpu.vector_load_idx %arg6[%add3A_544] : memref<20480xi32, #tpu.memory_space<vmem>>[vector<16xi32>], vector<16xi32>,
    %eq3A_546 = arith.cmpi eq, %gather3A_545, %add3A_486 : vector<16xi32>
    %or3A_547 = arith.ori %broadcast_in_dim3A_541, %eq3A_546 : vector<16xi1>
    %add3A_548 = arith.constant 4096 : i32
    %add3A_549 = vector.broadcast %add3A_548 : i32 to vector<16xi32>
    %add3A_550 = arith.addi %gather3A_535, %add3A_549 : vector<16xi32>
    %gather3A_551 = tpu.vector_load_idx %arg6[%add3A_550] : memref<20480xi32, #tpu.memory_space<vmem>>[vector<16xi32>], vector<16xi32>,
    %eq3A_552 = arith.cmpi eq, %gather3A_551, %add3A_486 : vector<16xi32>
    %or3A_553 = arith.ori %or3A_547, %eq3A_552 : vector<16xi1>
    %add3A_554 = arith.constant 8192 : i32
    %add3A_555 = vector.broadcast %add3A_554 : i32 to vector<16xi32>
    %add3A_556 = arith.addi %gather3A_535, %add3A_555 : vector<16xi32>
    %gather3A_557 = tpu.vector_load_idx %arg6[%add3A_556] : memref<20480xi32, #tpu.memory_space<vmem>>[vector<16xi32>], vector<16xi32>,
    %eq3A_558 = arith.cmpi eq, %gather3A_557, %add3A_486 : vector<16xi32>
    %or3A_559 = arith.ori %or3A_553, %eq3A_558 : vector<16xi1>
    %add3A_560 = arith.constant 12288 : i32
    %add3A_561 = vector.broadcast %add3A_560 : i32 to vector<16xi32>
    %add3A_562 = arith.addi %gather3A_535, %add3A_561 : vector<16xi32>
    %gather3A_563 = tpu.vector_load_idx %arg6[%add3A_562] : memref<20480xi32, #tpu.memory_space<vmem>>[vector<16xi32>], vector<16xi32>,
    %eq3A_564 = arith.cmpi eq, %gather3A_563, %add3A_486 : vector<16xi32>
    %or3A_565 = arith.ori %or3A_559, %eq3A_564 : vector<16xi1>
    %add3A_566 = arith.constant 16384 : i32
    %add3A_567 = vector.broadcast %add3A_566 : i32 to vector<16xi32>
    %add3A_568 = arith.addi %gather3A_535, %add3A_567 : vector<16xi32>
    %gather3A_569 = tpu.vector_load_idx %arg6[%add3A_568] : memref<20480xi32, #tpu.memory_space<vmem>>[vector<16xi32>], vector<16xi32>,
    %eq3A_570 = arith.cmpi eq, %gather3A_569, %add3A_486 : vector<16xi32>
    %or3A_571 = arith.ori %or3A_565, %eq3A_570 : vector<16xi1>
    %add3A_572 = arith.addf %add3A_527, %gather3A_539 : vector<16xf32>
    %jit3A_573 = arith.constant 0.000000e+00 : f32
    %broadcast_in_dim3A_574 = vector.broadcast %jit3A_573 : f32 to vector<16xf32>
    %select_n3A_575 = arith.select %or3A_571, %gather3A_539, %broadcast_in_dim3A_574 : vector<16xi1>, vector<16xf32>
    %add3A_576 = arith.addf %add3A_531, %select_n3A_575 : vector<16xf32>
    %add3A_577 = arith.constant 8192 : i32
    %add3A_578 = vector.broadcast %add3A_577 : i32 to vector<16xi32>
    %add3A_579 = arith.addi %add3A_486, %add3A_578 : vector<16xi32>
    %gather3A_580 = tpu.vector_load_idx %arg6[%add3A_579] : memref<20480xi32, #tpu.memory_space<vmem>>[vector<16xi32>], vector<16xi32>,
    %add3A_581 = arith.constant 512 : i32
    %add3A_582 = vector.broadcast %add3A_581 : i32 to vector<16xi32>
    %add3A_583 = arith.addi %add3A_482, %add3A_582 : vector<16xi32>
    %gather3A_584 = tpu.vector_load_idx %arg7[%add3A_583] : memref<1280xf32, #tpu.memory_space<vmem>>[vector<16xi32>], vector<16xf32>,
    %broadcast_in_dim3A_585 = arith.constant false
    %broadcast_in_dim3A_586 = vector.broadcast %broadcast_in_dim3A_585 : i1 to vector<16xi1>
    %add3A_587 = arith.constant 0 : i32
    %add3A_588 = vector.broadcast %add3A_587 : i32 to vector<16xi32>
    %add3A_589 = arith.addi %gather3A_580, %add3A_588 : vector<16xi32>
    %gather3A_590 = tpu.vector_load_idx %arg6[%add3A_589] : memref<20480xi32, #tpu.memory_space<vmem>>[vector<16xi32>], vector<16xi32>,
    %eq3A_591 = arith.cmpi eq, %gather3A_590, %add3A_486 : vector<16xi32>
    %or3A_592 = arith.ori %broadcast_in_dim3A_586, %eq3A_591 : vector<16xi1>
    %add3A_593 = arith.constant 4096 : i32
    %add3A_594 = vector.broadcast %add3A_593 : i32 to vector<16xi32>
    %add3A_595 = arith.addi %gather3A_580, %add3A_594 : vector<16xi32>
    %gather3A_596 = tpu.vector_load_idx %arg6[%add3A_595] : memref<20480xi32, #tpu.memory_space<vmem>>[vector<16xi32>], vector<16xi32>,
    %eq3A_597 = arith.cmpi eq, %gather3A_596, %add3A_486 : vector<16xi32>
    %or3A_598 = arith.ori %or3A_592, %eq3A_597 : vector<16xi1>
    %add3A_599 = arith.constant 8192 : i32
    %add3A_600 = vector.broadcast %add3A_599 : i32 to vector<16xi32>
    %add3A_601 = arith.addi %gather3A_580, %add3A_600 : vector<16xi32>
    %gather3A_602 = tpu.vector_load_idx %arg6[%add3A_601] : memref<20480xi32, #tpu.memory_space<vmem>>[vector<16xi32>], vector<16xi32>,
    %eq3A_603 = arith.cmpi eq, %gather3A_602, %add3A_486 : vector<16xi32>
    %or3A_604 = arith.ori %or3A_598, %eq3A_603 : vector<16xi1>
    %add3A_605 = arith.constant 12288 : i32
    %add3A_606 = vector.broadcast %add3A_605 : i32 to vector<16xi32>
    %add3A_607 = arith.addi %gather3A_580, %add3A_606 : vector<16xi32>
    %gather3A_608 = tpu.vector_load_idx %arg6[%add3A_607] : memref<20480xi32, #tpu.memory_space<vmem>>[vector<16xi32>], vector<16xi32>,
    %eq3A_609 = arith.cmpi eq, %gather3A_608, %add3A_486 : vector<16xi32>
    %or3A_610 = arith.ori %or3A_604, %eq3A_609 : vector<16xi1>
    %add3A_611 = arith.constant 16384 : i32
    %add3A_612 = vector.broadcast %add3A_611 : i32 to vector<16xi32>
    %add3A_613 = arith.addi %gather3A_580, %add3A_612 : vector<16xi32>
    %gather3A_614 = tpu.vector_load_idx %arg6[%add3A_613] : memref<20480xi32, #tpu.memory_space<vmem>>[vector<16xi32>], vector<16xi32>,
    %eq3A_615 = arith.cmpi eq, %gather3A_614, %add3A_486 : vector<16xi32>
    %or3A_616 = arith.ori %or3A_610, %eq3A_615 : vector<16xi1>
    %add3A_617 = arith.addf %add3A_572, %gather3A_584 : vector<16xf32>
    %jit3A_618 = arith.constant 0.000000e+00 : f32
    %broadcast_in_dim3A_619 = vector.broadcast %jit3A_618 : f32 to vector<16xf32>
    %select_n3A_620 = arith.select %or3A_616, %gather3A_584, %broadcast_in_dim3A_619 : vector<16xi1>, vector<16xf32>
    %add3A_621 = arith.addf %add3A_576, %select_n3A_620 : vector<16xf32>
    %add3A_622 = arith.constant 12288 : i32
    %add3A_623 = vector.broadcast %add3A_622 : i32 to vector<16xi32>
    %add3A_624 = arith.addi %add3A_486, %add3A_623 : vector<16xi32>
    %gather3A_625 = tpu.vector_load_idx %arg6[%add3A_624] : memref<20480xi32, #tpu.memory_space<vmem>>[vector<16xi32>], vector<16xi32>,
    %add3A_626 = arith.constant 768 : i32
    %add3A_627 = vector.broadcast %add3A_626 : i32 to vector<16xi32>
    %add3A_628 = arith.addi %add3A_482, %add3A_627 : vector<16xi32>
    %gather3A_629 = tpu.vector_load_idx %arg7[%add3A_628] : memref<1280xf32, #tpu.memory_space<vmem>>[vector<16xi32>], vector<16xf32>,
    %broadcast_in_dim3A_630 = arith.constant false
    %broadcast_in_dim3A_631 = vector.broadcast %broadcast_in_dim3A_630 : i1 to vector<16xi1>
    %add3A_632 = arith.constant 0 : i32
    %add3A_633 = vector.broadcast %add3A_632 : i32 to vector<16xi32>
    %add3A_634 = arith.addi %gather3A_625, %add3A_633 : vector<16xi32>
    %gather3A_635 = tpu.vector_load_idx %arg6[%add3A_634] : memref<20480xi32, #tpu.memory_space<vmem>>[vector<16xi32>], vector<16xi32>,
    %eq3A_636 = arith.cmpi eq, %gather3A_635, %add3A_486 : vector<16xi32>
    %or3A_637 = arith.ori %broadcast_in_dim3A_631, %eq3A_636 : vector<16xi1>
    %add3A_638 = arith.constant 4096 : i32
    %add3A_639 = vector.broadcast %add3A_638 : i32 to vector<16xi32>
    %add3A_640 = arith.addi %gather3A_625, %add3A_639 : vector<16xi32>
    %gather3A_641 = tpu.vector_load_idx %arg6[%add3A_640] : memref<20480xi32, #tpu.memory_space<vmem>>[vector<16xi32>], vector<16xi32>,
    %eq3A_642 = arith.cmpi eq, %gather3A_641, %add3A_486 : vector<16xi32>
    %or3A_643 = arith.ori %or3A_637, %eq3A_642 : vector<16xi1>
    %add3A_644 = arith.constant 8192 : i32
    %add3A_645 = vector.broadcast %add3A_644 : i32 to vector<16xi32>
    %add3A_646 = arith.addi %gather3A_625, %add3A_645 : vector<16xi32>
    %gather3A_647 = tpu.vector_load_idx %arg6[%add3A_646] : memref<20480xi32, #tpu.memory_space<vmem>>[vector<16xi32>], vector<16xi32>,
    %eq3A_648 = arith.cmpi eq, %gather3A_647, %add3A_486 : vector<16xi32>
    %or3A_649 = arith.ori %or3A_643, %eq3A_648 : vector<16xi1>
    %add3A_650 = arith.constant 12288 : i32
    %add3A_651 = vector.broadcast %add3A_650 : i32 to vector<16xi32>
    %add3A_652 = arith.addi %gather3A_625, %add3A_651 : vector<16xi32>
    %gather3A_653 = tpu.vector_load_idx %arg6[%add3A_652] : memref<20480xi32, #tpu.memory_space<vmem>>[vector<16xi32>], vector<16xi32>,
    %eq3A_654 = arith.cmpi eq, %gather3A_653, %add3A_486 : vector<16xi32>
    %or3A_655 = arith.ori %or3A_649, %eq3A_654 : vector<16xi1>
    %add3A_656 = arith.constant 16384 : i32
    %add3A_657 = vector.broadcast %add3A_656 : i32 to vector<16xi32>
    %add3A_658 = arith.addi %gather3A_625, %add3A_657 : vector<16xi32>
    %gather3A_659 = tpu.vector_load_idx %arg6[%add3A_658] : memref<20480xi32, #tpu.memory_space<vmem>>[vector<16xi32>], vector<16xi32>,
    %eq3A_660 = arith.cmpi eq, %gather3A_659, %add3A_486 : vector<16xi32>
    %or3A_661 = arith.ori %or3A_655, %eq3A_660 : vector<16xi1>
    %add3A_662 = arith.addf %add3A_617, %gather3A_629 : vector<16xf32>
    %jit3A_663 = arith.constant 0.000000e+00 : f32
    %broadcast_in_dim3A_664 = vector.broadcast %jit3A_663 : f32 to vector<16xf32>
    %select_n3A_665 = arith.select %or3A_661, %gather3A_629, %broadcast_in_dim3A_664 : vector<16xi1>, vector<16xf32>
    %add3A_666 = arith.addf %add3A_621, %select_n3A_665 : vector<16xf32>
    %add3A_667 = arith.constant 16384 : i32
    %add3A_668 = vector.broadcast %add3A_667 : i32 to vector<16xi32>
    %add3A_669 = arith.addi %add3A_486, %add3A_668 : vector<16xi32>
    %gather3A_670 = tpu.vector_load_idx %arg6[%add3A_669] : memref<20480xi32, #tpu.memory_space<vmem>>[vector<16xi32>], vector<16xi32>,
    %add3A_671 = arith.constant 1024 : i32
    %add3A_672 = vector.broadcast %add3A_671 : i32 to vector<16xi32>
    %add3A_673 = arith.addi %add3A_482, %add3A_672 : vector<16xi32>
    %gather3A_674 = tpu.vector_load_idx %arg7[%add3A_673] : memref<1280xf32, #tpu.memory_space<vmem>>[vector<16xi32>], vector<16xf32>,
    %broadcast_in_dim3A_675 = arith.constant false
    %broadcast_in_dim3A_676 = vector.broadcast %broadcast_in_dim3A_675 : i1 to vector<16xi1>
    %add3A_677 = arith.constant 0 : i32
    %add3A_678 = vector.broadcast %add3A_677 : i32 to vector<16xi32>
    %add3A_679 = arith.addi %gather3A_670, %add3A_678 : vector<16xi32>
    %gather3A_680 = tpu.vector_load_idx %arg6[%add3A_679] : memref<20480xi32, #tpu.memory_space<vmem>>[vector<16xi32>], vector<16xi32>,
    %eq3A_681 = arith.cmpi eq, %gather3A_680, %add3A_486 : vector<16xi32>
    %or3A_682 = arith.ori %broadcast_in_dim3A_676, %eq3A_681 : vector<16xi1>
    %add3A_683 = arith.constant 4096 : i32
    %add3A_684 = vector.broadcast %add3A_683 : i32 to vector<16xi32>
    %add3A_685 = arith.addi %gather3A_670, %add3A_684 : vector<16xi32>
    %gather3A_686 = tpu.vector_load_idx %arg6[%add3A_685] : memref<20480xi32, #tpu.memory_space<vmem>>[vector<16xi32>], vector<16xi32>,
    %eq3A_687 = arith.cmpi eq, %gather3A_686, %add3A_486 : vector<16xi32>
    %or3A_688 = arith.ori %or3A_682, %eq3A_687 : vector<16xi1>
    %add3A_689 = arith.constant 8192 : i32
    %add3A_690 = vector.broadcast %add3A_689 : i32 to vector<16xi32>
    %add3A_691 = arith.addi %gather3A_670, %add3A_690 : vector<16xi32>
    %gather3A_692 = tpu.vector_load_idx %arg6[%add3A_691] : memref<20480xi32, #tpu.memory_space<vmem>>[vector<16xi32>], vector<16xi32>,
    %eq3A_693 = arith.cmpi eq, %gather3A_692, %add3A_486 : vector<16xi32>
    %or3A_694 = arith.ori %or3A_688, %eq3A_693 : vector<16xi1>
    %add3A_695 = arith.constant 12288 : i32
    %add3A_696 = vector.broadcast %add3A_695 : i32 to vector<16xi32>
    %add3A_697 = arith.addi %gather3A_670, %add3A_696 : vector<16xi32>
    %gather3A_698 = tpu.vector_load_idx %arg6[%add3A_697] : memref<20480xi32, #tpu.memory_space<vmem>>[vector<16xi32>], vector<16xi32>,
    %eq3A_699 = arith.cmpi eq, %gather3A_698, %add3A_486 : vector<16xi32>
    %or3A_700 = arith.ori %or3A_694, %eq3A_699 : vector<16xi1>
    %add3A_701 = arith.constant 16384 : i32
    %add3A_702 = vector.broadcast %add3A_701 : i32 to vector<16xi32>
    %add3A_703 = arith.addi %gather3A_670, %add3A_702 : vector<16xi32>
    %gather3A_704 = tpu.vector_load_idx %arg6[%add3A_703] : memref<20480xi32, #tpu.memory_space<vmem>>[vector<16xi32>], vector<16xi32>,
    %eq3A_705 = arith.cmpi eq, %gather3A_704, %add3A_486 : vector<16xi32>
    %or3A_706 = arith.ori %or3A_700, %eq3A_705 : vector<16xi1>
    %add3A_707 = arith.addf %add3A_662, %gather3A_674 : vector<16xf32>
    %jit3A_708 = arith.constant 0.000000e+00 : f32
    %broadcast_in_dim3A_709 = vector.broadcast %jit3A_708 : f32 to vector<16xf32>
    %select_n3A_710 = arith.select %or3A_706, %gather3A_674, %broadcast_in_dim3A_709 : vector<16xi1>, vector<16xf32>
    %add3A_711 = arith.addf %add3A_666, %select_n3A_710 : vector<16xf32>
    %add3A_712 = arith.constant 48 : i32
    %add3A_713 = vector.broadcast %add3A_712 : i32 to vector<16xi32>
    %add3A_714 = arith.addi %add3A_713, %iota3A : vector<16xi32>
    %mul3A_715 = arith.constant 256 : i32
    %mul3A_716 = arith.muli %arg1, %mul3A_715 : i32
    %add3A_717 = vector.broadcast %mul3A_716 : i32 to vector<16xi32>
    %add3A_718 = arith.addi %add3A_717, %add3A_714 : vector<16xi32>
    %add3A_719 = arith.constant 0 : i32
    %add3A_720 = vector.broadcast %add3A_719 : i32 to vector<16xi32>
    %add3A_721 = arith.addi %add3A_718, %add3A_720 : vector<16xi32>
    %gather3A_722 = tpu.vector_load_idx %arg6[%add3A_721] : memref<20480xi32, #tpu.memory_space<vmem>>[vector<16xi32>], vector<16xi32>,
    %add3A_723 = arith.constant 0 : i32
    %add3A_724 = vector.broadcast %add3A_723 : i32 to vector<16xi32>
    %add3A_725 = arith.addi %add3A_714, %add3A_724 : vector<16xi32>
    %gather3A_726 = tpu.vector_load_idx %arg7[%add3A_725] : memref<1280xf32, #tpu.memory_space<vmem>>[vector<16xi32>], vector<16xf32>,
    %broadcast_in_dim3A_727 = arith.constant false
    %broadcast_in_dim3A_728 = vector.broadcast %broadcast_in_dim3A_727 : i1 to vector<16xi1>
    %add3A_729 = arith.constant 0 : i32
    %add3A_730 = vector.broadcast %add3A_729 : i32 to vector<16xi32>
    %add3A_731 = arith.addi %gather3A_722, %add3A_730 : vector<16xi32>
    %gather3A_732 = tpu.vector_load_idx %arg6[%add3A_731] : memref<20480xi32, #tpu.memory_space<vmem>>[vector<16xi32>], vector<16xi32>,
    %eq3A_733 = arith.cmpi eq, %gather3A_732, %add3A_718 : vector<16xi32>
    %or3A_734 = arith.ori %broadcast_in_dim3A_728, %eq3A_733 : vector<16xi1>
    %add3A_735 = arith.constant 4096 : i32
    %add3A_736 = vector.broadcast %add3A_735 : i32 to vector<16xi32>
    %add3A_737 = arith.addi %gather3A_722, %add3A_736 : vector<16xi32>
    %gather3A_738 = tpu.vector_load_idx %arg6[%add3A_737] : memref<20480xi32, #tpu.memory_space<vmem>>[vector<16xi32>], vector<16xi32>,
    %eq3A_739 = arith.cmpi eq, %gather3A_738, %add3A_718 : vector<16xi32>
    %or3A_740 = arith.ori %or3A_734, %eq3A_739 : vector<16xi1>
    %add3A_741 = arith.constant 8192 : i32
    %add3A_742 = vector.broadcast %add3A_741 : i32 to vector<16xi32>
    %add3A_743 = arith.addi %gather3A_722, %add3A_742 : vector<16xi32>
    %gather3A_744 = tpu.vector_load_idx %arg6[%add3A_743] : memref<20480xi32, #tpu.memory_space<vmem>>[vector<16xi32>], vector<16xi32>,
    %eq3A_745 = arith.cmpi eq, %gather3A_744, %add3A_718 : vector<16xi32>
    %or3A_746 = arith.ori %or3A_740, %eq3A_745 : vector<16xi1>
    %add3A_747 = arith.constant 12288 : i32
    %add3A_748 = vector.broadcast %add3A_747 : i32 to vector<16xi32>
    %add3A_749 = arith.addi %gather3A_722, %add3A_748 : vector<16xi32>
    %gather3A_750 = tpu.vector_load_idx %arg6[%add3A_749] : memref<20480xi32, #tpu.memory_space<vmem>>[vector<16xi32>], vector<16xi32>,
    %eq3A_751 = arith.cmpi eq, %gather3A_750, %add3A_718 : vector<16xi32>
    %or3A_752 = arith.ori %or3A_746, %eq3A_751 : vector<16xi1>
    %add3A_753 = arith.constant 16384 : i32
    %add3A_754 = vector.broadcast %add3A_753 : i32 to vector<16xi32>
    %add3A_755 = arith.addi %gather3A_722, %add3A_754 : vector<16xi32>
    %gather3A_756 = tpu.vector_load_idx %arg6[%add3A_755] : memref<20480xi32, #tpu.memory_space<vmem>>[vector<16xi32>], vector<16xi32>,
    %eq3A_757 = arith.cmpi eq, %gather3A_756, %add3A_718 : vector<16xi32>
    %or3A_758 = arith.ori %or3A_752, %eq3A_757 : vector<16xi1>
    %add3A_759 = arith.addf %add3A_707, %gather3A_726 : vector<16xf32>
    %jit3A_760 = arith.constant 0.000000e+00 : f32
    %broadcast_in_dim3A_761 = vector.broadcast %jit3A_760 : f32 to vector<16xf32>
    %select_n3A_762 = arith.select %or3A_758, %gather3A_726, %broadcast_in_dim3A_761 : vector<16xi1>, vector<16xf32>
    %add3A_763 = arith.addf %add3A_711, %select_n3A_762 : vector<16xf32>
    %add3A_764 = arith.constant 4096 : i32
    %add3A_765 = vector.broadcast %add3A_764 : i32 to vector<16xi32>
    %add3A_766 = arith.addi %add3A_718, %add3A_765 : vector<16xi32>
    %gather3A_767 = tpu.vector_load_idx %arg6[%add3A_766] : memref<20480xi32, #tpu.memory_space<vmem>>[vector<16xi32>], vector<16xi32>,
    %add3A_768 = arith.constant 256 : i32
    %add3A_769 = vector.broadcast %add3A_768 : i32 to vector<16xi32>
    %add3A_770 = arith.addi %add3A_714, %add3A_769 : vector<16xi32>
    %gather3A_771 = tpu.vector_load_idx %arg7[%add3A_770] : memref<1280xf32, #tpu.memory_space<vmem>>[vector<16xi32>], vector<16xf32>,
    %broadcast_in_dim3A_772 = arith.constant false
    %broadcast_in_dim3A_773 = vector.broadcast %broadcast_in_dim3A_772 : i1 to vector<16xi1>
    %add3A_774 = arith.constant 0 : i32
    %add3A_775 = vector.broadcast %add3A_774 : i32 to vector<16xi32>
    %add3A_776 = arith.addi %gather3A_767, %add3A_775 : vector<16xi32>
    %gather3A_777 = tpu.vector_load_idx %arg6[%add3A_776] : memref<20480xi32, #tpu.memory_space<vmem>>[vector<16xi32>], vector<16xi32>,
    %eq3A_778 = arith.cmpi eq, %gather3A_777, %add3A_718 : vector<16xi32>
    %or3A_779 = arith.ori %broadcast_in_dim3A_773, %eq3A_778 : vector<16xi1>
    %add3A_780 = arith.constant 4096 : i32
    %add3A_781 = vector.broadcast %add3A_780 : i32 to vector<16xi32>
    %add3A_782 = arith.addi %gather3A_767, %add3A_781 : vector<16xi32>
    %gather3A_783 = tpu.vector_load_idx %arg6[%add3A_782] : memref<20480xi32, #tpu.memory_space<vmem>>[vector<16xi32>], vector<16xi32>,
    %eq3A_784 = arith.cmpi eq, %gather3A_783, %add3A_718 : vector<16xi32>
    %or3A_785 = arith.ori %or3A_779, %eq3A_784 : vector<16xi1>
    %add3A_786 = arith.constant 8192 : i32
    %add3A_787 = vector.broadcast %add3A_786 : i32 to vector<16xi32>
    %add3A_788 = arith.addi %gather3A_767, %add3A_787 : vector<16xi32>
    %gather3A_789 = tpu.vector_load_idx %arg6[%add3A_788] : memref<20480xi32, #tpu.memory_space<vmem>>[vector<16xi32>], vector<16xi32>,
    %eq3A_790 = arith.cmpi eq, %gather3A_789, %add3A_718 : vector<16xi32>
    %or3A_791 = arith.ori %or3A_785, %eq3A_790 : vector<16xi1>
    %add3A_792 = arith.constant 12288 : i32
    %add3A_793 = vector.broadcast %add3A_792 : i32 to vector<16xi32>
    %add3A_794 = arith.addi %gather3A_767, %add3A_793 : vector<16xi32>
    %gather3A_795 = tpu.vector_load_idx %arg6[%add3A_794] : memref<20480xi32, #tpu.memory_space<vmem>>[vector<16xi32>], vector<16xi32>,
    %eq3A_796 = arith.cmpi eq, %gather3A_795, %add3A_718 : vector<16xi32>
    %or3A_797 = arith.ori %or3A_791, %eq3A_796 : vector<16xi1>
    %add3A_798 = arith.constant 16384 : i32
    %add3A_799 = vector.broadcast %add3A_798 : i32 to vector<16xi32>
    %add3A_800 = arith.addi %gather3A_767, %add3A_799 : vector<16xi32>
    %gather3A_801 = tpu.vector_load_idx %arg6[%add3A_800] : memref<20480xi32, #tpu.memory_space<vmem>>[vector<16xi32>], vector<16xi32>,
    %eq3A_802 = arith.cmpi eq, %gather3A_801, %add3A_718 : vector<16xi32>
    %or3A_803 = arith.ori %or3A_797, %eq3A_802 : vector<16xi1>
    %add3A_804 = arith.addf %add3A_759, %gather3A_771 : vector<16xf32>
    %jit3A_805 = arith.constant 0.000000e+00 : f32
    %broadcast_in_dim3A_806 = vector.broadcast %jit3A_805 : f32 to vector<16xf32>
    %select_n3A_807 = arith.select %or3A_803, %gather3A_771, %broadcast_in_dim3A_806 : vector<16xi1>, vector<16xf32>
    %add3A_808 = arith.addf %add3A_763, %select_n3A_807 : vector<16xf32>
    %add3A_809 = arith.constant 8192 : i32
    %add3A_810 = vector.broadcast %add3A_809 : i32 to vector<16xi32>
    %add3A_811 = arith.addi %add3A_718, %add3A_810 : vector<16xi32>
    %gather3A_812 = tpu.vector_load_idx %arg6[%add3A_811] : memref<20480xi32, #tpu.memory_space<vmem>>[vector<16xi32>], vector<16xi32>,
    %add3A_813 = arith.constant 512 : i32
    %add3A_814 = vector.broadcast %add3A_813 : i32 to vector<16xi32>
    %add3A_815 = arith.addi %add3A_714, %add3A_814 : vector<16xi32>
    %gather3A_816 = tpu.vector_load_idx %arg7[%add3A_815] : memref<1280xf32, #tpu.memory_space<vmem>>[vector<16xi32>], vector<16xf32>,
    %broadcast_in_dim3A_817 = arith.constant false
    %broadcast_in_dim3A_818 = vector.broadcast %broadcast_in_dim3A_817 : i1 to vector<16xi1>
    %add3A_819 = arith.constant 0 : i32
    %add3A_820 = vector.broadcast %add3A_819 : i32 to vector<16xi32>
    %add3A_821 = arith.addi %gather3A_812, %add3A_820 : vector<16xi32>
    %gather3A_822 = tpu.vector_load_idx %arg6[%add3A_821] : memref<20480xi32, #tpu.memory_space<vmem>>[vector<16xi32>], vector<16xi32>,
    %eq3A_823 = arith.cmpi eq, %gather3A_822, %add3A_718 : vector<16xi32>
    %or3A_824 = arith.ori %broadcast_in_dim3A_818, %eq3A_823 : vector<16xi1>
    %add3A_825 = arith.constant 4096 : i32
    %add3A_826 = vector.broadcast %add3A_825 : i32 to vector<16xi32>
    %add3A_827 = arith.addi %gather3A_812, %add3A_826 : vector<16xi32>
    %gather3A_828 = tpu.vector_load_idx %arg6[%add3A_827] : memref<20480xi32, #tpu.memory_space<vmem>>[vector<16xi32>], vector<16xi32>,
    %eq3A_829 = arith.cmpi eq, %gather3A_828, %add3A_718 : vector<16xi32>
    %or3A_830 = arith.ori %or3A_824, %eq3A_829 : vector<16xi1>
    %add3A_831 = arith.constant 8192 : i32
    %add3A_832 = vector.broadcast %add3A_831 : i32 to vector<16xi32>
    %add3A_833 = arith.addi %gather3A_812, %add3A_832 : vector<16xi32>
    %gather3A_834 = tpu.vector_load_idx %arg6[%add3A_833] : memref<20480xi32, #tpu.memory_space<vmem>>[vector<16xi32>], vector<16xi32>,
    %eq3A_835 = arith.cmpi eq, %gather3A_834, %add3A_718 : vector<16xi32>
    %or3A_836 = arith.ori %or3A_830, %eq3A_835 : vector<16xi1>
    %add3A_837 = arith.constant 12288 : i32
    %add3A_838 = vector.broadcast %add3A_837 : i32 to vector<16xi32>
    %add3A_839 = arith.addi %gather3A_812, %add3A_838 : vector<16xi32>
    %gather3A_840 = tpu.vector_load_idx %arg6[%add3A_839] : memref<20480xi32, #tpu.memory_space<vmem>>[vector<16xi32>], vector<16xi32>,
    %eq3A_841 = arith.cmpi eq, %gather3A_840, %add3A_718 : vector<16xi32>
    %or3A_842 = arith.ori %or3A_836, %eq3A_841 : vector<16xi1>
    %add3A_843 = arith.constant 16384 : i32
    %add3A_844 = vector.broadcast %add3A_843 : i32 to vector<16xi32>
    %add3A_845 = arith.addi %gather3A_812, %add3A_844 : vector<16xi32>
    %gather3A_846 = tpu.vector_load_idx %arg6[%add3A_845] : memref<20480xi32, #tpu.memory_space<vmem>>[vector<16xi32>], vector<16xi32>,
    %eq3A_847 = arith.cmpi eq, %gather3A_846, %add3A_718 : vector<16xi32>
    %or3A_848 = arith.ori %or3A_842, %eq3A_847 : vector<16xi1>
    %add3A_849 = arith.addf %add3A_804, %gather3A_816 : vector<16xf32>
    %jit3A_850 = arith.constant 0.000000e+00 : f32
    %broadcast_in_dim3A_851 = vector.broadcast %jit3A_850 : f32 to vector<16xf32>
    %select_n3A_852 = arith.select %or3A_848, %gather3A_816, %broadcast_in_dim3A_851 : vector<16xi1>, vector<16xf32>
    %add3A_853 = arith.addf %add3A_808, %select_n3A_852 : vector<16xf32>
    %add3A_854 = arith.constant 12288 : i32
    %add3A_855 = vector.broadcast %add3A_854 : i32 to vector<16xi32>
    %add3A_856 = arith.addi %add3A_718, %add3A_855 : vector<16xi32>
    %gather3A_857 = tpu.vector_load_idx %arg6[%add3A_856] : memref<20480xi32, #tpu.memory_space<vmem>>[vector<16xi32>], vector<16xi32>,
    %add3A_858 = arith.constant 768 : i32
    %add3A_859 = vector.broadcast %add3A_858 : i32 to vector<16xi32>
    %add3A_860 = arith.addi %add3A_714, %add3A_859 : vector<16xi32>
    %gather3A_861 = tpu.vector_load_idx %arg7[%add3A_860] : memref<1280xf32, #tpu.memory_space<vmem>>[vector<16xi32>], vector<16xf32>,
    %broadcast_in_dim3A_862 = arith.constant false
    %broadcast_in_dim3A_863 = vector.broadcast %broadcast_in_dim3A_862 : i1 to vector<16xi1>
    %add3A_864 = arith.constant 0 : i32
    %add3A_865 = vector.broadcast %add3A_864 : i32 to vector<16xi32>
    %add3A_866 = arith.addi %gather3A_857, %add3A_865 : vector<16xi32>
    %gather3A_867 = tpu.vector_load_idx %arg6[%add3A_866] : memref<20480xi32, #tpu.memory_space<vmem>>[vector<16xi32>], vector<16xi32>,
    %eq3A_868 = arith.cmpi eq, %gather3A_867, %add3A_718 : vector<16xi32>
    %or3A_869 = arith.ori %broadcast_in_dim3A_863, %eq3A_868 : vector<16xi1>
    %add3A_870 = arith.constant 4096 : i32
    %add3A_871 = vector.broadcast %add3A_870 : i32 to vector<16xi32>
    %add3A_872 = arith.addi %gather3A_857, %add3A_871 : vector<16xi32>
    %gather3A_873 = tpu.vector_load_idx %arg6[%add3A_872] : memref<20480xi32, #tpu.memory_space<vmem>>[vector<16xi32>], vector<16xi32>,
    %eq3A_874 = arith.cmpi eq, %gather3A_873, %add3A_718 : vector<16xi32>
    %or3A_875 = arith.ori %or3A_869, %eq3A_874 : vector<16xi1>
    %add3A_876 = arith.constant 8192 : i32
    %add3A_877 = vector.broadcast %add3A_876 : i32 to vector<16xi32>
    %add3A_878 = arith.addi %gather3A_857, %add3A_877 : vector<16xi32>
    %gather3A_879 = tpu.vector_load_idx %arg6[%add3A_878] : memref<20480xi32, #tpu.memory_space<vmem>>[vector<16xi32>], vector<16xi32>,
    %eq3A_880 = arith.cmpi eq, %gather3A_879, %add3A_718 : vector<16xi32>
    %or3A_881 = arith.ori %or3A_875, %eq3A_880 : vector<16xi1>
    %add3A_882 = arith.constant 12288 : i32
    %add3A_883 = vector.broadcast %add3A_882 : i32 to vector<16xi32>
    %add3A_884 = arith.addi %gather3A_857, %add3A_883 : vector<16xi32>
    %gather3A_885 = tpu.vector_load_idx %arg6[%add3A_884] : memref<20480xi32, #tpu.memory_space<vmem>>[vector<16xi32>], vector<16xi32>,
    %eq3A_886 = arith.cmpi eq, %gather3A_885, %add3A_718 : vector<16xi32>
    %or3A_887 = arith.ori %or3A_881, %eq3A_886 : vector<16xi1>
    %add3A_888 = arith.constant 16384 : i32
    %add3A_889 = vector.broadcast %add3A_888 : i32 to vector<16xi32>
    %add3A_890 = arith.addi %gather3A_857, %add3A_889 : vector<16xi32>
    %gather3A_891 = tpu.vector_load_idx %arg6[%add3A_890] : memref<20480xi32, #tpu.memory_space<vmem>>[vector<16xi32>], vector<16xi32>,
    %eq3A_892 = arith.cmpi eq, %gather3A_891, %add3A_718 : vector<16xi32>
    %or3A_893 = arith.ori %or3A_887, %eq3A_892 : vector<16xi1>
    %add3A_894 = arith.addf %add3A_849, %gather3A_861 : vector<16xf32>
    %jit3A_895 = arith.constant 0.000000e+00 : f32
    %broadcast_in_dim3A_896 = vector.broadcast %jit3A_895 : f32 to vector<16xf32>
    %select_n3A_897 = arith.select %or3A_893, %gather3A_861, %broadcast_in_dim3A_896 : vector<16xi1>, vector<16xf32>
    %add3A_898 = arith.addf %add3A_853, %select_n3A_897 : vector<16xf32>
    %add3A_899 = arith.constant 16384 : i32
    %add3A_900 = vector.broadcast %add3A_899 : i32 to vector<16xi32>
    %add3A_901 = arith.addi %add3A_718, %add3A_900 : vector<16xi32>
    %gather3A_902 = tpu.vector_load_idx %arg6[%add3A_901] : memref<20480xi32, #tpu.memory_space<vmem>>[vector<16xi32>], vector<16xi32>,
    %add3A_903 = arith.constant 1024 : i32
    %add3A_904 = vector.broadcast %add3A_903 : i32 to vector<16xi32>
    %add3A_905 = arith.addi %add3A_714, %add3A_904 : vector<16xi32>
    %gather3A_906 = tpu.vector_load_idx %arg7[%add3A_905] : memref<1280xf32, #tpu.memory_space<vmem>>[vector<16xi32>], vector<16xf32>,
    %broadcast_in_dim3A_907 = arith.constant false
    %broadcast_in_dim3A_908 = vector.broadcast %broadcast_in_dim3A_907 : i1 to vector<16xi1>
    %add3A_909 = arith.constant 0 : i32
    %add3A_910 = vector.broadcast %add3A_909 : i32 to vector<16xi32>
    %add3A_911 = arith.addi %gather3A_902, %add3A_910 : vector<16xi32>
    %gather3A_912 = tpu.vector_load_idx %arg6[%add3A_911] : memref<20480xi32, #tpu.memory_space<vmem>>[vector<16xi32>], vector<16xi32>,
    %eq3A_913 = arith.cmpi eq, %gather3A_912, %add3A_718 : vector<16xi32>
    %or3A_914 = arith.ori %broadcast_in_dim3A_908, %eq3A_913 : vector<16xi1>
    %add3A_915 = arith.constant 4096 : i32
    %add3A_916 = vector.broadcast %add3A_915 : i32 to vector<16xi32>
    %add3A_917 = arith.addi %gather3A_902, %add3A_916 : vector<16xi32>
    %gather3A_918 = tpu.vector_load_idx %arg6[%add3A_917] : memref<20480xi32, #tpu.memory_space<vmem>>[vector<16xi32>], vector<16xi32>,
    %eq3A_919 = arith.cmpi eq, %gather3A_918, %add3A_718 : vector<16xi32>
    %or3A_920 = arith.ori %or3A_914, %eq3A_919 : vector<16xi1>
    %add3A_921 = arith.constant 8192 : i32
    %add3A_922 = vector.broadcast %add3A_921 : i32 to vector<16xi32>
    %add3A_923 = arith.addi %gather3A_902, %add3A_922 : vector<16xi32>
    %gather3A_924 = tpu.vector_load_idx %arg6[%add3A_923] : memref<20480xi32, #tpu.memory_space<vmem>>[vector<16xi32>], vector<16xi32>,
    %eq3A_925 = arith.cmpi eq, %gather3A_924, %add3A_718 : vector<16xi32>
    %or3A_926 = arith.ori %or3A_920, %eq3A_925 : vector<16xi1>
    %add3A_927 = arith.constant 12288 : i32
    %add3A_928 = vector.broadcast %add3A_927 : i32 to vector<16xi32>
    %add3A_929 = arith.addi %gather3A_902, %add3A_928 : vector<16xi32>
    %gather3A_930 = tpu.vector_load_idx %arg6[%add3A_929] : memref<20480xi32, #tpu.memory_space<vmem>>[vector<16xi32>], vector<16xi32>,
    %eq3A_931 = arith.cmpi eq, %gather3A_930, %add3A_718 : vector<16xi32>
    %or3A_932 = arith.ori %or3A_926, %eq3A_931 : vector<16xi1>
    %add3A_933 = arith.constant 16384 : i32
    %add3A_934 = vector.broadcast %add3A_933 : i32 to vector<16xi32>
    %add3A_935 = arith.addi %gather3A_902, %add3A_934 : vector<16xi32>
    %gather3A_936 = tpu.vector_load_idx %arg6[%add3A_935] : memref<20480xi32, #tpu.memory_space<vmem>>[vector<16xi32>], vector<16xi32>,
    %eq3A_937 = arith.cmpi eq, %gather3A_936, %add3A_718 : vector<16xi32>
    %or3A_938 = arith.ori %or3A_932, %eq3A_937 : vector<16xi1>
    %add3A_939 = arith.addf %add3A_894, %gather3A_906 : vector<16xf32>
    %jit3A_940 = arith.constant 0.000000e+00 : f32
    %broadcast_in_dim3A_941 = vector.broadcast %jit3A_940 : f32 to vector<16xf32>
    %select_n3A_942 = arith.select %or3A_938, %gather3A_906, %broadcast_in_dim3A_941 : vector<16xi1>, vector<16xf32>
    %add3A_943 = arith.addf %add3A_898, %select_n3A_942 : vector<16xf32>
    %add3A_944 = arith.constant 64 : i32
    %add3A_945 = vector.broadcast %add3A_944 : i32 to vector<16xi32>
    %add3A_946 = arith.addi %add3A_945, %iota3A : vector<16xi32>
    %mul3A_947 = arith.constant 256 : i32
    %mul3A_948 = arith.muli %arg1, %mul3A_947 : i32
    %add3A_949 = vector.broadcast %mul3A_948 : i32 to vector<16xi32>
    %add3A_950 = arith.addi %add3A_949, %add3A_946 : vector<16xi32>
    %add3A_951 = arith.constant 0 : i32
    %add3A_952 = vector.broadcast %add3A_951 : i32 to vector<16xi32>
    %add3A_953 = arith.addi %add3A_950, %add3A_952 : vector<16xi32>
    %gather3A_954 = tpu.vector_load_idx %arg6[%add3A_953] : memref<20480xi32, #tpu.memory_space<vmem>>[vector<16xi32>], vector<16xi32>,
    %add3A_955 = arith.constant 0 : i32
    %add3A_956 = vector.broadcast %add3A_955 : i32 to vector<16xi32>
    %add3A_957 = arith.addi %add3A_946, %add3A_956 : vector<16xi32>
    %gather3A_958 = tpu.vector_load_idx %arg7[%add3A_957] : memref<1280xf32, #tpu.memory_space<vmem>>[vector<16xi32>], vector<16xf32>,
    %broadcast_in_dim3A_959 = arith.constant false
    %broadcast_in_dim3A_960 = vector.broadcast %broadcast_in_dim3A_959 : i1 to vector<16xi1>
    %add3A_961 = arith.constant 0 : i32
    %add3A_962 = vector.broadcast %add3A_961 : i32 to vector<16xi32>
    %add3A_963 = arith.addi %gather3A_954, %add3A_962 : vector<16xi32>
    %gather3A_964 = tpu.vector_load_idx %arg6[%add3A_963] : memref<20480xi32, #tpu.memory_space<vmem>>[vector<16xi32>], vector<16xi32>,
    %eq3A_965 = arith.cmpi eq, %gather3A_964, %add3A_950 : vector<16xi32>
    %or3A_966 = arith.ori %broadcast_in_dim3A_960, %eq3A_965 : vector<16xi1>
    %add3A_967 = arith.constant 4096 : i32
    %add3A_968 = vector.broadcast %add3A_967 : i32 to vector<16xi32>
    %add3A_969 = arith.addi %gather3A_954, %add3A_968 : vector<16xi32>
    %gather3A_970 = tpu.vector_load_idx %arg6[%add3A_969] : memref<20480xi32, #tpu.memory_space<vmem>>[vector<16xi32>], vector<16xi32>,
    %eq3A_971 = arith.cmpi eq, %gather3A_970, %add3A_950 : vector<16xi32>
    %or3A_972 = arith.ori %or3A_966, %eq3A_971 : vector<16xi1>
    %add3A_973 = arith.constant 8192 : i32
    %add3A_974 = vector.broadcast %add3A_973 : i32 to vector<16xi32>
    %add3A_975 = arith.addi %gather3A_954, %add3A_974 : vector<16xi32>
    %gather3A_976 = tpu.vector_load_idx %arg6[%add3A_975] : memref<20480xi32, #tpu.memory_space<vmem>>[vector<16xi32>], vector<16xi32>,
    %eq3A_977 = arith.cmpi eq, %gather3A_976, %add3A_950 : vector<16xi32>
    %or3A_978 = arith.ori %or3A_972, %eq3A_977 : vector<16xi1>
    %add3A_979 = arith.constant 12288 : i32
    %add3A_980 = vector.broadcast %add3A_979 : i32 to vector<16xi32>
    %add3A_981 = arith.addi %gather3A_954, %add3A_980 : vector<16xi32>
    %gather3A_982 = tpu.vector_load_idx %arg6[%add3A_981] : memref<20480xi32, #tpu.memory_space<vmem>>[vector<16xi32>], vector<16xi32>,
    %eq3A_983 = arith.cmpi eq, %gather3A_982, %add3A_950 : vector<16xi32>
    %or3A_984 = arith.ori %or3A_978, %eq3A_983 : vector<16xi1>
    %add3A_985 = arith.constant 16384 : i32
    %add3A_986 = vector.broadcast %add3A_985 : i32 to vector<16xi32>
    %add3A_987 = arith.addi %gather3A_954, %add3A_986 : vector<16xi32>
    %gather3A_988 = tpu.vector_load_idx %arg6[%add3A_987] : memref<20480xi32, #tpu.memory_space<vmem>>[vector<16xi32>], vector<16xi32>,
    %eq3A_989 = arith.cmpi eq, %gather3A_988, %add3A_950 : vector<16xi32>
    %or3A_990 = arith.ori %or3A_984, %eq3A_989 : vector<16xi1>
    %add3A_991 = arith.addf %add3A_939, %gather3A_958 : vector<16xf32>
    %jit3A_992 = arith.constant 0.000000e+00 : f32
    %broadcast_in_dim3A_993 = vector.broadcast %jit3A_992 : f32 to vector<16xf32>
    %select_n3A_994 = arith.select %or3A_990, %gather3A_958, %broadcast_in_dim3A_993 : vector<16xi1>, vector<16xf32>
    %add3A_995 = arith.addf %add3A_943, %select_n3A_994 : vector<16xf32>
    %add3A_996 = arith.constant 4096 : i32
    %add3A_997 = vector.broadcast %add3A_996 : i32 to vector<16xi32>
    %add3A_998 = arith.addi %add3A_950, %add3A_997 : vector<16xi32>
    %gather3A_999 = tpu.vector_load_idx %arg6[%add3A_998] : memref<20480xi32, #tpu.memory_space<vmem>>[vector<16xi32>], vector<16xi32>,
    %add3A_1000 = arith.constant 256 : i32
    %add3A_1001 = vector.broadcast %add3A_1000 : i32 to vector<16xi32>
    %add3A_1002 = arith.addi %add3A_946, %add3A_1001 : vector<16xi32>
    %gather3A_1003 = tpu.vector_load_idx %arg7[%add3A_1002] : memref<1280xf32, #tpu.memory_space<vmem>>[vector<16xi32>], vector<16xf32>,
    %broadcast_in_dim3A_1004 = arith.constant false
    %broadcast_in_dim3A_1005 = vector.broadcast %broadcast_in_dim3A_1004 : i1 to vector<16xi1>
    %add3A_1006 = arith.constant 0 : i32
    %add3A_1007 = vector.broadcast %add3A_1006 : i32 to vector<16xi32>
    %add3A_1008 = arith.addi %gather3A_999, %add3A_1007 : vector<16xi32>
    %gather3A_1009 = tpu.vector_load_idx %arg6[%add3A_1008] : memref<20480xi32, #tpu.memory_space<vmem>>[vector<16xi32>], vector<16xi32>,
    %eq3A_1010 = arith.cmpi eq, %gather3A_1009, %add3A_950 : vector<16xi32>
    %or3A_1011 = arith.ori %broadcast_in_dim3A_1005, %eq3A_1010 : vector<16xi1>
    %add3A_1012 = arith.constant 4096 : i32
    %add3A_1013 = vector.broadcast %add3A_1012 : i32 to vector<16xi32>
    %add3A_1014 = arith.addi %gather3A_999, %add3A_1013 : vector<16xi32>
    %gather3A_1015 = tpu.vector_load_idx %arg6[%add3A_1014] : memref<20480xi32, #tpu.memory_space<vmem>>[vector<16xi32>], vector<16xi32>,
    %eq3A_1016 = arith.cmpi eq, %gather3A_1015, %add3A_950 : vector<16xi32>
    %or3A_1017 = arith.ori %or3A_1011, %eq3A_1016 : vector<16xi1>
    %add3A_1018 = arith.constant 8192 : i32
    %add3A_1019 = vector.broadcast %add3A_1018 : i32 to vector<16xi32>
    %add3A_1020 = arith.addi %gather3A_999, %add3A_1019 : vector<16xi32>
    %gather3A_1021 = tpu.vector_load_idx %arg6[%add3A_1020] : memref<20480xi32, #tpu.memory_space<vmem>>[vector<16xi32>], vector<16xi32>,
    %eq3A_1022 = arith.cmpi eq, %gather3A_1021, %add3A_950 : vector<16xi32>
    %or3A_1023 = arith.ori %or3A_1017, %eq3A_1022 : vector<16xi1>
    %add3A_1024 = arith.constant 12288 : i32
    %add3A_1025 = vector.broadcast %add3A_1024 : i32 to vector<16xi32>
    %add3A_1026 = arith.addi %gather3A_999, %add3A_1025 : vector<16xi32>
    %gather3A_1027 = tpu.vector_load_idx %arg6[%add3A_1026] : memref<20480xi32, #tpu.memory_space<vmem>>[vector<16xi32>], vector<16xi32>,
    %eq3A_1028 = arith.cmpi eq, %gather3A_1027, %add3A_950 : vector<16xi32>
    %or3A_1029 = arith.ori %or3A_1023, %eq3A_1028 : vector<16xi1>
    %add3A_1030 = arith.constant 16384 : i32
    %add3A_1031 = vector.broadcast %add3A_1030 : i32 to vector<16xi32>
    %add3A_1032 = arith.addi %gather3A_999, %add3A_1031 : vector<16xi32>
    %gather3A_1033 = tpu.vector_load_idx %arg6[%add3A_1032] : memref<20480xi32, #tpu.memory_space<vmem>>[vector<16xi32>], vector<16xi32>,
    %eq3A_1034 = arith.cmpi eq, %gather3A_1033, %add3A_950 : vector<16xi32>
    %or3A_1035 = arith.ori %or3A_1029, %eq3A_1034 : vector<16xi1>
    %add3A_1036 = arith.addf %add3A_991, %gather3A_1003 : vector<16xf32>
    %jit3A_1037 = arith.constant 0.000000e+00 : f32
    %broadcast_in_dim3A_1038 = vector.broadcast %jit3A_1037 : f32 to vector<16xf32>
    %select_n3A_1039 = arith.select %or3A_1035, %gather3A_1003, %broadcast_in_dim3A_1038 : vector<16xi1>, vector<16xf32>
    %add3A_1040 = arith.addf %add3A_995, %select_n3A_1039 : vector<16xf32>
    %add3A_1041 = arith.constant 8192 : i32
    %add3A_1042 = vector.broadcast %add3A_1041 : i32 to vector<16xi32>
    %add3A_1043 = arith.addi %add3A_950, %add3A_1042 : vector<16xi32>
    %gather3A_1044 = tpu.vector_load_idx %arg6[%add3A_1043] : memref<20480xi32, #tpu.memory_space<vmem>>[vector<16xi32>], vector<16xi32>,
    %add3A_1045 = arith.constant 512 : i32
    %add3A_1046 = vector.broadcast %add3A_1045 : i32 to vector<16xi32>
    %add3A_1047 = arith.addi %add3A_946, %add3A_1046 : vector<16xi32>
    %gather3A_1048 = tpu.vector_load_idx %arg7[%add3A_1047] : memref<1280xf32, #tpu.memory_space<vmem>>[vector<16xi32>], vector<16xf32>,
    %broadcast_in_dim3A_1049 = arith.constant false
    %broadcast_in_dim3A_1050 = vector.broadcast %broadcast_in_dim3A_1049 : i1 to vector<16xi1>
    %add3A_1051 = arith.constant 0 : i32
    %add3A_1052 = vector.broadcast %add3A_1051 : i32 to vector<16xi32>
    %add3A_1053 = arith.addi %gather3A_1044, %add3A_1052 : vector<16xi32>
    %gather3A_1054 = tpu.vector_load_idx %arg6[%add3A_1053] : memref<20480xi32, #tpu.memory_space<vmem>>[vector<16xi32>], vector<16xi32>,
    %eq3A_1055 = arith.cmpi eq, %gather3A_1054, %add3A_950 : vector<16xi32>
    %or3A_1056 = arith.ori %broadcast_in_dim3A_1050, %eq3A_1055 : vector<16xi1>
    %add3A_1057 = arith.constant 4096 : i32
    %add3A_1058 = vector.broadcast %add3A_1057 : i32 to vector<16xi32>
    %add3A_1059 = arith.addi %gather3A_1044, %add3A_1058 : vector<16xi32>
    %gather3A_1060 = tpu.vector_load_idx %arg6[%add3A_1059] : memref<20480xi32, #tpu.memory_space<vmem>>[vector<16xi32>], vector<16xi32>,
    %eq3A_1061 = arith.cmpi eq, %gather3A_1060, %add3A_950 : vector<16xi32>
    %or3A_1062 = arith.ori %or3A_1056, %eq3A_1061 : vector<16xi1>
    %add3A_1063 = arith.constant 8192 : i32
    %add3A_1064 = vector.broadcast %add3A_1063 : i32 to vector<16xi32>
    %add3A_1065 = arith.addi %gather3A_1044, %add3A_1064 : vector<16xi32>
    %gather3A_1066 = tpu.vector_load_idx %arg6[%add3A_1065] : memref<20480xi32, #tpu.memory_space<vmem>>[vector<16xi32>], vector<16xi32>,
    %eq3A_1067 = arith.cmpi eq, %gather3A_1066, %add3A_950 : vector<16xi32>
    %or3A_1068 = arith.ori %or3A_1062, %eq3A_1067 : vector<16xi1>
    %add3A_1069 = arith.constant 12288 : i32
    %add3A_1070 = vector.broadcast %add3A_1069 : i32 to vector<16xi32>
    %add3A_1071 = arith.addi %gather3A_1044, %add3A_1070 : vector<16xi32>
    %gather3A_1072 = tpu.vector_load_idx %arg6[%add3A_1071] : memref<20480xi32, #tpu.memory_space<vmem>>[vector<16xi32>], vector<16xi32>,
    %eq3A_1073 = arith.cmpi eq, %gather3A_1072, %add3A_950 : vector<16xi32>
    %or3A_1074 = arith.ori %or3A_1068, %eq3A_1073 : vector<16xi1>
    %add3A_1075 = arith.constant 16384 : i32
    %add3A_1076 = vector.broadcast %add3A_1075 : i32 to vector<16xi32>
    %add3A_1077 = arith.addi %gather3A_1044, %add3A_1076 : vector<16xi32>
    %gather3A_1078 = tpu.vector_load_idx %arg6[%add3A_1077] : memref<20480xi32, #tpu.memory_space<vmem>>[vector<16xi32>], vector<16xi32>,
    %eq3A_1079 = arith.cmpi eq, %gather3A_1078, %add3A_950 : vector<16xi32>
    %or3A_1080 = arith.ori %or3A_1074, %eq3A_1079 : vector<16xi1>
    %add3A_1081 = arith.addf %add3A_1036, %gather3A_1048 : vector<16xf32>
    %jit3A_1082 = arith.constant 0.000000e+00 : f32
    %broadcast_in_dim3A_1083 = vector.broadcast %jit3A_1082 : f32 to vector<16xf32>
    %select_n3A_1084 = arith.select %or3A_1080, %gather3A_1048, %broadcast_in_dim3A_1083 : vector<16xi1>, vector<16xf32>
    %add3A_1085 = arith.addf %add3A_1040, %select_n3A_1084 : vector<16xf32>
    %add3A_1086 = arith.constant 12288 : i32
    %add3A_1087 = vector.broadcast %add3A_1086 : i32 to vector<16xi32>
    %add3A_1088 = arith.addi %add3A_950, %add3A_1087 : vector<16xi32>
    %gather3A_1089 = tpu.vector_load_idx %arg6[%add3A_1088] : memref<20480xi32, #tpu.memory_space<vmem>>[vector<16xi32>], vector<16xi32>,
    %add3A_1090 = arith.constant 768 : i32
    %add3A_1091 = vector.broadcast %add3A_1090 : i32 to vector<16xi32>
    %add3A_1092 = arith.addi %add3A_946, %add3A_1091 : vector<16xi32>
    %gather3A_1093 = tpu.vector_load_idx %arg7[%add3A_1092] : memref<1280xf32, #tpu.memory_space<vmem>>[vector<16xi32>], vector<16xf32>,
    %broadcast_in_dim3A_1094 = arith.constant false
    %broadcast_in_dim3A_1095 = vector.broadcast %broadcast_in_dim3A_1094 : i1 to vector<16xi1>
    %add3A_1096 = arith.constant 0 : i32
    %add3A_1097 = vector.broadcast %add3A_1096 : i32 to vector<16xi32>
    %add3A_1098 = arith.addi %gather3A_1089, %add3A_1097 : vector<16xi32>
    %gather3A_1099 = tpu.vector_load_idx %arg6[%add3A_1098] : memref<20480xi32, #tpu.memory_space<vmem>>[vector<16xi32>], vector<16xi32>,
    %eq3A_1100 = arith.cmpi eq, %gather3A_1099, %add3A_950 : vector<16xi32>
    %or3A_1101 = arith.ori %broadcast_in_dim3A_1095, %eq3A_1100 : vector<16xi1>
    %add3A_1102 = arith.constant 4096 : i32
    %add3A_1103 = vector.broadcast %add3A_1102 : i32 to vector<16xi32>
    %add3A_1104 = arith.addi %gather3A_1089, %add3A_1103 : vector<16xi32>
    %gather3A_1105 = tpu.vector_load_idx %arg6[%add3A_1104] : memref<20480xi32, #tpu.memory_space<vmem>>[vector<16xi32>], vector<16xi32>,
    %eq3A_1106 = arith.cmpi eq, %gather3A_1105, %add3A_950 : vector<16xi32>
    %or3A_1107 = arith.ori %or3A_1101, %eq3A_1106 : vector<16xi1>
    %add3A_1108 = arith.constant 8192 : i32
    %add3A_1109 = vector.broadcast %add3A_1108 : i32 to vector<16xi32>
    %add3A_1110 = arith.addi %gather3A_1089, %add3A_1109 : vector<16xi32>
    %gather3A_1111 = tpu.vector_load_idx %arg6[%add3A_1110] : memref<20480xi32, #tpu.memory_space<vmem>>[vector<16xi32>], vector<16xi32>,
    %eq3A_1112 = arith.cmpi eq, %gather3A_1111, %add3A_950 : vector<16xi32>
    %or3A_1113 = arith.ori %or3A_1107, %eq3A_1112 : vector<16xi1>
    %add3A_1114 = arith.constant 12288 : i32
    %add3A_1115 = vector.broadcast %add3A_1114 : i32 to vector<16xi32>
    %add3A_1116 = arith.addi %gather3A_1089, %add3A_1115 : vector<16xi32>
    %gather3A_1117 = tpu.vector_load_idx %arg6[%add3A_1116] : memref<20480xi32, #tpu.memory_space<vmem>>[vector<16xi32>], vector<16xi32>,
    %eq3A_1118 = arith.cmpi eq, %gather3A_1117, %add3A_950 : vector<16xi32>
    %or3A_1119 = arith.ori %or3A_1113, %eq3A_1118 : vector<16xi1>
    %add3A_1120 = arith.constant 16384 : i32
    %add3A_1121 = vector.broadcast %add3A_1120 : i32 to vector<16xi32>
    %add3A_1122 = arith.addi %gather3A_1089, %add3A_1121 : vector<16xi32>
    %gather3A_1123 = tpu.vector_load_idx %arg6[%add3A_1122] : memref<20480xi32, #tpu.memory_space<vmem>>[vector<16xi32>], vector<16xi32>,
    %eq3A_1124 = arith.cmpi eq, %gather3A_1123, %add3A_950 : vector<16xi32>
    %or3A_1125 = arith.ori %or3A_1119, %eq3A_1124 : vector<16xi1>
    %add3A_1126 = arith.addf %add3A_1081, %gather3A_1093 : vector<16xf32>
    %jit3A_1127 = arith.constant 0.000000e+00 : f32
    %broadcast_in_dim3A_1128 = vector.broadcast %jit3A_1127 : f32 to vector<16xf32>
    %select_n3A_1129 = arith.select %or3A_1125, %gather3A_1093, %broadcast_in_dim3A_1128 : vector<16xi1>, vector<16xf32>
    %add3A_1130 = arith.addf %add3A_1085, %select_n3A_1129 : vector<16xf32>
    %add3A_1131 = arith.constant 16384 : i32
    %add3A_1132 = vector.broadcast %add3A_1131 : i32 to vector<16xi32>
    %add3A_1133 = arith.addi %add3A_950, %add3A_1132 : vector<16xi32>
    %gather3A_1134 = tpu.vector_load_idx %arg6[%add3A_1133] : memref<20480xi32, #tpu.memory_space<vmem>>[vector<16xi32>], vector<16xi32>,
    %add3A_1135 = arith.constant 1024 : i32
    %add3A_1136 = vector.broadcast %add3A_1135 : i32 to vector<16xi32>
    %add3A_1137 = arith.addi %add3A_946, %add3A_1136 : vector<16xi32>
    %gather3A_1138 = tpu.vector_load_idx %arg7[%add3A_1137] : memref<1280xf32, #tpu.memory_space<vmem>>[vector<16xi32>], vector<16xf32>,
    %broadcast_in_dim3A_1139 = arith.constant false
    %broadcast_in_dim3A_1140 = vector.broadcast %broadcast_in_dim3A_1139 : i1 to vector<16xi1>
    %add3A_1141 = arith.constant 0 : i32
    %add3A_1142 = vector.broadcast %add3A_1141 : i32 to vector<16xi32>
    %add3A_1143 = arith.addi %gather3A_1134, %add3A_1142 : vector<16xi32>
    %gather3A_1144 = tpu.vector_load_idx %arg6[%add3A_1143] : memref<20480xi32, #tpu.memory_space<vmem>>[vector<16xi32>], vector<16xi32>,
    %eq3A_1145 = arith.cmpi eq, %gather3A_1144, %add3A_950 : vector<16xi32>
    %or3A_1146 = arith.ori %broadcast_in_dim3A_1140, %eq3A_1145 : vector<16xi1>
    %add3A_1147 = arith.constant 4096 : i32
    %add3A_1148 = vector.broadcast %add3A_1147 : i32 to vector<16xi32>
    %add3A_1149 = arith.addi %gather3A_1134, %add3A_1148 : vector<16xi32>
    %gather3A_1150 = tpu.vector_load_idx %arg6[%add3A_1149] : memref<20480xi32, #tpu.memory_space<vmem>>[vector<16xi32>], vector<16xi32>,
    %eq3A_1151 = arith.cmpi eq, %gather3A_1150, %add3A_950 : vector<16xi32>
    %or3A_1152 = arith.ori %or3A_1146, %eq3A_1151 : vector<16xi1>
    %add3A_1153 = arith.constant 8192 : i32
    %add3A_1154 = vector.broadcast %add3A_1153 : i32 to vector<16xi32>
    %add3A_1155 = arith.addi %gather3A_1134, %add3A_1154 : vector<16xi32>
    %gather3A_1156 = tpu.vector_load_idx %arg6[%add3A_1155] : memref<20480xi32, #tpu.memory_space<vmem>>[vector<16xi32>], vector<16xi32>,
    %eq3A_1157 = arith.cmpi eq, %gather3A_1156, %add3A_950 : vector<16xi32>
    %or3A_1158 = arith.ori %or3A_1152, %eq3A_1157 : vector<16xi1>
    %add3A_1159 = arith.constant 12288 : i32
    %add3A_1160 = vector.broadcast %add3A_1159 : i32 to vector<16xi32>
    %add3A_1161 = arith.addi %gather3A_1134, %add3A_1160 : vector<16xi32>
    %gather3A_1162 = tpu.vector_load_idx %arg6[%add3A_1161] : memref<20480xi32, #tpu.memory_space<vmem>>[vector<16xi32>], vector<16xi32>,
    %eq3A_1163 = arith.cmpi eq, %gather3A_1162, %add3A_950 : vector<16xi32>
    %or3A_1164 = arith.ori %or3A_1158, %eq3A_1163 : vector<16xi1>
    %add3A_1165 = arith.constant 16384 : i32
    %add3A_1166 = vector.broadcast %add3A_1165 : i32 to vector<16xi32>
    %add3A_1167 = arith.addi %gather3A_1134, %add3A_1166 : vector<16xi32>
    %gather3A_1168 = tpu.vector_load_idx %arg6[%add3A_1167] : memref<20480xi32, #tpu.memory_space<vmem>>[vector<16xi32>], vector<16xi32>,
    %eq3A_1169 = arith.cmpi eq, %gather3A_1168, %add3A_950 : vector<16xi32>
    %or3A_1170 = arith.ori %or3A_1164, %eq3A_1169 : vector<16xi1>
    %add3A_1171 = arith.addf %add3A_1126, %gather3A_1138 : vector<16xf32>
    %jit3A_1172 = arith.constant 0.000000e+00 : f32
    %broadcast_in_dim3A_1173 = vector.broadcast %jit3A_1172 : f32 to vector<16xf32>
    %select_n3A_1174 = arith.select %or3A_1170, %gather3A_1138, %broadcast_in_dim3A_1173 : vector<16xi1>, vector<16xf32>
    %add3A_1175 = arith.addf %add3A_1130, %select_n3A_1174 : vector<16xf32>
    %add3A_1176 = arith.constant 80 : i32
    %add3A_1177 = vector.broadcast %add3A_1176 : i32 to vector<16xi32>
    %add3A_1178 = arith.addi %add3A_1177, %iota3A : vector<16xi32>
    %mul3A_1179 = arith.constant 256 : i32
    %mul3A_1180 = arith.muli %arg1, %mul3A_1179 : i32
    %add3A_1181 = vector.broadcast %mul3A_1180 : i32 to vector<16xi32>
    %add3A_1182 = arith.addi %add3A_1181, %add3A_1178 : vector<16xi32>
    %add3A_1183 = arith.constant 0 : i32
    %add3A_1184 = vector.broadcast %add3A_1183 : i32 to vector<16xi32>
    %add3A_1185 = arith.addi %add3A_1182, %add3A_1184 : vector<16xi32>
    %gather3A_1186 = tpu.vector_load_idx %arg6[%add3A_1185] : memref<20480xi32, #tpu.memory_space<vmem>>[vector<16xi32>], vector<16xi32>,
    %add3A_1187 = arith.constant 0 : i32
    %add3A_1188 = vector.broadcast %add3A_1187 : i32 to vector<16xi32>
    %add3A_1189 = arith.addi %add3A_1178, %add3A_1188 : vector<16xi32>
    %gather3A_1190 = tpu.vector_load_idx %arg7[%add3A_1189] : memref<1280xf32, #tpu.memory_space<vmem>>[vector<16xi32>], vector<16xf32>,
    %broadcast_in_dim3A_1191 = arith.constant false
    %broadcast_in_dim3A_1192 = vector.broadcast %broadcast_in_dim3A_1191 : i1 to vector<16xi1>
    %add3A_1193 = arith.constant 0 : i32
    %add3A_1194 = vector.broadcast %add3A_1193 : i32 to vector<16xi32>
    %add3A_1195 = arith.addi %gather3A_1186, %add3A_1194 : vector<16xi32>
    %gather3A_1196 = tpu.vector_load_idx %arg6[%add3A_1195] : memref<20480xi32, #tpu.memory_space<vmem>>[vector<16xi32>], vector<16xi32>,
    %eq3A_1197 = arith.cmpi eq, %gather3A_1196, %add3A_1182 : vector<16xi32>
    %or3A_1198 = arith.ori %broadcast_in_dim3A_1192, %eq3A_1197 : vector<16xi1>
    %add3A_1199 = arith.constant 4096 : i32
    %add3A_1200 = vector.broadcast %add3A_1199 : i32 to vector<16xi32>
    %add3A_1201 = arith.addi %gather3A_1186, %add3A_1200 : vector<16xi32>
    %gather3A_1202 = tpu.vector_load_idx %arg6[%add3A_1201] : memref<20480xi32, #tpu.memory_space<vmem>>[vector<16xi32>], vector<16xi32>,
    %eq3A_1203 = arith.cmpi eq, %gather3A_1202, %add3A_1182 : vector<16xi32>
    %or3A_1204 = arith.ori %or3A_1198, %eq3A_1203 : vector<16xi1>
    %add3A_1205 = arith.constant 8192 : i32
    %add3A_1206 = vector.broadcast %add3A_1205 : i32 to vector<16xi32>
    %add3A_1207 = arith.addi %gather3A_1186, %add3A_1206 : vector<16xi32>
    %gather3A_1208 = tpu.vector_load_idx %arg6[%add3A_1207] : memref<20480xi32, #tpu.memory_space<vmem>>[vector<16xi32>], vector<16xi32>,
    %eq3A_1209 = arith.cmpi eq, %gather3A_1208, %add3A_1182 : vector<16xi32>
    %or3A_1210 = arith.ori %or3A_1204, %eq3A_1209 : vector<16xi1>
    %add3A_1211 = arith.constant 12288 : i32
    %add3A_1212 = vector.broadcast %add3A_1211 : i32 to vector<16xi32>
    %add3A_1213 = arith.addi %gather3A_1186, %add3A_1212 : vector<16xi32>
    %gather3A_1214 = tpu.vector_load_idx %arg6[%add3A_1213] : memref<20480xi32, #tpu.memory_space<vmem>>[vector<16xi32>], vector<16xi32>,
    %eq3A_1215 = arith.cmpi eq, %gather3A_1214, %add3A_1182 : vector<16xi32>
    %or3A_1216 = arith.ori %or3A_1210, %eq3A_1215 : vector<16xi1>
    %add3A_1217 = arith.constant 16384 : i32
    %add3A_1218 = vector.broadcast %add3A_1217 : i32 to vector<16xi32>
    %add3A_1219 = arith.addi %gather3A_1186, %add3A_1218 : vector<16xi32>
    %gather3A_1220 = tpu.vector_load_idx %arg6[%add3A_1219] : memref<20480xi32, #tpu.memory_space<vmem>>[vector<16xi32>], vector<16xi32>,
    %eq3A_1221 = arith.cmpi eq, %gather3A_1220, %add3A_1182 : vector<16xi32>
    %or3A_1222 = arith.ori %or3A_1216, %eq3A_1221 : vector<16xi1>
    %add3A_1223 = arith.addf %add3A_1171, %gather3A_1190 : vector<16xf32>
    %jit3A_1224 = arith.constant 0.000000e+00 : f32
    %broadcast_in_dim3A_1225 = vector.broadcast %jit3A_1224 : f32 to vector<16xf32>
    %select_n3A_1226 = arith.select %or3A_1222, %gather3A_1190, %broadcast_in_dim3A_1225 : vector<16xi1>, vector<16xf32>
    %add3A_1227 = arith.addf %add3A_1175, %select_n3A_1226 : vector<16xf32>
    %add3A_1228 = arith.constant 4096 : i32
    %add3A_1229 = vector.broadcast %add3A_1228 : i32 to vector<16xi32>
    %add3A_1230 = arith.addi %add3A_1182, %add3A_1229 : vector<16xi32>
    %gather3A_1231 = tpu.vector_load_idx %arg6[%add3A_1230] : memref<20480xi32, #tpu.memory_space<vmem>>[vector<16xi32>], vector<16xi32>,
    %add3A_1232 = arith.constant 256 : i32
    %add3A_1233 = vector.broadcast %add3A_1232 : i32 to vector<16xi32>
    %add3A_1234 = arith.addi %add3A_1178, %add3A_1233 : vector<16xi32>
    %gather3A_1235 = tpu.vector_load_idx %arg7[%add3A_1234] : memref<1280xf32, #tpu.memory_space<vmem>>[vector<16xi32>], vector<16xf32>,
    %broadcast_in_dim3A_1236 = arith.constant false
    %broadcast_in_dim3A_1237 = vector.broadcast %broadcast_in_dim3A_1236 : i1 to vector<16xi1>
    %add3A_1238 = arith.constant 0 : i32
    %add3A_1239 = vector.broadcast %add3A_1238 : i32 to vector<16xi32>
    %add3A_1240 = arith.addi %gather3A_1231, %add3A_1239 : vector<16xi32>
    %gather3A_1241 = tpu.vector_load_idx %arg6[%add3A_1240] : memref<20480xi32, #tpu.memory_space<vmem>>[vector<16xi32>], vector<16xi32>,
    %eq3A_1242 = arith.cmpi eq, %gather3A_1241, %add3A_1182 : vector<16xi32>
    %or3A_1243 = arith.ori %broadcast_in_dim3A_1237, %eq3A_1242 : vector<16xi1>
    %add3A_1244 = arith.constant 4096 : i32
    %add3A_1245 = vector.broadcast %add3A_1244 : i32 to vector<16xi32>
    %add3A_1246 = arith.addi %gather3A_1231, %add3A_1245 : vector<16xi32>
    %gather3A_1247 = tpu.vector_load_idx %arg6[%add3A_1246] : memref<20480xi32, #tpu.memory_space<vmem>>[vector<16xi32>], vector<16xi32>,
    %eq3A_1248 = arith.cmpi eq, %gather3A_1247, %add3A_1182 : vector<16xi32>
    %or3A_1249 = arith.ori %or3A_1243, %eq3A_1248 : vector<16xi1>
    %add3A_1250 = arith.constant 8192 : i32
    %add3A_1251 = vector.broadcast %add3A_1250 : i32 to vector<16xi32>
    %add3A_1252 = arith.addi %gather3A_1231, %add3A_1251 : vector<16xi32>
    %gather3A_1253 = tpu.vector_load_idx %arg6[%add3A_1252] : memref<20480xi32, #tpu.memory_space<vmem>>[vector<16xi32>], vector<16xi32>,
    %eq3A_1254 = arith.cmpi eq, %gather3A_1253, %add3A_1182 : vector<16xi32>
    %or3A_1255 = arith.ori %or3A_1249, %eq3A_1254 : vector<16xi1>
    %add3A_1256 = arith.constant 12288 : i32
    %add3A_1257 = vector.broadcast %add3A_1256 : i32 to vector<16xi32>
    %add3A_1258 = arith.addi %gather3A_1231, %add3A_1257 : vector<16xi32>
    %gather3A_1259 = tpu.vector_load_idx %arg6[%add3A_1258] : memref<20480xi32, #tpu.memory_space<vmem>>[vector<16xi32>], vector<16xi32>,
    %eq3A_1260 = arith.cmpi eq, %gather3A_1259, %add3A_1182 : vector<16xi32>
    %or3A_1261 = arith.ori %or3A_1255, %eq3A_1260 : vector<16xi1>
    %add3A_1262 = arith.constant 16384 : i32
    %add3A_1263 = vector.broadcast %add3A_1262 : i32 to vector<16xi32>
    %add3A_1264 = arith.addi %gather3A_1231, %add3A_1263 : vector<16xi32>
    %gather3A_1265 = tpu.vector_load_idx %arg6[%add3A_1264] : memref<20480xi32, #tpu.memory_space<vmem>>[vector<16xi32>], vector<16xi32>,
    %eq3A_1266 = arith.cmpi eq, %gather3A_1265, %add3A_1182 : vector<16xi32>
    %or3A_1267 = arith.ori %or3A_1261, %eq3A_1266 : vector<16xi1>
    %add3A_1268 = arith.addf %add3A_1223, %gather3A_1235 : vector<16xf32>
    %jit3A_1269 = arith.constant 0.000000e+00 : f32
    %broadcast_in_dim3A_1270 = vector.broadcast %jit3A_1269 : f32 to vector<16xf32>
    %select_n3A_1271 = arith.select %or3A_1267, %gather3A_1235, %broadcast_in_dim3A_1270 : vector<16xi1>, vector<16xf32>
    %add3A_1272 = arith.addf %add3A_1227, %select_n3A_1271 : vector<16xf32>
    %add3A_1273 = arith.constant 8192 : i32
    %add3A_1274 = vector.broadcast %add3A_1273 : i32 to vector<16xi32>
    %add3A_1275 = arith.addi %add3A_1182, %add3A_1274 : vector<16xi32>
    %gather3A_1276 = tpu.vector_load_idx %arg6[%add3A_1275] : memref<20480xi32, #tpu.memory_space<vmem>>[vector<16xi32>], vector<16xi32>,
    %add3A_1277 = arith.constant 512 : i32
    %add3A_1278 = vector.broadcast %add3A_1277 : i32 to vector<16xi32>
    %add3A_1279 = arith.addi %add3A_1178, %add3A_1278 : vector<16xi32>
    %gather3A_1280 = tpu.vector_load_idx %arg7[%add3A_1279] : memref<1280xf32, #tpu.memory_space<vmem>>[vector<16xi32>], vector<16xf32>,
    %broadcast_in_dim3A_1281 = arith.constant false
    %broadcast_in_dim3A_1282 = vector.broadcast %broadcast_in_dim3A_1281 : i1 to vector<16xi1>
    %add3A_1283 = arith.constant 0 : i32
    %add3A_1284 = vector.broadcast %add3A_1283 : i32 to vector<16xi32>
    %add3A_1285 = arith.addi %gather3A_1276, %add3A_1284 : vector<16xi32>
    %gather3A_1286 = tpu.vector_load_idx %arg6[%add3A_1285] : memref<20480xi32, #tpu.memory_space<vmem>>[vector<16xi32>], vector<16xi32>,
    %eq3A_1287 = arith.cmpi eq, %gather3A_1286, %add3A_1182 : vector<16xi32>
    %or3A_1288 = arith.ori %broadcast_in_dim3A_1282, %eq3A_1287 : vector<16xi1>
    %add3A_1289 = arith.constant 4096 : i32
    %add3A_1290 = vector.broadcast %add3A_1289 : i32 to vector<16xi32>
    %add3A_1291 = arith.addi %gather3A_1276, %add3A_1290 : vector<16xi32>
    %gather3A_1292 = tpu.vector_load_idx %arg6[%add3A_1291] : memref<20480xi32, #tpu.memory_space<vmem>>[vector<16xi32>], vector<16xi32>,
    %eq3A_1293 = arith.cmpi eq, %gather3A_1292, %add3A_1182 : vector<16xi32>
    %or3A_1294 = arith.ori %or3A_1288, %eq3A_1293 : vector<16xi1>
    %add3A_1295 = arith.constant 8192 : i32
    %add3A_1296 = vector.broadcast %add3A_1295 : i32 to vector<16xi32>
    %add3A_1297 = arith.addi %gather3A_1276, %add3A_1296 : vector<16xi32>
    %gather3A_1298 = tpu.vector_load_idx %arg6[%add3A_1297] : memref<20480xi32, #tpu.memory_space<vmem>>[vector<16xi32>], vector<16xi32>,
    %eq3A_1299 = arith.cmpi eq, %gather3A_1298, %add3A_1182 : vector<16xi32>
    %or3A_1300 = arith.ori %or3A_1294, %eq3A_1299 : vector<16xi1>
    %add3A_1301 = arith.constant 12288 : i32
    %add3A_1302 = vector.broadcast %add3A_1301 : i32 to vector<16xi32>
    %add3A_1303 = arith.addi %gather3A_1276, %add3A_1302 : vector<16xi32>
    %gather3A_1304 = tpu.vector_load_idx %arg6[%add3A_1303] : memref<20480xi32, #tpu.memory_space<vmem>>[vector<16xi32>], vector<16xi32>,
    %eq3A_1305 = arith.cmpi eq, %gather3A_1304, %add3A_1182 : vector<16xi32>
    %or3A_1306 = arith.ori %or3A_1300, %eq3A_1305 : vector<16xi1>
    %add3A_1307 = arith.constant 16384 : i32
    %add3A_1308 = vector.broadcast %add3A_1307 : i32 to vector<16xi32>
    %add3A_1309 = arith.addi %gather3A_1276, %add3A_1308 : vector<16xi32>
    %gather3A_1310 = tpu.vector_load_idx %arg6[%add3A_1309] : memref<20480xi32, #tpu.memory_space<vmem>>[vector<16xi32>], vector<16xi32>,
    %eq3A_1311 = arith.cmpi eq, %gather3A_1310, %add3A_1182 : vector<16xi32>
    %or3A_1312 = arith.ori %or3A_1306, %eq3A_1311 : vector<16xi1>
    %add3A_1313 = arith.addf %add3A_1268, %gather3A_1280 : vector<16xf32>
    %jit3A_1314 = arith.constant 0.000000e+00 : f32
    %broadcast_in_dim3A_1315 = vector.broadcast %jit3A_1314 : f32 to vector<16xf32>
    %select_n3A_1316 = arith.select %or3A_1312, %gather3A_1280, %broadcast_in_dim3A_1315 : vector<16xi1>, vector<16xf32>
    %add3A_1317 = arith.addf %add3A_1272, %select_n3A_1316 : vector<16xf32>
    %add3A_1318 = arith.constant 12288 : i32
    %add3A_1319 = vector.broadcast %add3A_1318 : i32 to vector<16xi32>
    %add3A_1320 = arith.addi %add3A_1182, %add3A_1319 : vector<16xi32>
    %gather3A_1321 = tpu.vector_load_idx %arg6[%add3A_1320] : memref<20480xi32, #tpu.memory_space<vmem>>[vector<16xi32>], vector<16xi32>,
    %add3A_1322 = arith.constant 768 : i32
    %add3A_1323 = vector.broadcast %add3A_1322 : i32 to vector<16xi32>
    %add3A_1324 = arith.addi %add3A_1178, %add3A_1323 : vector<16xi32>
    %gather3A_1325 = tpu.vector_load_idx %arg7[%add3A_1324] : memref<1280xf32, #tpu.memory_space<vmem>>[vector<16xi32>], vector<16xf32>,
    %broadcast_in_dim3A_1326 = arith.constant false
    %broadcast_in_dim3A_1327 = vector.broadcast %broadcast_in_dim3A_1326 : i1 to vector<16xi1>
    %add3A_1328 = arith.constant 0 : i32
    %add3A_1329 = vector.broadcast %add3A_1328 : i32 to vector<16xi32>
    %add3A_1330 = arith.addi %gather3A_1321, %add3A_1329 : vector<16xi32>
    %gather3A_1331 = tpu.vector_load_idx %arg6[%add3A_1330] : memref<20480xi32, #tpu.memory_space<vmem>>[vector<16xi32>], vector<16xi32>,
    %eq3A_1332 = arith.cmpi eq, %gather3A_1331, %add3A_1182 : vector<16xi32>
    %or3A_1333 = arith.ori %broadcast_in_dim3A_1327, %eq3A_1332 : vector<16xi1>
    %add3A_1334 = arith.constant 4096 : i32
    %add3A_1335 = vector.broadcast %add3A_1334 : i32 to vector<16xi32>
    %add3A_1336 = arith.addi %gather3A_1321, %add3A_1335 : vector<16xi32>
    %gather3A_1337 = tpu.vector_load_idx %arg6[%add3A_1336] : memref<20480xi32, #tpu.memory_space<vmem>>[vector<16xi32>], vector<16xi32>,
    %eq3A_1338 = arith.cmpi eq, %gather3A_1337, %add3A_1182 : vector<16xi32>
    %or3A_1339 = arith.ori %or3A_1333, %eq3A_1338 : vector<16xi1>
    %add3A_1340 = arith.constant 8192 : i32
    %add3A_1341 = vector.broadcast %add3A_1340 : i32 to vector<16xi32>
    %add3A_1342 = arith.addi %gather3A_1321, %add3A_1341 : vector<16xi32>
    %gather3A_1343 = tpu.vector_load_idx %arg6[%add3A_1342] : memref<20480xi32, #tpu.memory_space<vmem>>[vector<16xi32>], vector<16xi32>,
    %eq3A_1344 = arith.cmpi eq, %gather3A_1343, %add3A_1182 : vector<16xi32>
    %or3A_1345 = arith.ori %or3A_1339, %eq3A_1344 : vector<16xi1>
    %add3A_1346 = arith.constant 12288 : i32
    %add3A_1347 = vector.broadcast %add3A_1346 : i32 to vector<16xi32>
    %add3A_1348 = arith.addi %gather3A_1321, %add3A_1347 : vector<16xi32>
    %gather3A_1349 = tpu.vector_load_idx %arg6[%add3A_1348] : memref<20480xi32, #tpu.memory_space<vmem>>[vector<16xi32>], vector<16xi32>,
    %eq3A_1350 = arith.cmpi eq, %gather3A_1349, %add3A_1182 : vector<16xi32>
    %or3A_1351 = arith.ori %or3A_1345, %eq3A_1350 : vector<16xi1>
    %add3A_1352 = arith.constant 16384 : i32
    %add3A_1353 = vector.broadcast %add3A_1352 : i32 to vector<16xi32>
    %add3A_1354 = arith.addi %gather3A_1321, %add3A_1353 : vector<16xi32>
    %gather3A_1355 = tpu.vector_load_idx %arg6[%add3A_1354] : memref<20480xi32, #tpu.memory_space<vmem>>[vector<16xi32>], vector<16xi32>,
    %eq3A_1356 = arith.cmpi eq, %gather3A_1355, %add3A_1182 : vector<16xi32>
    %or3A_1357 = arith.ori %or3A_1351, %eq3A_1356 : vector<16xi1>
    %add3A_1358 = arith.addf %add3A_1313, %gather3A_1325 : vector<16xf32>
    %jit3A_1359 = arith.constant 0.000000e+00 : f32
    %broadcast_in_dim3A_1360 = vector.broadcast %jit3A_1359 : f32 to vector<16xf32>
    %select_n3A_1361 = arith.select %or3A_1357, %gather3A_1325, %broadcast_in_dim3A_1360 : vector<16xi1>, vector<16xf32>
    %add3A_1362 = arith.addf %add3A_1317, %select_n3A_1361 : vector<16xf32>
    %add3A_1363 = arith.constant 16384 : i32
    %add3A_1364 = vector.broadcast %add3A_1363 : i32 to vector<16xi32>
    %add3A_1365 = arith.addi %add3A_1182, %add3A_1364 : vector<16xi32>
    %gather3A_1366 = tpu.vector_load_idx %arg6[%add3A_1365] : memref<20480xi32, #tpu.memory_space<vmem>>[vector<16xi32>], vector<16xi32>,
    %add3A_1367 = arith.constant 1024 : i32
    %add3A_1368 = vector.broadcast %add3A_1367 : i32 to vector<16xi32>
    %add3A_1369 = arith.addi %add3A_1178, %add3A_1368 : vector<16xi32>
    %gather3A_1370 = tpu.vector_load_idx %arg7[%add3A_1369] : memref<1280xf32, #tpu.memory_space<vmem>>[vector<16xi32>], vector<16xf32>,
    %broadcast_in_dim3A_1371 = arith.constant false
    %broadcast_in_dim3A_1372 = vector.broadcast %broadcast_in_dim3A_1371 : i1 to vector<16xi1>
    %add3A_1373 = arith.constant 0 : i32
    %add3A_1374 = vector.broadcast %add3A_1373 : i32 to vector<16xi32>
    %add3A_1375 = arith.addi %gather3A_1366, %add3A_1374 : vector<16xi32>
    %gather3A_1376 = tpu.vector_load_idx %arg6[%add3A_1375] : memref<20480xi32, #tpu.memory_space<vmem>>[vector<16xi32>], vector<16xi32>,
    %eq3A_1377 = arith.cmpi eq, %gather3A_1376, %add3A_1182 : vector<16xi32>
    %or3A_1378 = arith.ori %broadcast_in_dim3A_1372, %eq3A_1377 : vector<16xi1>
    %add3A_1379 = arith.constant 4096 : i32
    %add3A_1380 = vector.broadcast %add3A_1379 : i32 to vector<16xi32>
    %add3A_1381 = arith.addi %gather3A_1366, %add3A_1380 : vector<16xi32>
    %gather3A_1382 = tpu.vector_load_idx %arg6[%add3A_1381] : memref<20480xi32, #tpu.memory_space<vmem>>[vector<16xi32>], vector<16xi32>,
    %eq3A_1383 = arith.cmpi eq, %gather3A_1382, %add3A_1182 : vector<16xi32>
    %or3A_1384 = arith.ori %or3A_1378, %eq3A_1383 : vector<16xi1>
    %add3A_1385 = arith.constant 8192 : i32
    %add3A_1386 = vector.broadcast %add3A_1385 : i32 to vector<16xi32>
    %add3A_1387 = arith.addi %gather3A_1366, %add3A_1386 : vector<16xi32>
    %gather3A_1388 = tpu.vector_load_idx %arg6[%add3A_1387] : memref<20480xi32, #tpu.memory_space<vmem>>[vector<16xi32>], vector<16xi32>,
    %eq3A_1389 = arith.cmpi eq, %gather3A_1388, %add3A_1182 : vector<16xi32>
    %or3A_1390 = arith.ori %or3A_1384, %eq3A_1389 : vector<16xi1>
    %add3A_1391 = arith.constant 12288 : i32
    %add3A_1392 = vector.broadcast %add3A_1391 : i32 to vector<16xi32>
    %add3A_1393 = arith.addi %gather3A_1366, %add3A_1392 : vector<16xi32>
    %gather3A_1394 = tpu.vector_load_idx %arg6[%add3A_1393] : memref<20480xi32, #tpu.memory_space<vmem>>[vector<16xi32>], vector<16xi32>,
    %eq3A_1395 = arith.cmpi eq, %gather3A_1394, %add3A_1182 : vector<16xi32>
    %or3A_1396 = arith.ori %or3A_1390, %eq3A_1395 : vector<16xi1>
    %add3A_1397 = arith.constant 16384 : i32
    %add3A_1398 = vector.broadcast %add3A_1397 : i32 to vector<16xi32>
    %add3A_1399 = arith.addi %gather3A_1366, %add3A_1398 : vector<16xi32>
    %gather3A_1400 = tpu.vector_load_idx %arg6[%add3A_1399] : memref<20480xi32, #tpu.memory_space<vmem>>[vector<16xi32>], vector<16xi32>,
    %eq3A_1401 = arith.cmpi eq, %gather3A_1400, %add3A_1182 : vector<16xi32>
    %or3A_1402 = arith.ori %or3A_1396, %eq3A_1401 : vector<16xi1>
    %add3A_1403 = arith.addf %add3A_1358, %gather3A_1370 : vector<16xf32>
    %jit3A_1404 = arith.constant 0.000000e+00 : f32
    %broadcast_in_dim3A_1405 = vector.broadcast %jit3A_1404 : f32 to vector<16xf32>
    %select_n3A_1406 = arith.select %or3A_1402, %gather3A_1370, %broadcast_in_dim3A_1405 : vector<16xi1>, vector<16xf32>
    %add3A_1407 = arith.addf %add3A_1362, %select_n3A_1406 : vector<16xf32>
    %add3A_1408 = arith.constant 96 : i32
    %add3A_1409 = vector.broadcast %add3A_1408 : i32 to vector<16xi32>
    %add3A_1410 = arith.addi %add3A_1409, %iota3A : vector<16xi32>
    %mul3A_1411 = arith.constant 256 : i32
    %mul3A_1412 = arith.muli %arg1, %mul3A_1411 : i32
    %add3A_1413 = vector.broadcast %mul3A_1412 : i32 to vector<16xi32>
    %add3A_1414 = arith.addi %add3A_1413, %add3A_1410 : vector<16xi32>
    %add3A_1415 = arith.constant 0 : i32
    %add3A_1416 = vector.broadcast %add3A_1415 : i32 to vector<16xi32>
    %add3A_1417 = arith.addi %add3A_1414, %add3A_1416 : vector<16xi32>
    %gather3A_1418 = tpu.vector_load_idx %arg6[%add3A_1417] : memref<20480xi32, #tpu.memory_space<vmem>>[vector<16xi32>], vector<16xi32>,
    %add3A_1419 = arith.constant 0 : i32
    %add3A_1420 = vector.broadcast %add3A_1419 : i32 to vector<16xi32>
    %add3A_1421 = arith.addi %add3A_1410, %add3A_1420 : vector<16xi32>
    %gather3A_1422 = tpu.vector_load_idx %arg7[%add3A_1421] : memref<1280xf32, #tpu.memory_space<vmem>>[vector<16xi32>], vector<16xf32>,
    %broadcast_in_dim3A_1423 = arith.constant false
    %broadcast_in_dim3A_1424 = vector.broadcast %broadcast_in_dim3A_1423 : i1 to vector<16xi1>
    %add3A_1425 = arith.constant 0 : i32
    %add3A_1426 = vector.broadcast %add3A_1425 : i32 to vector<16xi32>
    %add3A_1427 = arith.addi %gather3A_1418, %add3A_1426 : vector<16xi32>
    %gather3A_1428 = tpu.vector_load_idx %arg6[%add3A_1427] : memref<20480xi32, #tpu.memory_space<vmem>>[vector<16xi32>], vector<16xi32>,
    %eq3A_1429 = arith.cmpi eq, %gather3A_1428, %add3A_1414 : vector<16xi32>
    %or3A_1430 = arith.ori %broadcast_in_dim3A_1424, %eq3A_1429 : vector<16xi1>
    %add3A_1431 = arith.constant 4096 : i32
    %add3A_1432 = vector.broadcast %add3A_1431 : i32 to vector<16xi32>
    %add3A_1433 = arith.addi %gather3A_1418, %add3A_1432 : vector<16xi32>
    %gather3A_1434 = tpu.vector_load_idx %arg6[%add3A_1433] : memref<20480xi32, #tpu.memory_space<vmem>>[vector<16xi32>], vector<16xi32>,
    %eq3A_1435 = arith.cmpi eq, %gather3A_1434, %add3A_1414 : vector<16xi32>
    %or3A_1436 = arith.ori %or3A_1430, %eq3A_1435 : vector<16xi1>
    %add3A_1437 = arith.constant 8192 : i32
    %add3A_1438 = vector.broadcast %add3A_1437 : i32 to vector<16xi32>
    %add3A_1439 = arith.addi %gather3A_1418, %add3A_1438 : vector<16xi32>
    %gather3A_1440 = tpu.vector_load_idx %arg6[%add3A_1439] : memref<20480xi32, #tpu.memory_space<vmem>>[vector<16xi32>], vector<16xi32>,
    %eq3A_1441 = arith.cmpi eq, %gather3A_1440, %add3A_1414 : vector<16xi32>
    %or3A_1442 = arith.ori %or3A_1436, %eq3A_1441 : vector<16xi1>
    %add3A_1443 = arith.constant 12288 : i32
    %add3A_1444 = vector.broadcast %add3A_1443 : i32 to vector<16xi32>
    %add3A_1445 = arith.addi %gather3A_1418, %add3A_1444 : vector<16xi32>
    %gather3A_1446 = tpu.vector_load_idx %arg6[%add3A_1445] : memref<20480xi32, #tpu.memory_space<vmem>>[vector<16xi32>], vector<16xi32>,
    %eq3A_1447 = arith.cmpi eq, %gather3A_1446, %add3A_1414 : vector<16xi32>
    %or3A_1448 = arith.ori %or3A_1442, %eq3A_1447 : vector<16xi1>
    %add3A_1449 = arith.constant 16384 : i32
    %add3A_1450 = vector.broadcast %add3A_1449 : i32 to vector<16xi32>
    %add3A_1451 = arith.addi %gather3A_1418, %add3A_1450 : vector<16xi32>
    %gather3A_1452 = tpu.vector_load_idx %arg6[%add3A_1451] : memref<20480xi32, #tpu.memory_space<vmem>>[vector<16xi32>], vector<16xi32>,
    %eq3A_1453 = arith.cmpi eq, %gather3A_1452, %add3A_1414 : vector<16xi32>
    %or3A_1454 = arith.ori %or3A_1448, %eq3A_1453 : vector<16xi1>
    %add3A_1455 = arith.addf %add3A_1403, %gather3A_1422 : vector<16xf32>
    %jit3A_1456 = arith.constant 0.000000e+00 : f32
    %broadcast_in_dim3A_1457 = vector.broadcast %jit3A_1456 : f32 to vector<16xf32>
    %select_n3A_1458 = arith.select %or3A_1454, %gather3A_1422, %broadcast_in_dim3A_1457 : vector<16xi1>, vector<16xf32>
    %add3A_1459 = arith.addf %add3A_1407, %select_n3A_1458 : vector<16xf32>
    %add3A_1460 = arith.constant 4096 : i32
    %add3A_1461 = vector.broadcast %add3A_1460 : i32 to vector<16xi32>
    %add3A_1462 = arith.addi %add3A_1414, %add3A_1461 : vector<16xi32>
    %gather3A_1463 = tpu.vector_load_idx %arg6[%add3A_1462] : memref<20480xi32, #tpu.memory_space<vmem>>[vector<16xi32>], vector<16xi32>,
    %add3A_1464 = arith.constant 256 : i32
    %add3A_1465 = vector.broadcast %add3A_1464 : i32 to vector<16xi32>
    %add3A_1466 = arith.addi %add3A_1410, %add3A_1465 : vector<16xi32>
    %gather3A_1467 = tpu.vector_load_idx %arg7[%add3A_1466] : memref<1280xf32, #tpu.memory_space<vmem>>[vector<16xi32>], vector<16xf32>,
    %broadcast_in_dim3A_1468 = arith.constant false
    %broadcast_in_dim3A_1469 = vector.broadcast %broadcast_in_dim3A_1468 : i1 to vector<16xi1>
    %add3A_1470 = arith.constant 0 : i32
    %add3A_1471 = vector.broadcast %add3A_1470 : i32 to vector<16xi32>
    %add3A_1472 = arith.addi %gather3A_1463, %add3A_1471 : vector<16xi32>
    %gather3A_1473 = tpu.vector_load_idx %arg6[%add3A_1472] : memref<20480xi32, #tpu.memory_space<vmem>>[vector<16xi32>], vector<16xi32>,
    %eq3A_1474 = arith.cmpi eq, %gather3A_1473, %add3A_1414 : vector<16xi32>
    %or3A_1475 = arith.ori %broadcast_in_dim3A_1469, %eq3A_1474 : vector<16xi1>
    %add3A_1476 = arith.constant 4096 : i32
    %add3A_1477 = vector.broadcast %add3A_1476 : i32 to vector<16xi32>
    %add3A_1478 = arith.addi %gather3A_1463, %add3A_1477 : vector<16xi32>
    %gather3A_1479 = tpu.vector_load_idx %arg6[%add3A_1478] : memref<20480xi32, #tpu.memory_space<vmem>>[vector<16xi32>], vector<16xi32>,
    %eq3A_1480 = arith.cmpi eq, %gather3A_1479, %add3A_1414 : vector<16xi32>
    %or3A_1481 = arith.ori %or3A_1475, %eq3A_1480 : vector<16xi1>
    %add3A_1482 = arith.constant 8192 : i32
    %add3A_1483 = vector.broadcast %add3A_1482 : i32 to vector<16xi32>
    %add3A_1484 = arith.addi %gather3A_1463, %add3A_1483 : vector<16xi32>
    %gather3A_1485 = tpu.vector_load_idx %arg6[%add3A_1484] : memref<20480xi32, #tpu.memory_space<vmem>>[vector<16xi32>], vector<16xi32>,
    %eq3A_1486 = arith.cmpi eq, %gather3A_1485, %add3A_1414 : vector<16xi32>
    %or3A_1487 = arith.ori %or3A_1481, %eq3A_1486 : vector<16xi1>
    %add3A_1488 = arith.constant 12288 : i32
    %add3A_1489 = vector.broadcast %add3A_1488 : i32 to vector<16xi32>
    %add3A_1490 = arith.addi %gather3A_1463, %add3A_1489 : vector<16xi32>
    %gather3A_1491 = tpu.vector_load_idx %arg6[%add3A_1490] : memref<20480xi32, #tpu.memory_space<vmem>>[vector<16xi32>], vector<16xi32>,
    %eq3A_1492 = arith.cmpi eq, %gather3A_1491, %add3A_1414 : vector<16xi32>
    %or3A_1493 = arith.ori %or3A_1487, %eq3A_1492 : vector<16xi1>
    %add3A_1494 = arith.constant 16384 : i32
    %add3A_1495 = vector.broadcast %add3A_1494 : i32 to vector<16xi32>
    %add3A_1496 = arith.addi %gather3A_1463, %add3A_1495 : vector<16xi32>
    %gather3A_1497 = tpu.vector_load_idx %arg6[%add3A_1496] : memref<20480xi32, #tpu.memory_space<vmem>>[vector<16xi32>], vector<16xi32>,
    %eq3A_1498 = arith.cmpi eq, %gather3A_1497, %add3A_1414 : vector<16xi32>
    %or3A_1499 = arith.ori %or3A_1493, %eq3A_1498 : vector<16xi1>
    %add3A_1500 = arith.addf %add3A_1455, %gather3A_1467 : vector<16xf32>
    %jit3A_1501 = arith.constant 0.000000e+00 : f32
    %broadcast_in_dim3A_1502 = vector.broadcast %jit3A_1501 : f32 to vector<16xf32>
    %select_n3A_1503 = arith.select %or3A_1499, %gather3A_1467, %broadcast_in_dim3A_1502 : vector<16xi1>, vector<16xf32>
    %add3A_1504 = arith.addf %add3A_1459, %select_n3A_1503 : vector<16xf32>
    %add3A_1505 = arith.constant 8192 : i32
    %add3A_1506 = vector.broadcast %add3A_1505 : i32 to vector<16xi32>
    %add3A_1507 = arith.addi %add3A_1414, %add3A_1506 : vector<16xi32>
    %gather3A_1508 = tpu.vector_load_idx %arg6[%add3A_1507] : memref<20480xi32, #tpu.memory_space<vmem>>[vector<16xi32>], vector<16xi32>,
    %add3A_1509 = arith.constant 512 : i32
    %add3A_1510 = vector.broadcast %add3A_1509 : i32 to vector<16xi32>
    %add3A_1511 = arith.addi %add3A_1410, %add3A_1510 : vector<16xi32>
    %gather3A_1512 = tpu.vector_load_idx %arg7[%add3A_1511] : memref<1280xf32, #tpu.memory_space<vmem>>[vector<16xi32>], vector<16xf32>,
    %broadcast_in_dim3A_1513 = arith.constant false
    %broadcast_in_dim3A_1514 = vector.broadcast %broadcast_in_dim3A_1513 : i1 to vector<16xi1>
    %add3A_1515 = arith.constant 0 : i32
    %add3A_1516 = vector.broadcast %add3A_1515 : i32 to vector<16xi32>
    %add3A_1517 = arith.addi %gather3A_1508, %add3A_1516 : vector<16xi32>
    %gather3A_1518 = tpu.vector_load_idx %arg6[%add3A_1517] : memref<20480xi32, #tpu.memory_space<vmem>>[vector<16xi32>], vector<16xi32>,
    %eq3A_1519 = arith.cmpi eq, %gather3A_1518, %add3A_1414 : vector<16xi32>
    %or3A_1520 = arith.ori %broadcast_in_dim3A_1514, %eq3A_1519 : vector<16xi1>
    %add3A_1521 = arith.constant 4096 : i32
    %add3A_1522 = vector.broadcast %add3A_1521 : i32 to vector<16xi32>
    %add3A_1523 = arith.addi %gather3A_1508, %add3A_1522 : vector<16xi32>
    %gather3A_1524 = tpu.vector_load_idx %arg6[%add3A_1523] : memref<20480xi32, #tpu.memory_space<vmem>>[vector<16xi32>], vector<16xi32>,
    %eq3A_1525 = arith.cmpi eq, %gather3A_1524, %add3A_1414 : vector<16xi32>
    %or3A_1526 = arith.ori %or3A_1520, %eq3A_1525 : vector<16xi1>
    %add3A_1527 = arith.constant 8192 : i32
    %add3A_1528 = vector.broadcast %add3A_1527 : i32 to vector<16xi32>
    %add3A_1529 = arith.addi %gather3A_1508, %add3A_1528 : vector<16xi32>
    %gather3A_1530 = tpu.vector_load_idx %arg6[%add3A_1529] : memref<20480xi32, #tpu.memory_space<vmem>>[vector<16xi32>], vector<16xi32>,
    %eq3A_1531 = arith.cmpi eq, %gather3A_1530, %add3A_1414 : vector<16xi32>
    %or3A_1532 = arith.ori %or3A_1526, %eq3A_1531 : vector<16xi1>
    %add3A_1533 = arith.constant 12288 : i32
    %add3A_1534 = vector.broadcast %add3A_1533 : i32 to vector<16xi32>
    %add3A_1535 = arith.addi %gather3A_1508, %add3A_1534 : vector<16xi32>
    %gather3A_1536 = tpu.vector_load_idx %arg6[%add3A_1535] : memref<20480xi32, #tpu.memory_space<vmem>>[vector<16xi32>], vector<16xi32>,
    %eq3A_1537 = arith.cmpi eq, %gather3A_1536, %add3A_1414 : vector<16xi32>
    %or3A_1538 = arith.ori %or3A_1532, %eq3A_1537 : vector<16xi1>
    %add3A_1539 = arith.constant 16384 : i32
    %add3A_1540 = vector.broadcast %add3A_1539 : i32 to vector<16xi32>
    %add3A_1541 = arith.addi %gather3A_1508, %add3A_1540 : vector<16xi32>
    %gather3A_1542 = tpu.vector_load_idx %arg6[%add3A_1541] : memref<20480xi32, #tpu.memory_space<vmem>>[vector<16xi32>], vector<16xi32>,
    %eq3A_1543 = arith.cmpi eq, %gather3A_1542, %add3A_1414 : vector<16xi32>
    %or3A_1544 = arith.ori %or3A_1538, %eq3A_1543 : vector<16xi1>
    %add3A_1545 = arith.addf %add3A_1500, %gather3A_1512 : vector<16xf32>
    %jit3A_1546 = arith.constant 0.000000e+00 : f32
    %broadcast_in_dim3A_1547 = vector.broadcast %jit3A_1546 : f32 to vector<16xf32>
    %select_n3A_1548 = arith.select %or3A_1544, %gather3A_1512, %broadcast_in_dim3A_1547 : vector<16xi1>, vector<16xf32>
    %add3A_1549 = arith.addf %add3A_1504, %select_n3A_1548 : vector<16xf32>
    %add3A_1550 = arith.constant 12288 : i32
    %add3A_1551 = vector.broadcast %add3A_1550 : i32 to vector<16xi32>
    %add3A_1552 = arith.addi %add3A_1414, %add3A_1551 : vector<16xi32>
    %gather3A_1553 = tpu.vector_load_idx %arg6[%add3A_1552] : memref<20480xi32, #tpu.memory_space<vmem>>[vector<16xi32>], vector<16xi32>,
    %add3A_1554 = arith.constant 768 : i32
    %add3A_1555 = vector.broadcast %add3A_1554 : i32 to vector<16xi32>
    %add3A_1556 = arith.addi %add3A_1410, %add3A_1555 : vector<16xi32>
    %gather3A_1557 = tpu.vector_load_idx %arg7[%add3A_1556] : memref<1280xf32, #tpu.memory_space<vmem>>[vector<16xi32>], vector<16xf32>,
    %broadcast_in_dim3A_1558 = arith.constant false
    %broadcast_in_dim3A_1559 = vector.broadcast %broadcast_in_dim3A_1558 : i1 to vector<16xi1>
    %add3A_1560 = arith.constant 0 : i32
    %add3A_1561 = vector.broadcast %add3A_1560 : i32 to vector<16xi32>
    %add3A_1562 = arith.addi %gather3A_1553, %add3A_1561 : vector<16xi32>
    %gather3A_1563 = tpu.vector_load_idx %arg6[%add3A_1562] : memref<20480xi32, #tpu.memory_space<vmem>>[vector<16xi32>], vector<16xi32>,
    %eq3A_1564 = arith.cmpi eq, %gather3A_1563, %add3A_1414 : vector<16xi32>
    %or3A_1565 = arith.ori %broadcast_in_dim3A_1559, %eq3A_1564 : vector<16xi1>
    %add3A_1566 = arith.constant 4096 : i32
    %add3A_1567 = vector.broadcast %add3A_1566 : i32 to vector<16xi32>
    %add3A_1568 = arith.addi %gather3A_1553, %add3A_1567 : vector<16xi32>
    %gather3A_1569 = tpu.vector_load_idx %arg6[%add3A_1568] : memref<20480xi32, #tpu.memory_space<vmem>>[vector<16xi32>], vector<16xi32>,
    %eq3A_1570 = arith.cmpi eq, %gather3A_1569, %add3A_1414 : vector<16xi32>
    %or3A_1571 = arith.ori %or3A_1565, %eq3A_1570 : vector<16xi1>
    %add3A_1572 = arith.constant 8192 : i32
    %add3A_1573 = vector.broadcast %add3A_1572 : i32 to vector<16xi32>
    %add3A_1574 = arith.addi %gather3A_1553, %add3A_1573 : vector<16xi32>
    %gather3A_1575 = tpu.vector_load_idx %arg6[%add3A_1574] : memref<20480xi32, #tpu.memory_space<vmem>>[vector<16xi32>], vector<16xi32>,
    %eq3A_1576 = arith.cmpi eq, %gather3A_1575, %add3A_1414 : vector<16xi32>
    %or3A_1577 = arith.ori %or3A_1571, %eq3A_1576 : vector<16xi1>
    %add3A_1578 = arith.constant 12288 : i32
    %add3A_1579 = vector.broadcast %add3A_1578 : i32 to vector<16xi32>
    %add3A_1580 = arith.addi %gather3A_1553, %add3A_1579 : vector<16xi32>
    %gather3A_1581 = tpu.vector_load_idx %arg6[%add3A_1580] : memref<20480xi32, #tpu.memory_space<vmem>>[vector<16xi32>], vector<16xi32>,
    %eq3A_1582 = arith.cmpi eq, %gather3A_1581, %add3A_1414 : vector<16xi32>
    %or3A_1583 = arith.ori %or3A_1577, %eq3A_1582 : vector<16xi1>
    %add3A_1584 = arith.constant 16384 : i32
    %add3A_1585 = vector.broadcast %add3A_1584 : i32 to vector<16xi32>
    %add3A_1586 = arith.addi %gather3A_1553, %add3A_1585 : vector<16xi32>
    %gather3A_1587 = tpu.vector_load_idx %arg6[%add3A_1586] : memref<20480xi32, #tpu.memory_space<vmem>>[vector<16xi32>], vector<16xi32>,
    %eq3A_1588 = arith.cmpi eq, %gather3A_1587, %add3A_1414 : vector<16xi32>
    %or3A_1589 = arith.ori %or3A_1583, %eq3A_1588 : vector<16xi1>
    %add3A_1590 = arith.addf %add3A_1545, %gather3A_1557 : vector<16xf32>
    %jit3A_1591 = arith.constant 0.000000e+00 : f32
    %broadcast_in_dim3A_1592 = vector.broadcast %jit3A_1591 : f32 to vector<16xf32>
    %select_n3A_1593 = arith.select %or3A_1589, %gather3A_1557, %broadcast_in_dim3A_1592 : vector<16xi1>, vector<16xf32>
    %add3A_1594 = arith.addf %add3A_1549, %select_n3A_1593 : vector<16xf32>
    %add3A_1595 = arith.constant 16384 : i32
    %add3A_1596 = vector.broadcast %add3A_1595 : i32 to vector<16xi32>
    %add3A_1597 = arith.addi %add3A_1414, %add3A_1596 : vector<16xi32>
    %gather3A_1598 = tpu.vector_load_idx %arg6[%add3A_1597] : memref<20480xi32, #tpu.memory_space<vmem>>[vector<16xi32>], vector<16xi32>,
    %add3A_1599 = arith.constant 1024 : i32
    %add3A_1600 = vector.broadcast %add3A_1599 : i32 to vector<16xi32>
    %add3A_1601 = arith.addi %add3A_1410, %add3A_1600 : vector<16xi32>
    %gather3A_1602 = tpu.vector_load_idx %arg7[%add3A_1601] : memref<1280xf32, #tpu.memory_space<vmem>>[vector<16xi32>], vector<16xf32>,
    %broadcast_in_dim3A_1603 = arith.constant false
    %broadcast_in_dim3A_1604 = vector.broadcast %broadcast_in_dim3A_1603 : i1 to vector<16xi1>
    %add3A_1605 = arith.constant 0 : i32
    %add3A_1606 = vector.broadcast %add3A_1605 : i32 to vector<16xi32>
    %add3A_1607 = arith.addi %gather3A_1598, %add3A_1606 : vector<16xi32>
    %gather3A_1608 = tpu.vector_load_idx %arg6[%add3A_1607] : memref<20480xi32, #tpu.memory_space<vmem>>[vector<16xi32>], vector<16xi32>,
    %eq3A_1609 = arith.cmpi eq, %gather3A_1608, %add3A_1414 : vector<16xi32>
    %or3A_1610 = arith.ori %broadcast_in_dim3A_1604, %eq3A_1609 : vector<16xi1>
    %add3A_1611 = arith.constant 4096 : i32
    %add3A_1612 = vector.broadcast %add3A_1611 : i32 to vector<16xi32>
    %add3A_1613 = arith.addi %gather3A_1598, %add3A_1612 : vector<16xi32>
    %gather3A_1614 = tpu.vector_load_idx %arg6[%add3A_1613] : memref<20480xi32, #tpu.memory_space<vmem>>[vector<16xi32>], vector<16xi32>,
    %eq3A_1615 = arith.cmpi eq, %gather3A_1614, %add3A_1414 : vector<16xi32>
    %or3A_1616 = arith.ori %or3A_1610, %eq3A_1615 : vector<16xi1>
    %add3A_1617 = arith.constant 8192 : i32
    %add3A_1618 = vector.broadcast %add3A_1617 : i32 to vector<16xi32>
    %add3A_1619 = arith.addi %gather3A_1598, %add3A_1618 : vector<16xi32>
    %gather3A_1620 = tpu.vector_load_idx %arg6[%add3A_1619] : memref<20480xi32, #tpu.memory_space<vmem>>[vector<16xi32>], vector<16xi32>,
    %eq3A_1621 = arith.cmpi eq, %gather3A_1620, %add3A_1414 : vector<16xi32>
    %or3A_1622 = arith.ori %or3A_1616, %eq3A_1621 : vector<16xi1>
    %add3A_1623 = arith.constant 12288 : i32
    %add3A_1624 = vector.broadcast %add3A_1623 : i32 to vector<16xi32>
    %add3A_1625 = arith.addi %gather3A_1598, %add3A_1624 : vector<16xi32>
    %gather3A_1626 = tpu.vector_load_idx %arg6[%add3A_1625] : memref<20480xi32, #tpu.memory_space<vmem>>[vector<16xi32>], vector<16xi32>,
    %eq3A_1627 = arith.cmpi eq, %gather3A_1626, %add3A_1414 : vector<16xi32>
    %or3A_1628 = arith.ori %or3A_1622, %eq3A_1627 : vector<16xi1>
    %add3A_1629 = arith.constant 16384 : i32
    %add3A_1630 = vector.broadcast %add3A_1629 : i32 to vector<16xi32>
    %add3A_1631 = arith.addi %gather3A_1598, %add3A_1630 : vector<16xi32>
    %gather3A_1632 = tpu.vector_load_idx %arg6[%add3A_1631] : memref<20480xi32, #tpu.memory_space<vmem>>[vector<16xi32>], vector<16xi32>,
    %eq3A_1633 = arith.cmpi eq, %gather3A_1632, %add3A_1414 : vector<16xi32>
    %or3A_1634 = arith.ori %or3A_1628, %eq3A_1633 : vector<16xi1>
    %add3A_1635 = arith.addf %add3A_1590, %gather3A_1602 : vector<16xf32>
    %jit3A_1636 = arith.constant 0.000000e+00 : f32
    %broadcast_in_dim3A_1637 = vector.broadcast %jit3A_1636 : f32 to vector<16xf32>
    %select_n3A_1638 = arith.select %or3A_1634, %gather3A_1602, %broadcast_in_dim3A_1637 : vector<16xi1>, vector<16xf32>
    %add3A_1639 = arith.addf %add3A_1594, %select_n3A_1638 : vector<16xf32>
    %add3A_1640 = arith.constant 112 : i32
    %add3A_1641 = vector.broadcast %add3A_1640 : i32 to vector<16xi32>
    %add3A_1642 = arith.addi %add3A_1641, %iota3A : vector<16xi32>
    %mul3A_1643 = arith.constant 256 : i32
    %mul3A_1644 = arith.muli %arg1, %mul3A_1643 : i32
    %add3A_1645 = vector.broadcast %mul3A_1644 : i32 to vector<16xi32>
    %add3A_1646 = arith.addi %add3A_1645, %add3A_1642 : vector<16xi32>
    %add3A_1647 = arith.constant 0 : i32
    %add3A_1648 = vector.broadcast %add3A_1647 : i32 to vector<16xi32>
    %add3A_1649 = arith.addi %add3A_1646, %add3A_1648 : vector<16xi32>
    %gather3A_1650 = tpu.vector_load_idx %arg6[%add3A_1649] : memref<20480xi32, #tpu.memory_space<vmem>>[vector<16xi32>], vector<16xi32>,
    %add3A_1651 = arith.constant 0 : i32
    %add3A_1652 = vector.broadcast %add3A_1651 : i32 to vector<16xi32>
    %add3A_1653 = arith.addi %add3A_1642, %add3A_1652 : vector<16xi32>
    %gather3A_1654 = tpu.vector_load_idx %arg7[%add3A_1653] : memref<1280xf32, #tpu.memory_space<vmem>>[vector<16xi32>], vector<16xf32>,
    %broadcast_in_dim3A_1655 = arith.constant false
    %broadcast_in_dim3A_1656 = vector.broadcast %broadcast_in_dim3A_1655 : i1 to vector<16xi1>
    %add3A_1657 = arith.constant 0 : i32
    %add3A_1658 = vector.broadcast %add3A_1657 : i32 to vector<16xi32>
    %add3A_1659 = arith.addi %gather3A_1650, %add3A_1658 : vector<16xi32>
    %gather3A_1660 = tpu.vector_load_idx %arg6[%add3A_1659] : memref<20480xi32, #tpu.memory_space<vmem>>[vector<16xi32>], vector<16xi32>,
    %eq3A_1661 = arith.cmpi eq, %gather3A_1660, %add3A_1646 : vector<16xi32>
    %or3A_1662 = arith.ori %broadcast_in_dim3A_1656, %eq3A_1661 : vector<16xi1>
    %add3A_1663 = arith.constant 4096 : i32
    %add3A_1664 = vector.broadcast %add3A_1663 : i32 to vector<16xi32>
    %add3A_1665 = arith.addi %gather3A_1650, %add3A_1664 : vector<16xi32>
    %gather3A_1666 = tpu.vector_load_idx %arg6[%add3A_1665] : memref<20480xi32, #tpu.memory_space<vmem>>[vector<16xi32>], vector<16xi32>,
    %eq3A_1667 = arith.cmpi eq, %gather3A_1666, %add3A_1646 : vector<16xi32>
    %or3A_1668 = arith.ori %or3A_1662, %eq3A_1667 : vector<16xi1>
    %add3A_1669 = arith.constant 8192 : i32
    %add3A_1670 = vector.broadcast %add3A_1669 : i32 to vector<16xi32>
    %add3A_1671 = arith.addi %gather3A_1650, %add3A_1670 : vector<16xi32>
    %gather3A_1672 = tpu.vector_load_idx %arg6[%add3A_1671] : memref<20480xi32, #tpu.memory_space<vmem>>[vector<16xi32>], vector<16xi32>,
    %eq3A_1673 = arith.cmpi eq, %gather3A_1672, %add3A_1646 : vector<16xi32>
    %or3A_1674 = arith.ori %or3A_1668, %eq3A_1673 : vector<16xi1>
    %add3A_1675 = arith.constant 12288 : i32
    %add3A_1676 = vector.broadcast %add3A_1675 : i32 to vector<16xi32>
    %add3A_1677 = arith.addi %gather3A_1650, %add3A_1676 : vector<16xi32>
    %gather3A_1678 = tpu.vector_load_idx %arg6[%add3A_1677] : memref<20480xi32, #tpu.memory_space<vmem>>[vector<16xi32>], vector<16xi32>,
    %eq3A_1679 = arith.cmpi eq, %gather3A_1678, %add3A_1646 : vector<16xi32>
    %or3A_1680 = arith.ori %or3A_1674, %eq3A_1679 : vector<16xi1>
    %add3A_1681 = arith.constant 16384 : i32
    %add3A_1682 = vector.broadcast %add3A_1681 : i32 to vector<16xi32>
    %add3A_1683 = arith.addi %gather3A_1650, %add3A_1682 : vector<16xi32>
    %gather3A_1684 = tpu.vector_load_idx %arg6[%add3A_1683] : memref<20480xi32, #tpu.memory_space<vmem>>[vector<16xi32>], vector<16xi32>,
    %eq3A_1685 = arith.cmpi eq, %gather3A_1684, %add3A_1646 : vector<16xi32>
    %or3A_1686 = arith.ori %or3A_1680, %eq3A_1685 : vector<16xi1>
    %add3A_1687 = arith.addf %add3A_1635, %gather3A_1654 : vector<16xf32>
    %jit3A_1688 = arith.constant 0.000000e+00 : f32
    %broadcast_in_dim3A_1689 = vector.broadcast %jit3A_1688 : f32 to vector<16xf32>
    %select_n3A_1690 = arith.select %or3A_1686, %gather3A_1654, %broadcast_in_dim3A_1689 : vector<16xi1>, vector<16xf32>
    %add3A_1691 = arith.addf %add3A_1639, %select_n3A_1690 : vector<16xf32>
    %add3A_1692 = arith.constant 4096 : i32
    %add3A_1693 = vector.broadcast %add3A_1692 : i32 to vector<16xi32>
    %add3A_1694 = arith.addi %add3A_1646, %add3A_1693 : vector<16xi32>
    %gather3A_1695 = tpu.vector_load_idx %arg6[%add3A_1694] : memref<20480xi32, #tpu.memory_space<vmem>>[vector<16xi32>], vector<16xi32>,
    %add3A_1696 = arith.constant 256 : i32
    %add3A_1697 = vector.broadcast %add3A_1696 : i32 to vector<16xi32>
    %add3A_1698 = arith.addi %add3A_1642, %add3A_1697 : vector<16xi32>
    %gather3A_1699 = tpu.vector_load_idx %arg7[%add3A_1698] : memref<1280xf32, #tpu.memory_space<vmem>>[vector<16xi32>], vector<16xf32>,
    %broadcast_in_dim3A_1700 = arith.constant false
    %broadcast_in_dim3A_1701 = vector.broadcast %broadcast_in_dim3A_1700 : i1 to vector<16xi1>
    %add3A_1702 = arith.constant 0 : i32
    %add3A_1703 = vector.broadcast %add3A_1702 : i32 to vector<16xi32>
    %add3A_1704 = arith.addi %gather3A_1695, %add3A_1703 : vector<16xi32>
    %gather3A_1705 = tpu.vector_load_idx %arg6[%add3A_1704] : memref<20480xi32, #tpu.memory_space<vmem>>[vector<16xi32>], vector<16xi32>,
    %eq3A_1706 = arith.cmpi eq, %gather3A_1705, %add3A_1646 : vector<16xi32>
    %or3A_1707 = arith.ori %broadcast_in_dim3A_1701, %eq3A_1706 : vector<16xi1>
    %add3A_1708 = arith.constant 4096 : i32
    %add3A_1709 = vector.broadcast %add3A_1708 : i32 to vector<16xi32>
    %add3A_1710 = arith.addi %gather3A_1695, %add3A_1709 : vector<16xi32>
    %gather3A_1711 = tpu.vector_load_idx %arg6[%add3A_1710] : memref<20480xi32, #tpu.memory_space<vmem>>[vector<16xi32>], vector<16xi32>,
    %eq3A_1712 = arith.cmpi eq, %gather3A_1711, %add3A_1646 : vector<16xi32>
    %or3A_1713 = arith.ori %or3A_1707, %eq3A_1712 : vector<16xi1>
    %add3A_1714 = arith.constant 8192 : i32
    %add3A_1715 = vector.broadcast %add3A_1714 : i32 to vector<16xi32>
    %add3A_1716 = arith.addi %gather3A_1695, %add3A_1715 : vector<16xi32>
    %gather3A_1717 = tpu.vector_load_idx %arg6[%add3A_1716] : memref<20480xi32, #tpu.memory_space<vmem>>[vector<16xi32>], vector<16xi32>,
    %eq3A_1718 = arith.cmpi eq, %gather3A_1717, %add3A_1646 : vector<16xi32>
    %or3A_1719 = arith.ori %or3A_1713, %eq3A_1718 : vector<16xi1>
    %add3A_1720 = arith.constant 12288 : i32
    %add3A_1721 = vector.broadcast %add3A_1720 : i32 to vector<16xi32>
    %add3A_1722 = arith.addi %gather3A_1695, %add3A_1721 : vector<16xi32>
    %gather3A_1723 = tpu.vector_load_idx %arg6[%add3A_1722] : memref<20480xi32, #tpu.memory_space<vmem>>[vector<16xi32>], vector<16xi32>,
    %eq3A_1724 = arith.cmpi eq, %gather3A_1723, %add3A_1646 : vector<16xi32>
    %or3A_1725 = arith.ori %or3A_1719, %eq3A_1724 : vector<16xi1>
    %add3A_1726 = arith.constant 16384 : i32
    %add3A_1727 = vector.broadcast %add3A_1726 : i32 to vector<16xi32>
    %add3A_1728 = arith.addi %gather3A_1695, %add3A_1727 : vector<16xi32>
    %gather3A_1729 = tpu.vector_load_idx %arg6[%add3A_1728] : memref<20480xi32, #tpu.memory_space<vmem>>[vector<16xi32>], vector<16xi32>,
    %eq3A_1730 = arith.cmpi eq, %gather3A_1729, %add3A_1646 : vector<16xi32>
    %or3A_1731 = arith.ori %or3A_1725, %eq3A_1730 : vector<16xi1>
    %add3A_1732 = arith.addf %add3A_1687, %gather3A_1699 : vector<16xf32>
    %jit3A_1733 = arith.constant 0.000000e+00 : f32
    %broadcast_in_dim3A_1734 = vector.broadcast %jit3A_1733 : f32 to vector<16xf32>
    %select_n3A_1735 = arith.select %or3A_1731, %gather3A_1699, %broadcast_in_dim3A_1734 : vector<16xi1>, vector<16xf32>
    %add3A_1736 = arith.addf %add3A_1691, %select_n3A_1735 : vector<16xf32>
    %add3A_1737 = arith.constant 8192 : i32
    %add3A_1738 = vector.broadcast %add3A_1737 : i32 to vector<16xi32>
    %add3A_1739 = arith.addi %add3A_1646, %add3A_1738 : vector<16xi32>
    %gather3A_1740 = tpu.vector_load_idx %arg6[%add3A_1739] : memref<20480xi32, #tpu.memory_space<vmem>>[vector<16xi32>], vector<16xi32>,
    %add3A_1741 = arith.constant 512 : i32
    %add3A_1742 = vector.broadcast %add3A_1741 : i32 to vector<16xi32>
    %add3A_1743 = arith.addi %add3A_1642, %add3A_1742 : vector<16xi32>
    %gather3A_1744 = tpu.vector_load_idx %arg7[%add3A_1743] : memref<1280xf32, #tpu.memory_space<vmem>>[vector<16xi32>], vector<16xf32>,
    %broadcast_in_dim3A_1745 = arith.constant false
    %broadcast_in_dim3A_1746 = vector.broadcast %broadcast_in_dim3A_1745 : i1 to vector<16xi1>
    %add3A_1747 = arith.constant 0 : i32
    %add3A_1748 = vector.broadcast %add3A_1747 : i32 to vector<16xi32>
    %add3A_1749 = arith.addi %gather3A_1740, %add3A_1748 : vector<16xi32>
    %gather3A_1750 = tpu.vector_load_idx %arg6[%add3A_1749] : memref<20480xi32, #tpu.memory_space<vmem>>[vector<16xi32>], vector<16xi32>,
    %eq3A_1751 = arith.cmpi eq, %gather3A_1750, %add3A_1646 : vector<16xi32>
    %or3A_1752 = arith.ori %broadcast_in_dim3A_1746, %eq3A_1751 : vector<16xi1>
    %add3A_1753 = arith.constant 4096 : i32
    %add3A_1754 = vector.broadcast %add3A_1753 : i32 to vector<16xi32>
    %add3A_1755 = arith.addi %gather3A_1740, %add3A_1754 : vector<16xi32>
    %gather3A_1756 = tpu.vector_load_idx %arg6[%add3A_1755] : memref<20480xi32, #tpu.memory_space<vmem>>[vector<16xi32>], vector<16xi32>,
    %eq3A_1757 = arith.cmpi eq, %gather3A_1756, %add3A_1646 : vector<16xi32>
    %or3A_1758 = arith.ori %or3A_1752, %eq3A_1757 : vector<16xi1>
    %add3A_1759 = arith.constant 8192 : i32
    %add3A_1760 = vector.broadcast %add3A_1759 : i32 to vector<16xi32>
    %add3A_1761 = arith.addi %gather3A_1740, %add3A_1760 : vector<16xi32>
    %gather3A_1762 = tpu.vector_load_idx %arg6[%add3A_1761] : memref<20480xi32, #tpu.memory_space<vmem>>[vector<16xi32>], vector<16xi32>,
    %eq3A_1763 = arith.cmpi eq, %gather3A_1762, %add3A_1646 : vector<16xi32>
    %or3A_1764 = arith.ori %or3A_1758, %eq3A_1763 : vector<16xi1>
    %add3A_1765 = arith.constant 12288 : i32
    %add3A_1766 = vector.broadcast %add3A_1765 : i32 to vector<16xi32>
    %add3A_1767 = arith.addi %gather3A_1740, %add3A_1766 : vector<16xi32>
    %gather3A_1768 = tpu.vector_load_idx %arg6[%add3A_1767] : memref<20480xi32, #tpu.memory_space<vmem>>[vector<16xi32>], vector<16xi32>,
    %eq3A_1769 = arith.cmpi eq, %gather3A_1768, %add3A_1646 : vector<16xi32>
    %or3A_1770 = arith.ori %or3A_1764, %eq3A_1769 : vector<16xi1>
    %add3A_1771 = arith.constant 16384 : i32
    %add3A_1772 = vector.broadcast %add3A_1771 : i32 to vector<16xi32>
    %add3A_1773 = arith.addi %gather3A_1740, %add3A_1772 : vector<16xi32>
    %gather3A_1774 = tpu.vector_load_idx %arg6[%add3A_1773] : memref<20480xi32, #tpu.memory_space<vmem>>[vector<16xi32>], vector<16xi32>,
    %eq3A_1775 = arith.cmpi eq, %gather3A_1774, %add3A_1646 : vector<16xi32>
    %or3A_1776 = arith.ori %or3A_1770, %eq3A_1775 : vector<16xi1>
    %add3A_1777 = arith.addf %add3A_1732, %gather3A_1744 : vector<16xf32>
    %jit3A_1778 = arith.constant 0.000000e+00 : f32
    %broadcast_in_dim3A_1779 = vector.broadcast %jit3A_1778 : f32 to vector<16xf32>
    %select_n3A_1780 = arith.select %or3A_1776, %gather3A_1744, %broadcast_in_dim3A_1779 : vector<16xi1>, vector<16xf32>
    %add3A_1781 = arith.addf %add3A_1736, %select_n3A_1780 : vector<16xf32>
    %add3A_1782 = arith.constant 12288 : i32
    %add3A_1783 = vector.broadcast %add3A_1782 : i32 to vector<16xi32>
    %add3A_1784 = arith.addi %add3A_1646, %add3A_1783 : vector<16xi32>
    %gather3A_1785 = tpu.vector_load_idx %arg6[%add3A_1784] : memref<20480xi32, #tpu.memory_space<vmem>>[vector<16xi32>], vector<16xi32>,
    %add3A_1786 = arith.constant 768 : i32
    %add3A_1787 = vector.broadcast %add3A_1786 : i32 to vector<16xi32>
    %add3A_1788 = arith.addi %add3A_1642, %add3A_1787 : vector<16xi32>
    %gather3A_1789 = tpu.vector_load_idx %arg7[%add3A_1788] : memref<1280xf32, #tpu.memory_space<vmem>>[vector<16xi32>], vector<16xf32>,
    %broadcast_in_dim3A_1790 = arith.constant false
    %broadcast_in_dim3A_1791 = vector.broadcast %broadcast_in_dim3A_1790 : i1 to vector<16xi1>
    %add3A_1792 = arith.constant 0 : i32
    %add3A_1793 = vector.broadcast %add3A_1792 : i32 to vector<16xi32>
    %add3A_1794 = arith.addi %gather3A_1785, %add3A_1793 : vector<16xi32>
    %gather3A_1795 = tpu.vector_load_idx %arg6[%add3A_1794] : memref<20480xi32, #tpu.memory_space<vmem>>[vector<16xi32>], vector<16xi32>,
    %eq3A_1796 = arith.cmpi eq, %gather3A_1795, %add3A_1646 : vector<16xi32>
    %or3A_1797 = arith.ori %broadcast_in_dim3A_1791, %eq3A_1796 : vector<16xi1>
    %add3A_1798 = arith.constant 4096 : i32
    %add3A_1799 = vector.broadcast %add3A_1798 : i32 to vector<16xi32>
    %add3A_1800 = arith.addi %gather3A_1785, %add3A_1799 : vector<16xi32>
    %gather3A_1801 = tpu.vector_load_idx %arg6[%add3A_1800] : memref<20480xi32, #tpu.memory_space<vmem>>[vector<16xi32>], vector<16xi32>,
    %eq3A_1802 = arith.cmpi eq, %gather3A_1801, %add3A_1646 : vector<16xi32>
    %or3A_1803 = arith.ori %or3A_1797, %eq3A_1802 : vector<16xi1>
    %add3A_1804 = arith.constant 8192 : i32
    %add3A_1805 = vector.broadcast %add3A_1804 : i32 to vector<16xi32>
    %add3A_1806 = arith.addi %gather3A_1785, %add3A_1805 : vector<16xi32>
    %gather3A_1807 = tpu.vector_load_idx %arg6[%add3A_1806] : memref<20480xi32, #tpu.memory_space<vmem>>[vector<16xi32>], vector<16xi32>,
    %eq3A_1808 = arith.cmpi eq, %gather3A_1807, %add3A_1646 : vector<16xi32>
    %or3A_1809 = arith.ori %or3A_1803, %eq3A_1808 : vector<16xi1>
    %add3A_1810 = arith.constant 12288 : i32
    %add3A_1811 = vector.broadcast %add3A_1810 : i32 to vector<16xi32>
    %add3A_1812 = arith.addi %gather3A_1785, %add3A_1811 : vector<16xi32>
    %gather3A_1813 = tpu.vector_load_idx %arg6[%add3A_1812] : memref<20480xi32, #tpu.memory_space<vmem>>[vector<16xi32>], vector<16xi32>,
    %eq3A_1814 = arith.cmpi eq, %gather3A_1813, %add3A_1646 : vector<16xi32>
    %or3A_1815 = arith.ori %or3A_1809, %eq3A_1814 : vector<16xi1>
    %add3A_1816 = arith.constant 16384 : i32
    %add3A_1817 = vector.broadcast %add3A_1816 : i32 to vector<16xi32>
    %add3A_1818 = arith.addi %gather3A_1785, %add3A_1817 : vector<16xi32>
    %gather3A_1819 = tpu.vector_load_idx %arg6[%add3A_1818] : memref<20480xi32, #tpu.memory_space<vmem>>[vector<16xi32>], vector<16xi32>,
    %eq3A_1820 = arith.cmpi eq, %gather3A_1819, %add3A_1646 : vector<16xi32>
    %or3A_1821 = arith.ori %or3A_1815, %eq3A_1820 : vector<16xi1>
    %add3A_1822 = arith.addf %add3A_1777, %gather3A_1789 : vector<16xf32>
    %jit3A_1823 = arith.constant 0.000000e+00 : f32
    %broadcast_in_dim3A_1824 = vector.broadcast %jit3A_1823 : f32 to vector<16xf32>
    %select_n3A_1825 = arith.select %or3A_1821, %gather3A_1789, %broadcast_in_dim3A_1824 : vector<16xi1>, vector<16xf32>
    %add3A_1826 = arith.addf %add3A_1781, %select_n3A_1825 : vector<16xf32>
    %add3A_1827 = arith.constant 16384 : i32
    %add3A_1828 = vector.broadcast %add3A_1827 : i32 to vector<16xi32>
    %add3A_1829 = arith.addi %add3A_1646, %add3A_1828 : vector<16xi32>
    %gather3A_1830 = tpu.vector_load_idx %arg6[%add3A_1829] : memref<20480xi32, #tpu.memory_space<vmem>>[vector<16xi32>], vector<16xi32>,
    %add3A_1831 = arith.constant 1024 : i32
    %add3A_1832 = vector.broadcast %add3A_1831 : i32 to vector<16xi32>
    %add3A_1833 = arith.addi %add3A_1642, %add3A_1832 : vector<16xi32>
    %gather3A_1834 = tpu.vector_load_idx %arg7[%add3A_1833] : memref<1280xf32, #tpu.memory_space<vmem>>[vector<16xi32>], vector<16xf32>,
    %broadcast_in_dim3A_1835 = arith.constant false
    %broadcast_in_dim3A_1836 = vector.broadcast %broadcast_in_dim3A_1835 : i1 to vector<16xi1>
    %add3A_1837 = arith.constant 0 : i32
    %add3A_1838 = vector.broadcast %add3A_1837 : i32 to vector<16xi32>
    %add3A_1839 = arith.addi %gather3A_1830, %add3A_1838 : vector<16xi32>
    %gather3A_1840 = tpu.vector_load_idx %arg6[%add3A_1839] : memref<20480xi32, #tpu.memory_space<vmem>>[vector<16xi32>], vector<16xi32>,
    %eq3A_1841 = arith.cmpi eq, %gather3A_1840, %add3A_1646 : vector<16xi32>
    %or3A_1842 = arith.ori %broadcast_in_dim3A_1836, %eq3A_1841 : vector<16xi1>
    %add3A_1843 = arith.constant 4096 : i32
    %add3A_1844 = vector.broadcast %add3A_1843 : i32 to vector<16xi32>
    %add3A_1845 = arith.addi %gather3A_1830, %add3A_1844 : vector<16xi32>
    %gather3A_1846 = tpu.vector_load_idx %arg6[%add3A_1845] : memref<20480xi32, #tpu.memory_space<vmem>>[vector<16xi32>], vector<16xi32>,
    %eq3A_1847 = arith.cmpi eq, %gather3A_1846, %add3A_1646 : vector<16xi32>
    %or3A_1848 = arith.ori %or3A_1842, %eq3A_1847 : vector<16xi1>
    %add3A_1849 = arith.constant 8192 : i32
    %add3A_1850 = vector.broadcast %add3A_1849 : i32 to vector<16xi32>
    %add3A_1851 = arith.addi %gather3A_1830, %add3A_1850 : vector<16xi32>
    %gather3A_1852 = tpu.vector_load_idx %arg6[%add3A_1851] : memref<20480xi32, #tpu.memory_space<vmem>>[vector<16xi32>], vector<16xi32>,
    %eq3A_1853 = arith.cmpi eq, %gather3A_1852, %add3A_1646 : vector<16xi32>
    %or3A_1854 = arith.ori %or3A_1848, %eq3A_1853 : vector<16xi1>
    %add3A_1855 = arith.constant 12288 : i32
    %add3A_1856 = vector.broadcast %add3A_1855 : i32 to vector<16xi32>
    %add3A_1857 = arith.addi %gather3A_1830, %add3A_1856 : vector<16xi32>
    %gather3A_1858 = tpu.vector_load_idx %arg6[%add3A_1857] : memref<20480xi32, #tpu.memory_space<vmem>>[vector<16xi32>], vector<16xi32>,
    %eq3A_1859 = arith.cmpi eq, %gather3A_1858, %add3A_1646 : vector<16xi32>
    %or3A_1860 = arith.ori %or3A_1854, %eq3A_1859 : vector<16xi1>
    %add3A_1861 = arith.constant 16384 : i32
    %add3A_1862 = vector.broadcast %add3A_1861 : i32 to vector<16xi32>
    %add3A_1863 = arith.addi %gather3A_1830, %add3A_1862 : vector<16xi32>
    %gather3A_1864 = tpu.vector_load_idx %arg6[%add3A_1863] : memref<20480xi32, #tpu.memory_space<vmem>>[vector<16xi32>], vector<16xi32>,
    %eq3A_1865 = arith.cmpi eq, %gather3A_1864, %add3A_1646 : vector<16xi32>
    %or3A_1866 = arith.ori %or3A_1860, %eq3A_1865 : vector<16xi1>
    %add3A_1867 = arith.addf %add3A_1822, %gather3A_1834 : vector<16xf32>
    %jit3A_1868 = arith.constant 0.000000e+00 : f32
    %broadcast_in_dim3A_1869 = vector.broadcast %jit3A_1868 : f32 to vector<16xf32>
    %select_n3A_1870 = arith.select %or3A_1866, %gather3A_1834, %broadcast_in_dim3A_1869 : vector<16xi1>, vector<16xf32>
    %add3A_1871 = arith.addf %add3A_1826, %select_n3A_1870 : vector<16xf32>
    %add3A_1872 = arith.constant 128 : i32
    %add3A_1873 = vector.broadcast %add3A_1872 : i32 to vector<16xi32>
    %add3A_1874 = arith.addi %add3A_1873, %iota3A : vector<16xi32>
    %mul3A_1875 = arith.constant 256 : i32
    %mul3A_1876 = arith.muli %arg1, %mul3A_1875 : i32
    %add3A_1877 = vector.broadcast %mul3A_1876 : i32 to vector<16xi32>
    %add3A_1878 = arith.addi %add3A_1877, %add3A_1874 : vector<16xi32>
    %add3A_1879 = arith.constant 0 : i32
    %add3A_1880 = vector.broadcast %add3A_1879 : i32 to vector<16xi32>
    %add3A_1881 = arith.addi %add3A_1878, %add3A_1880 : vector<16xi32>
    %gather3A_1882 = tpu.vector_load_idx %arg6[%add3A_1881] : memref<20480xi32, #tpu.memory_space<vmem>>[vector<16xi32>], vector<16xi32>,
    %add3A_1883 = arith.constant 0 : i32
    %add3A_1884 = vector.broadcast %add3A_1883 : i32 to vector<16xi32>
    %add3A_1885 = arith.addi %add3A_1874, %add3A_1884 : vector<16xi32>
    %gather3A_1886 = tpu.vector_load_idx %arg7[%add3A_1885] : memref<1280xf32, #tpu.memory_space<vmem>>[vector<16xi32>], vector<16xf32>,
    %broadcast_in_dim3A_1887 = arith.constant false
    %broadcast_in_dim3A_1888 = vector.broadcast %broadcast_in_dim3A_1887 : i1 to vector<16xi1>
    %add3A_1889 = arith.constant 0 : i32
    %add3A_1890 = vector.broadcast %add3A_1889 : i32 to vector<16xi32>
    %add3A_1891 = arith.addi %gather3A_1882, %add3A_1890 : vector<16xi32>
    %gather3A_1892 = tpu.vector_load_idx %arg6[%add3A_1891] : memref<20480xi32, #tpu.memory_space<vmem>>[vector<16xi32>], vector<16xi32>,
    %eq3A_1893 = arith.cmpi eq, %gather3A_1892, %add3A_1878 : vector<16xi32>
    %or3A_1894 = arith.ori %broadcast_in_dim3A_1888, %eq3A_1893 : vector<16xi1>
    %add3A_1895 = arith.constant 4096 : i32
    %add3A_1896 = vector.broadcast %add3A_1895 : i32 to vector<16xi32>
    %add3A_1897 = arith.addi %gather3A_1882, %add3A_1896 : vector<16xi32>
    %gather3A_1898 = tpu.vector_load_idx %arg6[%add3A_1897] : memref<20480xi32, #tpu.memory_space<vmem>>[vector<16xi32>], vector<16xi32>,
    %eq3A_1899 = arith.cmpi eq, %gather3A_1898, %add3A_1878 : vector<16xi32>
    %or3A_1900 = arith.ori %or3A_1894, %eq3A_1899 : vector<16xi1>
    %add3A_1901 = arith.constant 8192 : i32
    %add3A_1902 = vector.broadcast %add3A_1901 : i32 to vector<16xi32>
    %add3A_1903 = arith.addi %gather3A_1882, %add3A_1902 : vector<16xi32>
    %gather3A_1904 = tpu.vector_load_idx %arg6[%add3A_1903] : memref<20480xi32, #tpu.memory_space<vmem>>[vector<16xi32>], vector<16xi32>,
    %eq3A_1905 = arith.cmpi eq, %gather3A_1904, %add3A_1878 : vector<16xi32>
    %or3A_1906 = arith.ori %or3A_1900, %eq3A_1905 : vector<16xi1>
    %add3A_1907 = arith.constant 12288 : i32
    %add3A_1908 = vector.broadcast %add3A_1907 : i32 to vector<16xi32>
    %add3A_1909 = arith.addi %gather3A_1882, %add3A_1908 : vector<16xi32>
    %gather3A_1910 = tpu.vector_load_idx %arg6[%add3A_1909] : memref<20480xi32, #tpu.memory_space<vmem>>[vector<16xi32>], vector<16xi32>,
    %eq3A_1911 = arith.cmpi eq, %gather3A_1910, %add3A_1878 : vector<16xi32>
    %or3A_1912 = arith.ori %or3A_1906, %eq3A_1911 : vector<16xi1>
    %add3A_1913 = arith.constant 16384 : i32
    %add3A_1914 = vector.broadcast %add3A_1913 : i32 to vector<16xi32>
    %add3A_1915 = arith.addi %gather3A_1882, %add3A_1914 : vector<16xi32>
    %gather3A_1916 = tpu.vector_load_idx %arg6[%add3A_1915] : memref<20480xi32, #tpu.memory_space<vmem>>[vector<16xi32>], vector<16xi32>,
    %eq3A_1917 = arith.cmpi eq, %gather3A_1916, %add3A_1878 : vector<16xi32>
    %or3A_1918 = arith.ori %or3A_1912, %eq3A_1917 : vector<16xi1>
    %add3A_1919 = arith.addf %add3A_1867, %gather3A_1886 : vector<16xf32>
    %jit3A_1920 = arith.constant 0.000000e+00 : f32
    %broadcast_in_dim3A_1921 = vector.broadcast %jit3A_1920 : f32 to vector<16xf32>
    %select_n3A_1922 = arith.select %or3A_1918, %gather3A_1886, %broadcast_in_dim3A_1921 : vector<16xi1>, vector<16xf32>
    %add3A_1923 = arith.addf %add3A_1871, %select_n3A_1922 : vector<16xf32>
    %add3A_1924 = arith.constant 4096 : i32
    %add3A_1925 = vector.broadcast %add3A_1924 : i32 to vector<16xi32>
    %add3A_1926 = arith.addi %add3A_1878, %add3A_1925 : vector<16xi32>
    %gather3A_1927 = tpu.vector_load_idx %arg6[%add3A_1926] : memref<20480xi32, #tpu.memory_space<vmem>>[vector<16xi32>], vector<16xi32>,
    %add3A_1928 = arith.constant 256 : i32
    %add3A_1929 = vector.broadcast %add3A_1928 : i32 to vector<16xi32>
    %add3A_1930 = arith.addi %add3A_1874, %add3A_1929 : vector<16xi32>
    %gather3A_1931 = tpu.vector_load_idx %arg7[%add3A_1930] : memref<1280xf32, #tpu.memory_space<vmem>>[vector<16xi32>], vector<16xf32>,
    %broadcast_in_dim3A_1932 = arith.constant false
    %broadcast_in_dim3A_1933 = vector.broadcast %broadcast_in_dim3A_1932 : i1 to vector<16xi1>
    %add3A_1934 = arith.constant 0 : i32
    %add3A_1935 = vector.broadcast %add3A_1934 : i32 to vector<16xi32>
    %add3A_1936 = arith.addi %gather3A_1927, %add3A_1935 : vector<16xi32>
    %gather3A_1937 = tpu.vector_load_idx %arg6[%add3A_1936] : memref<20480xi32, #tpu.memory_space<vmem>>[vector<16xi32>], vector<16xi32>,
    %eq3A_1938 = arith.cmpi eq, %gather3A_1937, %add3A_1878 : vector<16xi32>
    %or3A_1939 = arith.ori %broadcast_in_dim3A_1933, %eq3A_1938 : vector<16xi1>
    %add3A_1940 = arith.constant 4096 : i32
    %add3A_1941 = vector.broadcast %add3A_1940 : i32 to vector<16xi32>
    %add3A_1942 = arith.addi %gather3A_1927, %add3A_1941 : vector<16xi32>
    %gather3A_1943 = tpu.vector_load_idx %arg6[%add3A_1942] : memref<20480xi32, #tpu.memory_space<vmem>>[vector<16xi32>], vector<16xi32>,
    %eq3A_1944 = arith.cmpi eq, %gather3A_1943, %add3A_1878 : vector<16xi32>
    %or3A_1945 = arith.ori %or3A_1939, %eq3A_1944 : vector<16xi1>
    %add3A_1946 = arith.constant 8192 : i32
    %add3A_1947 = vector.broadcast %add3A_1946 : i32 to vector<16xi32>
    %add3A_1948 = arith.addi %gather3A_1927, %add3A_1947 : vector<16xi32>
    %gather3A_1949 = tpu.vector_load_idx %arg6[%add3A_1948] : memref<20480xi32, #tpu.memory_space<vmem>>[vector<16xi32>], vector<16xi32>,
    %eq3A_1950 = arith.cmpi eq, %gather3A_1949, %add3A_1878 : vector<16xi32>
    %or3A_1951 = arith.ori %or3A_1945, %eq3A_1950 : vector<16xi1>
    %add3A_1952 = arith.constant 12288 : i32
    %add3A_1953 = vector.broadcast %add3A_1952 : i32 to vector<16xi32>
    %add3A_1954 = arith.addi %gather3A_1927, %add3A_1953 : vector<16xi32>
    %gather3A_1955 = tpu.vector_load_idx %arg6[%add3A_1954] : memref<20480xi32, #tpu.memory_space<vmem>>[vector<16xi32>], vector<16xi32>,
    %eq3A_1956 = arith.cmpi eq, %gather3A_1955, %add3A_1878 : vector<16xi32>
    %or3A_1957 = arith.ori %or3A_1951, %eq3A_1956 : vector<16xi1>
    %add3A_1958 = arith.constant 16384 : i32
    %add3A_1959 = vector.broadcast %add3A_1958 : i32 to vector<16xi32>
    %add3A_1960 = arith.addi %gather3A_1927, %add3A_1959 : vector<16xi32>
    %gather3A_1961 = tpu.vector_load_idx %arg6[%add3A_1960] : memref<20480xi32, #tpu.memory_space<vmem>>[vector<16xi32>], vector<16xi32>,
    %eq3A_1962 = arith.cmpi eq, %gather3A_1961, %add3A_1878 : vector<16xi32>
    %or3A_1963 = arith.ori %or3A_1957, %eq3A_1962 : vector<16xi1>
    %add3A_1964 = arith.addf %add3A_1919, %gather3A_1931 : vector<16xf32>
    %jit3A_1965 = arith.constant 0.000000e+00 : f32
    %broadcast_in_dim3A_1966 = vector.broadcast %jit3A_1965 : f32 to vector<16xf32>
    %select_n3A_1967 = arith.select %or3A_1963, %gather3A_1931, %broadcast_in_dim3A_1966 : vector<16xi1>, vector<16xf32>
    %add3A_1968 = arith.addf %add3A_1923, %select_n3A_1967 : vector<16xf32>
    %add3A_1969 = arith.constant 8192 : i32
    %add3A_1970 = vector.broadcast %add3A_1969 : i32 to vector<16xi32>
    %add3A_1971 = arith.addi %add3A_1878, %add3A_1970 : vector<16xi32>
    %gather3A_1972 = tpu.vector_load_idx %arg6[%add3A_1971] : memref<20480xi32, #tpu.memory_space<vmem>>[vector<16xi32>], vector<16xi32>,
    %add3A_1973 = arith.constant 512 : i32
    %add3A_1974 = vector.broadcast %add3A_1973 : i32 to vector<16xi32>
    %add3A_1975 = arith.addi %add3A_1874, %add3A_1974 : vector<16xi32>
    %gather3A_1976 = tpu.vector_load_idx %arg7[%add3A_1975] : memref<1280xf32, #tpu.memory_space<vmem>>[vector<16xi32>], vector<16xf32>,
    %broadcast_in_dim3A_1977 = arith.constant false
    %broadcast_in_dim3A_1978 = vector.broadcast %broadcast_in_dim3A_1977 : i1 to vector<16xi1>
    %add3A_1979 = arith.constant 0 : i32
    %add3A_1980 = vector.broadcast %add3A_1979 : i32 to vector<16xi32>
    %add3A_1981 = arith.addi %gather3A_1972, %add3A_1980 : vector<16xi32>
    %gather3A_1982 = tpu.vector_load_idx %arg6[%add3A_1981] : memref<20480xi32, #tpu.memory_space<vmem>>[vector<16xi32>], vector<16xi32>,
    %eq3A_1983 = arith.cmpi eq, %gather3A_1982, %add3A_1878 : vector<16xi32>
    %or3A_1984 = arith.ori %broadcast_in_dim3A_1978, %eq3A_1983 : vector<16xi1>
    %add3A_1985 = arith.constant 4096 : i32
    %add3A_1986 = vector.broadcast %add3A_1985 : i32 to vector<16xi32>
    %add3A_1987 = arith.addi %gather3A_1972, %add3A_1986 : vector<16xi32>
    %gather3A_1988 = tpu.vector_load_idx %arg6[%add3A_1987] : memref<20480xi32, #tpu.memory_space<vmem>>[vector<16xi32>], vector<16xi32>,
    %eq3A_1989 = arith.cmpi eq, %gather3A_1988, %add3A_1878 : vector<16xi32>
    %or3A_1990 = arith.ori %or3A_1984, %eq3A_1989 : vector<16xi1>
    %add3A_1991 = arith.constant 8192 : i32
    %add3A_1992 = vector.broadcast %add3A_1991 : i32 to vector<16xi32>
    %add3A_1993 = arith.addi %gather3A_1972, %add3A_1992 : vector<16xi32>
    %gather3A_1994 = tpu.vector_load_idx %arg6[%add3A_1993] : memref<20480xi32, #tpu.memory_space<vmem>>[vector<16xi32>], vector<16xi32>,
    %eq3A_1995 = arith.cmpi eq, %gather3A_1994, %add3A_1878 : vector<16xi32>
    %or3A_1996 = arith.ori %or3A_1990, %eq3A_1995 : vector<16xi1>
    %add3A_1997 = arith.constant 12288 : i32
    %add3A_1998 = vector.broadcast %add3A_1997 : i32 to vector<16xi32>
    %add3A_1999 = arith.addi %gather3A_1972, %add3A_1998 : vector<16xi32>
    %gather3A_2000 = tpu.vector_load_idx %arg6[%add3A_1999] : memref<20480xi32, #tpu.memory_space<vmem>>[vector<16xi32>], vector<16xi32>,
    %eq3A_2001 = arith.cmpi eq, %gather3A_2000, %add3A_1878 : vector<16xi32>
    %or3A_2002 = arith.ori %or3A_1996, %eq3A_2001 : vector<16xi1>
    %add3A_2003 = arith.constant 16384 : i32
    %add3A_2004 = vector.broadcast %add3A_2003 : i32 to vector<16xi32>
    %add3A_2005 = arith.addi %gather3A_1972, %add3A_2004 : vector<16xi32>
    %gather3A_2006 = tpu.vector_load_idx %arg6[%add3A_2005] : memref<20480xi32, #tpu.memory_space<vmem>>[vector<16xi32>], vector<16xi32>,
    %eq3A_2007 = arith.cmpi eq, %gather3A_2006, %add3A_1878 : vector<16xi32>
    %or3A_2008 = arith.ori %or3A_2002, %eq3A_2007 : vector<16xi1>
    %add3A_2009 = arith.addf %add3A_1964, %gather3A_1976 : vector<16xf32>
    %jit3A_2010 = arith.constant 0.000000e+00 : f32
    %broadcast_in_dim3A_2011 = vector.broadcast %jit3A_2010 : f32 to vector<16xf32>
    %select_n3A_2012 = arith.select %or3A_2008, %gather3A_1976, %broadcast_in_dim3A_2011 : vector<16xi1>, vector<16xf32>
    %add3A_2013 = arith.addf %add3A_1968, %select_n3A_2012 : vector<16xf32>
    %add3A_2014 = arith.constant 12288 : i32
    %add3A_2015 = vector.broadcast %add3A_2014 : i32 to vector<16xi32>
    %add3A_2016 = arith.addi %add3A_1878, %add3A_2015 : vector<16xi32>
    %gather3A_2017 = tpu.vector_load_idx %arg6[%add3A_2016] : memref<20480xi32, #tpu.memory_space<vmem>>[vector<16xi32>], vector<16xi32>,
    %add3A_2018 = arith.constant 768 : i32
    %add3A_2019 = vector.broadcast %add3A_2018 : i32 to vector<16xi32>
    %add3A_2020 = arith.addi %add3A_1874, %add3A_2019 : vector<16xi32>
    %gather3A_2021 = tpu.vector_load_idx %arg7[%add3A_2020] : memref<1280xf32, #tpu.memory_space<vmem>>[vector<16xi32>], vector<16xf32>,
    %broadcast_in_dim3A_2022 = arith.constant false
    %broadcast_in_dim3A_2023 = vector.broadcast %broadcast_in_dim3A_2022 : i1 to vector<16xi1>
    %add3A_2024 = arith.constant 0 : i32
    %add3A_2025 = vector.broadcast %add3A_2024 : i32 to vector<16xi32>
    %add3A_2026 = arith.addi %gather3A_2017, %add3A_2025 : vector<16xi32>
    %gather3A_2027 = tpu.vector_load_idx %arg6[%add3A_2026] : memref<20480xi32, #tpu.memory_space<vmem>>[vector<16xi32>], vector<16xi32>,
    %eq3A_2028 = arith.cmpi eq, %gather3A_2027, %add3A_1878 : vector<16xi32>
    %or3A_2029 = arith.ori %broadcast_in_dim3A_2023, %eq3A_2028 : vector<16xi1>
    %add3A_2030 = arith.constant 4096 : i32
    %add3A_2031 = vector.broadcast %add3A_2030 : i32 to vector<16xi32>
    %add3A_2032 = arith.addi %gather3A_2017, %add3A_2031 : vector<16xi32>
    %gather3A_2033 = tpu.vector_load_idx %arg6[%add3A_2032] : memref<20480xi32, #tpu.memory_space<vmem>>[vector<16xi32>], vector<16xi32>,
    %eq3A_2034 = arith.cmpi eq, %gather3A_2033, %add3A_1878 : vector<16xi32>
    %or3A_2035 = arith.ori %or3A_2029, %eq3A_2034 : vector<16xi1>
    %add3A_2036 = arith.constant 8192 : i32
    %add3A_2037 = vector.broadcast %add3A_2036 : i32 to vector<16xi32>
    %add3A_2038 = arith.addi %gather3A_2017, %add3A_2037 : vector<16xi32>
    %gather3A_2039 = tpu.vector_load_idx %arg6[%add3A_2038] : memref<20480xi32, #tpu.memory_space<vmem>>[vector<16xi32>], vector<16xi32>,
    %eq3A_2040 = arith.cmpi eq, %gather3A_2039, %add3A_1878 : vector<16xi32>
    %or3A_2041 = arith.ori %or3A_2035, %eq3A_2040 : vector<16xi1>
    %add3A_2042 = arith.constant 12288 : i32
    %add3A_2043 = vector.broadcast %add3A_2042 : i32 to vector<16xi32>
    %add3A_2044 = arith.addi %gather3A_2017, %add3A_2043 : vector<16xi32>
    %gather3A_2045 = tpu.vector_load_idx %arg6[%add3A_2044] : memref<20480xi32, #tpu.memory_space<vmem>>[vector<16xi32>], vector<16xi32>,
    %eq3A_2046 = arith.cmpi eq, %gather3A_2045, %add3A_1878 : vector<16xi32>
    %or3A_2047 = arith.ori %or3A_2041, %eq3A_2046 : vector<16xi1>
    %add3A_2048 = arith.constant 16384 : i32
    %add3A_2049 = vector.broadcast %add3A_2048 : i32 to vector<16xi32>
    %add3A_2050 = arith.addi %gather3A_2017, %add3A_2049 : vector<16xi32>
    %gather3A_2051 = tpu.vector_load_idx %arg6[%add3A_2050] : memref<20480xi32, #tpu.memory_space<vmem>>[vector<16xi32>], vector<16xi32>,
    %eq3A_2052 = arith.cmpi eq, %gather3A_2051, %add3A_1878 : vector<16xi32>
    %or3A_2053 = arith.ori %or3A_2047, %eq3A_2052 : vector<16xi1>
    %add3A_2054 = arith.addf %add3A_2009, %gather3A_2021 : vector<16xf32>
    %jit3A_2055 = arith.constant 0.000000e+00 : f32
    %broadcast_in_dim3A_2056 = vector.broadcast %jit3A_2055 : f32 to vector<16xf32>
    %select_n3A_2057 = arith.select %or3A_2053, %gather3A_2021, %broadcast_in_dim3A_2056 : vector<16xi1>, vector<16xf32>
    %add3A_2058 = arith.addf %add3A_2013, %select_n3A_2057 : vector<16xf32>
    %add3A_2059 = arith.constant 16384 : i32
    %add3A_2060 = vector.broadcast %add3A_2059 : i32 to vector<16xi32>
    %add3A_2061 = arith.addi %add3A_1878, %add3A_2060 : vector<16xi32>
    %gather3A_2062 = tpu.vector_load_idx %arg6[%add3A_2061] : memref<20480xi32, #tpu.memory_space<vmem>>[vector<16xi32>], vector<16xi32>,
    %add3A_2063 = arith.constant 1024 : i32
    %add3A_2064 = vector.broadcast %add3A_2063 : i32 to vector<16xi32>
    %add3A_2065 = arith.addi %add3A_1874, %add3A_2064 : vector<16xi32>
    %gather3A_2066 = tpu.vector_load_idx %arg7[%add3A_2065] : memref<1280xf32, #tpu.memory_space<vmem>>[vector<16xi32>], vector<16xf32>,
    %broadcast_in_dim3A_2067 = arith.constant false
    %broadcast_in_dim3A_2068 = vector.broadcast %broadcast_in_dim3A_2067 : i1 to vector<16xi1>
    %add3A_2069 = arith.constant 0 : i32
    %add3A_2070 = vector.broadcast %add3A_2069 : i32 to vector<16xi32>
    %add3A_2071 = arith.addi %gather3A_2062, %add3A_2070 : vector<16xi32>
    %gather3A_2072 = tpu.vector_load_idx %arg6[%add3A_2071] : memref<20480xi32, #tpu.memory_space<vmem>>[vector<16xi32>], vector<16xi32>,
    %eq3A_2073 = arith.cmpi eq, %gather3A_2072, %add3A_1878 : vector<16xi32>
    %or3A_2074 = arith.ori %broadcast_in_dim3A_2068, %eq3A_2073 : vector<16xi1>
    %add3A_2075 = arith.constant 4096 : i32
    %add3A_2076 = vector.broadcast %add3A_2075 : i32 to vector<16xi32>
    %add3A_2077 = arith.addi %gather3A_2062, %add3A_2076 : vector<16xi32>
    %gather3A_2078 = tpu.vector_load_idx %arg6[%add3A_2077] : memref<20480xi32, #tpu.memory_space<vmem>>[vector<16xi32>], vector<16xi32>,
    %eq3A_2079 = arith.cmpi eq, %gather3A_2078, %add3A_1878 : vector<16xi32>
    %or3A_2080 = arith.ori %or3A_2074, %eq3A_2079 : vector<16xi1>
    %add3A_2081 = arith.constant 8192 : i32
    %add3A_2082 = vector.broadcast %add3A_2081 : i32 to vector<16xi32>
    %add3A_2083 = arith.addi %gather3A_2062, %add3A_2082 : vector<16xi32>
    %gather3A_2084 = tpu.vector_load_idx %arg6[%add3A_2083] : memref<20480xi32, #tpu.memory_space<vmem>>[vector<16xi32>], vector<16xi32>,
    %eq3A_2085 = arith.cmpi eq, %gather3A_2084, %add3A_1878 : vector<16xi32>
    %or3A_2086 = arith.ori %or3A_2080, %eq3A_2085 : vector<16xi1>
    %add3A_2087 = arith.constant 12288 : i32
    %add3A_2088 = vector.broadcast %add3A_2087 : i32 to vector<16xi32>
    %add3A_2089 = arith.addi %gather3A_2062, %add3A_2088 : vector<16xi32>
    %gather3A_2090 = tpu.vector_load_idx %arg6[%add3A_2089] : memref<20480xi32, #tpu.memory_space<vmem>>[vector<16xi32>], vector<16xi32>,
    %eq3A_2091 = arith.cmpi eq, %gather3A_2090, %add3A_1878 : vector<16xi32>
    %or3A_2092 = arith.ori %or3A_2086, %eq3A_2091 : vector<16xi1>
    %add3A_2093 = arith.constant 16384 : i32
    %add3A_2094 = vector.broadcast %add3A_2093 : i32 to vector<16xi32>
    %add3A_2095 = arith.addi %gather3A_2062, %add3A_2094 : vector<16xi32>
    %gather3A_2096 = tpu.vector_load_idx %arg6[%add3A_2095] : memref<20480xi32, #tpu.memory_space<vmem>>[vector<16xi32>], vector<16xi32>,
    %eq3A_2097 = arith.cmpi eq, %gather3A_2096, %add3A_1878 : vector<16xi32>
    %or3A_2098 = arith.ori %or3A_2092, %eq3A_2097 : vector<16xi1>
    %add3A_2099 = arith.addf %add3A_2054, %gather3A_2066 : vector<16xf32>
    %jit3A_2100 = arith.constant 0.000000e+00 : f32
    %broadcast_in_dim3A_2101 = vector.broadcast %jit3A_2100 : f32 to vector<16xf32>
    %select_n3A_2102 = arith.select %or3A_2098, %gather3A_2066, %broadcast_in_dim3A_2101 : vector<16xi1>, vector<16xf32>
    %add3A_2103 = arith.addf %add3A_2058, %select_n3A_2102 : vector<16xf32>
    %add3A_2104 = arith.constant 144 : i32
    %add3A_2105 = vector.broadcast %add3A_2104 : i32 to vector<16xi32>
    %add3A_2106 = arith.addi %add3A_2105, %iota3A : vector<16xi32>
    %mul3A_2107 = arith.constant 256 : i32
    %mul3A_2108 = arith.muli %arg1, %mul3A_2107 : i32
    %add3A_2109 = vector.broadcast %mul3A_2108 : i32 to vector<16xi32>
    %add3A_2110 = arith.addi %add3A_2109, %add3A_2106 : vector<16xi32>
    %add3A_2111 = arith.constant 0 : i32
    %add3A_2112 = vector.broadcast %add3A_2111 : i32 to vector<16xi32>
    %add3A_2113 = arith.addi %add3A_2110, %add3A_2112 : vector<16xi32>
    %gather3A_2114 = tpu.vector_load_idx %arg6[%add3A_2113] : memref<20480xi32, #tpu.memory_space<vmem>>[vector<16xi32>], vector<16xi32>,
    %add3A_2115 = arith.constant 0 : i32
    %add3A_2116 = vector.broadcast %add3A_2115 : i32 to vector<16xi32>
    %add3A_2117 = arith.addi %add3A_2106, %add3A_2116 : vector<16xi32>
    %gather3A_2118 = tpu.vector_load_idx %arg7[%add3A_2117] : memref<1280xf32, #tpu.memory_space<vmem>>[vector<16xi32>], vector<16xf32>,
    %broadcast_in_dim3A_2119 = arith.constant false
    %broadcast_in_dim3A_2120 = vector.broadcast %broadcast_in_dim3A_2119 : i1 to vector<16xi1>
    %add3A_2121 = arith.constant 0 : i32
    %add3A_2122 = vector.broadcast %add3A_2121 : i32 to vector<16xi32>
    %add3A_2123 = arith.addi %gather3A_2114, %add3A_2122 : vector<16xi32>
    %gather3A_2124 = tpu.vector_load_idx %arg6[%add3A_2123] : memref<20480xi32, #tpu.memory_space<vmem>>[vector<16xi32>], vector<16xi32>,
    %eq3A_2125 = arith.cmpi eq, %gather3A_2124, %add3A_2110 : vector<16xi32>
    %or3A_2126 = arith.ori %broadcast_in_dim3A_2120, %eq3A_2125 : vector<16xi1>
    %add3A_2127 = arith.constant 4096 : i32
    %add3A_2128 = vector.broadcast %add3A_2127 : i32 to vector<16xi32>
    %add3A_2129 = arith.addi %gather3A_2114, %add3A_2128 : vector<16xi32>
    %gather3A_2130 = tpu.vector_load_idx %arg6[%add3A_2129] : memref<20480xi32, #tpu.memory_space<vmem>>[vector<16xi32>], vector<16xi32>,
    %eq3A_2131 = arith.cmpi eq, %gather3A_2130, %add3A_2110 : vector<16xi32>
    %or3A_2132 = arith.ori %or3A_2126, %eq3A_2131 : vector<16xi1>
    %add3A_2133 = arith.constant 8192 : i32
    %add3A_2134 = vector.broadcast %add3A_2133 : i32 to vector<16xi32>
    %add3A_2135 = arith.addi %gather3A_2114, %add3A_2134 : vector<16xi32>
    %gather3A_2136 = tpu.vector_load_idx %arg6[%add3A_2135] : memref<20480xi32, #tpu.memory_space<vmem>>[vector<16xi32>], vector<16xi32>,
    %eq3A_2137 = arith.cmpi eq, %gather3A_2136, %add3A_2110 : vector<16xi32>
    %or3A_2138 = arith.ori %or3A_2132, %eq3A_2137 : vector<16xi1>
    %add3A_2139 = arith.constant 12288 : i32
    %add3A_2140 = vector.broadcast %add3A_2139 : i32 to vector<16xi32>
    %add3A_2141 = arith.addi %gather3A_2114, %add3A_2140 : vector<16xi32>
    %gather3A_2142 = tpu.vector_load_idx %arg6[%add3A_2141] : memref<20480xi32, #tpu.memory_space<vmem>>[vector<16xi32>], vector<16xi32>,
    %eq3A_2143 = arith.cmpi eq, %gather3A_2142, %add3A_2110 : vector<16xi32>
    %or3A_2144 = arith.ori %or3A_2138, %eq3A_2143 : vector<16xi1>
    %add3A_2145 = arith.constant 16384 : i32
    %add3A_2146 = vector.broadcast %add3A_2145 : i32 to vector<16xi32>
    %add3A_2147 = arith.addi %gather3A_2114, %add3A_2146 : vector<16xi32>
    %gather3A_2148 = tpu.vector_load_idx %arg6[%add3A_2147] : memref<20480xi32, #tpu.memory_space<vmem>>[vector<16xi32>], vector<16xi32>,
    %eq3A_2149 = arith.cmpi eq, %gather3A_2148, %add3A_2110 : vector<16xi32>
    %or3A_2150 = arith.ori %or3A_2144, %eq3A_2149 : vector<16xi1>
    %add3A_2151 = arith.addf %add3A_2099, %gather3A_2118 : vector<16xf32>
    %jit3A_2152 = arith.constant 0.000000e+00 : f32
    %broadcast_in_dim3A_2153 = vector.broadcast %jit3A_2152 : f32 to vector<16xf32>
    %select_n3A_2154 = arith.select %or3A_2150, %gather3A_2118, %broadcast_in_dim3A_2153 : vector<16xi1>, vector<16xf32>
    %add3A_2155 = arith.addf %add3A_2103, %select_n3A_2154 : vector<16xf32>
    %add3A_2156 = arith.constant 4096 : i32
    %add3A_2157 = vector.broadcast %add3A_2156 : i32 to vector<16xi32>
    %add3A_2158 = arith.addi %add3A_2110, %add3A_2157 : vector<16xi32>
    %gather3A_2159 = tpu.vector_load_idx %arg6[%add3A_2158] : memref<20480xi32, #tpu.memory_space<vmem>>[vector<16xi32>], vector<16xi32>,
    %add3A_2160 = arith.constant 256 : i32
    %add3A_2161 = vector.broadcast %add3A_2160 : i32 to vector<16xi32>
    %add3A_2162 = arith.addi %add3A_2106, %add3A_2161 : vector<16xi32>
    %gather3A_2163 = tpu.vector_load_idx %arg7[%add3A_2162] : memref<1280xf32, #tpu.memory_space<vmem>>[vector<16xi32>], vector<16xf32>,
    %broadcast_in_dim3A_2164 = arith.constant false
    %broadcast_in_dim3A_2165 = vector.broadcast %broadcast_in_dim3A_2164 : i1 to vector<16xi1>
    %add3A_2166 = arith.constant 0 : i32
    %add3A_2167 = vector.broadcast %add3A_2166 : i32 to vector<16xi32>
    %add3A_2168 = arith.addi %gather3A_2159, %add3A_2167 : vector<16xi32>
    %gather3A_2169 = tpu.vector_load_idx %arg6[%add3A_2168] : memref<20480xi32, #tpu.memory_space<vmem>>[vector<16xi32>], vector<16xi32>,
    %eq3A_2170 = arith.cmpi eq, %gather3A_2169, %add3A_2110 : vector<16xi32>
    %or3A_2171 = arith.ori %broadcast_in_dim3A_2165, %eq3A_2170 : vector<16xi1>
    %add3A_2172 = arith.constant 4096 : i32
    %add3A_2173 = vector.broadcast %add3A_2172 : i32 to vector<16xi32>
    %add3A_2174 = arith.addi %gather3A_2159, %add3A_2173 : vector<16xi32>
    %gather3A_2175 = tpu.vector_load_idx %arg6[%add3A_2174] : memref<20480xi32, #tpu.memory_space<vmem>>[vector<16xi32>], vector<16xi32>,
    %eq3A_2176 = arith.cmpi eq, %gather3A_2175, %add3A_2110 : vector<16xi32>
    %or3A_2177 = arith.ori %or3A_2171, %eq3A_2176 : vector<16xi1>
    %add3A_2178 = arith.constant 8192 : i32
    %add3A_2179 = vector.broadcast %add3A_2178 : i32 to vector<16xi32>
    %add3A_2180 = arith.addi %gather3A_2159, %add3A_2179 : vector<16xi32>
    %gather3A_2181 = tpu.vector_load_idx %arg6[%add3A_2180] : memref<20480xi32, #tpu.memory_space<vmem>>[vector<16xi32>], vector<16xi32>,
    %eq3A_2182 = arith.cmpi eq, %gather3A_2181, %add3A_2110 : vector<16xi32>
    %or3A_2183 = arith.ori %or3A_2177, %eq3A_2182 : vector<16xi1>
    %add3A_2184 = arith.constant 12288 : i32
    %add3A_2185 = vector.broadcast %add3A_2184 : i32 to vector<16xi32>
    %add3A_2186 = arith.addi %gather3A_2159, %add3A_2185 : vector<16xi32>
    %gather3A_2187 = tpu.vector_load_idx %arg6[%add3A_2186] : memref<20480xi32, #tpu.memory_space<vmem>>[vector<16xi32>], vector<16xi32>,
    %eq3A_2188 = arith.cmpi eq, %gather3A_2187, %add3A_2110 : vector<16xi32>
    %or3A_2189 = arith.ori %or3A_2183, %eq3A_2188 : vector<16xi1>
    %add3A_2190 = arith.constant 16384 : i32
    %add3A_2191 = vector.broadcast %add3A_2190 : i32 to vector<16xi32>
    %add3A_2192 = arith.addi %gather3A_2159, %add3A_2191 : vector<16xi32>
    %gather3A_2193 = tpu.vector_load_idx %arg6[%add3A_2192] : memref<20480xi32, #tpu.memory_space<vmem>>[vector<16xi32>], vector<16xi32>,
    %eq3A_2194 = arith.cmpi eq, %gather3A_2193, %add3A_2110 : vector<16xi32>
    %or3A_2195 = arith.ori %or3A_2189, %eq3A_2194 : vector<16xi1>
    %add3A_2196 = arith.addf %add3A_2151, %gather3A_2163 : vector<16xf32>
    %jit3A_2197 = arith.constant 0.000000e+00 : f32
    %broadcast_in_dim3A_2198 = vector.broadcast %jit3A_2197 : f32 to vector<16xf32>
    %select_n3A_2199 = arith.select %or3A_2195, %gather3A_2163, %broadcast_in_dim3A_2198 : vector<16xi1>, vector<16xf32>
    %add3A_2200 = arith.addf %add3A_2155, %select_n3A_2199 : vector<16xf32>
    %add3A_2201 = arith.constant 8192 : i32
    %add3A_2202 = vector.broadcast %add3A_2201 : i32 to vector<16xi32>
    %add3A_2203 = arith.addi %add3A_2110, %add3A_2202 : vector<16xi32>
    %gather3A_2204 = tpu.vector_load_idx %arg6[%add3A_2203] : memref<20480xi32, #tpu.memory_space<vmem>>[vector<16xi32>], vector<16xi32>,
    %add3A_2205 = arith.constant 512 : i32
    %add3A_2206 = vector.broadcast %add3A_2205 : i32 to vector<16xi32>
    %add3A_2207 = arith.addi %add3A_2106, %add3A_2206 : vector<16xi32>
    %gather3A_2208 = tpu.vector_load_idx %arg7[%add3A_2207] : memref<1280xf32, #tpu.memory_space<vmem>>[vector<16xi32>], vector<16xf32>,
    %broadcast_in_dim3A_2209 = arith.constant false
    %broadcast_in_dim3A_2210 = vector.broadcast %broadcast_in_dim3A_2209 : i1 to vector<16xi1>
    %add3A_2211 = arith.constant 0 : i32
    %add3A_2212 = vector.broadcast %add3A_2211 : i32 to vector<16xi32>
    %add3A_2213 = arith.addi %gather3A_2204, %add3A_2212 : vector<16xi32>
    %gather3A_2214 = tpu.vector_load_idx %arg6[%add3A_2213] : memref<20480xi32, #tpu.memory_space<vmem>>[vector<16xi32>], vector<16xi32>,
    %eq3A_2215 = arith.cmpi eq, %gather3A_2214, %add3A_2110 : vector<16xi32>
    %or3A_2216 = arith.ori %broadcast_in_dim3A_2210, %eq3A_2215 : vector<16xi1>
    %add3A_2217 = arith.constant 4096 : i32
    %add3A_2218 = vector.broadcast %add3A_2217 : i32 to vector<16xi32>
    %add3A_2219 = arith.addi %gather3A_2204, %add3A_2218 : vector<16xi32>
    %gather3A_2220 = tpu.vector_load_idx %arg6[%add3A_2219] : memref<20480xi32, #tpu.memory_space<vmem>>[vector<16xi32>], vector<16xi32>,
    %eq3A_2221 = arith.cmpi eq, %gather3A_2220, %add3A_2110 : vector<16xi32>
    %or3A_2222 = arith.ori %or3A_2216, %eq3A_2221 : vector<16xi1>
    %add3A_2223 = arith.constant 8192 : i32
    %add3A_2224 = vector.broadcast %add3A_2223 : i32 to vector<16xi32>
    %add3A_2225 = arith.addi %gather3A_2204, %add3A_2224 : vector<16xi32>
    %gather3A_2226 = tpu.vector_load_idx %arg6[%add3A_2225] : memref<20480xi32, #tpu.memory_space<vmem>>[vector<16xi32>], vector<16xi32>,
    %eq3A_2227 = arith.cmpi eq, %gather3A_2226, %add3A_2110 : vector<16xi32>
    %or3A_2228 = arith.ori %or3A_2222, %eq3A_2227 : vector<16xi1>
    %add3A_2229 = arith.constant 12288 : i32
    %add3A_2230 = vector.broadcast %add3A_2229 : i32 to vector<16xi32>
    %add3A_2231 = arith.addi %gather3A_2204, %add3A_2230 : vector<16xi32>
    %gather3A_2232 = tpu.vector_load_idx %arg6[%add3A_2231] : memref<20480xi32, #tpu.memory_space<vmem>>[vector<16xi32>], vector<16xi32>,
    %eq3A_2233 = arith.cmpi eq, %gather3A_2232, %add3A_2110 : vector<16xi32>
    %or3A_2234 = arith.ori %or3A_2228, %eq3A_2233 : vector<16xi1>
    %add3A_2235 = arith.constant 16384 : i32
    %add3A_2236 = vector.broadcast %add3A_2235 : i32 to vector<16xi32>
    %add3A_2237 = arith.addi %gather3A_2204, %add3A_2236 : vector<16xi32>
    %gather3A_2238 = tpu.vector_load_idx %arg6[%add3A_2237] : memref<20480xi32, #tpu.memory_space<vmem>>[vector<16xi32>], vector<16xi32>,
    %eq3A_2239 = arith.cmpi eq, %gather3A_2238, %add3A_2110 : vector<16xi32>
    %or3A_2240 = arith.ori %or3A_2234, %eq3A_2239 : vector<16xi1>
    %add3A_2241 = arith.addf %add3A_2196, %gather3A_2208 : vector<16xf32>
    %jit3A_2242 = arith.constant 0.000000e+00 : f32
    %broadcast_in_dim3A_2243 = vector.broadcast %jit3A_2242 : f32 to vector<16xf32>
    %select_n3A_2244 = arith.select %or3A_2240, %gather3A_2208, %broadcast_in_dim3A_2243 : vector<16xi1>, vector<16xf32>
    %add3A_2245 = arith.addf %add3A_2200, %select_n3A_2244 : vector<16xf32>
    %add3A_2246 = arith.constant 12288 : i32
    %add3A_2247 = vector.broadcast %add3A_2246 : i32 to vector<16xi32>
    %add3A_2248 = arith.addi %add3A_2110, %add3A_2247 : vector<16xi32>
    %gather3A_2249 = tpu.vector_load_idx %arg6[%add3A_2248] : memref<20480xi32, #tpu.memory_space<vmem>>[vector<16xi32>], vector<16xi32>,
    %add3A_2250 = arith.constant 768 : i32
    %add3A_2251 = vector.broadcast %add3A_2250 : i32 to vector<16xi32>
    %add3A_2252 = arith.addi %add3A_2106, %add3A_2251 : vector<16xi32>
    %gather3A_2253 = tpu.vector_load_idx %arg7[%add3A_2252] : memref<1280xf32, #tpu.memory_space<vmem>>[vector<16xi32>], vector<16xf32>,
    %broadcast_in_dim3A_2254 = arith.constant false
    %broadcast_in_dim3A_2255 = vector.broadcast %broadcast_in_dim3A_2254 : i1 to vector<16xi1>
    %add3A_2256 = arith.constant 0 : i32
    %add3A_2257 = vector.broadcast %add3A_2256 : i32 to vector<16xi32>
    %add3A_2258 = arith.addi %gather3A_2249, %add3A_2257 : vector<16xi32>
    %gather3A_2259 = tpu.vector_load_idx %arg6[%add3A_2258] : memref<20480xi32, #tpu.memory_space<vmem>>[vector<16xi32>], vector<16xi32>,
    %eq3A_2260 = arith.cmpi eq, %gather3A_2259, %add3A_2110 : vector<16xi32>
    %or3A_2261 = arith.ori %broadcast_in_dim3A_2255, %eq3A_2260 : vector<16xi1>
    %add3A_2262 = arith.constant 4096 : i32
    %add3A_2263 = vector.broadcast %add3A_2262 : i32 to vector<16xi32>
    %add3A_2264 = arith.addi %gather3A_2249, %add3A_2263 : vector<16xi32>
    %gather3A_2265 = tpu.vector_load_idx %arg6[%add3A_2264] : memref<20480xi32, #tpu.memory_space<vmem>>[vector<16xi32>], vector<16xi32>,
    %eq3A_2266 = arith.cmpi eq, %gather3A_2265, %add3A_2110 : vector<16xi32>
    %or3A_2267 = arith.ori %or3A_2261, %eq3A_2266 : vector<16xi1>
    %add3A_2268 = arith.constant 8192 : i32
    %add3A_2269 = vector.broadcast %add3A_2268 : i32 to vector<16xi32>
    %add3A_2270 = arith.addi %gather3A_2249, %add3A_2269 : vector<16xi32>
    %gather3A_2271 = tpu.vector_load_idx %arg6[%add3A_2270] : memref<20480xi32, #tpu.memory_space<vmem>>[vector<16xi32>], vector<16xi32>,
    %eq3A_2272 = arith.cmpi eq, %gather3A_2271, %add3A_2110 : vector<16xi32>
    %or3A_2273 = arith.ori %or3A_2267, %eq3A_2272 : vector<16xi1>
    %add3A_2274 = arith.constant 12288 : i32
    %add3A_2275 = vector.broadcast %add3A_2274 : i32 to vector<16xi32>
    %add3A_2276 = arith.addi %gather3A_2249, %add3A_2275 : vector<16xi32>
    %gather3A_2277 = tpu.vector_load_idx %arg6[%add3A_2276] : memref<20480xi32, #tpu.memory_space<vmem>>[vector<16xi32>], vector<16xi32>,
    %eq3A_2278 = arith.cmpi eq, %gather3A_2277, %add3A_2110 : vector<16xi32>
    %or3A_2279 = arith.ori %or3A_2273, %eq3A_2278 : vector<16xi1>
    %add3A_2280 = arith.constant 16384 : i32
    %add3A_2281 = vector.broadcast %add3A_2280 : i32 to vector<16xi32>
    %add3A_2282 = arith.addi %gather3A_2249, %add3A_2281 : vector<16xi32>
    %gather3A_2283 = tpu.vector_load_idx %arg6[%add3A_2282] : memref<20480xi32, #tpu.memory_space<vmem>>[vector<16xi32>], vector<16xi32>,
    %eq3A_2284 = arith.cmpi eq, %gather3A_2283, %add3A_2110 : vector<16xi32>
    %or3A_2285 = arith.ori %or3A_2279, %eq3A_2284 : vector<16xi1>
    %add3A_2286 = arith.addf %add3A_2241, %gather3A_2253 : vector<16xf32>
    %jit3A_2287 = arith.constant 0.000000e+00 : f32
    %broadcast_in_dim3A_2288 = vector.broadcast %jit3A_2287 : f32 to vector<16xf32>
    %select_n3A_2289 = arith.select %or3A_2285, %gather3A_2253, %broadcast_in_dim3A_2288 : vector<16xi1>, vector<16xf32>
    %add3A_2290 = arith.addf %add3A_2245, %select_n3A_2289 : vector<16xf32>
    %add3A_2291 = arith.constant 16384 : i32
    %add3A_2292 = vector.broadcast %add3A_2291 : i32 to vector<16xi32>
    %add3A_2293 = arith.addi %add3A_2110, %add3A_2292 : vector<16xi32>
    %gather3A_2294 = tpu.vector_load_idx %arg6[%add3A_2293] : memref<20480xi32, #tpu.memory_space<vmem>>[vector<16xi32>], vector<16xi32>,
    %add3A_2295 = arith.constant 1024 : i32
    %add3A_2296 = vector.broadcast %add3A_2295 : i32 to vector<16xi32>
    %add3A_2297 = arith.addi %add3A_2106, %add3A_2296 : vector<16xi32>
    %gather3A_2298 = tpu.vector_load_idx %arg7[%add3A_2297] : memref<1280xf32, #tpu.memory_space<vmem>>[vector<16xi32>], vector<16xf32>,
    %broadcast_in_dim3A_2299 = arith.constant false
    %broadcast_in_dim3A_2300 = vector.broadcast %broadcast_in_dim3A_2299 : i1 to vector<16xi1>
    %add3A_2301 = arith.constant 0 : i32
    %add3A_2302 = vector.broadcast %add3A_2301 : i32 to vector<16xi32>
    %add3A_2303 = arith.addi %gather3A_2294, %add3A_2302 : vector<16xi32>
    %gather3A_2304 = tpu.vector_load_idx %arg6[%add3A_2303] : memref<20480xi32, #tpu.memory_space<vmem>>[vector<16xi32>], vector<16xi32>,
    %eq3A_2305 = arith.cmpi eq, %gather3A_2304, %add3A_2110 : vector<16xi32>
    %or3A_2306 = arith.ori %broadcast_in_dim3A_2300, %eq3A_2305 : vector<16xi1>
    %add3A_2307 = arith.constant 4096 : i32
    %add3A_2308 = vector.broadcast %add3A_2307 : i32 to vector<16xi32>
    %add3A_2309 = arith.addi %gather3A_2294, %add3A_2308 : vector<16xi32>
    %gather3A_2310 = tpu.vector_load_idx %arg6[%add3A_2309] : memref<20480xi32, #tpu.memory_space<vmem>>[vector<16xi32>], vector<16xi32>,
    %eq3A_2311 = arith.cmpi eq, %gather3A_2310, %add3A_2110 : vector<16xi32>
    %or3A_2312 = arith.ori %or3A_2306, %eq3A_2311 : vector<16xi1>
    %add3A_2313 = arith.constant 8192 : i32
    %add3A_2314 = vector.broadcast %add3A_2313 : i32 to vector<16xi32>
    %add3A_2315 = arith.addi %gather3A_2294, %add3A_2314 : vector<16xi32>
    %gather3A_2316 = tpu.vector_load_idx %arg6[%add3A_2315] : memref<20480xi32, #tpu.memory_space<vmem>>[vector<16xi32>], vector<16xi32>,
    %eq3A_2317 = arith.cmpi eq, %gather3A_2316, %add3A_2110 : vector<16xi32>
    %or3A_2318 = arith.ori %or3A_2312, %eq3A_2317 : vector<16xi1>
    %add3A_2319 = arith.constant 12288 : i32
    %add3A_2320 = vector.broadcast %add3A_2319 : i32 to vector<16xi32>
    %add3A_2321 = arith.addi %gather3A_2294, %add3A_2320 : vector<16xi32>
    %gather3A_2322 = tpu.vector_load_idx %arg6[%add3A_2321] : memref<20480xi32, #tpu.memory_space<vmem>>[vector<16xi32>], vector<16xi32>,
    %eq3A_2323 = arith.cmpi eq, %gather3A_2322, %add3A_2110 : vector<16xi32>
    %or3A_2324 = arith.ori %or3A_2318, %eq3A_2323 : vector<16xi1>
    %add3A_2325 = arith.constant 16384 : i32
    %add3A_2326 = vector.broadcast %add3A_2325 : i32 to vector<16xi32>
    %add3A_2327 = arith.addi %gather3A_2294, %add3A_2326 : vector<16xi32>
    %gather3A_2328 = tpu.vector_load_idx %arg6[%add3A_2327] : memref<20480xi32, #tpu.memory_space<vmem>>[vector<16xi32>], vector<16xi32>,
    %eq3A_2329 = arith.cmpi eq, %gather3A_2328, %add3A_2110 : vector<16xi32>
    %or3A_2330 = arith.ori %or3A_2324, %eq3A_2329 : vector<16xi1>
    %add3A_2331 = arith.addf %add3A_2286, %gather3A_2298 : vector<16xf32>
    %jit3A_2332 = arith.constant 0.000000e+00 : f32
    %broadcast_in_dim3A_2333 = vector.broadcast %jit3A_2332 : f32 to vector<16xf32>
    %select_n3A_2334 = arith.select %or3A_2330, %gather3A_2298, %broadcast_in_dim3A_2333 : vector<16xi1>, vector<16xf32>
    %add3A_2335 = arith.addf %add3A_2290, %select_n3A_2334 : vector<16xf32>
    %add3A_2336 = arith.constant 160 : i32
    %add3A_2337 = vector.broadcast %add3A_2336 : i32 to vector<16xi32>
    %add3A_2338 = arith.addi %add3A_2337, %iota3A : vector<16xi32>
    %mul3A_2339 = arith.constant 256 : i32
    %mul3A_2340 = arith.muli %arg1, %mul3A_2339 : i32
    %add3A_2341 = vector.broadcast %mul3A_2340 : i32 to vector<16xi32>
    %add3A_2342 = arith.addi %add3A_2341, %add3A_2338 : vector<16xi32>
    %add3A_2343 = arith.constant 0 : i32
    %add3A_2344 = vector.broadcast %add3A_2343 : i32 to vector<16xi32>
    %add3A_2345 = arith.addi %add3A_2342, %add3A_2344 : vector<16xi32>
    %gather3A_2346 = tpu.vector_load_idx %arg6[%add3A_2345] : memref<20480xi32, #tpu.memory_space<vmem>>[vector<16xi32>], vector<16xi32>,
    %add3A_2347 = arith.constant 0 : i32
    %add3A_2348 = vector.broadcast %add3A_2347 : i32 to vector<16xi32>
    %add3A_2349 = arith.addi %add3A_2338, %add3A_2348 : vector<16xi32>
    %gather3A_2350 = tpu.vector_load_idx %arg7[%add3A_2349] : memref<1280xf32, #tpu.memory_space<vmem>>[vector<16xi32>], vector<16xf32>,
    %broadcast_in_dim3A_2351 = arith.constant false
    %broadcast_in_dim3A_2352 = vector.broadcast %broadcast_in_dim3A_2351 : i1 to vector<16xi1>
    %add3A_2353 = arith.constant 0 : i32
    %add3A_2354 = vector.broadcast %add3A_2353 : i32 to vector<16xi32>
    %add3A_2355 = arith.addi %gather3A_2346, %add3A_2354 : vector<16xi32>
    %gather3A_2356 = tpu.vector_load_idx %arg6[%add3A_2355] : memref<20480xi32, #tpu.memory_space<vmem>>[vector<16xi32>], vector<16xi32>,
    %eq3A_2357 = arith.cmpi eq, %gather3A_2356, %add3A_2342 : vector<16xi32>
    %or3A_2358 = arith.ori %broadcast_in_dim3A_2352, %eq3A_2357 : vector<16xi1>
    %add3A_2359 = arith.constant 4096 : i32
    %add3A_2360 = vector.broadcast %add3A_2359 : i32 to vector<16xi32>
    %add3A_2361 = arith.addi %gather3A_2346, %add3A_2360 : vector<16xi32>
    %gather3A_2362 = tpu.vector_load_idx %arg6[%add3A_2361] : memref<20480xi32, #tpu.memory_space<vmem>>[vector<16xi32>], vector<16xi32>,
    %eq3A_2363 = arith.cmpi eq, %gather3A_2362, %add3A_2342 : vector<16xi32>
    %or3A_2364 = arith.ori %or3A_2358, %eq3A_2363 : vector<16xi1>
    %add3A_2365 = arith.constant 8192 : i32
    %add3A_2366 = vector.broadcast %add3A_2365 : i32 to vector<16xi32>
    %add3A_2367 = arith.addi %gather3A_2346, %add3A_2366 : vector<16xi32>
    %gather3A_2368 = tpu.vector_load_idx %arg6[%add3A_2367] : memref<20480xi32, #tpu.memory_space<vmem>>[vector<16xi32>], vector<16xi32>,
    %eq3A_2369 = arith.cmpi eq, %gather3A_2368, %add3A_2342 : vector<16xi32>
    %or3A_2370 = arith.ori %or3A_2364, %eq3A_2369 : vector<16xi1>
    %add3A_2371 = arith.constant 12288 : i32
    %add3A_2372 = vector.broadcast %add3A_2371 : i32 to vector<16xi32>
    %add3A_2373 = arith.addi %gather3A_2346, %add3A_2372 : vector<16xi32>
    %gather3A_2374 = tpu.vector_load_idx %arg6[%add3A_2373] : memref<20480xi32, #tpu.memory_space<vmem>>[vector<16xi32>], vector<16xi32>,
    %eq3A_2375 = arith.cmpi eq, %gather3A_2374, %add3A_2342 : vector<16xi32>
    %or3A_2376 = arith.ori %or3A_2370, %eq3A_2375 : vector<16xi1>
    %add3A_2377 = arith.constant 16384 : i32
    %add3A_2378 = vector.broadcast %add3A_2377 : i32 to vector<16xi32>
    %add3A_2379 = arith.addi %gather3A_2346, %add3A_2378 : vector<16xi32>
    %gather3A_2380 = tpu.vector_load_idx %arg6[%add3A_2379] : memref<20480xi32, #tpu.memory_space<vmem>>[vector<16xi32>], vector<16xi32>,
    %eq3A_2381 = arith.cmpi eq, %gather3A_2380, %add3A_2342 : vector<16xi32>
    %or3A_2382 = arith.ori %or3A_2376, %eq3A_2381 : vector<16xi1>
    %add3A_2383 = arith.addf %add3A_2331, %gather3A_2350 : vector<16xf32>
    %jit3A_2384 = arith.constant 0.000000e+00 : f32
    %broadcast_in_dim3A_2385 = vector.broadcast %jit3A_2384 : f32 to vector<16xf32>
    %select_n3A_2386 = arith.select %or3A_2382, %gather3A_2350, %broadcast_in_dim3A_2385 : vector<16xi1>, vector<16xf32>
    %add3A_2387 = arith.addf %add3A_2335, %select_n3A_2386 : vector<16xf32>
    %add3A_2388 = arith.constant 4096 : i32
    %add3A_2389 = vector.broadcast %add3A_2388 : i32 to vector<16xi32>
    %add3A_2390 = arith.addi %add3A_2342, %add3A_2389 : vector<16xi32>
    %gather3A_2391 = tpu.vector_load_idx %arg6[%add3A_2390] : memref<20480xi32, #tpu.memory_space<vmem>>[vector<16xi32>], vector<16xi32>,
    %add3A_2392 = arith.constant 256 : i32
    %add3A_2393 = vector.broadcast %add3A_2392 : i32 to vector<16xi32>
    %add3A_2394 = arith.addi %add3A_2338, %add3A_2393 : vector<16xi32>
    %gather3A_2395 = tpu.vector_load_idx %arg7[%add3A_2394] : memref<1280xf32, #tpu.memory_space<vmem>>[vector<16xi32>], vector<16xf32>,
    %broadcast_in_dim3A_2396 = arith.constant false
    %broadcast_in_dim3A_2397 = vector.broadcast %broadcast_in_dim3A_2396 : i1 to vector<16xi1>
    %add3A_2398 = arith.constant 0 : i32
    %add3A_2399 = vector.broadcast %add3A_2398 : i32 to vector<16xi32>
    %add3A_2400 = arith.addi %gather3A_2391, %add3A_2399 : vector<16xi32>
    %gather3A_2401 = tpu.vector_load_idx %arg6[%add3A_2400] : memref<20480xi32, #tpu.memory_space<vmem>>[vector<16xi32>], vector<16xi32>,
    %eq3A_2402 = arith.cmpi eq, %gather3A_2401, %add3A_2342 : vector<16xi32>
    %or3A_2403 = arith.ori %broadcast_in_dim3A_2397, %eq3A_2402 : vector<16xi1>
    %add3A_2404 = arith.constant 4096 : i32
    %add3A_2405 = vector.broadcast %add3A_2404 : i32 to vector<16xi32>
    %add3A_2406 = arith.addi %gather3A_2391, %add3A_2405 : vector<16xi32>
    %gather3A_2407 = tpu.vector_load_idx %arg6[%add3A_2406] : memref<20480xi32, #tpu.memory_space<vmem>>[vector<16xi32>], vector<16xi32>,
    %eq3A_2408 = arith.cmpi eq, %gather3A_2407, %add3A_2342 : vector<16xi32>
    %or3A_2409 = arith.ori %or3A_2403, %eq3A_2408 : vector<16xi1>
    %add3A_2410 = arith.constant 8192 : i32
    %add3A_2411 = vector.broadcast %add3A_2410 : i32 to vector<16xi32>
    %add3A_2412 = arith.addi %gather3A_2391, %add3A_2411 : vector<16xi32>
    %gather3A_2413 = tpu.vector_load_idx %arg6[%add3A_2412] : memref<20480xi32, #tpu.memory_space<vmem>>[vector<16xi32>], vector<16xi32>,
    %eq3A_2414 = arith.cmpi eq, %gather3A_2413, %add3A_2342 : vector<16xi32>
    %or3A_2415 = arith.ori %or3A_2409, %eq3A_2414 : vector<16xi1>
    %add3A_2416 = arith.constant 12288 : i32
    %add3A_2417 = vector.broadcast %add3A_2416 : i32 to vector<16xi32>
    %add3A_2418 = arith.addi %gather3A_2391, %add3A_2417 : vector<16xi32>
    %gather3A_2419 = tpu.vector_load_idx %arg6[%add3A_2418] : memref<20480xi32, #tpu.memory_space<vmem>>[vector<16xi32>], vector<16xi32>,
    %eq3A_2420 = arith.cmpi eq, %gather3A_2419, %add3A_2342 : vector<16xi32>
    %or3A_2421 = arith.ori %or3A_2415, %eq3A_2420 : vector<16xi1>
    %add3A_2422 = arith.constant 16384 : i32
    %add3A_2423 = vector.broadcast %add3A_2422 : i32 to vector<16xi32>
    %add3A_2424 = arith.addi %gather3A_2391, %add3A_2423 : vector<16xi32>
    %gather3A_2425 = tpu.vector_load_idx %arg6[%add3A_2424] : memref<20480xi32, #tpu.memory_space<vmem>>[vector<16xi32>], vector<16xi32>,
    %eq3A_2426 = arith.cmpi eq, %gather3A_2425, %add3A_2342 : vector<16xi32>
    %or3A_2427 = arith.ori %or3A_2421, %eq3A_2426 : vector<16xi1>
    %add3A_2428 = arith.addf %add3A_2383, %gather3A_2395 : vector<16xf32>
    %jit3A_2429 = arith.constant 0.000000e+00 : f32
    %broadcast_in_dim3A_2430 = vector.broadcast %jit3A_2429 : f32 to vector<16xf32>
    %select_n3A_2431 = arith.select %or3A_2427, %gather3A_2395, %broadcast_in_dim3A_2430 : vector<16xi1>, vector<16xf32>
    %add3A_2432 = arith.addf %add3A_2387, %select_n3A_2431 : vector<16xf32>
    %add3A_2433 = arith.constant 8192 : i32
    %add3A_2434 = vector.broadcast %add3A_2433 : i32 to vector<16xi32>
    %add3A_2435 = arith.addi %add3A_2342, %add3A_2434 : vector<16xi32>
    %gather3A_2436 = tpu.vector_load_idx %arg6[%add3A_2435] : memref<20480xi32, #tpu.memory_space<vmem>>[vector<16xi32>], vector<16xi32>,
    %add3A_2437 = arith.constant 512 : i32
    %add3A_2438 = vector.broadcast %add3A_2437 : i32 to vector<16xi32>
    %add3A_2439 = arith.addi %add3A_2338, %add3A_2438 : vector<16xi32>
    %gather3A_2440 = tpu.vector_load_idx %arg7[%add3A_2439] : memref<1280xf32, #tpu.memory_space<vmem>>[vector<16xi32>], vector<16xf32>,
    %broadcast_in_dim3A_2441 = arith.constant false
    %broadcast_in_dim3A_2442 = vector.broadcast %broadcast_in_dim3A_2441 : i1 to vector<16xi1>
    %add3A_2443 = arith.constant 0 : i32
    %add3A_2444 = vector.broadcast %add3A_2443 : i32 to vector<16xi32>
    %add3A_2445 = arith.addi %gather3A_2436, %add3A_2444 : vector<16xi32>
    %gather3A_2446 = tpu.vector_load_idx %arg6[%add3A_2445] : memref<20480xi32, #tpu.memory_space<vmem>>[vector<16xi32>], vector<16xi32>,
    %eq3A_2447 = arith.cmpi eq, %gather3A_2446, %add3A_2342 : vector<16xi32>
    %or3A_2448 = arith.ori %broadcast_in_dim3A_2442, %eq3A_2447 : vector<16xi1>
    %add3A_2449 = arith.constant 4096 : i32
    %add3A_2450 = vector.broadcast %add3A_2449 : i32 to vector<16xi32>
    %add3A_2451 = arith.addi %gather3A_2436, %add3A_2450 : vector<16xi32>
    %gather3A_2452 = tpu.vector_load_idx %arg6[%add3A_2451] : memref<20480xi32, #tpu.memory_space<vmem>>[vector<16xi32>], vector<16xi32>,
    %eq3A_2453 = arith.cmpi eq, %gather3A_2452, %add3A_2342 : vector<16xi32>
    %or3A_2454 = arith.ori %or3A_2448, %eq3A_2453 : vector<16xi1>
    %add3A_2455 = arith.constant 8192 : i32
    %add3A_2456 = vector.broadcast %add3A_2455 : i32 to vector<16xi32>
    %add3A_2457 = arith.addi %gather3A_2436, %add3A_2456 : vector<16xi32>
    %gather3A_2458 = tpu.vector_load_idx %arg6[%add3A_2457] : memref<20480xi32, #tpu.memory_space<vmem>>[vector<16xi32>], vector<16xi32>,
    %eq3A_2459 = arith.cmpi eq, %gather3A_2458, %add3A_2342 : vector<16xi32>
    %or3A_2460 = arith.ori %or3A_2454, %eq3A_2459 : vector<16xi1>
    %add3A_2461 = arith.constant 12288 : i32
    %add3A_2462 = vector.broadcast %add3A_2461 : i32 to vector<16xi32>
    %add3A_2463 = arith.addi %gather3A_2436, %add3A_2462 : vector<16xi32>
    %gather3A_2464 = tpu.vector_load_idx %arg6[%add3A_2463] : memref<20480xi32, #tpu.memory_space<vmem>>[vector<16xi32>], vector<16xi32>,
    %eq3A_2465 = arith.cmpi eq, %gather3A_2464, %add3A_2342 : vector<16xi32>
    %or3A_2466 = arith.ori %or3A_2460, %eq3A_2465 : vector<16xi1>
    %add3A_2467 = arith.constant 16384 : i32
    %add3A_2468 = vector.broadcast %add3A_2467 : i32 to vector<16xi32>
    %add3A_2469 = arith.addi %gather3A_2436, %add3A_2468 : vector<16xi32>
    %gather3A_2470 = tpu.vector_load_idx %arg6[%add3A_2469] : memref<20480xi32, #tpu.memory_space<vmem>>[vector<16xi32>], vector<16xi32>,
    %eq3A_2471 = arith.cmpi eq, %gather3A_2470, %add3A_2342 : vector<16xi32>
    %or3A_2472 = arith.ori %or3A_2466, %eq3A_2471 : vector<16xi1>
    %add3A_2473 = arith.addf %add3A_2428, %gather3A_2440 : vector<16xf32>
    %jit3A_2474 = arith.constant 0.000000e+00 : f32
    %broadcast_in_dim3A_2475 = vector.broadcast %jit3A_2474 : f32 to vector<16xf32>
    %select_n3A_2476 = arith.select %or3A_2472, %gather3A_2440, %broadcast_in_dim3A_2475 : vector<16xi1>, vector<16xf32>
    %add3A_2477 = arith.addf %add3A_2432, %select_n3A_2476 : vector<16xf32>
    %add3A_2478 = arith.constant 12288 : i32
    %add3A_2479 = vector.broadcast %add3A_2478 : i32 to vector<16xi32>
    %add3A_2480 = arith.addi %add3A_2342, %add3A_2479 : vector<16xi32>
    %gather3A_2481 = tpu.vector_load_idx %arg6[%add3A_2480] : memref<20480xi32, #tpu.memory_space<vmem>>[vector<16xi32>], vector<16xi32>,
    %add3A_2482 = arith.constant 768 : i32
    %add3A_2483 = vector.broadcast %add3A_2482 : i32 to vector<16xi32>
    %add3A_2484 = arith.addi %add3A_2338, %add3A_2483 : vector<16xi32>
    %gather3A_2485 = tpu.vector_load_idx %arg7[%add3A_2484] : memref<1280xf32, #tpu.memory_space<vmem>>[vector<16xi32>], vector<16xf32>,
    %broadcast_in_dim3A_2486 = arith.constant false
    %broadcast_in_dim3A_2487 = vector.broadcast %broadcast_in_dim3A_2486 : i1 to vector<16xi1>
    %add3A_2488 = arith.constant 0 : i32
    %add3A_2489 = vector.broadcast %add3A_2488 : i32 to vector<16xi32>
    %add3A_2490 = arith.addi %gather3A_2481, %add3A_2489 : vector<16xi32>
    %gather3A_2491 = tpu.vector_load_idx %arg6[%add3A_2490] : memref<20480xi32, #tpu.memory_space<vmem>>[vector<16xi32>], vector<16xi32>,
    %eq3A_2492 = arith.cmpi eq, %gather3A_2491, %add3A_2342 : vector<16xi32>
    %or3A_2493 = arith.ori %broadcast_in_dim3A_2487, %eq3A_2492 : vector<16xi1>
    %add3A_2494 = arith.constant 4096 : i32
    %add3A_2495 = vector.broadcast %add3A_2494 : i32 to vector<16xi32>
    %add3A_2496 = arith.addi %gather3A_2481, %add3A_2495 : vector<16xi32>
    %gather3A_2497 = tpu.vector_load_idx %arg6[%add3A_2496] : memref<20480xi32, #tpu.memory_space<vmem>>[vector<16xi32>], vector<16xi32>,
    %eq3A_2498 = arith.cmpi eq, %gather3A_2497, %add3A_2342 : vector<16xi32>
    %or3A_2499 = arith.ori %or3A_2493, %eq3A_2498 : vector<16xi1>
    %add3A_2500 = arith.constant 8192 : i32
    %add3A_2501 = vector.broadcast %add3A_2500 : i32 to vector<16xi32>
    %add3A_2502 = arith.addi %gather3A_2481, %add3A_2501 : vector<16xi32>
    %gather3A_2503 = tpu.vector_load_idx %arg6[%add3A_2502] : memref<20480xi32, #tpu.memory_space<vmem>>[vector<16xi32>], vector<16xi32>,
    %eq3A_2504 = arith.cmpi eq, %gather3A_2503, %add3A_2342 : vector<16xi32>
    %or3A_2505 = arith.ori %or3A_2499, %eq3A_2504 : vector<16xi1>
    %add3A_2506 = arith.constant 12288 : i32
    %add3A_2507 = vector.broadcast %add3A_2506 : i32 to vector<16xi32>
    %add3A_2508 = arith.addi %gather3A_2481, %add3A_2507 : vector<16xi32>
    %gather3A_2509 = tpu.vector_load_idx %arg6[%add3A_2508] : memref<20480xi32, #tpu.memory_space<vmem>>[vector<16xi32>], vector<16xi32>,
    %eq3A_2510 = arith.cmpi eq, %gather3A_2509, %add3A_2342 : vector<16xi32>
    %or3A_2511 = arith.ori %or3A_2505, %eq3A_2510 : vector<16xi1>
    %add3A_2512 = arith.constant 16384 : i32
    %add3A_2513 = vector.broadcast %add3A_2512 : i32 to vector<16xi32>
    %add3A_2514 = arith.addi %gather3A_2481, %add3A_2513 : vector<16xi32>
    %gather3A_2515 = tpu.vector_load_idx %arg6[%add3A_2514] : memref<20480xi32, #tpu.memory_space<vmem>>[vector<16xi32>], vector<16xi32>,
    %eq3A_2516 = arith.cmpi eq, %gather3A_2515, %add3A_2342 : vector<16xi32>
    %or3A_2517 = arith.ori %or3A_2511, %eq3A_2516 : vector<16xi1>
    %add3A_2518 = arith.addf %add3A_2473, %gather3A_2485 : vector<16xf32>
    %jit3A_2519 = arith.constant 0.000000e+00 : f32
    %broadcast_in_dim3A_2520 = vector.broadcast %jit3A_2519 : f32 to vector<16xf32>
    %select_n3A_2521 = arith.select %or3A_2517, %gather3A_2485, %broadcast_in_dim3A_2520 : vector<16xi1>, vector<16xf32>
    %add3A_2522 = arith.addf %add3A_2477, %select_n3A_2521 : vector<16xf32>
    %add3A_2523 = arith.constant 16384 : i32
    %add3A_2524 = vector.broadcast %add3A_2523 : i32 to vector<16xi32>
    %add3A_2525 = arith.addi %add3A_2342, %add3A_2524 : vector<16xi32>
    %gather3A_2526 = tpu.vector_load_idx %arg6[%add3A_2525] : memref<20480xi32, #tpu.memory_space<vmem>>[vector<16xi32>], vector<16xi32>,
    %add3A_2527 = arith.constant 1024 : i32
    %add3A_2528 = vector.broadcast %add3A_2527 : i32 to vector<16xi32>
    %add3A_2529 = arith.addi %add3A_2338, %add3A_2528 : vector<16xi32>
    %gather3A_2530 = tpu.vector_load_idx %arg7[%add3A_2529] : memref<1280xf32, #tpu.memory_space<vmem>>[vector<16xi32>], vector<16xf32>,
    %broadcast_in_dim3A_2531 = arith.constant false
    %broadcast_in_dim3A_2532 = vector.broadcast %broadcast_in_dim3A_2531 : i1 to vector<16xi1>
    %add3A_2533 = arith.constant 0 : i32
    %add3A_2534 = vector.broadcast %add3A_2533 : i32 to vector<16xi32>
    %add3A_2535 = arith.addi %gather3A_2526, %add3A_2534 : vector<16xi32>
    %gather3A_2536 = tpu.vector_load_idx %arg6[%add3A_2535] : memref<20480xi32, #tpu.memory_space<vmem>>[vector<16xi32>], vector<16xi32>,
    %eq3A_2537 = arith.cmpi eq, %gather3A_2536, %add3A_2342 : vector<16xi32>
    %or3A_2538 = arith.ori %broadcast_in_dim3A_2532, %eq3A_2537 : vector<16xi1>
    %add3A_2539 = arith.constant 4096 : i32
    %add3A_2540 = vector.broadcast %add3A_2539 : i32 to vector<16xi32>
    %add3A_2541 = arith.addi %gather3A_2526, %add3A_2540 : vector<16xi32>
    %gather3A_2542 = tpu.vector_load_idx %arg6[%add3A_2541] : memref<20480xi32, #tpu.memory_space<vmem>>[vector<16xi32>], vector<16xi32>,
    %eq3A_2543 = arith.cmpi eq, %gather3A_2542, %add3A_2342 : vector<16xi32>
    %or3A_2544 = arith.ori %or3A_2538, %eq3A_2543 : vector<16xi1>
    %add3A_2545 = arith.constant 8192 : i32
    %add3A_2546 = vector.broadcast %add3A_2545 : i32 to vector<16xi32>
    %add3A_2547 = arith.addi %gather3A_2526, %add3A_2546 : vector<16xi32>
    %gather3A_2548 = tpu.vector_load_idx %arg6[%add3A_2547] : memref<20480xi32, #tpu.memory_space<vmem>>[vector<16xi32>], vector<16xi32>,
    %eq3A_2549 = arith.cmpi eq, %gather3A_2548, %add3A_2342 : vector<16xi32>
    %or3A_2550 = arith.ori %or3A_2544, %eq3A_2549 : vector<16xi1>
    %add3A_2551 = arith.constant 12288 : i32
    %add3A_2552 = vector.broadcast %add3A_2551 : i32 to vector<16xi32>
    %add3A_2553 = arith.addi %gather3A_2526, %add3A_2552 : vector<16xi32>
    %gather3A_2554 = tpu.vector_load_idx %arg6[%add3A_2553] : memref<20480xi32, #tpu.memory_space<vmem>>[vector<16xi32>], vector<16xi32>,
    %eq3A_2555 = arith.cmpi eq, %gather3A_2554, %add3A_2342 : vector<16xi32>
    %or3A_2556 = arith.ori %or3A_2550, %eq3A_2555 : vector<16xi1>
    %add3A_2557 = arith.constant 16384 : i32
    %add3A_2558 = vector.broadcast %add3A_2557 : i32 to vector<16xi32>
    %add3A_2559 = arith.addi %gather3A_2526, %add3A_2558 : vector<16xi32>
    %gather3A_2560 = tpu.vector_load_idx %arg6[%add3A_2559] : memref<20480xi32, #tpu.memory_space<vmem>>[vector<16xi32>], vector<16xi32>,
    %eq3A_2561 = arith.cmpi eq, %gather3A_2560, %add3A_2342 : vector<16xi32>
    %or3A_2562 = arith.ori %or3A_2556, %eq3A_2561 : vector<16xi1>
    %add3A_2563 = arith.addf %add3A_2518, %gather3A_2530 : vector<16xf32>
    %jit3A_2564 = arith.constant 0.000000e+00 : f32
    %broadcast_in_dim3A_2565 = vector.broadcast %jit3A_2564 : f32 to vector<16xf32>
    %select_n3A_2566 = arith.select %or3A_2562, %gather3A_2530, %broadcast_in_dim3A_2565 : vector<16xi1>, vector<16xf32>
    %add3A_2567 = arith.addf %add3A_2522, %select_n3A_2566 : vector<16xf32>
    %add3A_2568 = arith.constant 176 : i32
    %add3A_2569 = vector.broadcast %add3A_2568 : i32 to vector<16xi32>
    %add3A_2570 = arith.addi %add3A_2569, %iota3A : vector<16xi32>
    %mul3A_2571 = arith.constant 256 : i32
    %mul3A_2572 = arith.muli %arg1, %mul3A_2571 : i32
    %add3A_2573 = vector.broadcast %mul3A_2572 : i32 to vector<16xi32>
    %add3A_2574 = arith.addi %add3A_2573, %add3A_2570 : vector<16xi32>
    %add3A_2575 = arith.constant 0 : i32
    %add3A_2576 = vector.broadcast %add3A_2575 : i32 to vector<16xi32>
    %add3A_2577 = arith.addi %add3A_2574, %add3A_2576 : vector<16xi32>
    %gather3A_2578 = tpu.vector_load_idx %arg6[%add3A_2577] : memref<20480xi32, #tpu.memory_space<vmem>>[vector<16xi32>], vector<16xi32>,
    %add3A_2579 = arith.constant 0 : i32
    %add3A_2580 = vector.broadcast %add3A_2579 : i32 to vector<16xi32>
    %add3A_2581 = arith.addi %add3A_2570, %add3A_2580 : vector<16xi32>
    %gather3A_2582 = tpu.vector_load_idx %arg7[%add3A_2581] : memref<1280xf32, #tpu.memory_space<vmem>>[vector<16xi32>], vector<16xf32>,
    %broadcast_in_dim3A_2583 = arith.constant false
    %broadcast_in_dim3A_2584 = vector.broadcast %broadcast_in_dim3A_2583 : i1 to vector<16xi1>
    %add3A_2585 = arith.constant 0 : i32
    %add3A_2586 = vector.broadcast %add3A_2585 : i32 to vector<16xi32>
    %add3A_2587 = arith.addi %gather3A_2578, %add3A_2586 : vector<16xi32>
    %gather3A_2588 = tpu.vector_load_idx %arg6[%add3A_2587] : memref<20480xi32, #tpu.memory_space<vmem>>[vector<16xi32>], vector<16xi32>,
    %eq3A_2589 = arith.cmpi eq, %gather3A_2588, %add3A_2574 : vector<16xi32>
    %or3A_2590 = arith.ori %broadcast_in_dim3A_2584, %eq3A_2589 : vector<16xi1>
    %add3A_2591 = arith.constant 4096 : i32
    %add3A_2592 = vector.broadcast %add3A_2591 : i32 to vector<16xi32>
    %add3A_2593 = arith.addi %gather3A_2578, %add3A_2592 : vector<16xi32>
    %gather3A_2594 = tpu.vector_load_idx %arg6[%add3A_2593] : memref<20480xi32, #tpu.memory_space<vmem>>[vector<16xi32>], vector<16xi32>,
    %eq3A_2595 = arith.cmpi eq, %gather3A_2594, %add3A_2574 : vector<16xi32>
    %or3A_2596 = arith.ori %or3A_2590, %eq3A_2595 : vector<16xi1>
    %add3A_2597 = arith.constant 8192 : i32
    %add3A_2598 = vector.broadcast %add3A_2597 : i32 to vector<16xi32>
    %add3A_2599 = arith.addi %gather3A_2578, %add3A_2598 : vector<16xi32>
    %gather3A_2600 = tpu.vector_load_idx %arg6[%add3A_2599] : memref<20480xi32, #tpu.memory_space<vmem>>[vector<16xi32>], vector<16xi32>,
    %eq3A_2601 = arith.cmpi eq, %gather3A_2600, %add3A_2574 : vector<16xi32>
    %or3A_2602 = arith.ori %or3A_2596, %eq3A_2601 : vector<16xi1>
    %add3A_2603 = arith.constant 12288 : i32
    %add3A_2604 = vector.broadcast %add3A_2603 : i32 to vector<16xi32>
    %add3A_2605 = arith.addi %gather3A_2578, %add3A_2604 : vector<16xi32>
    %gather3A_2606 = tpu.vector_load_idx %arg6[%add3A_2605] : memref<20480xi32, #tpu.memory_space<vmem>>[vector<16xi32>], vector<16xi32>,
    %eq3A_2607 = arith.cmpi eq, %gather3A_2606, %add3A_2574 : vector<16xi32>
    %or3A_2608 = arith.ori %or3A_2602, %eq3A_2607 : vector<16xi1>
    %add3A_2609 = arith.constant 16384 : i32
    %add3A_2610 = vector.broadcast %add3A_2609 : i32 to vector<16xi32>
    %add3A_2611 = arith.addi %gather3A_2578, %add3A_2610 : vector<16xi32>
    %gather3A_2612 = tpu.vector_load_idx %arg6[%add3A_2611] : memref<20480xi32, #tpu.memory_space<vmem>>[vector<16xi32>], vector<16xi32>,
    %eq3A_2613 = arith.cmpi eq, %gather3A_2612, %add3A_2574 : vector<16xi32>
    %or3A_2614 = arith.ori %or3A_2608, %eq3A_2613 : vector<16xi1>
    %add3A_2615 = arith.addf %add3A_2563, %gather3A_2582 : vector<16xf32>
    %jit3A_2616 = arith.constant 0.000000e+00 : f32
    %broadcast_in_dim3A_2617 = vector.broadcast %jit3A_2616 : f32 to vector<16xf32>
    %select_n3A_2618 = arith.select %or3A_2614, %gather3A_2582, %broadcast_in_dim3A_2617 : vector<16xi1>, vector<16xf32>
    %add3A_2619 = arith.addf %add3A_2567, %select_n3A_2618 : vector<16xf32>
    %add3A_2620 = arith.constant 4096 : i32
    %add3A_2621 = vector.broadcast %add3A_2620 : i32 to vector<16xi32>
    %add3A_2622 = arith.addi %add3A_2574, %add3A_2621 : vector<16xi32>
    %gather3A_2623 = tpu.vector_load_idx %arg6[%add3A_2622] : memref<20480xi32, #tpu.memory_space<vmem>>[vector<16xi32>], vector<16xi32>,
    %add3A_2624 = arith.constant 256 : i32
    %add3A_2625 = vector.broadcast %add3A_2624 : i32 to vector<16xi32>
    %add3A_2626 = arith.addi %add3A_2570, %add3A_2625 : vector<16xi32>
    %gather3A_2627 = tpu.vector_load_idx %arg7[%add3A_2626] : memref<1280xf32, #tpu.memory_space<vmem>>[vector<16xi32>], vector<16xf32>,
    %broadcast_in_dim3A_2628 = arith.constant false
    %broadcast_in_dim3A_2629 = vector.broadcast %broadcast_in_dim3A_2628 : i1 to vector<16xi1>
    %add3A_2630 = arith.constant 0 : i32
    %add3A_2631 = vector.broadcast %add3A_2630 : i32 to vector<16xi32>
    %add3A_2632 = arith.addi %gather3A_2623, %add3A_2631 : vector<16xi32>
    %gather3A_2633 = tpu.vector_load_idx %arg6[%add3A_2632] : memref<20480xi32, #tpu.memory_space<vmem>>[vector<16xi32>], vector<16xi32>,
    %eq3A_2634 = arith.cmpi eq, %gather3A_2633, %add3A_2574 : vector<16xi32>
    %or3A_2635 = arith.ori %broadcast_in_dim3A_2629, %eq3A_2634 : vector<16xi1>
    %add3A_2636 = arith.constant 4096 : i32
    %add3A_2637 = vector.broadcast %add3A_2636 : i32 to vector<16xi32>
    %add3A_2638 = arith.addi %gather3A_2623, %add3A_2637 : vector<16xi32>
    %gather3A_2639 = tpu.vector_load_idx %arg6[%add3A_2638] : memref<20480xi32, #tpu.memory_space<vmem>>[vector<16xi32>], vector<16xi32>,
    %eq3A_2640 = arith.cmpi eq, %gather3A_2639, %add3A_2574 : vector<16xi32>
    %or3A_2641 = arith.ori %or3A_2635, %eq3A_2640 : vector<16xi1>
    %add3A_2642 = arith.constant 8192 : i32
    %add3A_2643 = vector.broadcast %add3A_2642 : i32 to vector<16xi32>
    %add3A_2644 = arith.addi %gather3A_2623, %add3A_2643 : vector<16xi32>
    %gather3A_2645 = tpu.vector_load_idx %arg6[%add3A_2644] : memref<20480xi32, #tpu.memory_space<vmem>>[vector<16xi32>], vector<16xi32>,
    %eq3A_2646 = arith.cmpi eq, %gather3A_2645, %add3A_2574 : vector<16xi32>
    %or3A_2647 = arith.ori %or3A_2641, %eq3A_2646 : vector<16xi1>
    %add3A_2648 = arith.constant 12288 : i32
    %add3A_2649 = vector.broadcast %add3A_2648 : i32 to vector<16xi32>
    %add3A_2650 = arith.addi %gather3A_2623, %add3A_2649 : vector<16xi32>
    %gather3A_2651 = tpu.vector_load_idx %arg6[%add3A_2650] : memref<20480xi32, #tpu.memory_space<vmem>>[vector<16xi32>], vector<16xi32>,
    %eq3A_2652 = arith.cmpi eq, %gather3A_2651, %add3A_2574 : vector<16xi32>
    %or3A_2653 = arith.ori %or3A_2647, %eq3A_2652 : vector<16xi1>
    %add3A_2654 = arith.constant 16384 : i32
    %add3A_2655 = vector.broadcast %add3A_2654 : i32 to vector<16xi32>
    %add3A_2656 = arith.addi %gather3A_2623, %add3A_2655 : vector<16xi32>
    %gather3A_2657 = tpu.vector_load_idx %arg6[%add3A_2656] : memref<20480xi32, #tpu.memory_space<vmem>>[vector<16xi32>], vector<16xi32>,
    %eq3A_2658 = arith.cmpi eq, %gather3A_2657, %add3A_2574 : vector<16xi32>
    %or3A_2659 = arith.ori %or3A_2653, %eq3A_2658 : vector<16xi1>
    %add3A_2660 = arith.addf %add3A_2615, %gather3A_2627 : vector<16xf32>
    %jit3A_2661 = arith.constant 0.000000e+00 : f32
    %broadcast_in_dim3A_2662 = vector.broadcast %jit3A_2661 : f32 to vector<16xf32>
    %select_n3A_2663 = arith.select %or3A_2659, %gather3A_2627, %broadcast_in_dim3A_2662 : vector<16xi1>, vector<16xf32>
    %add3A_2664 = arith.addf %add3A_2619, %select_n3A_2663 : vector<16xf32>
    %add3A_2665 = arith.constant 8192 : i32
    %add3A_2666 = vector.broadcast %add3A_2665 : i32 to vector<16xi32>
    %add3A_2667 = arith.addi %add3A_2574, %add3A_2666 : vector<16xi32>
    %gather3A_2668 = tpu.vector_load_idx %arg6[%add3A_2667] : memref<20480xi32, #tpu.memory_space<vmem>>[vector<16xi32>], vector<16xi32>,
    %add3A_2669 = arith.constant 512 : i32
    %add3A_2670 = vector.broadcast %add3A_2669 : i32 to vector<16xi32>
    %add3A_2671 = arith.addi %add3A_2570, %add3A_2670 : vector<16xi32>
    %gather3A_2672 = tpu.vector_load_idx %arg7[%add3A_2671] : memref<1280xf32, #tpu.memory_space<vmem>>[vector<16xi32>], vector<16xf32>,
    %broadcast_in_dim3A_2673 = arith.constant false
    %broadcast_in_dim3A_2674 = vector.broadcast %broadcast_in_dim3A_2673 : i1 to vector<16xi1>
    %add3A_2675 = arith.constant 0 : i32
    %add3A_2676 = vector.broadcast %add3A_2675 : i32 to vector<16xi32>
    %add3A_2677 = arith.addi %gather3A_2668, %add3A_2676 : vector<16xi32>
    %gather3A_2678 = tpu.vector_load_idx %arg6[%add3A_2677] : memref<20480xi32, #tpu.memory_space<vmem>>[vector<16xi32>], vector<16xi32>,
    %eq3A_2679 = arith.cmpi eq, %gather3A_2678, %add3A_2574 : vector<16xi32>
    %or3A_2680 = arith.ori %broadcast_in_dim3A_2674, %eq3A_2679 : vector<16xi1>
    %add3A_2681 = arith.constant 4096 : i32
    %add3A_2682 = vector.broadcast %add3A_2681 : i32 to vector<16xi32>
    %add3A_2683 = arith.addi %gather3A_2668, %add3A_2682 : vector<16xi32>
    %gather3A_2684 = tpu.vector_load_idx %arg6[%add3A_2683] : memref<20480xi32, #tpu.memory_space<vmem>>[vector<16xi32>], vector<16xi32>,
    %eq3A_2685 = arith.cmpi eq, %gather3A_2684, %add3A_2574 : vector<16xi32>
    %or3A_2686 = arith.ori %or3A_2680, %eq3A_2685 : vector<16xi1>
    %add3A_2687 = arith.constant 8192 : i32
    %add3A_2688 = vector.broadcast %add3A_2687 : i32 to vector<16xi32>
    %add3A_2689 = arith.addi %gather3A_2668, %add3A_2688 : vector<16xi32>
    %gather3A_2690 = tpu.vector_load_idx %arg6[%add3A_2689] : memref<20480xi32, #tpu.memory_space<vmem>>[vector<16xi32>], vector<16xi32>,
    %eq3A_2691 = arith.cmpi eq, %gather3A_2690, %add3A_2574 : vector<16xi32>
    %or3A_2692 = arith.ori %or3A_2686, %eq3A_2691 : vector<16xi1>
    %add3A_2693 = arith.constant 12288 : i32
    %add3A_2694 = vector.broadcast %add3A_2693 : i32 to vector<16xi32>
    %add3A_2695 = arith.addi %gather3A_2668, %add3A_2694 : vector<16xi32>
    %gather3A_2696 = tpu.vector_load_idx %arg6[%add3A_2695] : memref<20480xi32, #tpu.memory_space<vmem>>[vector<16xi32>], vector<16xi32>,
    %eq3A_2697 = arith.cmpi eq, %gather3A_2696, %add3A_2574 : vector<16xi32>
    %or3A_2698 = arith.ori %or3A_2692, %eq3A_2697 : vector<16xi1>
    %add3A_2699 = arith.constant 16384 : i32
    %add3A_2700 = vector.broadcast %add3A_2699 : i32 to vector<16xi32>
    %add3A_2701 = arith.addi %gather3A_2668, %add3A_2700 : vector<16xi32>
    %gather3A_2702 = tpu.vector_load_idx %arg6[%add3A_2701] : memref<20480xi32, #tpu.memory_space<vmem>>[vector<16xi32>], vector<16xi32>,
    %eq3A_2703 = arith.cmpi eq, %gather3A_2702, %add3A_2574 : vector<16xi32>
    %or3A_2704 = arith.ori %or3A_2698, %eq3A_2703 : vector<16xi1>
    %add3A_2705 = arith.addf %add3A_2660, %gather3A_2672 : vector<16xf32>
    %jit3A_2706 = arith.constant 0.000000e+00 : f32
    %broadcast_in_dim3A_2707 = vector.broadcast %jit3A_2706 : f32 to vector<16xf32>
    %select_n3A_2708 = arith.select %or3A_2704, %gather3A_2672, %broadcast_in_dim3A_2707 : vector<16xi1>, vector<16xf32>
    %add3A_2709 = arith.addf %add3A_2664, %select_n3A_2708 : vector<16xf32>
    %add3A_2710 = arith.constant 12288 : i32
    %add3A_2711 = vector.broadcast %add3A_2710 : i32 to vector<16xi32>
    %add3A_2712 = arith.addi %add3A_2574, %add3A_2711 : vector<16xi32>
    %gather3A_2713 = tpu.vector_load_idx %arg6[%add3A_2712] : memref<20480xi32, #tpu.memory_space<vmem>>[vector<16xi32>], vector<16xi32>,
    %add3A_2714 = arith.constant 768 : i32
    %add3A_2715 = vector.broadcast %add3A_2714 : i32 to vector<16xi32>
    %add3A_2716 = arith.addi %add3A_2570, %add3A_2715 : vector<16xi32>
    %gather3A_2717 = tpu.vector_load_idx %arg7[%add3A_2716] : memref<1280xf32, #tpu.memory_space<vmem>>[vector<16xi32>], vector<16xf32>,
    %broadcast_in_dim3A_2718 = arith.constant false
    %broadcast_in_dim3A_2719 = vector.broadcast %broadcast_in_dim3A_2718 : i1 to vector<16xi1>
    %add3A_2720 = arith.constant 0 : i32
    %add3A_2721 = vector.broadcast %add3A_2720 : i32 to vector<16xi32>
    %add3A_2722 = arith.addi %gather3A_2713, %add3A_2721 : vector<16xi32>
    %gather3A_2723 = tpu.vector_load_idx %arg6[%add3A_2722] : memref<20480xi32, #tpu.memory_space<vmem>>[vector<16xi32>], vector<16xi32>,
    %eq3A_2724 = arith.cmpi eq, %gather3A_2723, %add3A_2574 : vector<16xi32>
    %or3A_2725 = arith.ori %broadcast_in_dim3A_2719, %eq3A_2724 : vector<16xi1>
    %add3A_2726 = arith.constant 4096 : i32
    %add3A_2727 = vector.broadcast %add3A_2726 : i32 to vector<16xi32>
    %add3A_2728 = arith.addi %gather3A_2713, %add3A_2727 : vector<16xi32>
    %gather3A_2729 = tpu.vector_load_idx %arg6[%add3A_2728] : memref<20480xi32, #tpu.memory_space<vmem>>[vector<16xi32>], vector<16xi32>,
    %eq3A_2730 = arith.cmpi eq, %gather3A_2729, %add3A_2574 : vector<16xi32>
    %or3A_2731 = arith.ori %or3A_2725, %eq3A_2730 : vector<16xi1>
    %add3A_2732 = arith.constant 8192 : i32
    %add3A_2733 = vector.broadcast %add3A_2732 : i32 to vector<16xi32>
    %add3A_2734 = arith.addi %gather3A_2713, %add3A_2733 : vector<16xi32>
    %gather3A_2735 = tpu.vector_load_idx %arg6[%add3A_2734] : memref<20480xi32, #tpu.memory_space<vmem>>[vector<16xi32>], vector<16xi32>,
    %eq3A_2736 = arith.cmpi eq, %gather3A_2735, %add3A_2574 : vector<16xi32>
    %or3A_2737 = arith.ori %or3A_2731, %eq3A_2736 : vector<16xi1>
    %add3A_2738 = arith.constant 12288 : i32
    %add3A_2739 = vector.broadcast %add3A_2738 : i32 to vector<16xi32>
    %add3A_2740 = arith.addi %gather3A_2713, %add3A_2739 : vector<16xi32>
    %gather3A_2741 = tpu.vector_load_idx %arg6[%add3A_2740] : memref<20480xi32, #tpu.memory_space<vmem>>[vector<16xi32>], vector<16xi32>,
    %eq3A_2742 = arith.cmpi eq, %gather3A_2741, %add3A_2574 : vector<16xi32>
    %or3A_2743 = arith.ori %or3A_2737, %eq3A_2742 : vector<16xi1>
    %add3A_2744 = arith.constant 16384 : i32
    %add3A_2745 = vector.broadcast %add3A_2744 : i32 to vector<16xi32>
    %add3A_2746 = arith.addi %gather3A_2713, %add3A_2745 : vector<16xi32>
    %gather3A_2747 = tpu.vector_load_idx %arg6[%add3A_2746] : memref<20480xi32, #tpu.memory_space<vmem>>[vector<16xi32>], vector<16xi32>,
    %eq3A_2748 = arith.cmpi eq, %gather3A_2747, %add3A_2574 : vector<16xi32>
    %or3A_2749 = arith.ori %or3A_2743, %eq3A_2748 : vector<16xi1>
    %add3A_2750 = arith.addf %add3A_2705, %gather3A_2717 : vector<16xf32>
    %jit3A_2751 = arith.constant 0.000000e+00 : f32
    %broadcast_in_dim3A_2752 = vector.broadcast %jit3A_2751 : f32 to vector<16xf32>
    %select_n3A_2753 = arith.select %or3A_2749, %gather3A_2717, %broadcast_in_dim3A_2752 : vector<16xi1>, vector<16xf32>
    %add3A_2754 = arith.addf %add3A_2709, %select_n3A_2753 : vector<16xf32>
    %add3A_2755 = arith.constant 16384 : i32
    %add3A_2756 = vector.broadcast %add3A_2755 : i32 to vector<16xi32>
    %add3A_2757 = arith.addi %add3A_2574, %add3A_2756 : vector<16xi32>
    %gather3A_2758 = tpu.vector_load_idx %arg6[%add3A_2757] : memref<20480xi32, #tpu.memory_space<vmem>>[vector<16xi32>], vector<16xi32>,
    %add3A_2759 = arith.constant 1024 : i32
    %add3A_2760 = vector.broadcast %add3A_2759 : i32 to vector<16xi32>
    %add3A_2761 = arith.addi %add3A_2570, %add3A_2760 : vector<16xi32>
    %gather3A_2762 = tpu.vector_load_idx %arg7[%add3A_2761] : memref<1280xf32, #tpu.memory_space<vmem>>[vector<16xi32>], vector<16xf32>,
    %broadcast_in_dim3A_2763 = arith.constant false
    %broadcast_in_dim3A_2764 = vector.broadcast %broadcast_in_dim3A_2763 : i1 to vector<16xi1>
    %add3A_2765 = arith.constant 0 : i32
    %add3A_2766 = vector.broadcast %add3A_2765 : i32 to vector<16xi32>
    %add3A_2767 = arith.addi %gather3A_2758, %add3A_2766 : vector<16xi32>
    %gather3A_2768 = tpu.vector_load_idx %arg6[%add3A_2767] : memref<20480xi32, #tpu.memory_space<vmem>>[vector<16xi32>], vector<16xi32>,
    %eq3A_2769 = arith.cmpi eq, %gather3A_2768, %add3A_2574 : vector<16xi32>
    %or3A_2770 = arith.ori %broadcast_in_dim3A_2764, %eq3A_2769 : vector<16xi1>
    %add3A_2771 = arith.constant 4096 : i32
    %add3A_2772 = vector.broadcast %add3A_2771 : i32 to vector<16xi32>
    %add3A_2773 = arith.addi %gather3A_2758, %add3A_2772 : vector<16xi32>
    %gather3A_2774 = tpu.vector_load_idx %arg6[%add3A_2773] : memref<20480xi32, #tpu.memory_space<vmem>>[vector<16xi32>], vector<16xi32>,
    %eq3A_2775 = arith.cmpi eq, %gather3A_2774, %add3A_2574 : vector<16xi32>
    %or3A_2776 = arith.ori %or3A_2770, %eq3A_2775 : vector<16xi1>
    %add3A_2777 = arith.constant 8192 : i32
    %add3A_2778 = vector.broadcast %add3A_2777 : i32 to vector<16xi32>
    %add3A_2779 = arith.addi %gather3A_2758, %add3A_2778 : vector<16xi32>
    %gather3A_2780 = tpu.vector_load_idx %arg6[%add3A_2779] : memref<20480xi32, #tpu.memory_space<vmem>>[vector<16xi32>], vector<16xi32>,
    %eq3A_2781 = arith.cmpi eq, %gather3A_2780, %add3A_2574 : vector<16xi32>
    %or3A_2782 = arith.ori %or3A_2776, %eq3A_2781 : vector<16xi1>
    %add3A_2783 = arith.constant 12288 : i32
    %add3A_2784 = vector.broadcast %add3A_2783 : i32 to vector<16xi32>
    %add3A_2785 = arith.addi %gather3A_2758, %add3A_2784 : vector<16xi32>
    %gather3A_2786 = tpu.vector_load_idx %arg6[%add3A_2785] : memref<20480xi32, #tpu.memory_space<vmem>>[vector<16xi32>], vector<16xi32>,
    %eq3A_2787 = arith.cmpi eq, %gather3A_2786, %add3A_2574 : vector<16xi32>
    %or3A_2788 = arith.ori %or3A_2782, %eq3A_2787 : vector<16xi1>
    %add3A_2789 = arith.constant 16384 : i32
    %add3A_2790 = vector.broadcast %add3A_2789 : i32 to vector<16xi32>
    %add3A_2791 = arith.addi %gather3A_2758, %add3A_2790 : vector<16xi32>
    %gather3A_2792 = tpu.vector_load_idx %arg6[%add3A_2791] : memref<20480xi32, #tpu.memory_space<vmem>>[vector<16xi32>], vector<16xi32>,
    %eq3A_2793 = arith.cmpi eq, %gather3A_2792, %add3A_2574 : vector<16xi32>
    %or3A_2794 = arith.ori %or3A_2788, %eq3A_2793 : vector<16xi1>
    %add3A_2795 = arith.addf %add3A_2750, %gather3A_2762 : vector<16xf32>
    %jit3A_2796 = arith.constant 0.000000e+00 : f32
    %broadcast_in_dim3A_2797 = vector.broadcast %jit3A_2796 : f32 to vector<16xf32>
    %select_n3A_2798 = arith.select %or3A_2794, %gather3A_2762, %broadcast_in_dim3A_2797 : vector<16xi1>, vector<16xf32>
    %add3A_2799 = arith.addf %add3A_2754, %select_n3A_2798 : vector<16xf32>
    %add3A_2800 = arith.constant 192 : i32
    %add3A_2801 = vector.broadcast %add3A_2800 : i32 to vector<16xi32>
    %add3A_2802 = arith.addi %add3A_2801, %iota3A : vector<16xi32>
    %mul3A_2803 = arith.constant 256 : i32
    %mul3A_2804 = arith.muli %arg1, %mul3A_2803 : i32
    %add3A_2805 = vector.broadcast %mul3A_2804 : i32 to vector<16xi32>
    %add3A_2806 = arith.addi %add3A_2805, %add3A_2802 : vector<16xi32>
    %add3A_2807 = arith.constant 0 : i32
    %add3A_2808 = vector.broadcast %add3A_2807 : i32 to vector<16xi32>
    %add3A_2809 = arith.addi %add3A_2806, %add3A_2808 : vector<16xi32>
    %gather3A_2810 = tpu.vector_load_idx %arg6[%add3A_2809] : memref<20480xi32, #tpu.memory_space<vmem>>[vector<16xi32>], vector<16xi32>,
    %add3A_2811 = arith.constant 0 : i32
    %add3A_2812 = vector.broadcast %add3A_2811 : i32 to vector<16xi32>
    %add3A_2813 = arith.addi %add3A_2802, %add3A_2812 : vector<16xi32>
    %gather3A_2814 = tpu.vector_load_idx %arg7[%add3A_2813] : memref<1280xf32, #tpu.memory_space<vmem>>[vector<16xi32>], vector<16xf32>,
    %broadcast_in_dim3A_2815 = arith.constant false
    %broadcast_in_dim3A_2816 = vector.broadcast %broadcast_in_dim3A_2815 : i1 to vector<16xi1>
    %add3A_2817 = arith.constant 0 : i32
    %add3A_2818 = vector.broadcast %add3A_2817 : i32 to vector<16xi32>
    %add3A_2819 = arith.addi %gather3A_2810, %add3A_2818 : vector<16xi32>
    %gather3A_2820 = tpu.vector_load_idx %arg6[%add3A_2819] : memref<20480xi32, #tpu.memory_space<vmem>>[vector<16xi32>], vector<16xi32>,
    %eq3A_2821 = arith.cmpi eq, %gather3A_2820, %add3A_2806 : vector<16xi32>
    %or3A_2822 = arith.ori %broadcast_in_dim3A_2816, %eq3A_2821 : vector<16xi1>
    %add3A_2823 = arith.constant 4096 : i32
    %add3A_2824 = vector.broadcast %add3A_2823 : i32 to vector<16xi32>
    %add3A_2825 = arith.addi %gather3A_2810, %add3A_2824 : vector<16xi32>
    %gather3A_2826 = tpu.vector_load_idx %arg6[%add3A_2825] : memref<20480xi32, #tpu.memory_space<vmem>>[vector<16xi32>], vector<16xi32>,
    %eq3A_2827 = arith.cmpi eq, %gather3A_2826, %add3A_2806 : vector<16xi32>
    %or3A_2828 = arith.ori %or3A_2822, %eq3A_2827 : vector<16xi1>
    %add3A_2829 = arith.constant 8192 : i32
    %add3A_2830 = vector.broadcast %add3A_2829 : i32 to vector<16xi32>
    %add3A_2831 = arith.addi %gather3A_2810, %add3A_2830 : vector<16xi32>
    %gather3A_2832 = tpu.vector_load_idx %arg6[%add3A_2831] : memref<20480xi32, #tpu.memory_space<vmem>>[vector<16xi32>], vector<16xi32>,
    %eq3A_2833 = arith.cmpi eq, %gather3A_2832, %add3A_2806 : vector<16xi32>
    %or3A_2834 = arith.ori %or3A_2828, %eq3A_2833 : vector<16xi1>
    %add3A_2835 = arith.constant 12288 : i32
    %add3A_2836 = vector.broadcast %add3A_2835 : i32 to vector<16xi32>
    %add3A_2837 = arith.addi %gather3A_2810, %add3A_2836 : vector<16xi32>
    %gather3A_2838 = tpu.vector_load_idx %arg6[%add3A_2837] : memref<20480xi32, #tpu.memory_space<vmem>>[vector<16xi32>], vector<16xi32>,
    %eq3A_2839 = arith.cmpi eq, %gather3A_2838, %add3A_2806 : vector<16xi32>
    %or3A_2840 = arith.ori %or3A_2834, %eq3A_2839 : vector<16xi1>
    %add3A_2841 = arith.constant 16384 : i32
    %add3A_2842 = vector.broadcast %add3A_2841 : i32 to vector<16xi32>
    %add3A_2843 = arith.addi %gather3A_2810, %add3A_2842 : vector<16xi32>
    %gather3A_2844 = tpu.vector_load_idx %arg6[%add3A_2843] : memref<20480xi32, #tpu.memory_space<vmem>>[vector<16xi32>], vector<16xi32>,
    %eq3A_2845 = arith.cmpi eq, %gather3A_2844, %add3A_2806 : vector<16xi32>
    %or3A_2846 = arith.ori %or3A_2840, %eq3A_2845 : vector<16xi1>
    %add3A_2847 = arith.addf %add3A_2795, %gather3A_2814 : vector<16xf32>
    %jit3A_2848 = arith.constant 0.000000e+00 : f32
    %broadcast_in_dim3A_2849 = vector.broadcast %jit3A_2848 : f32 to vector<16xf32>
    %select_n3A_2850 = arith.select %or3A_2846, %gather3A_2814, %broadcast_in_dim3A_2849 : vector<16xi1>, vector<16xf32>
    %add3A_2851 = arith.addf %add3A_2799, %select_n3A_2850 : vector<16xf32>
    %add3A_2852 = arith.constant 4096 : i32
    %add3A_2853 = vector.broadcast %add3A_2852 : i32 to vector<16xi32>
    %add3A_2854 = arith.addi %add3A_2806, %add3A_2853 : vector<16xi32>
    %gather3A_2855 = tpu.vector_load_idx %arg6[%add3A_2854] : memref<20480xi32, #tpu.memory_space<vmem>>[vector<16xi32>], vector<16xi32>,
    %add3A_2856 = arith.constant 256 : i32
    %add3A_2857 = vector.broadcast %add3A_2856 : i32 to vector<16xi32>
    %add3A_2858 = arith.addi %add3A_2802, %add3A_2857 : vector<16xi32>
    %gather3A_2859 = tpu.vector_load_idx %arg7[%add3A_2858] : memref<1280xf32, #tpu.memory_space<vmem>>[vector<16xi32>], vector<16xf32>,
    %broadcast_in_dim3A_2860 = arith.constant false
    %broadcast_in_dim3A_2861 = vector.broadcast %broadcast_in_dim3A_2860 : i1 to vector<16xi1>
    %add3A_2862 = arith.constant 0 : i32
    %add3A_2863 = vector.broadcast %add3A_2862 : i32 to vector<16xi32>
    %add3A_2864 = arith.addi %gather3A_2855, %add3A_2863 : vector<16xi32>
    %gather3A_2865 = tpu.vector_load_idx %arg6[%add3A_2864] : memref<20480xi32, #tpu.memory_space<vmem>>[vector<16xi32>], vector<16xi32>,
    %eq3A_2866 = arith.cmpi eq, %gather3A_2865, %add3A_2806 : vector<16xi32>
    %or3A_2867 = arith.ori %broadcast_in_dim3A_2861, %eq3A_2866 : vector<16xi1>
    %add3A_2868 = arith.constant 4096 : i32
    %add3A_2869 = vector.broadcast %add3A_2868 : i32 to vector<16xi32>
    %add3A_2870 = arith.addi %gather3A_2855, %add3A_2869 : vector<16xi32>
    %gather3A_2871 = tpu.vector_load_idx %arg6[%add3A_2870] : memref<20480xi32, #tpu.memory_space<vmem>>[vector<16xi32>], vector<16xi32>,
    %eq3A_2872 = arith.cmpi eq, %gather3A_2871, %add3A_2806 : vector<16xi32>
    %or3A_2873 = arith.ori %or3A_2867, %eq3A_2872 : vector<16xi1>
    %add3A_2874 = arith.constant 8192 : i32
    %add3A_2875 = vector.broadcast %add3A_2874 : i32 to vector<16xi32>
    %add3A_2876 = arith.addi %gather3A_2855, %add3A_2875 : vector<16xi32>
    %gather3A_2877 = tpu.vector_load_idx %arg6[%add3A_2876] : memref<20480xi32, #tpu.memory_space<vmem>>[vector<16xi32>], vector<16xi32>,
    %eq3A_2878 = arith.cmpi eq, %gather3A_2877, %add3A_2806 : vector<16xi32>
    %or3A_2879 = arith.ori %or3A_2873, %eq3A_2878 : vector<16xi1>
    %add3A_2880 = arith.constant 12288 : i32
    %add3A_2881 = vector.broadcast %add3A_2880 : i32 to vector<16xi32>
    %add3A_2882 = arith.addi %gather3A_2855, %add3A_2881 : vector<16xi32>
    %gather3A_2883 = tpu.vector_load_idx %arg6[%add3A_2882] : memref<20480xi32, #tpu.memory_space<vmem>>[vector<16xi32>], vector<16xi32>,
    %eq3A_2884 = arith.cmpi eq, %gather3A_2883, %add3A_2806 : vector<16xi32>
    %or3A_2885 = arith.ori %or3A_2879, %eq3A_2884 : vector<16xi1>
    %add3A_2886 = arith.constant 16384 : i32
    %add3A_2887 = vector.broadcast %add3A_2886 : i32 to vector<16xi32>
    %add3A_2888 = arith.addi %gather3A_2855, %add3A_2887 : vector<16xi32>
    %gather3A_2889 = tpu.vector_load_idx %arg6[%add3A_2888] : memref<20480xi32, #tpu.memory_space<vmem>>[vector<16xi32>], vector<16xi32>,
    %eq3A_2890 = arith.cmpi eq, %gather3A_2889, %add3A_2806 : vector<16xi32>
    %or3A_2891 = arith.ori %or3A_2885, %eq3A_2890 : vector<16xi1>
    %add3A_2892 = arith.addf %add3A_2847, %gather3A_2859 : vector<16xf32>
    %jit3A_2893 = arith.constant 0.000000e+00 : f32
    %broadcast_in_dim3A_2894 = vector.broadcast %jit3A_2893 : f32 to vector<16xf32>
    %select_n3A_2895 = arith.select %or3A_2891, %gather3A_2859, %broadcast_in_dim3A_2894 : vector<16xi1>, vector<16xf32>
    %add3A_2896 = arith.addf %add3A_2851, %select_n3A_2895 : vector<16xf32>
    %add3A_2897 = arith.constant 8192 : i32
    %add3A_2898 = vector.broadcast %add3A_2897 : i32 to vector<16xi32>
    %add3A_2899 = arith.addi %add3A_2806, %add3A_2898 : vector<16xi32>
    %gather3A_2900 = tpu.vector_load_idx %arg6[%add3A_2899] : memref<20480xi32, #tpu.memory_space<vmem>>[vector<16xi32>], vector<16xi32>,
    %add3A_2901 = arith.constant 512 : i32
    %add3A_2902 = vector.broadcast %add3A_2901 : i32 to vector<16xi32>
    %add3A_2903 = arith.addi %add3A_2802, %add3A_2902 : vector<16xi32>
    %gather3A_2904 = tpu.vector_load_idx %arg7[%add3A_2903] : memref<1280xf32, #tpu.memory_space<vmem>>[vector<16xi32>], vector<16xf32>,
    %broadcast_in_dim3A_2905 = arith.constant false
    %broadcast_in_dim3A_2906 = vector.broadcast %broadcast_in_dim3A_2905 : i1 to vector<16xi1>
    %add3A_2907 = arith.constant 0 : i32
    %add3A_2908 = vector.broadcast %add3A_2907 : i32 to vector<16xi32>
    %add3A_2909 = arith.addi %gather3A_2900, %add3A_2908 : vector<16xi32>
    %gather3A_2910 = tpu.vector_load_idx %arg6[%add3A_2909] : memref<20480xi32, #tpu.memory_space<vmem>>[vector<16xi32>], vector<16xi32>,
    %eq3A_2911 = arith.cmpi eq, %gather3A_2910, %add3A_2806 : vector<16xi32>
    %or3A_2912 = arith.ori %broadcast_in_dim3A_2906, %eq3A_2911 : vector<16xi1>
    %add3A_2913 = arith.constant 4096 : i32
    %add3A_2914 = vector.broadcast %add3A_2913 : i32 to vector<16xi32>
    %add3A_2915 = arith.addi %gather3A_2900, %add3A_2914 : vector<16xi32>
    %gather3A_2916 = tpu.vector_load_idx %arg6[%add3A_2915] : memref<20480xi32, #tpu.memory_space<vmem>>[vector<16xi32>], vector<16xi32>,
    %eq3A_2917 = arith.cmpi eq, %gather3A_2916, %add3A_2806 : vector<16xi32>
    %or3A_2918 = arith.ori %or3A_2912, %eq3A_2917 : vector<16xi1>
    %add3A_2919 = arith.constant 8192 : i32
    %add3A_2920 = vector.broadcast %add3A_2919 : i32 to vector<16xi32>
    %add3A_2921 = arith.addi %gather3A_2900, %add3A_2920 : vector<16xi32>
    %gather3A_2922 = tpu.vector_load_idx %arg6[%add3A_2921] : memref<20480xi32, #tpu.memory_space<vmem>>[vector<16xi32>], vector<16xi32>,
    %eq3A_2923 = arith.cmpi eq, %gather3A_2922, %add3A_2806 : vector<16xi32>
    %or3A_2924 = arith.ori %or3A_2918, %eq3A_2923 : vector<16xi1>
    %add3A_2925 = arith.constant 12288 : i32
    %add3A_2926 = vector.broadcast %add3A_2925 : i32 to vector<16xi32>
    %add3A_2927 = arith.addi %gather3A_2900, %add3A_2926 : vector<16xi32>
    %gather3A_2928 = tpu.vector_load_idx %arg6[%add3A_2927] : memref<20480xi32, #tpu.memory_space<vmem>>[vector<16xi32>], vector<16xi32>,
    %eq3A_2929 = arith.cmpi eq, %gather3A_2928, %add3A_2806 : vector<16xi32>
    %or3A_2930 = arith.ori %or3A_2924, %eq3A_2929 : vector<16xi1>
    %add3A_2931 = arith.constant 16384 : i32
    %add3A_2932 = vector.broadcast %add3A_2931 : i32 to vector<16xi32>
    %add3A_2933 = arith.addi %gather3A_2900, %add3A_2932 : vector<16xi32>
    %gather3A_2934 = tpu.vector_load_idx %arg6[%add3A_2933] : memref<20480xi32, #tpu.memory_space<vmem>>[vector<16xi32>], vector<16xi32>,
    %eq3A_2935 = arith.cmpi eq, %gather3A_2934, %add3A_2806 : vector<16xi32>
    %or3A_2936 = arith.ori %or3A_2930, %eq3A_2935 : vector<16xi1>
    %add3A_2937 = arith.addf %add3A_2892, %gather3A_2904 : vector<16xf32>
    %jit3A_2938 = arith.constant 0.000000e+00 : f32
    %broadcast_in_dim3A_2939 = vector.broadcast %jit3A_2938 : f32 to vector<16xf32>
    %select_n3A_2940 = arith.select %or3A_2936, %gather3A_2904, %broadcast_in_dim3A_2939 : vector<16xi1>, vector<16xf32>
    %add3A_2941 = arith.addf %add3A_2896, %select_n3A_2940 : vector<16xf32>
    %add3A_2942 = arith.constant 12288 : i32
    %add3A_2943 = vector.broadcast %add3A_2942 : i32 to vector<16xi32>
    %add3A_2944 = arith.addi %add3A_2806, %add3A_2943 : vector<16xi32>
    %gather3A_2945 = tpu.vector_load_idx %arg6[%add3A_2944] : memref<20480xi32, #tpu.memory_space<vmem>>[vector<16xi32>], vector<16xi32>,
    %add3A_2946 = arith.constant 768 : i32
    %add3A_2947 = vector.broadcast %add3A_2946 : i32 to vector<16xi32>
    %add3A_2948 = arith.addi %add3A_2802, %add3A_2947 : vector<16xi32>
    %gather3A_2949 = tpu.vector_load_idx %arg7[%add3A_2948] : memref<1280xf32, #tpu.memory_space<vmem>>[vector<16xi32>], vector<16xf32>,
    %broadcast_in_dim3A_2950 = arith.constant false
    %broadcast_in_dim3A_2951 = vector.broadcast %broadcast_in_dim3A_2950 : i1 to vector<16xi1>
    %add3A_2952 = arith.constant 0 : i32
    %add3A_2953 = vector.broadcast %add3A_2952 : i32 to vector<16xi32>
    %add3A_2954 = arith.addi %gather3A_2945, %add3A_2953 : vector<16xi32>
    %gather3A_2955 = tpu.vector_load_idx %arg6[%add3A_2954] : memref<20480xi32, #tpu.memory_space<vmem>>[vector<16xi32>], vector<16xi32>,
    %eq3A_2956 = arith.cmpi eq, %gather3A_2955, %add3A_2806 : vector<16xi32>
    %or3A_2957 = arith.ori %broadcast_in_dim3A_2951, %eq3A_2956 : vector<16xi1>
    %add3A_2958 = arith.constant 4096 : i32
    %add3A_2959 = vector.broadcast %add3A_2958 : i32 to vector<16xi32>
    %add3A_2960 = arith.addi %gather3A_2945, %add3A_2959 : vector<16xi32>
    %gather3A_2961 = tpu.vector_load_idx %arg6[%add3A_2960] : memref<20480xi32, #tpu.memory_space<vmem>>[vector<16xi32>], vector<16xi32>,
    %eq3A_2962 = arith.cmpi eq, %gather3A_2961, %add3A_2806 : vector<16xi32>
    %or3A_2963 = arith.ori %or3A_2957, %eq3A_2962 : vector<16xi1>
    %add3A_2964 = arith.constant 8192 : i32
    %add3A_2965 = vector.broadcast %add3A_2964 : i32 to vector<16xi32>
    %add3A_2966 = arith.addi %gather3A_2945, %add3A_2965 : vector<16xi32>
    %gather3A_2967 = tpu.vector_load_idx %arg6[%add3A_2966] : memref<20480xi32, #tpu.memory_space<vmem>>[vector<16xi32>], vector<16xi32>,
    %eq3A_2968 = arith.cmpi eq, %gather3A_2967, %add3A_2806 : vector<16xi32>
    %or3A_2969 = arith.ori %or3A_2963, %eq3A_2968 : vector<16xi1>
    %add3A_2970 = arith.constant 12288 : i32
    %add3A_2971 = vector.broadcast %add3A_2970 : i32 to vector<16xi32>
    %add3A_2972 = arith.addi %gather3A_2945, %add3A_2971 : vector<16xi32>
    %gather3A_2973 = tpu.vector_load_idx %arg6[%add3A_2972] : memref<20480xi32, #tpu.memory_space<vmem>>[vector<16xi32>], vector<16xi32>,
    %eq3A_2974 = arith.cmpi eq, %gather3A_2973, %add3A_2806 : vector<16xi32>
    %or3A_2975 = arith.ori %or3A_2969, %eq3A_2974 : vector<16xi1>
    %add3A_2976 = arith.constant 16384 : i32
    %add3A_2977 = vector.broadcast %add3A_2976 : i32 to vector<16xi32>
    %add3A_2978 = arith.addi %gather3A_2945, %add3A_2977 : vector<16xi32>
    %gather3A_2979 = tpu.vector_load_idx %arg6[%add3A_2978] : memref<20480xi32, #tpu.memory_space<vmem>>[vector<16xi32>], vector<16xi32>,
    %eq3A_2980 = arith.cmpi eq, %gather3A_2979, %add3A_2806 : vector<16xi32>
    %or3A_2981 = arith.ori %or3A_2975, %eq3A_2980 : vector<16xi1>
    %add3A_2982 = arith.addf %add3A_2937, %gather3A_2949 : vector<16xf32>
    %jit3A_2983 = arith.constant 0.000000e+00 : f32
    %broadcast_in_dim3A_2984 = vector.broadcast %jit3A_2983 : f32 to vector<16xf32>
    %select_n3A_2985 = arith.select %or3A_2981, %gather3A_2949, %broadcast_in_dim3A_2984 : vector<16xi1>, vector<16xf32>
    %add3A_2986 = arith.addf %add3A_2941, %select_n3A_2985 : vector<16xf32>
    %add3A_2987 = arith.constant 16384 : i32
    %add3A_2988 = vector.broadcast %add3A_2987 : i32 to vector<16xi32>
    %add3A_2989 = arith.addi %add3A_2806, %add3A_2988 : vector<16xi32>
    %gather3A_2990 = tpu.vector_load_idx %arg6[%add3A_2989] : memref<20480xi32, #tpu.memory_space<vmem>>[vector<16xi32>], vector<16xi32>,
    %add3A_2991 = arith.constant 1024 : i32
    %add3A_2992 = vector.broadcast %add3A_2991 : i32 to vector<16xi32>
    %add3A_2993 = arith.addi %add3A_2802, %add3A_2992 : vector<16xi32>
    %gather3A_2994 = tpu.vector_load_idx %arg7[%add3A_2993] : memref<1280xf32, #tpu.memory_space<vmem>>[vector<16xi32>], vector<16xf32>,
    %broadcast_in_dim3A_2995 = arith.constant false
    %broadcast_in_dim3A_2996 = vector.broadcast %broadcast_in_dim3A_2995 : i1 to vector<16xi1>
    %add3A_2997 = arith.constant 0 : i32
    %add3A_2998 = vector.broadcast %add3A_2997 : i32 to vector<16xi32>
    %add3A_2999 = arith.addi %gather3A_2990, %add3A_2998 : vector<16xi32>
    %gather3A_3000 = tpu.vector_load_idx %arg6[%add3A_2999] : memref<20480xi32, #tpu.memory_space<vmem>>[vector<16xi32>], vector<16xi32>,
    %eq3A_3001 = arith.cmpi eq, %gather3A_3000, %add3A_2806 : vector<16xi32>
    %or3A_3002 = arith.ori %broadcast_in_dim3A_2996, %eq3A_3001 : vector<16xi1>
    %add3A_3003 = arith.constant 4096 : i32
    %add3A_3004 = vector.broadcast %add3A_3003 : i32 to vector<16xi32>
    %add3A_3005 = arith.addi %gather3A_2990, %add3A_3004 : vector<16xi32>
    %gather3A_3006 = tpu.vector_load_idx %arg6[%add3A_3005] : memref<20480xi32, #tpu.memory_space<vmem>>[vector<16xi32>], vector<16xi32>,
    %eq3A_3007 = arith.cmpi eq, %gather3A_3006, %add3A_2806 : vector<16xi32>
    %or3A_3008 = arith.ori %or3A_3002, %eq3A_3007 : vector<16xi1>
    %add3A_3009 = arith.constant 8192 : i32
    %add3A_3010 = vector.broadcast %add3A_3009 : i32 to vector<16xi32>
    %add3A_3011 = arith.addi %gather3A_2990, %add3A_3010 : vector<16xi32>
    %gather3A_3012 = tpu.vector_load_idx %arg6[%add3A_3011] : memref<20480xi32, #tpu.memory_space<vmem>>[vector<16xi32>], vector<16xi32>,
    %eq3A_3013 = arith.cmpi eq, %gather3A_3012, %add3A_2806 : vector<16xi32>
    %or3A_3014 = arith.ori %or3A_3008, %eq3A_3013 : vector<16xi1>
    %add3A_3015 = arith.constant 12288 : i32
    %add3A_3016 = vector.broadcast %add3A_3015 : i32 to vector<16xi32>
    %add3A_3017 = arith.addi %gather3A_2990, %add3A_3016 : vector<16xi32>
    %gather3A_3018 = tpu.vector_load_idx %arg6[%add3A_3017] : memref<20480xi32, #tpu.memory_space<vmem>>[vector<16xi32>], vector<16xi32>,
    %eq3A_3019 = arith.cmpi eq, %gather3A_3018, %add3A_2806 : vector<16xi32>
    %or3A_3020 = arith.ori %or3A_3014, %eq3A_3019 : vector<16xi1>
    %add3A_3021 = arith.constant 16384 : i32
    %add3A_3022 = vector.broadcast %add3A_3021 : i32 to vector<16xi32>
    %add3A_3023 = arith.addi %gather3A_2990, %add3A_3022 : vector<16xi32>
    %gather3A_3024 = tpu.vector_load_idx %arg6[%add3A_3023] : memref<20480xi32, #tpu.memory_space<vmem>>[vector<16xi32>], vector<16xi32>,
    %eq3A_3025 = arith.cmpi eq, %gather3A_3024, %add3A_2806 : vector<16xi32>
    %or3A_3026 = arith.ori %or3A_3020, %eq3A_3025 : vector<16xi1>
    %add3A_3027 = arith.addf %add3A_2982, %gather3A_2994 : vector<16xf32>
    %jit3A_3028 = arith.constant 0.000000e+00 : f32
    %broadcast_in_dim3A_3029 = vector.broadcast %jit3A_3028 : f32 to vector<16xf32>
    %select_n3A_3030 = arith.select %or3A_3026, %gather3A_2994, %broadcast_in_dim3A_3029 : vector<16xi1>, vector<16xf32>
    %add3A_3031 = arith.addf %add3A_2986, %select_n3A_3030 : vector<16xf32>
    %add3A_3032 = arith.constant 208 : i32
    %add3A_3033 = vector.broadcast %add3A_3032 : i32 to vector<16xi32>
    %add3A_3034 = arith.addi %add3A_3033, %iota3A : vector<16xi32>
    %mul3A_3035 = arith.constant 256 : i32
    %mul3A_3036 = arith.muli %arg1, %mul3A_3035 : i32
    %add3A_3037 = vector.broadcast %mul3A_3036 : i32 to vector<16xi32>
    %add3A_3038 = arith.addi %add3A_3037, %add3A_3034 : vector<16xi32>
    %add3A_3039 = arith.constant 0 : i32
    %add3A_3040 = vector.broadcast %add3A_3039 : i32 to vector<16xi32>
    %add3A_3041 = arith.addi %add3A_3038, %add3A_3040 : vector<16xi32>
    %gather3A_3042 = tpu.vector_load_idx %arg6[%add3A_3041] : memref<20480xi32, #tpu.memory_space<vmem>>[vector<16xi32>], vector<16xi32>,
    %add3A_3043 = arith.constant 0 : i32
    %add3A_3044 = vector.broadcast %add3A_3043 : i32 to vector<16xi32>
    %add3A_3045 = arith.addi %add3A_3034, %add3A_3044 : vector<16xi32>
    %gather3A_3046 = tpu.vector_load_idx %arg7[%add3A_3045] : memref<1280xf32, #tpu.memory_space<vmem>>[vector<16xi32>], vector<16xf32>,
    %broadcast_in_dim3A_3047 = arith.constant false
    %broadcast_in_dim3A_3048 = vector.broadcast %broadcast_in_dim3A_3047 : i1 to vector<16xi1>
    %add3A_3049 = arith.constant 0 : i32
    %add3A_3050 = vector.broadcast %add3A_3049 : i32 to vector<16xi32>
    %add3A_3051 = arith.addi %gather3A_3042, %add3A_3050 : vector<16xi32>
    %gather3A_3052 = tpu.vector_load_idx %arg6[%add3A_3051] : memref<20480xi32, #tpu.memory_space<vmem>>[vector<16xi32>], vector<16xi32>,
    %eq3A_3053 = arith.cmpi eq, %gather3A_3052, %add3A_3038 : vector<16xi32>
    %or3A_3054 = arith.ori %broadcast_in_dim3A_3048, %eq3A_3053 : vector<16xi1>
    %add3A_3055 = arith.constant 4096 : i32
    %add3A_3056 = vector.broadcast %add3A_3055 : i32 to vector<16xi32>
    %add3A_3057 = arith.addi %gather3A_3042, %add3A_3056 : vector<16xi32>
    %gather3A_3058 = tpu.vector_load_idx %arg6[%add3A_3057] : memref<20480xi32, #tpu.memory_space<vmem>>[vector<16xi32>], vector<16xi32>,
    %eq3A_3059 = arith.cmpi eq, %gather3A_3058, %add3A_3038 : vector<16xi32>
    %or3A_3060 = arith.ori %or3A_3054, %eq3A_3059 : vector<16xi1>
    %add3A_3061 = arith.constant 8192 : i32
    %add3A_3062 = vector.broadcast %add3A_3061 : i32 to vector<16xi32>
    %add3A_3063 = arith.addi %gather3A_3042, %add3A_3062 : vector<16xi32>
    %gather3A_3064 = tpu.vector_load_idx %arg6[%add3A_3063] : memref<20480xi32, #tpu.memory_space<vmem>>[vector<16xi32>], vector<16xi32>,
    %eq3A_3065 = arith.cmpi eq, %gather3A_3064, %add3A_3038 : vector<16xi32>
    %or3A_3066 = arith.ori %or3A_3060, %eq3A_3065 : vector<16xi1>
    %add3A_3067 = arith.constant 12288 : i32
    %add3A_3068 = vector.broadcast %add3A_3067 : i32 to vector<16xi32>
    %add3A_3069 = arith.addi %gather3A_3042, %add3A_3068 : vector<16xi32>
    %gather3A_3070 = tpu.vector_load_idx %arg6[%add3A_3069] : memref<20480xi32, #tpu.memory_space<vmem>>[vector<16xi32>], vector<16xi32>,
    %eq3A_3071 = arith.cmpi eq, %gather3A_3070, %add3A_3038 : vector<16xi32>
    %or3A_3072 = arith.ori %or3A_3066, %eq3A_3071 : vector<16xi1>
    %add3A_3073 = arith.constant 16384 : i32
    %add3A_3074 = vector.broadcast %add3A_3073 : i32 to vector<16xi32>
    %add3A_3075 = arith.addi %gather3A_3042, %add3A_3074 : vector<16xi32>
    %gather3A_3076 = tpu.vector_load_idx %arg6[%add3A_3075] : memref<20480xi32, #tpu.memory_space<vmem>>[vector<16xi32>], vector<16xi32>,
    %eq3A_3077 = arith.cmpi eq, %gather3A_3076, %add3A_3038 : vector<16xi32>
    %or3A_3078 = arith.ori %or3A_3072, %eq3A_3077 : vector<16xi1>
    %add3A_3079 = arith.addf %add3A_3027, %gather3A_3046 : vector<16xf32>
    %jit3A_3080 = arith.constant 0.000000e+00 : f32
    %broadcast_in_dim3A_3081 = vector.broadcast %jit3A_3080 : f32 to vector<16xf32>
    %select_n3A_3082 = arith.select %or3A_3078, %gather3A_3046, %broadcast_in_dim3A_3081 : vector<16xi1>, vector<16xf32>
    %add3A_3083 = arith.addf %add3A_3031, %select_n3A_3082 : vector<16xf32>
    %add3A_3084 = arith.constant 4096 : i32
    %add3A_3085 = vector.broadcast %add3A_3084 : i32 to vector<16xi32>
    %add3A_3086 = arith.addi %add3A_3038, %add3A_3085 : vector<16xi32>
    %gather3A_3087 = tpu.vector_load_idx %arg6[%add3A_3086] : memref<20480xi32, #tpu.memory_space<vmem>>[vector<16xi32>], vector<16xi32>,
    %add3A_3088 = arith.constant 256 : i32
    %add3A_3089 = vector.broadcast %add3A_3088 : i32 to vector<16xi32>
    %add3A_3090 = arith.addi %add3A_3034, %add3A_3089 : vector<16xi32>
    %gather3A_3091 = tpu.vector_load_idx %arg7[%add3A_3090] : memref<1280xf32, #tpu.memory_space<vmem>>[vector<16xi32>], vector<16xf32>,
    %broadcast_in_dim3A_3092 = arith.constant false
    %broadcast_in_dim3A_3093 = vector.broadcast %broadcast_in_dim3A_3092 : i1 to vector<16xi1>
    %add3A_3094 = arith.constant 0 : i32
    %add3A_3095 = vector.broadcast %add3A_3094 : i32 to vector<16xi32>
    %add3A_3096 = arith.addi %gather3A_3087, %add3A_3095 : vector<16xi32>
    %gather3A_3097 = tpu.vector_load_idx %arg6[%add3A_3096] : memref<20480xi32, #tpu.memory_space<vmem>>[vector<16xi32>], vector<16xi32>,
    %eq3A_3098 = arith.cmpi eq, %gather3A_3097, %add3A_3038 : vector<16xi32>
    %or3A_3099 = arith.ori %broadcast_in_dim3A_3093, %eq3A_3098 : vector<16xi1>
    %add3A_3100 = arith.constant 4096 : i32
    %add3A_3101 = vector.broadcast %add3A_3100 : i32 to vector<16xi32>
    %add3A_3102 = arith.addi %gather3A_3087, %add3A_3101 : vector<16xi32>
    %gather3A_3103 = tpu.vector_load_idx %arg6[%add3A_3102] : memref<20480xi32, #tpu.memory_space<vmem>>[vector<16xi32>], vector<16xi32>,
    %eq3A_3104 = arith.cmpi eq, %gather3A_3103, %add3A_3038 : vector<16xi32>
    %or3A_3105 = arith.ori %or3A_3099, %eq3A_3104 : vector<16xi1>
    %add3A_3106 = arith.constant 8192 : i32
    %add3A_3107 = vector.broadcast %add3A_3106 : i32 to vector<16xi32>
    %add3A_3108 = arith.addi %gather3A_3087, %add3A_3107 : vector<16xi32>
    %gather3A_3109 = tpu.vector_load_idx %arg6[%add3A_3108] : memref<20480xi32, #tpu.memory_space<vmem>>[vector<16xi32>], vector<16xi32>,
    %eq3A_3110 = arith.cmpi eq, %gather3A_3109, %add3A_3038 : vector<16xi32>
    %or3A_3111 = arith.ori %or3A_3105, %eq3A_3110 : vector<16xi1>
    %add3A_3112 = arith.constant 12288 : i32
    %add3A_3113 = vector.broadcast %add3A_3112 : i32 to vector<16xi32>
    %add3A_3114 = arith.addi %gather3A_3087, %add3A_3113 : vector<16xi32>
    %gather3A_3115 = tpu.vector_load_idx %arg6[%add3A_3114] : memref<20480xi32, #tpu.memory_space<vmem>>[vector<16xi32>], vector<16xi32>,
    %eq3A_3116 = arith.cmpi eq, %gather3A_3115, %add3A_3038 : vector<16xi32>
    %or3A_3117 = arith.ori %or3A_3111, %eq3A_3116 : vector<16xi1>
    %add3A_3118 = arith.constant 16384 : i32
    %add3A_3119 = vector.broadcast %add3A_3118 : i32 to vector<16xi32>
    %add3A_3120 = arith.addi %gather3A_3087, %add3A_3119 : vector<16xi32>
    %gather3A_3121 = tpu.vector_load_idx %arg6[%add3A_3120] : memref<20480xi32, #tpu.memory_space<vmem>>[vector<16xi32>], vector<16xi32>,
    %eq3A_3122 = arith.cmpi eq, %gather3A_3121, %add3A_3038 : vector<16xi32>
    %or3A_3123 = arith.ori %or3A_3117, %eq3A_3122 : vector<16xi1>
    %add3A_3124 = arith.addf %add3A_3079, %gather3A_3091 : vector<16xf32>
    %jit3A_3125 = arith.constant 0.000000e+00 : f32
    %broadcast_in_dim3A_3126 = vector.broadcast %jit3A_3125 : f32 to vector<16xf32>
    %select_n3A_3127 = arith.select %or3A_3123, %gather3A_3091, %broadcast_in_dim3A_3126 : vector<16xi1>, vector<16xf32>
    %add3A_3128 = arith.addf %add3A_3083, %select_n3A_3127 : vector<16xf32>
    %add3A_3129 = arith.constant 8192 : i32
    %add3A_3130 = vector.broadcast %add3A_3129 : i32 to vector<16xi32>
    %add3A_3131 = arith.addi %add3A_3038, %add3A_3130 : vector<16xi32>
    %gather3A_3132 = tpu.vector_load_idx %arg6[%add3A_3131] : memref<20480xi32, #tpu.memory_space<vmem>>[vector<16xi32>], vector<16xi32>,
    %add3A_3133 = arith.constant 512 : i32
    %add3A_3134 = vector.broadcast %add3A_3133 : i32 to vector<16xi32>
    %add3A_3135 = arith.addi %add3A_3034, %add3A_3134 : vector<16xi32>
    %gather3A_3136 = tpu.vector_load_idx %arg7[%add3A_3135] : memref<1280xf32, #tpu.memory_space<vmem>>[vector<16xi32>], vector<16xf32>,
    %broadcast_in_dim3A_3137 = arith.constant false
    %broadcast_in_dim3A_3138 = vector.broadcast %broadcast_in_dim3A_3137 : i1 to vector<16xi1>
    %add3A_3139 = arith.constant 0 : i32
    %add3A_3140 = vector.broadcast %add3A_3139 : i32 to vector<16xi32>
    %add3A_3141 = arith.addi %gather3A_3132, %add3A_3140 : vector<16xi32>
    %gather3A_3142 = tpu.vector_load_idx %arg6[%add3A_3141] : memref<20480xi32, #tpu.memory_space<vmem>>[vector<16xi32>], vector<16xi32>,
    %eq3A_3143 = arith.cmpi eq, %gather3A_3142, %add3A_3038 : vector<16xi32>
    %or3A_3144 = arith.ori %broadcast_in_dim3A_3138, %eq3A_3143 : vector<16xi1>
    %add3A_3145 = arith.constant 4096 : i32
    %add3A_3146 = vector.broadcast %add3A_3145 : i32 to vector<16xi32>
    %add3A_3147 = arith.addi %gather3A_3132, %add3A_3146 : vector<16xi32>
    %gather3A_3148 = tpu.vector_load_idx %arg6[%add3A_3147] : memref<20480xi32, #tpu.memory_space<vmem>>[vector<16xi32>], vector<16xi32>,
    %eq3A_3149 = arith.cmpi eq, %gather3A_3148, %add3A_3038 : vector<16xi32>
    %or3A_3150 = arith.ori %or3A_3144, %eq3A_3149 : vector<16xi1>
    %add3A_3151 = arith.constant 8192 : i32
    %add3A_3152 = vector.broadcast %add3A_3151 : i32 to vector<16xi32>
    %add3A_3153 = arith.addi %gather3A_3132, %add3A_3152 : vector<16xi32>
    %gather3A_3154 = tpu.vector_load_idx %arg6[%add3A_3153] : memref<20480xi32, #tpu.memory_space<vmem>>[vector<16xi32>], vector<16xi32>,
    %eq3A_3155 = arith.cmpi eq, %gather3A_3154, %add3A_3038 : vector<16xi32>
    %or3A_3156 = arith.ori %or3A_3150, %eq3A_3155 : vector<16xi1>
    %add3A_3157 = arith.constant 12288 : i32
    %add3A_3158 = vector.broadcast %add3A_3157 : i32 to vector<16xi32>
    %add3A_3159 = arith.addi %gather3A_3132, %add3A_3158 : vector<16xi32>
    %gather3A_3160 = tpu.vector_load_idx %arg6[%add3A_3159] : memref<20480xi32, #tpu.memory_space<vmem>>[vector<16xi32>], vector<16xi32>,
    %eq3A_3161 = arith.cmpi eq, %gather3A_3160, %add3A_3038 : vector<16xi32>
    %or3A_3162 = arith.ori %or3A_3156, %eq3A_3161 : vector<16xi1>
    %add3A_3163 = arith.constant 16384 : i32
    %add3A_3164 = vector.broadcast %add3A_3163 : i32 to vector<16xi32>
    %add3A_3165 = arith.addi %gather3A_3132, %add3A_3164 : vector<16xi32>
    %gather3A_3166 = tpu.vector_load_idx %arg6[%add3A_3165] : memref<20480xi32, #tpu.memory_space<vmem>>[vector<16xi32>], vector<16xi32>,
    %eq3A_3167 = arith.cmpi eq, %gather3A_3166, %add3A_3038 : vector<16xi32>
    %or3A_3168 = arith.ori %or3A_3162, %eq3A_3167 : vector<16xi1>
    %add3A_3169 = arith.addf %add3A_3124, %gather3A_3136 : vector<16xf32>
    %jit3A_3170 = arith.constant 0.000000e+00 : f32
    %broadcast_in_dim3A_3171 = vector.broadcast %jit3A_3170 : f32 to vector<16xf32>
    %select_n3A_3172 = arith.select %or3A_3168, %gather3A_3136, %broadcast_in_dim3A_3171 : vector<16xi1>, vector<16xf32>
    %add3A_3173 = arith.addf %add3A_3128, %select_n3A_3172 : vector<16xf32>
    %add3A_3174 = arith.constant 12288 : i32
    %add3A_3175 = vector.broadcast %add3A_3174 : i32 to vector<16xi32>
    %add3A_3176 = arith.addi %add3A_3038, %add3A_3175 : vector<16xi32>
    %gather3A_3177 = tpu.vector_load_idx %arg6[%add3A_3176] : memref<20480xi32, #tpu.memory_space<vmem>>[vector<16xi32>], vector<16xi32>,
    %add3A_3178 = arith.constant 768 : i32
    %add3A_3179 = vector.broadcast %add3A_3178 : i32 to vector<16xi32>
    %add3A_3180 = arith.addi %add3A_3034, %add3A_3179 : vector<16xi32>
    %gather3A_3181 = tpu.vector_load_idx %arg7[%add3A_3180] : memref<1280xf32, #tpu.memory_space<vmem>>[vector<16xi32>], vector<16xf32>,
    %broadcast_in_dim3A_3182 = arith.constant false
    %broadcast_in_dim3A_3183 = vector.broadcast %broadcast_in_dim3A_3182 : i1 to vector<16xi1>
    %add3A_3184 = arith.constant 0 : i32
    %add3A_3185 = vector.broadcast %add3A_3184 : i32 to vector<16xi32>
    %add3A_3186 = arith.addi %gather3A_3177, %add3A_3185 : vector<16xi32>
    %gather3A_3187 = tpu.vector_load_idx %arg6[%add3A_3186] : memref<20480xi32, #tpu.memory_space<vmem>>[vector<16xi32>], vector<16xi32>,
    %eq3A_3188 = arith.cmpi eq, %gather3A_3187, %add3A_3038 : vector<16xi32>
    %or3A_3189 = arith.ori %broadcast_in_dim3A_3183, %eq3A_3188 : vector<16xi1>
    %add3A_3190 = arith.constant 4096 : i32
    %add3A_3191 = vector.broadcast %add3A_3190 : i32 to vector<16xi32>
    %add3A_3192 = arith.addi %gather3A_3177, %add3A_3191 : vector<16xi32>
    %gather3A_3193 = tpu.vector_load_idx %arg6[%add3A_3192] : memref<20480xi32, #tpu.memory_space<vmem>>[vector<16xi32>], vector<16xi32>,
    %eq3A_3194 = arith.cmpi eq, %gather3A_3193, %add3A_3038 : vector<16xi32>
    %or3A_3195 = arith.ori %or3A_3189, %eq3A_3194 : vector<16xi1>
    %add3A_3196 = arith.constant 8192 : i32
    %add3A_3197 = vector.broadcast %add3A_3196 : i32 to vector<16xi32>
    %add3A_3198 = arith.addi %gather3A_3177, %add3A_3197 : vector<16xi32>
    %gather3A_3199 = tpu.vector_load_idx %arg6[%add3A_3198] : memref<20480xi32, #tpu.memory_space<vmem>>[vector<16xi32>], vector<16xi32>,
    %eq3A_3200 = arith.cmpi eq, %gather3A_3199, %add3A_3038 : vector<16xi32>
    %or3A_3201 = arith.ori %or3A_3195, %eq3A_3200 : vector<16xi1>
    %add3A_3202 = arith.constant 12288 : i32
    %add3A_3203 = vector.broadcast %add3A_3202 : i32 to vector<16xi32>
    %add3A_3204 = arith.addi %gather3A_3177, %add3A_3203 : vector<16xi32>
    %gather3A_3205 = tpu.vector_load_idx %arg6[%add3A_3204] : memref<20480xi32, #tpu.memory_space<vmem>>[vector<16xi32>], vector<16xi32>,
    %eq3A_3206 = arith.cmpi eq, %gather3A_3205, %add3A_3038 : vector<16xi32>
    %or3A_3207 = arith.ori %or3A_3201, %eq3A_3206 : vector<16xi1>
    %add3A_3208 = arith.constant 16384 : i32
    %add3A_3209 = vector.broadcast %add3A_3208 : i32 to vector<16xi32>
    %add3A_3210 = arith.addi %gather3A_3177, %add3A_3209 : vector<16xi32>
    %gather3A_3211 = tpu.vector_load_idx %arg6[%add3A_3210] : memref<20480xi32, #tpu.memory_space<vmem>>[vector<16xi32>], vector<16xi32>,
    %eq3A_3212 = arith.cmpi eq, %gather3A_3211, %add3A_3038 : vector<16xi32>
    %or3A_3213 = arith.ori %or3A_3207, %eq3A_3212 : vector<16xi1>
    %add3A_3214 = arith.addf %add3A_3169, %gather3A_3181 : vector<16xf32>
    %jit3A_3215 = arith.constant 0.000000e+00 : f32
    %broadcast_in_dim3A_3216 = vector.broadcast %jit3A_3215 : f32 to vector<16xf32>
    %select_n3A_3217 = arith.select %or3A_3213, %gather3A_3181, %broadcast_in_dim3A_3216 : vector<16xi1>, vector<16xf32>
    %add3A_3218 = arith.addf %add3A_3173, %select_n3A_3217 : vector<16xf32>
    %add3A_3219 = arith.constant 16384 : i32
    %add3A_3220 = vector.broadcast %add3A_3219 : i32 to vector<16xi32>
    %add3A_3221 = arith.addi %add3A_3038, %add3A_3220 : vector<16xi32>
    %gather3A_3222 = tpu.vector_load_idx %arg6[%add3A_3221] : memref<20480xi32, #tpu.memory_space<vmem>>[vector<16xi32>], vector<16xi32>,
    %add3A_3223 = arith.constant 1024 : i32
    %add3A_3224 = vector.broadcast %add3A_3223 : i32 to vector<16xi32>
    %add3A_3225 = arith.addi %add3A_3034, %add3A_3224 : vector<16xi32>
    %gather3A_3226 = tpu.vector_load_idx %arg7[%add3A_3225] : memref<1280xf32, #tpu.memory_space<vmem>>[vector<16xi32>], vector<16xf32>,
    %broadcast_in_dim3A_3227 = arith.constant false
    %broadcast_in_dim3A_3228 = vector.broadcast %broadcast_in_dim3A_3227 : i1 to vector<16xi1>
    %add3A_3229 = arith.constant 0 : i32
    %add3A_3230 = vector.broadcast %add3A_3229 : i32 to vector<16xi32>
    %add3A_3231 = arith.addi %gather3A_3222, %add3A_3230 : vector<16xi32>
    %gather3A_3232 = tpu.vector_load_idx %arg6[%add3A_3231] : memref<20480xi32, #tpu.memory_space<vmem>>[vector<16xi32>], vector<16xi32>,
    %eq3A_3233 = arith.cmpi eq, %gather3A_3232, %add3A_3038 : vector<16xi32>
    %or3A_3234 = arith.ori %broadcast_in_dim3A_3228, %eq3A_3233 : vector<16xi1>
    %add3A_3235 = arith.constant 4096 : i32
    %add3A_3236 = vector.broadcast %add3A_3235 : i32 to vector<16xi32>
    %add3A_3237 = arith.addi %gather3A_3222, %add3A_3236 : vector<16xi32>
    %gather3A_3238 = tpu.vector_load_idx %arg6[%add3A_3237] : memref<20480xi32, #tpu.memory_space<vmem>>[vector<16xi32>], vector<16xi32>,
    %eq3A_3239 = arith.cmpi eq, %gather3A_3238, %add3A_3038 : vector<16xi32>
    %or3A_3240 = arith.ori %or3A_3234, %eq3A_3239 : vector<16xi1>
    %add3A_3241 = arith.constant 8192 : i32
    %add3A_3242 = vector.broadcast %add3A_3241 : i32 to vector<16xi32>
    %add3A_3243 = arith.addi %gather3A_3222, %add3A_3242 : vector<16xi32>
    %gather3A_3244 = tpu.vector_load_idx %arg6[%add3A_3243] : memref<20480xi32, #tpu.memory_space<vmem>>[vector<16xi32>], vector<16xi32>,
    %eq3A_3245 = arith.cmpi eq, %gather3A_3244, %add3A_3038 : vector<16xi32>
    %or3A_3246 = arith.ori %or3A_3240, %eq3A_3245 : vector<16xi1>
    %add3A_3247 = arith.constant 12288 : i32
    %add3A_3248 = vector.broadcast %add3A_3247 : i32 to vector<16xi32>
    %add3A_3249 = arith.addi %gather3A_3222, %add3A_3248 : vector<16xi32>
    %gather3A_3250 = tpu.vector_load_idx %arg6[%add3A_3249] : memref<20480xi32, #tpu.memory_space<vmem>>[vector<16xi32>], vector<16xi32>,
    %eq3A_3251 = arith.cmpi eq, %gather3A_3250, %add3A_3038 : vector<16xi32>
    %or3A_3252 = arith.ori %or3A_3246, %eq3A_3251 : vector<16xi1>
    %add3A_3253 = arith.constant 16384 : i32
    %add3A_3254 = vector.broadcast %add3A_3253 : i32 to vector<16xi32>
    %add3A_3255 = arith.addi %gather3A_3222, %add3A_3254 : vector<16xi32>
    %gather3A_3256 = tpu.vector_load_idx %arg6[%add3A_3255] : memref<20480xi32, #tpu.memory_space<vmem>>[vector<16xi32>], vector<16xi32>,
    %eq3A_3257 = arith.cmpi eq, %gather3A_3256, %add3A_3038 : vector<16xi32>
    %or3A_3258 = arith.ori %or3A_3252, %eq3A_3257 : vector<16xi1>
    %add3A_3259 = arith.addf %add3A_3214, %gather3A_3226 : vector<16xf32>
    %jit3A_3260 = arith.constant 0.000000e+00 : f32
    %broadcast_in_dim3A_3261 = vector.broadcast %jit3A_3260 : f32 to vector<16xf32>
    %select_n3A_3262 = arith.select %or3A_3258, %gather3A_3226, %broadcast_in_dim3A_3261 : vector<16xi1>, vector<16xf32>
    %add3A_3263 = arith.addf %add3A_3218, %select_n3A_3262 : vector<16xf32>
    %add3A_3264 = arith.constant 224 : i32
    %add3A_3265 = vector.broadcast %add3A_3264 : i32 to vector<16xi32>
    %add3A_3266 = arith.addi %add3A_3265, %iota3A : vector<16xi32>
    %mul3A_3267 = arith.constant 256 : i32
    %mul3A_3268 = arith.muli %arg1, %mul3A_3267 : i32
    %add3A_3269 = vector.broadcast %mul3A_3268 : i32 to vector<16xi32>
    %add3A_3270 = arith.addi %add3A_3269, %add3A_3266 : vector<16xi32>
    %add3A_3271 = arith.constant 0 : i32
    %add3A_3272 = vector.broadcast %add3A_3271 : i32 to vector<16xi32>
    %add3A_3273 = arith.addi %add3A_3270, %add3A_3272 : vector<16xi32>
    %gather3A_3274 = tpu.vector_load_idx %arg6[%add3A_3273] : memref<20480xi32, #tpu.memory_space<vmem>>[vector<16xi32>], vector<16xi32>,
    %add3A_3275 = arith.constant 0 : i32
    %add3A_3276 = vector.broadcast %add3A_3275 : i32 to vector<16xi32>
    %add3A_3277 = arith.addi %add3A_3266, %add3A_3276 : vector<16xi32>
    %gather3A_3278 = tpu.vector_load_idx %arg7[%add3A_3277] : memref<1280xf32, #tpu.memory_space<vmem>>[vector<16xi32>], vector<16xf32>,
    %broadcast_in_dim3A_3279 = arith.constant false
    %broadcast_in_dim3A_3280 = vector.broadcast %broadcast_in_dim3A_3279 : i1 to vector<16xi1>
    %add3A_3281 = arith.constant 0 : i32
    %add3A_3282 = vector.broadcast %add3A_3281 : i32 to vector<16xi32>
    %add3A_3283 = arith.addi %gather3A_3274, %add3A_3282 : vector<16xi32>
    %gather3A_3284 = tpu.vector_load_idx %arg6[%add3A_3283] : memref<20480xi32, #tpu.memory_space<vmem>>[vector<16xi32>], vector<16xi32>,
    %eq3A_3285 = arith.cmpi eq, %gather3A_3284, %add3A_3270 : vector<16xi32>
    %or3A_3286 = arith.ori %broadcast_in_dim3A_3280, %eq3A_3285 : vector<16xi1>
    %add3A_3287 = arith.constant 4096 : i32
    %add3A_3288 = vector.broadcast %add3A_3287 : i32 to vector<16xi32>
    %add3A_3289 = arith.addi %gather3A_3274, %add3A_3288 : vector<16xi32>
    %gather3A_3290 = tpu.vector_load_idx %arg6[%add3A_3289] : memref<20480xi32, #tpu.memory_space<vmem>>[vector<16xi32>], vector<16xi32>,
    %eq3A_3291 = arith.cmpi eq, %gather3A_3290, %add3A_3270 : vector<16xi32>
    %or3A_3292 = arith.ori %or3A_3286, %eq3A_3291 : vector<16xi1>
    %add3A_3293 = arith.constant 8192 : i32
    %add3A_3294 = vector.broadcast %add3A_3293 : i32 to vector<16xi32>
    %add3A_3295 = arith.addi %gather3A_3274, %add3A_3294 : vector<16xi32>
    %gather3A_3296 = tpu.vector_load_idx %arg6[%add3A_3295] : memref<20480xi32, #tpu.memory_space<vmem>>[vector<16xi32>], vector<16xi32>,
    %eq3A_3297 = arith.cmpi eq, %gather3A_3296, %add3A_3270 : vector<16xi32>
    %or3A_3298 = arith.ori %or3A_3292, %eq3A_3297 : vector<16xi1>
    %add3A_3299 = arith.constant 12288 : i32
    %add3A_3300 = vector.broadcast %add3A_3299 : i32 to vector<16xi32>
    %add3A_3301 = arith.addi %gather3A_3274, %add3A_3300 : vector<16xi32>
    %gather3A_3302 = tpu.vector_load_idx %arg6[%add3A_3301] : memref<20480xi32, #tpu.memory_space<vmem>>[vector<16xi32>], vector<16xi32>,
    %eq3A_3303 = arith.cmpi eq, %gather3A_3302, %add3A_3270 : vector<16xi32>
    %or3A_3304 = arith.ori %or3A_3298, %eq3A_3303 : vector<16xi1>
    %add3A_3305 = arith.constant 16384 : i32
    %add3A_3306 = vector.broadcast %add3A_3305 : i32 to vector<16xi32>
    %add3A_3307 = arith.addi %gather3A_3274, %add3A_3306 : vector<16xi32>
    %gather3A_3308 = tpu.vector_load_idx %arg6[%add3A_3307] : memref<20480xi32, #tpu.memory_space<vmem>>[vector<16xi32>], vector<16xi32>,
    %eq3A_3309 = arith.cmpi eq, %gather3A_3308, %add3A_3270 : vector<16xi32>
    %or3A_3310 = arith.ori %or3A_3304, %eq3A_3309 : vector<16xi1>
    %add3A_3311 = arith.addf %add3A_3259, %gather3A_3278 : vector<16xf32>
    %jit3A_3312 = arith.constant 0.000000e+00 : f32
    %broadcast_in_dim3A_3313 = vector.broadcast %jit3A_3312 : f32 to vector<16xf32>
    %select_n3A_3314 = arith.select %or3A_3310, %gather3A_3278, %broadcast_in_dim3A_3313 : vector<16xi1>, vector<16xf32>
    %add3A_3315 = arith.addf %add3A_3263, %select_n3A_3314 : vector<16xf32>
    %add3A_3316 = arith.constant 4096 : i32
    %add3A_3317 = vector.broadcast %add3A_3316 : i32 to vector<16xi32>
    %add3A_3318 = arith.addi %add3A_3270, %add3A_3317 : vector<16xi32>
    %gather3A_3319 = tpu.vector_load_idx %arg6[%add3A_3318] : memref<20480xi32, #tpu.memory_space<vmem>>[vector<16xi32>], vector<16xi32>,
    %add3A_3320 = arith.constant 256 : i32
    %add3A_3321 = vector.broadcast %add3A_3320 : i32 to vector<16xi32>
    %add3A_3322 = arith.addi %add3A_3266, %add3A_3321 : vector<16xi32>
    %gather3A_3323 = tpu.vector_load_idx %arg7[%add3A_3322] : memref<1280xf32, #tpu.memory_space<vmem>>[vector<16xi32>], vector<16xf32>,
    %broadcast_in_dim3A_3324 = arith.constant false
    %broadcast_in_dim3A_3325 = vector.broadcast %broadcast_in_dim3A_3324 : i1 to vector<16xi1>
    %add3A_3326 = arith.constant 0 : i32
    %add3A_3327 = vector.broadcast %add3A_3326 : i32 to vector<16xi32>
    %add3A_3328 = arith.addi %gather3A_3319, %add3A_3327 : vector<16xi32>
    %gather3A_3329 = tpu.vector_load_idx %arg6[%add3A_3328] : memref<20480xi32, #tpu.memory_space<vmem>>[vector<16xi32>], vector<16xi32>,
    %eq3A_3330 = arith.cmpi eq, %gather3A_3329, %add3A_3270 : vector<16xi32>
    %or3A_3331 = arith.ori %broadcast_in_dim3A_3325, %eq3A_3330 : vector<16xi1>
    %add3A_3332 = arith.constant 4096 : i32
    %add3A_3333 = vector.broadcast %add3A_3332 : i32 to vector<16xi32>
    %add3A_3334 = arith.addi %gather3A_3319, %add3A_3333 : vector<16xi32>
    %gather3A_3335 = tpu.vector_load_idx %arg6[%add3A_3334] : memref<20480xi32, #tpu.memory_space<vmem>>[vector<16xi32>], vector<16xi32>,
    %eq3A_3336 = arith.cmpi eq, %gather3A_3335, %add3A_3270 : vector<16xi32>
    %or3A_3337 = arith.ori %or3A_3331, %eq3A_3336 : vector<16xi1>
    %add3A_3338 = arith.constant 8192 : i32
    %add3A_3339 = vector.broadcast %add3A_3338 : i32 to vector<16xi32>
    %add3A_3340 = arith.addi %gather3A_3319, %add3A_3339 : vector<16xi32>
    %gather3A_3341 = tpu.vector_load_idx %arg6[%add3A_3340] : memref<20480xi32, #tpu.memory_space<vmem>>[vector<16xi32>], vector<16xi32>,
    %eq3A_3342 = arith.cmpi eq, %gather3A_3341, %add3A_3270 : vector<16xi32>
    %or3A_3343 = arith.ori %or3A_3337, %eq3A_3342 : vector<16xi1>
    %add3A_3344 = arith.constant 12288 : i32
    %add3A_3345 = vector.broadcast %add3A_3344 : i32 to vector<16xi32>
    %add3A_3346 = arith.addi %gather3A_3319, %add3A_3345 : vector<16xi32>
    %gather3A_3347 = tpu.vector_load_idx %arg6[%add3A_3346] : memref<20480xi32, #tpu.memory_space<vmem>>[vector<16xi32>], vector<16xi32>,
    %eq3A_3348 = arith.cmpi eq, %gather3A_3347, %add3A_3270 : vector<16xi32>
    %or3A_3349 = arith.ori %or3A_3343, %eq3A_3348 : vector<16xi1>
    %add3A_3350 = arith.constant 16384 : i32
    %add3A_3351 = vector.broadcast %add3A_3350 : i32 to vector<16xi32>
    %add3A_3352 = arith.addi %gather3A_3319, %add3A_3351 : vector<16xi32>
    %gather3A_3353 = tpu.vector_load_idx %arg6[%add3A_3352] : memref<20480xi32, #tpu.memory_space<vmem>>[vector<16xi32>], vector<16xi32>,
    %eq3A_3354 = arith.cmpi eq, %gather3A_3353, %add3A_3270 : vector<16xi32>
    %or3A_3355 = arith.ori %or3A_3349, %eq3A_3354 : vector<16xi1>
    %add3A_3356 = arith.addf %add3A_3311, %gather3A_3323 : vector<16xf32>
    %jit3A_3357 = arith.constant 0.000000e+00 : f32
    %broadcast_in_dim3A_3358 = vector.broadcast %jit3A_3357 : f32 to vector<16xf32>
    %select_n3A_3359 = arith.select %or3A_3355, %gather3A_3323, %broadcast_in_dim3A_3358 : vector<16xi1>, vector<16xf32>
    %add3A_3360 = arith.addf %add3A_3315, %select_n3A_3359 : vector<16xf32>
    %add3A_3361 = arith.constant 8192 : i32
    %add3A_3362 = vector.broadcast %add3A_3361 : i32 to vector<16xi32>
    %add3A_3363 = arith.addi %add3A_3270, %add3A_3362 : vector<16xi32>
    %gather3A_3364 = tpu.vector_load_idx %arg6[%add3A_3363] : memref<20480xi32, #tpu.memory_space<vmem>>[vector<16xi32>], vector<16xi32>,
    %add3A_3365 = arith.constant 512 : i32
    %add3A_3366 = vector.broadcast %add3A_3365 : i32 to vector<16xi32>
    %add3A_3367 = arith.addi %add3A_3266, %add3A_3366 : vector<16xi32>
    %gather3A_3368 = tpu.vector_load_idx %arg7[%add3A_3367] : memref<1280xf32, #tpu.memory_space<vmem>>[vector<16xi32>], vector<16xf32>,
    %broadcast_in_dim3A_3369 = arith.constant false
    %broadcast_in_dim3A_3370 = vector.broadcast %broadcast_in_dim3A_3369 : i1 to vector<16xi1>
    %add3A_3371 = arith.constant 0 : i32
    %add3A_3372 = vector.broadcast %add3A_3371 : i32 to vector<16xi32>
    %add3A_3373 = arith.addi %gather3A_3364, %add3A_3372 : vector<16xi32>
    %gather3A_3374 = tpu.vector_load_idx %arg6[%add3A_3373] : memref<20480xi32, #tpu.memory_space<vmem>>[vector<16xi32>], vector<16xi32>,
    %eq3A_3375 = arith.cmpi eq, %gather3A_3374, %add3A_3270 : vector<16xi32>
    %or3A_3376 = arith.ori %broadcast_in_dim3A_3370, %eq3A_3375 : vector<16xi1>
    %add3A_3377 = arith.constant 4096 : i32
    %add3A_3378 = vector.broadcast %add3A_3377 : i32 to vector<16xi32>
    %add3A_3379 = arith.addi %gather3A_3364, %add3A_3378 : vector<16xi32>
    %gather3A_3380 = tpu.vector_load_idx %arg6[%add3A_3379] : memref<20480xi32, #tpu.memory_space<vmem>>[vector<16xi32>], vector<16xi32>,
    %eq3A_3381 = arith.cmpi eq, %gather3A_3380, %add3A_3270 : vector<16xi32>
    %or3A_3382 = arith.ori %or3A_3376, %eq3A_3381 : vector<16xi1>
    %add3A_3383 = arith.constant 8192 : i32
    %add3A_3384 = vector.broadcast %add3A_3383 : i32 to vector<16xi32>
    %add3A_3385 = arith.addi %gather3A_3364, %add3A_3384 : vector<16xi32>
    %gather3A_3386 = tpu.vector_load_idx %arg6[%add3A_3385] : memref<20480xi32, #tpu.memory_space<vmem>>[vector<16xi32>], vector<16xi32>,
    %eq3A_3387 = arith.cmpi eq, %gather3A_3386, %add3A_3270 : vector<16xi32>
    %or3A_3388 = arith.ori %or3A_3382, %eq3A_3387 : vector<16xi1>
    %add3A_3389 = arith.constant 12288 : i32
    %add3A_3390 = vector.broadcast %add3A_3389 : i32 to vector<16xi32>
    %add3A_3391 = arith.addi %gather3A_3364, %add3A_3390 : vector<16xi32>
    %gather3A_3392 = tpu.vector_load_idx %arg6[%add3A_3391] : memref<20480xi32, #tpu.memory_space<vmem>>[vector<16xi32>], vector<16xi32>,
    %eq3A_3393 = arith.cmpi eq, %gather3A_3392, %add3A_3270 : vector<16xi32>
    %or3A_3394 = arith.ori %or3A_3388, %eq3A_3393 : vector<16xi1>
    %add3A_3395 = arith.constant 16384 : i32
    %add3A_3396 = vector.broadcast %add3A_3395 : i32 to vector<16xi32>
    %add3A_3397 = arith.addi %gather3A_3364, %add3A_3396 : vector<16xi32>
    %gather3A_3398 = tpu.vector_load_idx %arg6[%add3A_3397] : memref<20480xi32, #tpu.memory_space<vmem>>[vector<16xi32>], vector<16xi32>,
    %eq3A_3399 = arith.cmpi eq, %gather3A_3398, %add3A_3270 : vector<16xi32>
    %or3A_3400 = arith.ori %or3A_3394, %eq3A_3399 : vector<16xi1>
    %add3A_3401 = arith.addf %add3A_3356, %gather3A_3368 : vector<16xf32>
    %jit3A_3402 = arith.constant 0.000000e+00 : f32
    %broadcast_in_dim3A_3403 = vector.broadcast %jit3A_3402 : f32 to vector<16xf32>
    %select_n3A_3404 = arith.select %or3A_3400, %gather3A_3368, %broadcast_in_dim3A_3403 : vector<16xi1>, vector<16xf32>
    %add3A_3405 = arith.addf %add3A_3360, %select_n3A_3404 : vector<16xf32>
    %add3A_3406 = arith.constant 12288 : i32
    %add3A_3407 = vector.broadcast %add3A_3406 : i32 to vector<16xi32>
    %add3A_3408 = arith.addi %add3A_3270, %add3A_3407 : vector<16xi32>
    %gather3A_3409 = tpu.vector_load_idx %arg6[%add3A_3408] : memref<20480xi32, #tpu.memory_space<vmem>>[vector<16xi32>], vector<16xi32>,
    %add3A_3410 = arith.constant 768 : i32
    %add3A_3411 = vector.broadcast %add3A_3410 : i32 to vector<16xi32>
    %add3A_3412 = arith.addi %add3A_3266, %add3A_3411 : vector<16xi32>
    %gather3A_3413 = tpu.vector_load_idx %arg7[%add3A_3412] : memref<1280xf32, #tpu.memory_space<vmem>>[vector<16xi32>], vector<16xf32>,
    %broadcast_in_dim3A_3414 = arith.constant false
    %broadcast_in_dim3A_3415 = vector.broadcast %broadcast_in_dim3A_3414 : i1 to vector<16xi1>
    %add3A_3416 = arith.constant 0 : i32
    %add3A_3417 = vector.broadcast %add3A_3416 : i32 to vector<16xi32>
    %add3A_3418 = arith.addi %gather3A_3409, %add3A_3417 : vector<16xi32>
    %gather3A_3419 = tpu.vector_load_idx %arg6[%add3A_3418] : memref<20480xi32, #tpu.memory_space<vmem>>[vector<16xi32>], vector<16xi32>,
    %eq3A_3420 = arith.cmpi eq, %gather3A_3419, %add3A_3270 : vector<16xi32>
    %or3A_3421 = arith.ori %broadcast_in_dim3A_3415, %eq3A_3420 : vector<16xi1>
    %add3A_3422 = arith.constant 4096 : i32
    %add3A_3423 = vector.broadcast %add3A_3422 : i32 to vector<16xi32>
    %add3A_3424 = arith.addi %gather3A_3409, %add3A_3423 : vector<16xi32>
    %gather3A_3425 = tpu.vector_load_idx %arg6[%add3A_3424] : memref<20480xi32, #tpu.memory_space<vmem>>[vector<16xi32>], vector<16xi32>,
    %eq3A_3426 = arith.cmpi eq, %gather3A_3425, %add3A_3270 : vector<16xi32>
    %or3A_3427 = arith.ori %or3A_3421, %eq3A_3426 : vector<16xi1>
    %add3A_3428 = arith.constant 8192 : i32
    %add3A_3429 = vector.broadcast %add3A_3428 : i32 to vector<16xi32>
    %add3A_3430 = arith.addi %gather3A_3409, %add3A_3429 : vector<16xi32>
    %gather3A_3431 = tpu.vector_load_idx %arg6[%add3A_3430] : memref<20480xi32, #tpu.memory_space<vmem>>[vector<16xi32>], vector<16xi32>,
    %eq3A_3432 = arith.cmpi eq, %gather3A_3431, %add3A_3270 : vector<16xi32>
    %or3A_3433 = arith.ori %or3A_3427, %eq3A_3432 : vector<16xi1>
    %add3A_3434 = arith.constant 12288 : i32
    %add3A_3435 = vector.broadcast %add3A_3434 : i32 to vector<16xi32>
    %add3A_3436 = arith.addi %gather3A_3409, %add3A_3435 : vector<16xi32>
    %gather3A_3437 = tpu.vector_load_idx %arg6[%add3A_3436] : memref<20480xi32, #tpu.memory_space<vmem>>[vector<16xi32>], vector<16xi32>,
    %eq3A_3438 = arith.cmpi eq, %gather3A_3437, %add3A_3270 : vector<16xi32>
    %or3A_3439 = arith.ori %or3A_3433, %eq3A_3438 : vector<16xi1>
    %add3A_3440 = arith.constant 16384 : i32
    %add3A_3441 = vector.broadcast %add3A_3440 : i32 to vector<16xi32>
    %add3A_3442 = arith.addi %gather3A_3409, %add3A_3441 : vector<16xi32>
    %gather3A_3443 = tpu.vector_load_idx %arg6[%add3A_3442] : memref<20480xi32, #tpu.memory_space<vmem>>[vector<16xi32>], vector<16xi32>,
    %eq3A_3444 = arith.cmpi eq, %gather3A_3443, %add3A_3270 : vector<16xi32>
    %or3A_3445 = arith.ori %or3A_3439, %eq3A_3444 : vector<16xi1>
    %add3A_3446 = arith.addf %add3A_3401, %gather3A_3413 : vector<16xf32>
    %jit3A_3447 = arith.constant 0.000000e+00 : f32
    %broadcast_in_dim3A_3448 = vector.broadcast %jit3A_3447 : f32 to vector<16xf32>
    %select_n3A_3449 = arith.select %or3A_3445, %gather3A_3413, %broadcast_in_dim3A_3448 : vector<16xi1>, vector<16xf32>
    %add3A_3450 = arith.addf %add3A_3405, %select_n3A_3449 : vector<16xf32>
    %add3A_3451 = arith.constant 16384 : i32
    %add3A_3452 = vector.broadcast %add3A_3451 : i32 to vector<16xi32>
    %add3A_3453 = arith.addi %add3A_3270, %add3A_3452 : vector<16xi32>
    %gather3A_3454 = tpu.vector_load_idx %arg6[%add3A_3453] : memref<20480xi32, #tpu.memory_space<vmem>>[vector<16xi32>], vector<16xi32>,
    %add3A_3455 = arith.constant 1024 : i32
    %add3A_3456 = vector.broadcast %add3A_3455 : i32 to vector<16xi32>
    %add3A_3457 = arith.addi %add3A_3266, %add3A_3456 : vector<16xi32>
    %gather3A_3458 = tpu.vector_load_idx %arg7[%add3A_3457] : memref<1280xf32, #tpu.memory_space<vmem>>[vector<16xi32>], vector<16xf32>,
    %broadcast_in_dim3A_3459 = arith.constant false
    %broadcast_in_dim3A_3460 = vector.broadcast %broadcast_in_dim3A_3459 : i1 to vector<16xi1>
    %add3A_3461 = arith.constant 0 : i32
    %add3A_3462 = vector.broadcast %add3A_3461 : i32 to vector<16xi32>
    %add3A_3463 = arith.addi %gather3A_3454, %add3A_3462 : vector<16xi32>
    %gather3A_3464 = tpu.vector_load_idx %arg6[%add3A_3463] : memref<20480xi32, #tpu.memory_space<vmem>>[vector<16xi32>], vector<16xi32>,
    %eq3A_3465 = arith.cmpi eq, %gather3A_3464, %add3A_3270 : vector<16xi32>
    %or3A_3466 = arith.ori %broadcast_in_dim3A_3460, %eq3A_3465 : vector<16xi1>
    %add3A_3467 = arith.constant 4096 : i32
    %add3A_3468 = vector.broadcast %add3A_3467 : i32 to vector<16xi32>
    %add3A_3469 = arith.addi %gather3A_3454, %add3A_3468 : vector<16xi32>
    %gather3A_3470 = tpu.vector_load_idx %arg6[%add3A_3469] : memref<20480xi32, #tpu.memory_space<vmem>>[vector<16xi32>], vector<16xi32>,
    %eq3A_3471 = arith.cmpi eq, %gather3A_3470, %add3A_3270 : vector<16xi32>
    %or3A_3472 = arith.ori %or3A_3466, %eq3A_3471 : vector<16xi1>
    %add3A_3473 = arith.constant 8192 : i32
    %add3A_3474 = vector.broadcast %add3A_3473 : i32 to vector<16xi32>
    %add3A_3475 = arith.addi %gather3A_3454, %add3A_3474 : vector<16xi32>
    %gather3A_3476 = tpu.vector_load_idx %arg6[%add3A_3475] : memref<20480xi32, #tpu.memory_space<vmem>>[vector<16xi32>], vector<16xi32>,
    %eq3A_3477 = arith.cmpi eq, %gather3A_3476, %add3A_3270 : vector<16xi32>
    %or3A_3478 = arith.ori %or3A_3472, %eq3A_3477 : vector<16xi1>
    %add3A_3479 = arith.constant 12288 : i32
    %add3A_3480 = vector.broadcast %add3A_3479 : i32 to vector<16xi32>
    %add3A_3481 = arith.addi %gather3A_3454, %add3A_3480 : vector<16xi32>
    %gather3A_3482 = tpu.vector_load_idx %arg6[%add3A_3481] : memref<20480xi32, #tpu.memory_space<vmem>>[vector<16xi32>], vector<16xi32>,
    %eq3A_3483 = arith.cmpi eq, %gather3A_3482, %add3A_3270 : vector<16xi32>
    %or3A_3484 = arith.ori %or3A_3478, %eq3A_3483 : vector<16xi1>
    %add3A_3485 = arith.constant 16384 : i32
    %add3A_3486 = vector.broadcast %add3A_3485 : i32 to vector<16xi32>
    %add3A_3487 = arith.addi %gather3A_3454, %add3A_3486 : vector<16xi32>
    %gather3A_3488 = tpu.vector_load_idx %arg6[%add3A_3487] : memref<20480xi32, #tpu.memory_space<vmem>>[vector<16xi32>], vector<16xi32>,
    %eq3A_3489 = arith.cmpi eq, %gather3A_3488, %add3A_3270 : vector<16xi32>
    %or3A_3490 = arith.ori %or3A_3484, %eq3A_3489 : vector<16xi1>
    %add3A_3491 = arith.addf %add3A_3446, %gather3A_3458 : vector<16xf32>
    %jit3A_3492 = arith.constant 0.000000e+00 : f32
    %broadcast_in_dim3A_3493 = vector.broadcast %jit3A_3492 : f32 to vector<16xf32>
    %select_n3A_3494 = arith.select %or3A_3490, %gather3A_3458, %broadcast_in_dim3A_3493 : vector<16xi1>, vector<16xf32>
    %add3A_3495 = arith.addf %add3A_3450, %select_n3A_3494 : vector<16xf32>
    %add3A_3496 = arith.constant 240 : i32
    %add3A_3497 = vector.broadcast %add3A_3496 : i32 to vector<16xi32>
    %add3A_3498 = arith.addi %add3A_3497, %iota3A : vector<16xi32>
    %mul3A_3499 = arith.constant 256 : i32
    %mul3A_3500 = arith.muli %arg1, %mul3A_3499 : i32
    %add3A_3501 = vector.broadcast %mul3A_3500 : i32 to vector<16xi32>
    %add3A_3502 = arith.addi %add3A_3501, %add3A_3498 : vector<16xi32>
    %add3A_3503 = arith.constant 0 : i32
    %add3A_3504 = vector.broadcast %add3A_3503 : i32 to vector<16xi32>
    %add3A_3505 = arith.addi %add3A_3502, %add3A_3504 : vector<16xi32>
    %gather3A_3506 = tpu.vector_load_idx %arg6[%add3A_3505] : memref<20480xi32, #tpu.memory_space<vmem>>[vector<16xi32>], vector<16xi32>,
    %add3A_3507 = arith.constant 0 : i32
    %add3A_3508 = vector.broadcast %add3A_3507 : i32 to vector<16xi32>
    %add3A_3509 = arith.addi %add3A_3498, %add3A_3508 : vector<16xi32>
    %gather3A_3510 = tpu.vector_load_idx %arg7[%add3A_3509] : memref<1280xf32, #tpu.memory_space<vmem>>[vector<16xi32>], vector<16xf32>,
    %broadcast_in_dim3A_3511 = arith.constant false
    %broadcast_in_dim3A_3512 = vector.broadcast %broadcast_in_dim3A_3511 : i1 to vector<16xi1>
    %add3A_3513 = arith.constant 0 : i32
    %add3A_3514 = vector.broadcast %add3A_3513 : i32 to vector<16xi32>
    %add3A_3515 = arith.addi %gather3A_3506, %add3A_3514 : vector<16xi32>
    %gather3A_3516 = tpu.vector_load_idx %arg6[%add3A_3515] : memref<20480xi32, #tpu.memory_space<vmem>>[vector<16xi32>], vector<16xi32>,
    %eq3A_3517 = arith.cmpi eq, %gather3A_3516, %add3A_3502 : vector<16xi32>
    %or3A_3518 = arith.ori %broadcast_in_dim3A_3512, %eq3A_3517 : vector<16xi1>
    %add3A_3519 = arith.constant 4096 : i32
    %add3A_3520 = vector.broadcast %add3A_3519 : i32 to vector<16xi32>
    %add3A_3521 = arith.addi %gather3A_3506, %add3A_3520 : vector<16xi32>
    %gather3A_3522 = tpu.vector_load_idx %arg6[%add3A_3521] : memref<20480xi32, #tpu.memory_space<vmem>>[vector<16xi32>], vector<16xi32>,
    %eq3A_3523 = arith.cmpi eq, %gather3A_3522, %add3A_3502 : vector<16xi32>
    %or3A_3524 = arith.ori %or3A_3518, %eq3A_3523 : vector<16xi1>
    %add3A_3525 = arith.constant 8192 : i32
    %add3A_3526 = vector.broadcast %add3A_3525 : i32 to vector<16xi32>
    %add3A_3527 = arith.addi %gather3A_3506, %add3A_3526 : vector<16xi32>
    %gather3A_3528 = tpu.vector_load_idx %arg6[%add3A_3527] : memref<20480xi32, #tpu.memory_space<vmem>>[vector<16xi32>], vector<16xi32>,
    %eq3A_3529 = arith.cmpi eq, %gather3A_3528, %add3A_3502 : vector<16xi32>
    %or3A_3530 = arith.ori %or3A_3524, %eq3A_3529 : vector<16xi1>
    %add3A_3531 = arith.constant 12288 : i32
    %add3A_3532 = vector.broadcast %add3A_3531 : i32 to vector<16xi32>
    %add3A_3533 = arith.addi %gather3A_3506, %add3A_3532 : vector<16xi32>
    %gather3A_3534 = tpu.vector_load_idx %arg6[%add3A_3533] : memref<20480xi32, #tpu.memory_space<vmem>>[vector<16xi32>], vector<16xi32>,
    %eq3A_3535 = arith.cmpi eq, %gather3A_3534, %add3A_3502 : vector<16xi32>
    %or3A_3536 = arith.ori %or3A_3530, %eq3A_3535 : vector<16xi1>
    %add3A_3537 = arith.constant 16384 : i32
    %add3A_3538 = vector.broadcast %add3A_3537 : i32 to vector<16xi32>
    %add3A_3539 = arith.addi %gather3A_3506, %add3A_3538 : vector<16xi32>
    %gather3A_3540 = tpu.vector_load_idx %arg6[%add3A_3539] : memref<20480xi32, #tpu.memory_space<vmem>>[vector<16xi32>], vector<16xi32>,
    %eq3A_3541 = arith.cmpi eq, %gather3A_3540, %add3A_3502 : vector<16xi32>
    %or3A_3542 = arith.ori %or3A_3536, %eq3A_3541 : vector<16xi1>
    %add3A_3543 = arith.addf %add3A_3491, %gather3A_3510 : vector<16xf32>
    %jit3A_3544 = arith.constant 0.000000e+00 : f32
    %broadcast_in_dim3A_3545 = vector.broadcast %jit3A_3544 : f32 to vector<16xf32>
    %select_n3A_3546 = arith.select %or3A_3542, %gather3A_3510, %broadcast_in_dim3A_3545 : vector<16xi1>, vector<16xf32>
    %add3A_3547 = arith.addf %add3A_3495, %select_n3A_3546 : vector<16xf32>
    %add3A_3548 = arith.constant 4096 : i32
    %add3A_3549 = vector.broadcast %add3A_3548 : i32 to vector<16xi32>
    %add3A_3550 = arith.addi %add3A_3502, %add3A_3549 : vector<16xi32>
    %gather3A_3551 = tpu.vector_load_idx %arg6[%add3A_3550] : memref<20480xi32, #tpu.memory_space<vmem>>[vector<16xi32>], vector<16xi32>,
    %add3A_3552 = arith.constant 256 : i32
    %add3A_3553 = vector.broadcast %add3A_3552 : i32 to vector<16xi32>
    %add3A_3554 = arith.addi %add3A_3498, %add3A_3553 : vector<16xi32>
    %gather3A_3555 = tpu.vector_load_idx %arg7[%add3A_3554] : memref<1280xf32, #tpu.memory_space<vmem>>[vector<16xi32>], vector<16xf32>,
    %broadcast_in_dim3A_3556 = arith.constant false
    %broadcast_in_dim3A_3557 = vector.broadcast %broadcast_in_dim3A_3556 : i1 to vector<16xi1>
    %add3A_3558 = arith.constant 0 : i32
    %add3A_3559 = vector.broadcast %add3A_3558 : i32 to vector<16xi32>
    %add3A_3560 = arith.addi %gather3A_3551, %add3A_3559 : vector<16xi32>
    %gather3A_3561 = tpu.vector_load_idx %arg6[%add3A_3560] : memref<20480xi32, #tpu.memory_space<vmem>>[vector<16xi32>], vector<16xi32>,
    %eq3A_3562 = arith.cmpi eq, %gather3A_3561, %add3A_3502 : vector<16xi32>
    %or3A_3563 = arith.ori %broadcast_in_dim3A_3557, %eq3A_3562 : vector<16xi1>
    %add3A_3564 = arith.constant 4096 : i32
    %add3A_3565 = vector.broadcast %add3A_3564 : i32 to vector<16xi32>
    %add3A_3566 = arith.addi %gather3A_3551, %add3A_3565 : vector<16xi32>
    %gather3A_3567 = tpu.vector_load_idx %arg6[%add3A_3566] : memref<20480xi32, #tpu.memory_space<vmem>>[vector<16xi32>], vector<16xi32>,
    %eq3A_3568 = arith.cmpi eq, %gather3A_3567, %add3A_3502 : vector<16xi32>
    %or3A_3569 = arith.ori %or3A_3563, %eq3A_3568 : vector<16xi1>
    %add3A_3570 = arith.constant 8192 : i32
    %add3A_3571 = vector.broadcast %add3A_3570 : i32 to vector<16xi32>
    %add3A_3572 = arith.addi %gather3A_3551, %add3A_3571 : vector<16xi32>
    %gather3A_3573 = tpu.vector_load_idx %arg6[%add3A_3572] : memref<20480xi32, #tpu.memory_space<vmem>>[vector<16xi32>], vector<16xi32>,
    %eq3A_3574 = arith.cmpi eq, %gather3A_3573, %add3A_3502 : vector<16xi32>
    %or3A_3575 = arith.ori %or3A_3569, %eq3A_3574 : vector<16xi1>
    %add3A_3576 = arith.constant 12288 : i32
    %add3A_3577 = vector.broadcast %add3A_3576 : i32 to vector<16xi32>
    %add3A_3578 = arith.addi %gather3A_3551, %add3A_3577 : vector<16xi32>
    %gather3A_3579 = tpu.vector_load_idx %arg6[%add3A_3578] : memref<20480xi32, #tpu.memory_space<vmem>>[vector<16xi32>], vector<16xi32>,
    %eq3A_3580 = arith.cmpi eq, %gather3A_3579, %add3A_3502 : vector<16xi32>
    %or3A_3581 = arith.ori %or3A_3575, %eq3A_3580 : vector<16xi1>
    %add3A_3582 = arith.constant 16384 : i32
    %add3A_3583 = vector.broadcast %add3A_3582 : i32 to vector<16xi32>
    %add3A_3584 = arith.addi %gather3A_3551, %add3A_3583 : vector<16xi32>
    %gather3A_3585 = tpu.vector_load_idx %arg6[%add3A_3584] : memref<20480xi32, #tpu.memory_space<vmem>>[vector<16xi32>], vector<16xi32>,
    %eq3A_3586 = arith.cmpi eq, %gather3A_3585, %add3A_3502 : vector<16xi32>
    %or3A_3587 = arith.ori %or3A_3581, %eq3A_3586 : vector<16xi1>
    %add3A_3588 = arith.addf %add3A_3543, %gather3A_3555 : vector<16xf32>
    %jit3A_3589 = arith.constant 0.000000e+00 : f32
    %broadcast_in_dim3A_3590 = vector.broadcast %jit3A_3589 : f32 to vector<16xf32>
    %select_n3A_3591 = arith.select %or3A_3587, %gather3A_3555, %broadcast_in_dim3A_3590 : vector<16xi1>, vector<16xf32>
    %add3A_3592 = arith.addf %add3A_3547, %select_n3A_3591 : vector<16xf32>
    %add3A_3593 = arith.constant 8192 : i32
    %add3A_3594 = vector.broadcast %add3A_3593 : i32 to vector<16xi32>
    %add3A_3595 = arith.addi %add3A_3502, %add3A_3594 : vector<16xi32>
    %gather3A_3596 = tpu.vector_load_idx %arg6[%add3A_3595] : memref<20480xi32, #tpu.memory_space<vmem>>[vector<16xi32>], vector<16xi32>,
    %add3A_3597 = arith.constant 512 : i32
    %add3A_3598 = vector.broadcast %add3A_3597 : i32 to vector<16xi32>
    %add3A_3599 = arith.addi %add3A_3498, %add3A_3598 : vector<16xi32>
    %gather3A_3600 = tpu.vector_load_idx %arg7[%add3A_3599] : memref<1280xf32, #tpu.memory_space<vmem>>[vector<16xi32>], vector<16xf32>,
    %broadcast_in_dim3A_3601 = arith.constant false
    %broadcast_in_dim3A_3602 = vector.broadcast %broadcast_in_dim3A_3601 : i1 to vector<16xi1>
    %add3A_3603 = arith.constant 0 : i32
    %add3A_3604 = vector.broadcast %add3A_3603 : i32 to vector<16xi32>
    %add3A_3605 = arith.addi %gather3A_3596, %add3A_3604 : vector<16xi32>
    %gather3A_3606 = tpu.vector_load_idx %arg6[%add3A_3605] : memref<20480xi32, #tpu.memory_space<vmem>>[vector<16xi32>], vector<16xi32>,
    %eq3A_3607 = arith.cmpi eq, %gather3A_3606, %add3A_3502 : vector<16xi32>
    %or3A_3608 = arith.ori %broadcast_in_dim3A_3602, %eq3A_3607 : vector<16xi1>
    %add3A_3609 = arith.constant 4096 : i32
    %add3A_3610 = vector.broadcast %add3A_3609 : i32 to vector<16xi32>
    %add3A_3611 = arith.addi %gather3A_3596, %add3A_3610 : vector<16xi32>
    %gather3A_3612 = tpu.vector_load_idx %arg6[%add3A_3611] : memref<20480xi32, #tpu.memory_space<vmem>>[vector<16xi32>], vector<16xi32>,
    %eq3A_3613 = arith.cmpi eq, %gather3A_3612, %add3A_3502 : vector<16xi32>
    %or3A_3614 = arith.ori %or3A_3608, %eq3A_3613 : vector<16xi1>
    %add3A_3615 = arith.constant 8192 : i32
    %add3A_3616 = vector.broadcast %add3A_3615 : i32 to vector<16xi32>
    %add3A_3617 = arith.addi %gather3A_3596, %add3A_3616 : vector<16xi32>
    %gather3A_3618 = tpu.vector_load_idx %arg6[%add3A_3617] : memref<20480xi32, #tpu.memory_space<vmem>>[vector<16xi32>], vector<16xi32>,
    %eq3A_3619 = arith.cmpi eq, %gather3A_3618, %add3A_3502 : vector<16xi32>
    %or3A_3620 = arith.ori %or3A_3614, %eq3A_3619 : vector<16xi1>
    %add3A_3621 = arith.constant 12288 : i32
    %add3A_3622 = vector.broadcast %add3A_3621 : i32 to vector<16xi32>
    %add3A_3623 = arith.addi %gather3A_3596, %add3A_3622 : vector<16xi32>
    %gather3A_3624 = tpu.vector_load_idx %arg6[%add3A_3623] : memref<20480xi32, #tpu.memory_space<vmem>>[vector<16xi32>], vector<16xi32>,
    %eq3A_3625 = arith.cmpi eq, %gather3A_3624, %add3A_3502 : vector<16xi32>
    %or3A_3626 = arith.ori %or3A_3620, %eq3A_3625 : vector<16xi1>
    %add3A_3627 = arith.constant 16384 : i32
    %add3A_3628 = vector.broadcast %add3A_3627 : i32 to vector<16xi32>
    %add3A_3629 = arith.addi %gather3A_3596, %add3A_3628 : vector<16xi32>
    %gather3A_3630 = tpu.vector_load_idx %arg6[%add3A_3629] : memref<20480xi32, #tpu.memory_space<vmem>>[vector<16xi32>], vector<16xi32>,
    %eq3A_3631 = arith.cmpi eq, %gather3A_3630, %add3A_3502 : vector<16xi32>
    %or3A_3632 = arith.ori %or3A_3626, %eq3A_3631 : vector<16xi1>
    %add3A_3633 = arith.addf %add3A_3588, %gather3A_3600 : vector<16xf32>
    %jit3A_3634 = arith.constant 0.000000e+00 : f32
    %broadcast_in_dim3A_3635 = vector.broadcast %jit3A_3634 : f32 to vector<16xf32>
    %select_n3A_3636 = arith.select %or3A_3632, %gather3A_3600, %broadcast_in_dim3A_3635 : vector<16xi1>, vector<16xf32>
    %add3A_3637 = arith.addf %add3A_3592, %select_n3A_3636 : vector<16xf32>
    %add3A_3638 = arith.constant 12288 : i32
    %add3A_3639 = vector.broadcast %add3A_3638 : i32 to vector<16xi32>
    %add3A_3640 = arith.addi %add3A_3502, %add3A_3639 : vector<16xi32>
    %gather3A_3641 = tpu.vector_load_idx %arg6[%add3A_3640] : memref<20480xi32, #tpu.memory_space<vmem>>[vector<16xi32>], vector<16xi32>,
    %add3A_3642 = arith.constant 768 : i32
    %add3A_3643 = vector.broadcast %add3A_3642 : i32 to vector<16xi32>
    %add3A_3644 = arith.addi %add3A_3498, %add3A_3643 : vector<16xi32>
    %gather3A_3645 = tpu.vector_load_idx %arg7[%add3A_3644] : memref<1280xf32, #tpu.memory_space<vmem>>[vector<16xi32>], vector<16xf32>,
    %broadcast_in_dim3A_3646 = arith.constant false
    %broadcast_in_dim3A_3647 = vector.broadcast %broadcast_in_dim3A_3646 : i1 to vector<16xi1>
    %add3A_3648 = arith.constant 0 : i32
    %add3A_3649 = vector.broadcast %add3A_3648 : i32 to vector<16xi32>
    %add3A_3650 = arith.addi %gather3A_3641, %add3A_3649 : vector<16xi32>
    %gather3A_3651 = tpu.vector_load_idx %arg6[%add3A_3650] : memref<20480xi32, #tpu.memory_space<vmem>>[vector<16xi32>], vector<16xi32>,
    %eq3A_3652 = arith.cmpi eq, %gather3A_3651, %add3A_3502 : vector<16xi32>
    %or3A_3653 = arith.ori %broadcast_in_dim3A_3647, %eq3A_3652 : vector<16xi1>
    %add3A_3654 = arith.constant 4096 : i32
    %add3A_3655 = vector.broadcast %add3A_3654 : i32 to vector<16xi32>
    %add3A_3656 = arith.addi %gather3A_3641, %add3A_3655 : vector<16xi32>
    %gather3A_3657 = tpu.vector_load_idx %arg6[%add3A_3656] : memref<20480xi32, #tpu.memory_space<vmem>>[vector<16xi32>], vector<16xi32>,
    %eq3A_3658 = arith.cmpi eq, %gather3A_3657, %add3A_3502 : vector<16xi32>
    %or3A_3659 = arith.ori %or3A_3653, %eq3A_3658 : vector<16xi1>
    %add3A_3660 = arith.constant 8192 : i32
    %add3A_3661 = vector.broadcast %add3A_3660 : i32 to vector<16xi32>
    %add3A_3662 = arith.addi %gather3A_3641, %add3A_3661 : vector<16xi32>
    %gather3A_3663 = tpu.vector_load_idx %arg6[%add3A_3662] : memref<20480xi32, #tpu.memory_space<vmem>>[vector<16xi32>], vector<16xi32>,
    %eq3A_3664 = arith.cmpi eq, %gather3A_3663, %add3A_3502 : vector<16xi32>
    %or3A_3665 = arith.ori %or3A_3659, %eq3A_3664 : vector<16xi1>
    %add3A_3666 = arith.constant 12288 : i32
    %add3A_3667 = vector.broadcast %add3A_3666 : i32 to vector<16xi32>
    %add3A_3668 = arith.addi %gather3A_3641, %add3A_3667 : vector<16xi32>
    %gather3A_3669 = tpu.vector_load_idx %arg6[%add3A_3668] : memref<20480xi32, #tpu.memory_space<vmem>>[vector<16xi32>], vector<16xi32>,
    %eq3A_3670 = arith.cmpi eq, %gather3A_3669, %add3A_3502 : vector<16xi32>
    %or3A_3671 = arith.ori %or3A_3665, %eq3A_3670 : vector<16xi1>
    %add3A_3672 = arith.constant 16384 : i32
    %add3A_3673 = vector.broadcast %add3A_3672 : i32 to vector<16xi32>
    %add3A_3674 = arith.addi %gather3A_3641, %add3A_3673 : vector<16xi32>
    %gather3A_3675 = tpu.vector_load_idx %arg6[%add3A_3674] : memref<20480xi32, #tpu.memory_space<vmem>>[vector<16xi32>], vector<16xi32>,
    %eq3A_3676 = arith.cmpi eq, %gather3A_3675, %add3A_3502 : vector<16xi32>
    %or3A_3677 = arith.ori %or3A_3671, %eq3A_3676 : vector<16xi1>
    %add3A_3678 = arith.addf %add3A_3633, %gather3A_3645 : vector<16xf32>
    %jit3A_3679 = arith.constant 0.000000e+00 : f32
    %broadcast_in_dim3A_3680 = vector.broadcast %jit3A_3679 : f32 to vector<16xf32>
    %select_n3A_3681 = arith.select %or3A_3677, %gather3A_3645, %broadcast_in_dim3A_3680 : vector<16xi1>, vector<16xf32>
    %add3A_3682 = arith.addf %add3A_3637, %select_n3A_3681 : vector<16xf32>
    %add3A_3683 = arith.constant 16384 : i32
    %add3A_3684 = vector.broadcast %add3A_3683 : i32 to vector<16xi32>
    %add3A_3685 = arith.addi %add3A_3502, %add3A_3684 : vector<16xi32>
    %gather3A_3686 = tpu.vector_load_idx %arg6[%add3A_3685] : memref<20480xi32, #tpu.memory_space<vmem>>[vector<16xi32>], vector<16xi32>,
    %add3A_3687 = arith.constant 1024 : i32
    %add3A_3688 = vector.broadcast %add3A_3687 : i32 to vector<16xi32>
    %add3A_3689 = arith.addi %add3A_3498, %add3A_3688 : vector<16xi32>
    %gather3A_3690 = tpu.vector_load_idx %arg7[%add3A_3689] : memref<1280xf32, #tpu.memory_space<vmem>>[vector<16xi32>], vector<16xf32>,
    %broadcast_in_dim3A_3691 = arith.constant false
    %broadcast_in_dim3A_3692 = vector.broadcast %broadcast_in_dim3A_3691 : i1 to vector<16xi1>
    %add3A_3693 = arith.constant 0 : i32
    %add3A_3694 = vector.broadcast %add3A_3693 : i32 to vector<16xi32>
    %add3A_3695 = arith.addi %gather3A_3686, %add3A_3694 : vector<16xi32>
    %gather3A_3696 = tpu.vector_load_idx %arg6[%add3A_3695] : memref<20480xi32, #tpu.memory_space<vmem>>[vector<16xi32>], vector<16xi32>,
    %eq3A_3697 = arith.cmpi eq, %gather3A_3696, %add3A_3502 : vector<16xi32>
    %or3A_3698 = arith.ori %broadcast_in_dim3A_3692, %eq3A_3697 : vector<16xi1>
    %add3A_3699 = arith.constant 4096 : i32
    %add3A_3700 = vector.broadcast %add3A_3699 : i32 to vector<16xi32>
    %add3A_3701 = arith.addi %gather3A_3686, %add3A_3700 : vector<16xi32>
    %gather3A_3702 = tpu.vector_load_idx %arg6[%add3A_3701] : memref<20480xi32, #tpu.memory_space<vmem>>[vector<16xi32>], vector<16xi32>,
    %eq3A_3703 = arith.cmpi eq, %gather3A_3702, %add3A_3502 : vector<16xi32>
    %or3A_3704 = arith.ori %or3A_3698, %eq3A_3703 : vector<16xi1>
    %add3A_3705 = arith.constant 8192 : i32
    %add3A_3706 = vector.broadcast %add3A_3705 : i32 to vector<16xi32>
    %add3A_3707 = arith.addi %gather3A_3686, %add3A_3706 : vector<16xi32>
    %gather3A_3708 = tpu.vector_load_idx %arg6[%add3A_3707] : memref<20480xi32, #tpu.memory_space<vmem>>[vector<16xi32>], vector<16xi32>,
    %eq3A_3709 = arith.cmpi eq, %gather3A_3708, %add3A_3502 : vector<16xi32>
    %or3A_3710 = arith.ori %or3A_3704, %eq3A_3709 : vector<16xi1>
    %add3A_3711 = arith.constant 12288 : i32
    %add3A_3712 = vector.broadcast %add3A_3711 : i32 to vector<16xi32>
    %add3A_3713 = arith.addi %gather3A_3686, %add3A_3712 : vector<16xi32>
    %gather3A_3714 = tpu.vector_load_idx %arg6[%add3A_3713] : memref<20480xi32, #tpu.memory_space<vmem>>[vector<16xi32>], vector<16xi32>,
    %eq3A_3715 = arith.cmpi eq, %gather3A_3714, %add3A_3502 : vector<16xi32>
    %or3A_3716 = arith.ori %or3A_3710, %eq3A_3715 : vector<16xi1>
    %add3A_3717 = arith.constant 16384 : i32
    %add3A_3718 = vector.broadcast %add3A_3717 : i32 to vector<16xi32>
    %add3A_3719 = arith.addi %gather3A_3686, %add3A_3718 : vector<16xi32>
    %gather3A_3720 = tpu.vector_load_idx %arg6[%add3A_3719] : memref<20480xi32, #tpu.memory_space<vmem>>[vector<16xi32>], vector<16xi32>,
    %eq3A_3721 = arith.cmpi eq, %gather3A_3720, %add3A_3502 : vector<16xi32>
    %or3A_3722 = arith.ori %or3A_3716, %eq3A_3721 : vector<16xi1>
    %add3A_3723 = arith.addf %add3A_3678, %gather3A_3690 : vector<16xf32>
    %jit3A_3724 = arith.constant 0.000000e+00 : f32
    %broadcast_in_dim3A_3725 = vector.broadcast %jit3A_3724 : f32 to vector<16xf32>
    %select_n3A_3726 = arith.select %or3A_3722, %gather3A_3690, %broadcast_in_dim3A_3725 : vector<16xi1>, vector<16xf32>
    %add3A_3727 = arith.addf %add3A_3682, %select_n3A_3726 : vector<16xf32>
    %swap3A = arith.constant 0 : i32
    %swap3A_3728 = arith.index_cast %swap3A : i32 to index
    %swap3A_3729 = arith.constant 0 : index
    %swap3A_3730 = tpu.vector_load %arg8[%swap3A_3728, %swap3A_3729] {strides = array<i32>} : memref<2x16xf32, #tpu.memory_space<vmem>>, vector<16xf32>,
    tpu.vector_store %arg8[%swap3A_3728, %swap3A_3729], %add3A_3723 {strides = array<i32>} : memref<2x16xf32, #tpu.memory_space<vmem>>, vector<16xf32>,
    %swap3A_3731 = arith.constant 1 : i32
    %swap3A_3732 = arith.index_cast %swap3A_3731 : i32 to index
    %swap3A_3733 = arith.constant 0 : index
    %swap3A_3734 = tpu.vector_load %arg8[%swap3A_3732, %swap3A_3733] {strides = array<i32>} : memref<2x16xf32, #tpu.memory_space<vmem>>, vector<16xf32>,
    tpu.vector_store %arg8[%swap3A_3732, %swap3A_3733], %add3A_3727 {strides = array<i32>} : memref<2x16xf32, #tpu.memory_space<vmem>>, vector<16xf32>,
    "tpu.region"() ({
      %run_scoped3A = tpu.sem_alloc : memref<!tpu.dma_semaphore, #tpu.memory_space<semaphore_mem>>
      %dma_start3A = arith.constant 0 : i32
      %dma_start3A_3738 = arith.constant 0 : i32
      %dma_start3A_3739 = tpu.memref_slice %arg4[%arg1, %dma_start3A, %dma_start3A_3738] : memref<16x2x16xf32, #tpu.memory_space<hbm>> -> memref<1x2x16xf32, #tpu.memory_space<hbm>>
      %dma_start3A_3740 = tpu.memref_squeeze %dma_start3A_3739 : memref<1x2x16xf32, #tpu.memory_space<hbm>> -> memref<2x16xf32, #tpu.memory_space<hbm>>
      %dma_start3A_3741 = arith.constant 0 : i32
      %dma_start3A_3742 = arith.constant 0 : i32
      %dma_start3A_3743 = tpu.memref_slice %arg4[%arg1, %dma_start3A_3741, %dma_start3A_3742] : memref<16x2x16xf32, #tpu.memory_space<hbm>> -> memref<1x2x16xf32, #tpu.memory_space<hbm>>
      %dma_start3A_3744 = tpu.memref_squeeze %dma_start3A_3743 : memref<1x2x16xf32, #tpu.memory_space<hbm>> -> memref<2x16xf32, #tpu.memory_space<hbm>>
      tpu.enqueue_dma source(%arg8 : memref<2x16xf32, #tpu.memory_space<vmem>>) target(%dma_start3A_3744 : memref<2x16xf32, #tpu.memory_space<hbm>>) target_semaphore(%run_scoped3A : memref<!tpu.dma_semaphore, #tpu.memory_space<semaphore_mem>>)
      %dma_wait3A = arith.constant 0 : i32
      %dma_wait3A_3745 = arith.constant 0 : i32
      %dma_wait3A_3746 = tpu.memref_slice %arg4[%arg1, %dma_wait3A, %dma_wait3A_3745] : memref<16x2x16xf32, #tpu.memory_space<hbm>> -> memref<1x2x16xf32, #tpu.memory_space<hbm>>
      %dma_wait3A_3747 = tpu.memref_squeeze %dma_wait3A_3746 : memref<1x2x16xf32, #tpu.memory_space<hbm>> -> memref<2x16xf32, #tpu.memory_space<hbm>>
      %dma_wait3A_3748 = arith.constant 0 : i32
      %dma_wait3A_3749 = arith.constant 0 : i32
      %dma_wait3A_3750 = tpu.memref_slice %arg4[%arg1, %dma_wait3A_3748, %dma_wait3A_3749] : memref<16x2x16xf32, #tpu.memory_space<hbm>> -> memref<1x2x16xf32, #tpu.memory_space<hbm>>
      %dma_wait3A_3751 = tpu.memref_squeeze %dma_wait3A_3750 : memref<1x2x16xf32, #tpu.memory_space<hbm>> -> memref<2x16xf32, #tpu.memory_space<hbm>>
      tpu.wait_dma2 semaphore(%run_scoped3A : memref<!tpu.dma_semaphore, #tpu.memory_space<semaphore_mem>>) src(%arg8 : memref<2x16xf32, #tpu.memory_space<vmem>>) dst(%dma_wait3A_3751 : memref<2x16xf32, #tpu.memory_space<hbm>>)
      tpu.yield
    }) : () -> ()
    %barrier3A = arith.constant 0 : index
    tpu.barrier barrier_id(%barrier3A)
    %eq3A_3735 = arith.constant 0 : i32
    %eq3A_3736 = arith.cmpi eq, %arg1, %eq3A_3735 : i32
    %convert_element_type3A = arith.extui %eq3A_3736 : i1 to i32
    %cond3A = arith.constant 0 : i32
    %cond3A_3737 = arith.cmpi ne, %convert_element_type3A, %cond3A : i32
    scf.if %cond3A_3737 {
      "tpu.region"() ({
        %run_scoped3A = tpu.sem_alloc : memref<!tpu.dma_semaphore, #tpu.memory_space<semaphore_mem>>
        tpu.enqueue_dma source(%arg4 : memref<16x2x16xf32, #tpu.memory_space<hbm>>) target(%arg9 : memref<16x2x16xf32, #tpu.memory_space<vmem>>) target_semaphore(%run_scoped3A : memref<!tpu.dma_semaphore, #tpu.memory_space<semaphore_mem>>)
        tpu.wait_dma2 semaphore(%run_scoped3A : memref<!tpu.dma_semaphore, #tpu.memory_space<semaphore_mem>>) src(%arg4 : memref<16x2x16xf32, #tpu.memory_space<hbm>>) dst(%arg9 : memref<16x2x16xf32, #tpu.memory_space<vmem>>)
        tpu.yield
      }) : () -> ()
      %broadcast_in_dim3A_3738 = arith.constant 0.000000e+00 : f32
      %broadcast_in_dim3A_3739 = vector.broadcast %broadcast_in_dim3A_3738 : f32 to vector<16xf32>
      %broadcast_in_dim3A_3740 = arith.constant 0.000000e+00 : f32
      %broadcast_in_dim3A_3741 = vector.broadcast %broadcast_in_dim3A_3740 : f32 to vector<16xf32>
      %get3A = arith.constant 0 : i32
      %get3A_3742 = arith.constant 0 : i32
      %get3A_3743 = arith.index_cast %get3A : i32 to index
      %get3A_3744 = arith.index_cast %get3A_3742 : i32 to index
      %get3A_3745 = arith.constant 0 : index
      %get3A_3746 = tpu.vector_load %arg9[%get3A_3743, %get3A_3744, %get3A_3745] {strides = array<i32>} : memref<16x2x16xf32, #tpu.memory_space<vmem>>, vector<16xf32>,
      %add3A_3747 = arith.addf %broadcast_in_dim3A_3739, %get3A_3746 : vector<16xf32>
      %get3A_3748 = arith.constant 0 : i32
      %get3A_3749 = arith.constant 1 : i32
      %get3A_3750 = arith.index_cast %get3A_3748 : i32 to index
      %get3A_3751 = arith.index_cast %get3A_3749 : i32 to index
      %get3A_3752 = arith.constant 0 : index
      %get3A_3753 = tpu.vector_load %arg9[%get3A_3750, %get3A_3751, %get3A_3752] {strides = array<i32>} : memref<16x2x16xf32, #tpu.memory_space<vmem>>, vector<16xf32>,
      %add3A_3754 = arith.addf %broadcast_in_dim3A_3741, %get3A_3753 : vector<16xf32>
      %get3A_3755 = arith.constant 1 : i32
      %get3A_3756 = arith.constant 0 : i32
      %get3A_3757 = arith.index_cast %get3A_3755 : i32 to index
      %get3A_3758 = arith.index_cast %get3A_3756 : i32 to index
      %get3A_3759 = arith.constant 0 : index
      %get3A_3760 = tpu.vector_load %arg9[%get3A_3757, %get3A_3758, %get3A_3759] {strides = array<i32>} : memref<16x2x16xf32, #tpu.memory_space<vmem>>, vector<16xf32>,
      %add3A_3761 = arith.addf %add3A_3747, %get3A_3760 : vector<16xf32>
      %get3A_3762 = arith.constant 1 : i32
      %get3A_3763 = arith.constant 1 : i32
      %get3A_3764 = arith.index_cast %get3A_3762 : i32 to index
      %get3A_3765 = arith.index_cast %get3A_3763 : i32 to index
      %get3A_3766 = arith.constant 0 : index
      %get3A_3767 = tpu.vector_load %arg9[%get3A_3764, %get3A_3765, %get3A_3766] {strides = array<i32>} : memref<16x2x16xf32, #tpu.memory_space<vmem>>, vector<16xf32>,
      %add3A_3768 = arith.addf %add3A_3754, %get3A_3767 : vector<16xf32>
      %get3A_3769 = arith.constant 2 : i32
      %get3A_3770 = arith.constant 0 : i32
      %get3A_3771 = arith.index_cast %get3A_3769 : i32 to index
      %get3A_3772 = arith.index_cast %get3A_3770 : i32 to index
      %get3A_3773 = arith.constant 0 : index
      %get3A_3774 = tpu.vector_load %arg9[%get3A_3771, %get3A_3772, %get3A_3773] {strides = array<i32>} : memref<16x2x16xf32, #tpu.memory_space<vmem>>, vector<16xf32>,
      %add3A_3775 = arith.addf %add3A_3761, %get3A_3774 : vector<16xf32>
      %get3A_3776 = arith.constant 2 : i32
      %get3A_3777 = arith.constant 1 : i32
      %get3A_3778 = arith.index_cast %get3A_3776 : i32 to index
      %get3A_3779 = arith.index_cast %get3A_3777 : i32 to index
      %get3A_3780 = arith.constant 0 : index
      %get3A_3781 = tpu.vector_load %arg9[%get3A_3778, %get3A_3779, %get3A_3780] {strides = array<i32>} : memref<16x2x16xf32, #tpu.memory_space<vmem>>, vector<16xf32>,
      %add3A_3782 = arith.addf %add3A_3768, %get3A_3781 : vector<16xf32>
      %get3A_3783 = arith.constant 3 : i32
      %get3A_3784 = arith.constant 0 : i32
      %get3A_3785 = arith.index_cast %get3A_3783 : i32 to index
      %get3A_3786 = arith.index_cast %get3A_3784 : i32 to index
      %get3A_3787 = arith.constant 0 : index
      %get3A_3788 = tpu.vector_load %arg9[%get3A_3785, %get3A_3786, %get3A_3787] {strides = array<i32>} : memref<16x2x16xf32, #tpu.memory_space<vmem>>, vector<16xf32>,
      %add3A_3789 = arith.addf %add3A_3775, %get3A_3788 : vector<16xf32>
      %get3A_3790 = arith.constant 3 : i32
      %get3A_3791 = arith.constant 1 : i32
      %get3A_3792 = arith.index_cast %get3A_3790 : i32 to index
      %get3A_3793 = arith.index_cast %get3A_3791 : i32 to index
      %get3A_3794 = arith.constant 0 : index
      %get3A_3795 = tpu.vector_load %arg9[%get3A_3792, %get3A_3793, %get3A_3794] {strides = array<i32>} : memref<16x2x16xf32, #tpu.memory_space<vmem>>, vector<16xf32>,
      %add3A_3796 = arith.addf %add3A_3782, %get3A_3795 : vector<16xf32>
      %get3A_3797 = arith.constant 4 : i32
      %get3A_3798 = arith.constant 0 : i32
      %get3A_3799 = arith.index_cast %get3A_3797 : i32 to index
      %get3A_3800 = arith.index_cast %get3A_3798 : i32 to index
      %get3A_3801 = arith.constant 0 : index
      %get3A_3802 = tpu.vector_load %arg9[%get3A_3799, %get3A_3800, %get3A_3801] {strides = array<i32>} : memref<16x2x16xf32, #tpu.memory_space<vmem>>, vector<16xf32>,
      %add3A_3803 = arith.addf %add3A_3789, %get3A_3802 : vector<16xf32>
      %get3A_3804 = arith.constant 4 : i32
      %get3A_3805 = arith.constant 1 : i32
      %get3A_3806 = arith.index_cast %get3A_3804 : i32 to index
      %get3A_3807 = arith.index_cast %get3A_3805 : i32 to index
      %get3A_3808 = arith.constant 0 : index
      %get3A_3809 = tpu.vector_load %arg9[%get3A_3806, %get3A_3807, %get3A_3808] {strides = array<i32>} : memref<16x2x16xf32, #tpu.memory_space<vmem>>, vector<16xf32>,
      %add3A_3810 = arith.addf %add3A_3796, %get3A_3809 : vector<16xf32>
      %get3A_3811 = arith.constant 5 : i32
      %get3A_3812 = arith.constant 0 : i32
      %get3A_3813 = arith.index_cast %get3A_3811 : i32 to index
      %get3A_3814 = arith.index_cast %get3A_3812 : i32 to index
      %get3A_3815 = arith.constant 0 : index
      %get3A_3816 = tpu.vector_load %arg9[%get3A_3813, %get3A_3814, %get3A_3815] {strides = array<i32>} : memref<16x2x16xf32, #tpu.memory_space<vmem>>, vector<16xf32>,
      %add3A_3817 = arith.addf %add3A_3803, %get3A_3816 : vector<16xf32>
      %get3A_3818 = arith.constant 5 : i32
      %get3A_3819 = arith.constant 1 : i32
      %get3A_3820 = arith.index_cast %get3A_3818 : i32 to index
      %get3A_3821 = arith.index_cast %get3A_3819 : i32 to index
      %get3A_3822 = arith.constant 0 : index
      %get3A_3823 = tpu.vector_load %arg9[%get3A_3820, %get3A_3821, %get3A_3822] {strides = array<i32>} : memref<16x2x16xf32, #tpu.memory_space<vmem>>, vector<16xf32>,
      %add3A_3824 = arith.addf %add3A_3810, %get3A_3823 : vector<16xf32>
      %get3A_3825 = arith.constant 6 : i32
      %get3A_3826 = arith.constant 0 : i32
      %get3A_3827 = arith.index_cast %get3A_3825 : i32 to index
      %get3A_3828 = arith.index_cast %get3A_3826 : i32 to index
      %get3A_3829 = arith.constant 0 : index
      %get3A_3830 = tpu.vector_load %arg9[%get3A_3827, %get3A_3828, %get3A_3829] {strides = array<i32>} : memref<16x2x16xf32, #tpu.memory_space<vmem>>, vector<16xf32>,
      %add3A_3831 = arith.addf %add3A_3817, %get3A_3830 : vector<16xf32>
      %get3A_3832 = arith.constant 6 : i32
      %get3A_3833 = arith.constant 1 : i32
      %get3A_3834 = arith.index_cast %get3A_3832 : i32 to index
      %get3A_3835 = arith.index_cast %get3A_3833 : i32 to index
      %get3A_3836 = arith.constant 0 : index
      %get3A_3837 = tpu.vector_load %arg9[%get3A_3834, %get3A_3835, %get3A_3836] {strides = array<i32>} : memref<16x2x16xf32, #tpu.memory_space<vmem>>, vector<16xf32>,
      %add3A_3838 = arith.addf %add3A_3824, %get3A_3837 : vector<16xf32>
      %get3A_3839 = arith.constant 7 : i32
      %get3A_3840 = arith.constant 0 : i32
      %get3A_3841 = arith.index_cast %get3A_3839 : i32 to index
      %get3A_3842 = arith.index_cast %get3A_3840 : i32 to index
      %get3A_3843 = arith.constant 0 : index
      %get3A_3844 = tpu.vector_load %arg9[%get3A_3841, %get3A_3842, %get3A_3843] {strides = array<i32>} : memref<16x2x16xf32, #tpu.memory_space<vmem>>, vector<16xf32>,
      %add3A_3845 = arith.addf %add3A_3831, %get3A_3844 : vector<16xf32>
      %get3A_3846 = arith.constant 7 : i32
      %get3A_3847 = arith.constant 1 : i32
      %get3A_3848 = arith.index_cast %get3A_3846 : i32 to index
      %get3A_3849 = arith.index_cast %get3A_3847 : i32 to index
      %get3A_3850 = arith.constant 0 : index
      %get3A_3851 = tpu.vector_load %arg9[%get3A_3848, %get3A_3849, %get3A_3850] {strides = array<i32>} : memref<16x2x16xf32, #tpu.memory_space<vmem>>, vector<16xf32>,
      %add3A_3852 = arith.addf %add3A_3838, %get3A_3851 : vector<16xf32>
      %get3A_3853 = arith.constant 8 : i32
      %get3A_3854 = arith.constant 0 : i32
      %get3A_3855 = arith.index_cast %get3A_3853 : i32 to index
      %get3A_3856 = arith.index_cast %get3A_3854 : i32 to index
      %get3A_3857 = arith.constant 0 : index
      %get3A_3858 = tpu.vector_load %arg9[%get3A_3855, %get3A_3856, %get3A_3857] {strides = array<i32>} : memref<16x2x16xf32, #tpu.memory_space<vmem>>, vector<16xf32>,
      %add3A_3859 = arith.addf %add3A_3845, %get3A_3858 : vector<16xf32>
      %get3A_3860 = arith.constant 8 : i32
      %get3A_3861 = arith.constant 1 : i32
      %get3A_3862 = arith.index_cast %get3A_3860 : i32 to index
      %get3A_3863 = arith.index_cast %get3A_3861 : i32 to index
      %get3A_3864 = arith.constant 0 : index
      %get3A_3865 = tpu.vector_load %arg9[%get3A_3862, %get3A_3863, %get3A_3864] {strides = array<i32>} : memref<16x2x16xf32, #tpu.memory_space<vmem>>, vector<16xf32>,
      %add3A_3866 = arith.addf %add3A_3852, %get3A_3865 : vector<16xf32>
      %get3A_3867 = arith.constant 9 : i32
      %get3A_3868 = arith.constant 0 : i32
      %get3A_3869 = arith.index_cast %get3A_3867 : i32 to index
      %get3A_3870 = arith.index_cast %get3A_3868 : i32 to index
      %get3A_3871 = arith.constant 0 : index
      %get3A_3872 = tpu.vector_load %arg9[%get3A_3869, %get3A_3870, %get3A_3871] {strides = array<i32>} : memref<16x2x16xf32, #tpu.memory_space<vmem>>, vector<16xf32>,
      %add3A_3873 = arith.addf %add3A_3859, %get3A_3872 : vector<16xf32>
      %get3A_3874 = arith.constant 9 : i32
      %get3A_3875 = arith.constant 1 : i32
      %get3A_3876 = arith.index_cast %get3A_3874 : i32 to index
      %get3A_3877 = arith.index_cast %get3A_3875 : i32 to index
      %get3A_3878 = arith.constant 0 : index
      %get3A_3879 = tpu.vector_load %arg9[%get3A_3876, %get3A_3877, %get3A_3878] {strides = array<i32>} : memref<16x2x16xf32, #tpu.memory_space<vmem>>, vector<16xf32>,
      %add3A_3880 = arith.addf %add3A_3866, %get3A_3879 : vector<16xf32>
      %get3A_3881 = arith.constant 10 : i32
      %get3A_3882 = arith.constant 0 : i32
      %get3A_3883 = arith.index_cast %get3A_3881 : i32 to index
      %get3A_3884 = arith.index_cast %get3A_3882 : i32 to index
      %get3A_3885 = arith.constant 0 : index
      %get3A_3886 = tpu.vector_load %arg9[%get3A_3883, %get3A_3884, %get3A_3885] {strides = array<i32>} : memref<16x2x16xf32, #tpu.memory_space<vmem>>, vector<16xf32>,
      %add3A_3887 = arith.addf %add3A_3873, %get3A_3886 : vector<16xf32>
      %get3A_3888 = arith.constant 10 : i32
      %get3A_3889 = arith.constant 1 : i32
      %get3A_3890 = arith.index_cast %get3A_3888 : i32 to index
      %get3A_3891 = arith.index_cast %get3A_3889 : i32 to index
      %get3A_3892 = arith.constant 0 : index
      %get3A_3893 = tpu.vector_load %arg9[%get3A_3890, %get3A_3891, %get3A_3892] {strides = array<i32>} : memref<16x2x16xf32, #tpu.memory_space<vmem>>, vector<16xf32>,
      %add3A_3894 = arith.addf %add3A_3880, %get3A_3893 : vector<16xf32>
      %get3A_3895 = arith.constant 11 : i32
      %get3A_3896 = arith.constant 0 : i32
      %get3A_3897 = arith.index_cast %get3A_3895 : i32 to index
      %get3A_3898 = arith.index_cast %get3A_3896 : i32 to index
      %get3A_3899 = arith.constant 0 : index
      %get3A_3900 = tpu.vector_load %arg9[%get3A_3897, %get3A_3898, %get3A_3899] {strides = array<i32>} : memref<16x2x16xf32, #tpu.memory_space<vmem>>, vector<16xf32>,
      %add3A_3901 = arith.addf %add3A_3887, %get3A_3900 : vector<16xf32>
      %get3A_3902 = arith.constant 11 : i32
      %get3A_3903 = arith.constant 1 : i32
      %get3A_3904 = arith.index_cast %get3A_3902 : i32 to index
      %get3A_3905 = arith.index_cast %get3A_3903 : i32 to index
      %get3A_3906 = arith.constant 0 : index
      %get3A_3907 = tpu.vector_load %arg9[%get3A_3904, %get3A_3905, %get3A_3906] {strides = array<i32>} : memref<16x2x16xf32, #tpu.memory_space<vmem>>, vector<16xf32>,
      %add3A_3908 = arith.addf %add3A_3894, %get3A_3907 : vector<16xf32>
      %get3A_3909 = arith.constant 12 : i32
      %get3A_3910 = arith.constant 0 : i32
      %get3A_3911 = arith.index_cast %get3A_3909 : i32 to index
      %get3A_3912 = arith.index_cast %get3A_3910 : i32 to index
      %get3A_3913 = arith.constant 0 : index
      %get3A_3914 = tpu.vector_load %arg9[%get3A_3911, %get3A_3912, %get3A_3913] {strides = array<i32>} : memref<16x2x16xf32, #tpu.memory_space<vmem>>, vector<16xf32>,
      %add3A_3915 = arith.addf %add3A_3901, %get3A_3914 : vector<16xf32>
      %get3A_3916 = arith.constant 12 : i32
      %get3A_3917 = arith.constant 1 : i32
      %get3A_3918 = arith.index_cast %get3A_3916 : i32 to index
      %get3A_3919 = arith.index_cast %get3A_3917 : i32 to index
      %get3A_3920 = arith.constant 0 : index
      %get3A_3921 = tpu.vector_load %arg9[%get3A_3918, %get3A_3919, %get3A_3920] {strides = array<i32>} : memref<16x2x16xf32, #tpu.memory_space<vmem>>, vector<16xf32>,
      %add3A_3922 = arith.addf %add3A_3908, %get3A_3921 : vector<16xf32>
      %get3A_3923 = arith.constant 13 : i32
      %get3A_3924 = arith.constant 0 : i32
      %get3A_3925 = arith.index_cast %get3A_3923 : i32 to index
      %get3A_3926 = arith.index_cast %get3A_3924 : i32 to index
      %get3A_3927 = arith.constant 0 : index
      %get3A_3928 = tpu.vector_load %arg9[%get3A_3925, %get3A_3926, %get3A_3927] {strides = array<i32>} : memref<16x2x16xf32, #tpu.memory_space<vmem>>, vector<16xf32>,
      %add3A_3929 = arith.addf %add3A_3915, %get3A_3928 : vector<16xf32>
      %get3A_3930 = arith.constant 13 : i32
      %get3A_3931 = arith.constant 1 : i32
      %get3A_3932 = arith.index_cast %get3A_3930 : i32 to index
      %get3A_3933 = arith.index_cast %get3A_3931 : i32 to index
      %get3A_3934 = arith.constant 0 : index
      %get3A_3935 = tpu.vector_load %arg9[%get3A_3932, %get3A_3933, %get3A_3934] {strides = array<i32>} : memref<16x2x16xf32, #tpu.memory_space<vmem>>, vector<16xf32>,
      %add3A_3936 = arith.addf %add3A_3922, %get3A_3935 : vector<16xf32>
      %get3A_3937 = arith.constant 14 : i32
      %get3A_3938 = arith.constant 0 : i32
      %get3A_3939 = arith.index_cast %get3A_3937 : i32 to index
      %get3A_3940 = arith.index_cast %get3A_3938 : i32 to index
      %get3A_3941 = arith.constant 0 : index
      %get3A_3942 = tpu.vector_load %arg9[%get3A_3939, %get3A_3940, %get3A_3941] {strides = array<i32>} : memref<16x2x16xf32, #tpu.memory_space<vmem>>, vector<16xf32>,
      %add3A_3943 = arith.addf %add3A_3929, %get3A_3942 : vector<16xf32>
      %get3A_3944 = arith.constant 14 : i32
      %get3A_3945 = arith.constant 1 : i32
      %get3A_3946 = arith.index_cast %get3A_3944 : i32 to index
      %get3A_3947 = arith.index_cast %get3A_3945 : i32 to index
      %get3A_3948 = arith.constant 0 : index
      %get3A_3949 = tpu.vector_load %arg9[%get3A_3946, %get3A_3947, %get3A_3948] {strides = array<i32>} : memref<16x2x16xf32, #tpu.memory_space<vmem>>, vector<16xf32>,
      %add3A_3950 = arith.addf %add3A_3936, %get3A_3949 : vector<16xf32>
      %get3A_3951 = arith.constant 15 : i32
      %get3A_3952 = arith.constant 0 : i32
      %get3A_3953 = arith.index_cast %get3A_3951 : i32 to index
      %get3A_3954 = arith.index_cast %get3A_3952 : i32 to index
      %get3A_3955 = arith.constant 0 : index
      %get3A_3956 = tpu.vector_load %arg9[%get3A_3953, %get3A_3954, %get3A_3955] {strides = array<i32>} : memref<16x2x16xf32, #tpu.memory_space<vmem>>, vector<16xf32>,
      %add3A_3957 = arith.addf %add3A_3943, %get3A_3956 : vector<16xf32>
      %get3A_3958 = arith.constant 15 : i32
      %get3A_3959 = arith.constant 1 : i32
      %get3A_3960 = arith.index_cast %get3A_3958 : i32 to index
      %get3A_3961 = arith.index_cast %get3A_3959 : i32 to index
      %get3A_3962 = arith.constant 0 : index
      %get3A_3963 = tpu.vector_load %arg9[%get3A_3960, %get3A_3961, %get3A_3962] {strides = array<i32>} : memref<16x2x16xf32, #tpu.memory_space<vmem>>, vector<16xf32>,
      %add3A_3964 = arith.addf %add3A_3950, %get3A_3963 : vector<16xf32>
      %reduce_sum3A = arith.constant true
      %reduce_sum3A_3965 = vector.broadcast %reduce_sum3A : i1 to vector<16xi1>
      %reduce_sum3A_3966 = tpu.scan <sum>, %add3A_3957 masked %reduce_sum3A_3965 : vector<16xf32>, vector<16xi1> -> vector<16xf32>
      %reduce_sum3A_3967 = vector.extract %reduce_sum3A_3966[15] : f32 from vector<16xf32>
      %reduce_sum3A_3968 = arith.constant true
      %reduce_sum3A_3969 = vector.broadcast %reduce_sum3A_3968 : i1 to vector<16xi1>
      %reduce_sum3A_3970 = tpu.scan <sum>, %add3A_3964 masked %reduce_sum3A_3969 : vector<16xf32>, vector<16xi1> -> vector<16xf32>
      %reduce_sum3A_3971 = vector.extract %reduce_sum3A_3970[15] : f32 from vector<16xf32>
      %mul3A_3972 = arith.constant 5.000000e-01 : f32
      %mul3A_3973 = arith.mulf %mul3A_3972, %reduce_sum3A_3971 : f32
      %sub3A = arith.subf %reduce_sum3A_3967, %mul3A_3973 : f32
      %mul3A_3974 = arith.constant 2.44140625E-4 : f32
      %mul3A_3975 = arith.mulf %sub3A, %mul3A_3974 : f32
      %broadcast_in_dim3A_3976 = vector.broadcast %mul3A_3975 : f32 to vector<16xf32>
      %swap3A_3977 = arith.constant 0 : index
      %swap3A_3978 = tpu.vector_load %arg10[%swap3A_3977] {strides = array<i32>} : memref<16xf32, #tpu.memory_space<vmem>>, vector<16xf32>,
      tpu.vector_store %arg10[%swap3A_3977], %broadcast_in_dim3A_3976 {strides = array<i32>} : memref<16xf32, #tpu.memory_space<vmem>>, vector<16xf32>,
      "tpu.region"() ({
        %run_scoped3A = tpu.sem_alloc : memref<!tpu.dma_semaphore, #tpu.memory_space<semaphore_mem>>
        %dma_start3A = arith.constant 0 : i32
        %dma_start3A_3979 = tpu.memref_slice %arg10[%dma_start3A] : memref<16xf32, #tpu.memory_space<vmem>> -> memref<1xf32, #tpu.memory_space<vmem>>
        %dma_start3A_3980 = arith.constant 0 : i32
        %dma_start3A_3981 = tpu.memref_slice %arg10[%dma_start3A_3980] : memref<16xf32, #tpu.memory_space<vmem>> -> memref<1xf32, #tpu.memory_space<vmem>>
        tpu.enqueue_dma source(%dma_start3A_3981 : memref<1xf32, #tpu.memory_space<vmem>>) target(%arg5 : memref<1xf32, #tpu.memory_space<hbm>>) target_semaphore(%run_scoped3A : memref<!tpu.dma_semaphore, #tpu.memory_space<semaphore_mem>>)
        %dma_wait3A = arith.constant 0 : i32
        %dma_wait3A_3982 = tpu.memref_slice %arg10[%dma_wait3A] : memref<16xf32, #tpu.memory_space<vmem>> -> memref<1xf32, #tpu.memory_space<vmem>>
        %dma_wait3A_3983 = arith.constant 0 : i32
        %dma_wait3A_3984 = tpu.memref_slice %arg10[%dma_wait3A_3983] : memref<16xf32, #tpu.memory_space<vmem>> -> memref<1xf32, #tpu.memory_space<vmem>>
        tpu.wait_dma2 semaphore(%run_scoped3A : memref<!tpu.dma_semaphore, #tpu.memory_space<semaphore_mem>>) src(%dma_wait3A_3984 : memref<1xf32, #tpu.memory_space<vmem>>) dst(%arg5 : memref<1xf32, #tpu.memory_space<hbm>>)
        tpu.yield
      }) : () -> ()
    } else {
    }
    return
  }
}

module attributes {stable_mosaic.version = 14 : i64} {
  func.func @_topk_body(%arg0: i32, %arg1: memref<4096x32xf32, #tpu.memory_space<vmem>>, %arg2: memref<20480xi32, #tpu.memory_space<vmem>>, %arg3: memref<20480xf32, #tpu.memory_space<vmem>>) attributes {dimension_semantics = [#tpu.dimension_semantics<arbitrary>], iteration_bounds = array<i64: 8>, scalar_prefetch = 0 : i64, scratch_operands = 0 : i64, tpu.core_type = #tpu.core_type<tc>, window_params = [{pipeline_mode = #tpu.pipeline_mode<synchronous>, transform_indices = @transform_0, window_bounds = array<i64: 4096, 32>}, {pipeline_mode = #tpu.pipeline_mode<synchronous>, transform_indices = @transform_1, window_bounds = array<i64: 20480>}, {pipeline_mode = #tpu.pipeline_mode<synchronous>, transform_indices = @transform_2, window_bounds = array<i64: 20480>}]} {
    %get3A = arith.constant 0 : index
    %get3A_0 = arith.constant 0 : index
    %get3A_1 = vector.load %arg1[%get3A, %get3A_0] : memref<4096x32xf32, #tpu.memory_space<vmem>>, vector<4096x32xf32>
    %mul3A = arith.constant 512 : i32
    %mul3A_2 = arith.muli %arg0, %mul3A : i32
    %get3A_3 = arith.index_cast %mul3A_2 : i32 to index
    %get3A_4 = arith.constant 0 : index
    %get3A_5 = vector.load %arg1[%get3A_3, %get3A_4] : memref<4096x32xf32, #tpu.memory_space<vmem>>, vector<512x32xf32>
    %mul3A_6 = arith.constant -6.400000e+01 : f32
    %mul3A_7 = vector.broadcast %mul3A_6 : f32 to vector<512x32xf32>
    %mul3A_8 = arith.mulf %get3A_5, %mul3A_7 : vector<512x32xf32>
    %dot_general3A = arith.constant dense<0.000000e+00> : vector<4096x512xf32>
    %dot_general3A_9 = tpu.matmul %get3A_1, %mul3A_8, %dot_general3A {dimension_numbers = #tpu.dot_dimension_numbers<[1], [1], [0], [0], [0, 0, 1, 0], [], []>, transpose_lhs_hint = false} : vector<4096x32xf32>, vector<512x32xf32>, vector<4096x512xf32> -> vector<4096x512xf32>
    %mul3A_10 = arith.mulf %get3A_1, %get3A_1 : vector<4096x32xf32>
    %reduce_sum3A = arith.constant dense<0.000000e+00> : vector<4096xf32>
    %reduce_sum3A_11 = vector.multi_reduction <add>, %mul3A_10, %reduce_sum3A [1] : vector<4096x32xf32> to vector<4096xf32>
    %mul3A_12 = arith.constant 3.200000e+01 : f32
    %mul3A_13 = vector.broadcast %mul3A_12 : f32 to vector<4096xf32>
    %mul3A_14 = arith.mulf %reduce_sum3A_11, %mul3A_13 : vector<4096xf32>
    %add3A = arith.constant 0x4B440000 : f32
    %add3A_15 = vector.broadcast %add3A : f32 to vector<4096xf32>
    %add3A_16 = arith.addf %mul3A_14, %add3A_15 : vector<4096xf32>
    %broadcast_in_dim3A = vector.shape_cast %add3A_16 : vector<4096xf32> to vector<4096x1xf32>
    %add3A_17 = vector.broadcast %broadcast_in_dim3A : vector<4096x1xf32> to vector<4096x512xf32>
    %add3A_18 = arith.addf %dot_general3A_9, %add3A_17 : vector<4096x512xf32>
    %bitcast_convert_type3A = tpu.bitcast %add3A_18 : vector<4096x512xf32> -> vector<4096x512xi32>
    %iota3A = tpu.iota {dimensions = array<i32: 0>} : vector<4096x512xi32>
    %shift_left3A = arith.constant 12 : i32
    %shift_left3A_19 = vector.broadcast %shift_left3A : i32 to vector<4096x512xi32>
    %shift_left3A_20 = arith.shli %bitcast_convert_type3A, %shift_left3A_19 : vector<4096x512xi32>
    %or3A = arith.ori %shift_left3A_20, %iota3A : vector<4096x512xi32>
    %slice3A = vector.extract_strided_slice %or3A {offsets = [0, 0], sizes = [2048, 512], strides = [1, 1]} : vector<4096x512xi32> to vector<2048x512xi32>
    %slice3A_21 = vector.extract_strided_slice %or3A {offsets = [2048, 0], sizes = [2048, 512], strides = [1, 1]} : vector<4096x512xi32> to vector<2048x512xi32>
    %min3A = arith.minsi %slice3A, %slice3A_21 : vector<2048x512xi32>
    %slice3A_22 = vector.extract_strided_slice %min3A {offsets = [0, 0], sizes = [1024, 512], strides = [1, 1]} : vector<2048x512xi32> to vector<1024x512xi32>
    %slice3A_23 = vector.extract_strided_slice %min3A {offsets = [1024, 0], sizes = [1024, 512], strides = [1, 1]} : vector<2048x512xi32> to vector<1024x512xi32>
    %min3A_24 = arith.minsi %slice3A_22, %slice3A_23 : vector<1024x512xi32>
    %slice3A_25 = vector.extract_strided_slice %min3A_24 {offsets = [0, 0], sizes = [512, 512], strides = [1, 1]} : vector<1024x512xi32> to vector<512x512xi32>
    %slice3A_26 = vector.extract_strided_slice %min3A_24 {offsets = [512, 0], sizes = [512, 512], strides = [1, 1]} : vector<1024x512xi32> to vector<512x512xi32>
    %min3A_27 = arith.minsi %slice3A_25, %slice3A_26 : vector<512x512xi32>
    %slice3A_28 = vector.extract_strided_slice %min3A_27 {offsets = [0, 0], sizes = [256, 512], strides = [1, 1]} : vector<512x512xi32> to vector<256x512xi32>
    %slice3A_29 = vector.extract_strided_slice %min3A_27 {offsets = [256, 0], sizes = [256, 512], strides = [1, 1]} : vector<512x512xi32> to vector<256x512xi32>
    %min3A_30 = arith.minsi %slice3A_28, %slice3A_29 : vector<256x512xi32>
    %reduce_min3A = arith.constant dense<2147483647> : vector<512xi32>
    %reduce_min3A_31 = vector.multi_reduction <minsi>, %min3A_30, %reduce_min3A [0] : vector<256x512xi32> to vector<512xi32>
    %broadcast_in_dim3A_32 = vector.shape_cast %reduce_min3A_31 : vector<512xi32> to vector<1x512xi32>
    %gt3A = vector.broadcast %broadcast_in_dim3A_32 : vector<1x512xi32> to vector<256x512xi32>
    %gt3A_33 = arith.cmpi sgt, %min3A_30, %gt3A : vector<256x512xi32>
    %jit3A = arith.constant 2147483647 : i32
    %broadcast_in_dim3A_34 = vector.broadcast %jit3A : i32 to vector<256x512xi32>
    %select_n3A = arith.select %gt3A_33, %min3A_30, %broadcast_in_dim3A_34 : vector<256x512xi1>, vector<256x512xi32>
    %reduce_min3A_35 = arith.constant dense<2147483647> : vector<512xi32>
    %reduce_min3A_36 = vector.multi_reduction <minsi>, %select_n3A, %reduce_min3A_35 [0] : vector<256x512xi32> to vector<512xi32>
    %broadcast_in_dim3A_37 = vector.shape_cast %reduce_min3A_36 : vector<512xi32> to vector<1x512xi32>
    %gt3A_38 = vector.broadcast %broadcast_in_dim3A_37 : vector<1x512xi32> to vector<256x512xi32>
    %gt3A_39 = arith.cmpi sgt, %select_n3A, %gt3A_38 : vector<256x512xi32>
    %jit3A_40 = arith.constant 2147483647 : i32
    %broadcast_in_dim3A_41 = vector.broadcast %jit3A_40 : i32 to vector<256x512xi32>
    %select_n3A_42 = arith.select %gt3A_39, %select_n3A, %broadcast_in_dim3A_41 : vector<256x512xi1>, vector<256x512xi32>
    %reduce_min3A_43 = arith.constant dense<2147483647> : vector<512xi32>
    %reduce_min3A_44 = vector.multi_reduction <minsi>, %select_n3A_42, %reduce_min3A_43 [0] : vector<256x512xi32> to vector<512xi32>
    %broadcast_in_dim3A_45 = vector.shape_cast %reduce_min3A_44 : vector<512xi32> to vector<1x512xi32>
    %gt3A_46 = vector.broadcast %broadcast_in_dim3A_45 : vector<1x512xi32> to vector<256x512xi32>
    %gt3A_47 = arith.cmpi sgt, %select_n3A_42, %gt3A_46 : vector<256x512xi32>
    %jit3A_48 = arith.constant 2147483647 : i32
    %broadcast_in_dim3A_49 = vector.broadcast %jit3A_48 : i32 to vector<256x512xi32>
    %select_n3A_50 = arith.select %gt3A_47, %select_n3A_42, %broadcast_in_dim3A_49 : vector<256x512xi1>, vector<256x512xi32>
    %reduce_min3A_51 = arith.constant dense<2147483647> : vector<512xi32>
    %reduce_min3A_52 = vector.multi_reduction <minsi>, %select_n3A_50, %reduce_min3A_51 [0] : vector<256x512xi32> to vector<512xi32>
    %broadcast_in_dim3A_53 = vector.shape_cast %reduce_min3A_52 : vector<512xi32> to vector<1x512xi32>
    %gt3A_54 = vector.broadcast %broadcast_in_dim3A_53 : vector<1x512xi32> to vector<256x512xi32>
    %gt3A_55 = arith.cmpi sgt, %select_n3A_50, %gt3A_54 : vector<256x512xi32>
    %jit3A_56 = arith.constant 2147483647 : i32
    %broadcast_in_dim3A_57 = vector.broadcast %jit3A_56 : i32 to vector<256x512xi32>
    %select_n3A_58 = arith.select %gt3A_55, %select_n3A_50, %broadcast_in_dim3A_57 : vector<256x512xi1>, vector<256x512xi32>
    %reduce_min3A_59 = arith.constant dense<2147483647> : vector<512xi32>
    %reduce_min3A_60 = vector.multi_reduction <minsi>, %select_n3A_58, %reduce_min3A_59 [0] : vector<256x512xi32> to vector<512xi32>
    %broadcast_in_dim3A_61 = vector.shape_cast %reduce_min3A_60 : vector<512xi32> to vector<1x512xi32>
    %gt3A_62 = vector.broadcast %broadcast_in_dim3A_61 : vector<1x512xi32> to vector<256x512xi32>
    %gt3A_63 = arith.cmpi sgt, %select_n3A_58, %gt3A_62 : vector<256x512xi32>
    %jit3A_64 = arith.constant 2147483647 : i32
    %broadcast_in_dim3A_65 = vector.broadcast %jit3A_64 : i32 to vector<256x512xi32>
    %select_n3A_66 = arith.select %gt3A_63, %select_n3A_58, %broadcast_in_dim3A_65 : vector<256x512xi1>, vector<256x512xi32>
    %reduce_min3A_67 = arith.constant dense<2147483647> : vector<512xi32>
    %reduce_min3A_68 = vector.multi_reduction <minsi>, %select_n3A_66, %reduce_min3A_67 [0] : vector<256x512xi32> to vector<512xi32>
    %mul3A_69 = arith.constant 512 : i32
    %mul3A_70 = arith.muli %arg0, %mul3A_69 : i32
    %iota3A_71 = tpu.iota {dimensions = array<i32: 1>} : vector<1x512xi32>
    %iota3A_72 = vector.shape_cast %iota3A_71 : vector<1x512xi32> to vector<512xi32>
    %add3A_73 = vector.broadcast %mul3A_70 : i32 to vector<512xi32>
    %add3A_74 = arith.addi %add3A_73, %iota3A_72 : vector<512xi32>
    %broadcast_in_dim3A_75 = arith.constant false
    %broadcast_in_dim3A_76 = vector.broadcast %broadcast_in_dim3A_75 : i1 to vector<512xi1>
    %broadcast_in_dim3A_77 = arith.constant 1.000000e+00 : f32
    %broadcast_in_dim3A_78 = vector.broadcast %broadcast_in_dim3A_77 : f32 to vector<8x32xf32>
    %mul3A_79 = arith.mulf %get3A_5, %get3A_5 : vector<512x32xf32>
    %dot_general3A_80 = arith.constant dense<0.000000e+00> : vector<8x512xf32>
    %dot_general3A_81 = tpu.matmul %broadcast_in_dim3A_78, %mul3A_79, %dot_general3A_80 {dimension_numbers = #tpu.dot_dimension_numbers<[1], [1], [0], [0], [0, 0, 1, 0], [], []>, transpose_lhs_hint = false} : vector<8x32xf32>, vector<512x32xf32>, vector<8x512xf32> -> vector<8x512xf32>
    %slice3A_82 = vector.extract_strided_slice %dot_general3A_81 {offsets = [0, 0], sizes = [1, 512], strides = [1, 1]} : vector<8x512xf32> to vector<1x512xf32>
    %squeeze3A = vector.shape_cast %slice3A_82 : vector<1x512xf32> to vector<512xf32>
    %and3A = arith.constant 4095 : i32
    %and3A_83 = vector.broadcast %and3A : i32 to vector<512xi32>
    %and3A_84 = arith.andi %reduce_min3A_31, %and3A_83 : vector<512xi32>
    %eq3A = arith.cmpi eq, %and3A_84, %add3A_74 : vector<512xi32>
    %or3A_85 = arith.ori %broadcast_in_dim3A_76, %eq3A : vector<512xi1>
    %select_n3A_86 = arith.select %or3A_85, %reduce_min3A_36, %reduce_min3A_31 : vector<512xi1>, vector<512xi32>
    %and3A_87 = arith.constant 4095 : i32
    %and3A_88 = vector.broadcast %and3A_87 : i32 to vector<512xi32>
    %and3A_89 = arith.andi %select_n3A_86, %and3A_88 : vector<512xi32>
    %shift_right_logical3A = arith.constant 12 : i32
    %shift_right_logical3A_90 = vector.broadcast %shift_right_logical3A : i32 to vector<512xi32>
    %shift_right_logical3A_91 = arith.shrui %select_n3A_86, %shift_right_logical3A_90 : vector<512xi32>
    %convert_element_type3A = arith.sitofp %shift_right_logical3A_91 : vector<512xi32> to vector<512xf32>
    %mul3A_92 = arith.constant 3.125000e-02 : f32
    %mul3A_93 = vector.broadcast %mul3A_92 : f32 to vector<512xf32>
    %mul3A_94 = arith.mulf %convert_element_type3A, %mul3A_93 : vector<512xf32>
    %sub3A = arith.constant 8.192000e+03 : f32
    %sub3A_95 = vector.broadcast %sub3A : f32 to vector<512xf32>
    %sub3A_96 = arith.subf %squeeze3A, %sub3A_95 : vector<512xf32>
    %add3A_97 = arith.addf %mul3A_94, %sub3A_96 : vector<512xf32>
    %mul3A_98 = arith.constant 512 : i32
    %mul3A_99 = arith.muli %arg0, %mul3A_98 : i32
    %add3A_100 = arith.constant 0 : i32
    %add3A_101 = arith.addi %add3A_100, %mul3A_99 : i32
    %swap3A = arith.index_cast %add3A_101 : i32 to index
    %swap3A_102 = vector.load %arg2[%swap3A] : memref<20480xi32, #tpu.memory_space<vmem>>, vector<512xi32>
    tpu.vector_store %arg2[%swap3A], %and3A_89 {strides = array<i32>} : memref<20480xi32, #tpu.memory_space<vmem>>, vector<512xi32>,
    %mul3A_103 = arith.constant 512 : i32
    %mul3A_104 = arith.muli %arg0, %mul3A_103 : i32
    %add3A_105 = arith.constant 0 : i32
    %add3A_106 = arith.addi %add3A_105, %mul3A_104 : i32
    %swap3A_107 = arith.index_cast %add3A_106 : i32 to index
    %swap3A_108 = vector.load %arg3[%swap3A_107] : memref<20480xf32, #tpu.memory_space<vmem>>, vector<512xf32>
    tpu.vector_store %arg3[%swap3A_107], %add3A_97 {strides = array<i32>} : memref<20480xf32, #tpu.memory_space<vmem>>, vector<512xf32>,
    %and3A_109 = arith.constant 4095 : i32
    %and3A_110 = vector.broadcast %and3A_109 : i32 to vector<512xi32>
    %and3A_111 = arith.andi %reduce_min3A_36, %and3A_110 : vector<512xi32>
    %eq3A_112 = arith.cmpi eq, %and3A_111, %add3A_74 : vector<512xi32>
    %or3A_113 = arith.ori %or3A_85, %eq3A_112 : vector<512xi1>
    %select_n3A_114 = arith.select %or3A_113, %reduce_min3A_44, %reduce_min3A_36 : vector<512xi1>, vector<512xi32>
    %and3A_115 = arith.constant 4095 : i32
    %and3A_116 = vector.broadcast %and3A_115 : i32 to vector<512xi32>
    %and3A_117 = arith.andi %select_n3A_114, %and3A_116 : vector<512xi32>
    %shift_right_logical3A_118 = arith.constant 12 : i32
    %shift_right_logical3A_119 = vector.broadcast %shift_right_logical3A_118 : i32 to vector<512xi32>
    %shift_right_logical3A_120 = arith.shrui %select_n3A_114, %shift_right_logical3A_119 : vector<512xi32>
    %convert_element_type3A_121 = arith.sitofp %shift_right_logical3A_120 : vector<512xi32> to vector<512xf32>
    %mul3A_122 = arith.constant 3.125000e-02 : f32
    %mul3A_123 = vector.broadcast %mul3A_122 : f32 to vector<512xf32>
    %mul3A_124 = arith.mulf %convert_element_type3A_121, %mul3A_123 : vector<512xf32>
    %sub3A_125 = arith.constant 8.192000e+03 : f32
    %sub3A_126 = vector.broadcast %sub3A_125 : f32 to vector<512xf32>
    %sub3A_127 = arith.subf %squeeze3A, %sub3A_126 : vector<512xf32>
    %add3A_128 = arith.addf %mul3A_124, %sub3A_127 : vector<512xf32>
    %mul3A_129 = arith.constant 512 : i32
    %mul3A_130 = arith.muli %arg0, %mul3A_129 : i32
    %add3A_131 = arith.constant 4096 : i32
    %add3A_132 = arith.addi %add3A_131, %mul3A_130 : i32
    %swap3A_133 = arith.index_cast %add3A_132 : i32 to index
    %swap3A_134 = vector.load %arg2[%swap3A_133] : memref<20480xi32, #tpu.memory_space<vmem>>, vector<512xi32>
    tpu.vector_store %arg2[%swap3A_133], %and3A_117 {strides = array<i32>} : memref<20480xi32, #tpu.memory_space<vmem>>, vector<512xi32>,
    %mul3A_135 = arith.constant 512 : i32
    %mul3A_136 = arith.muli %arg0, %mul3A_135 : i32
    %add3A_137 = arith.constant 4096 : i32
    %add3A_138 = arith.addi %add3A_137, %mul3A_136 : i32
    %swap3A_139 = arith.index_cast %add3A_138 : i32 to index
    %swap3A_140 = vector.load %arg3[%swap3A_139] : memref<20480xf32, #tpu.memory_space<vmem>>, vector<512xf32>
    tpu.vector_store %arg3[%swap3A_139], %add3A_128 {strides = array<i32>} : memref<20480xf32, #tpu.memory_space<vmem>>, vector<512xf32>,
    %and3A_141 = arith.constant 4095 : i32
    %and3A_142 = vector.broadcast %and3A_141 : i32 to vector<512xi32>
    %and3A_143 = arith.andi %reduce_min3A_44, %and3A_142 : vector<512xi32>
    %eq3A_144 = arith.cmpi eq, %and3A_143, %add3A_74 : vector<512xi32>
    %or3A_145 = arith.ori %or3A_113, %eq3A_144 : vector<512xi1>
    %select_n3A_146 = arith.select %or3A_145, %reduce_min3A_52, %reduce_min3A_44 : vector<512xi1>, vector<512xi32>
    %and3A_147 = arith.constant 4095 : i32
    %and3A_148 = vector.broadcast %and3A_147 : i32 to vector<512xi32>
    %and3A_149 = arith.andi %select_n3A_146, %and3A_148 : vector<512xi32>
    %shift_right_logical3A_150 = arith.constant 12 : i32
    %shift_right_logical3A_151 = vector.broadcast %shift_right_logical3A_150 : i32 to vector<512xi32>
    %shift_right_logical3A_152 = arith.shrui %select_n3A_146, %shift_right_logical3A_151 : vector<512xi32>
    %convert_element_type3A_153 = arith.sitofp %shift_right_logical3A_152 : vector<512xi32> to vector<512xf32>
    %mul3A_154 = arith.constant 3.125000e-02 : f32
    %mul3A_155 = vector.broadcast %mul3A_154 : f32 to vector<512xf32>
    %mul3A_156 = arith.mulf %convert_element_type3A_153, %mul3A_155 : vector<512xf32>
    %sub3A_157 = arith.constant 8.192000e+03 : f32
    %sub3A_158 = vector.broadcast %sub3A_157 : f32 to vector<512xf32>
    %sub3A_159 = arith.subf %squeeze3A, %sub3A_158 : vector<512xf32>
    %add3A_160 = arith.addf %mul3A_156, %sub3A_159 : vector<512xf32>
    %mul3A_161 = arith.constant 512 : i32
    %mul3A_162 = arith.muli %arg0, %mul3A_161 : i32
    %add3A_163 = arith.constant 8192 : i32
    %add3A_164 = arith.addi %add3A_163, %mul3A_162 : i32
    %swap3A_165 = arith.index_cast %add3A_164 : i32 to index
    %swap3A_166 = vector.load %arg2[%swap3A_165] : memref<20480xi32, #tpu.memory_space<vmem>>, vector<512xi32>
    tpu.vector_store %arg2[%swap3A_165], %and3A_149 {strides = array<i32>} : memref<20480xi32, #tpu.memory_space<vmem>>, vector<512xi32>,
    %mul3A_167 = arith.constant 512 : i32
    %mul3A_168 = arith.muli %arg0, %mul3A_167 : i32
    %add3A_169 = arith.constant 8192 : i32
    %add3A_170 = arith.addi %add3A_169, %mul3A_168 : i32
    %swap3A_171 = arith.index_cast %add3A_170 : i32 to index
    %swap3A_172 = vector.load %arg3[%swap3A_171] : memref<20480xf32, #tpu.memory_space<vmem>>, vector<512xf32>
    tpu.vector_store %arg3[%swap3A_171], %add3A_160 {strides = array<i32>} : memref<20480xf32, #tpu.memory_space<vmem>>, vector<512xf32>,
    %and3A_173 = arith.constant 4095 : i32
    %and3A_174 = vector.broadcast %and3A_173 : i32 to vector<512xi32>
    %and3A_175 = arith.andi %reduce_min3A_52, %and3A_174 : vector<512xi32>
    %eq3A_176 = arith.cmpi eq, %and3A_175, %add3A_74 : vector<512xi32>
    %or3A_177 = arith.ori %or3A_145, %eq3A_176 : vector<512xi1>
    %select_n3A_178 = arith.select %or3A_177, %reduce_min3A_60, %reduce_min3A_52 : vector<512xi1>, vector<512xi32>
    %and3A_179 = arith.constant 4095 : i32
    %and3A_180 = vector.broadcast %and3A_179 : i32 to vector<512xi32>
    %and3A_181 = arith.andi %select_n3A_178, %and3A_180 : vector<512xi32>
    %shift_right_logical3A_182 = arith.constant 12 : i32
    %shift_right_logical3A_183 = vector.broadcast %shift_right_logical3A_182 : i32 to vector<512xi32>
    %shift_right_logical3A_184 = arith.shrui %select_n3A_178, %shift_right_logical3A_183 : vector<512xi32>
    %convert_element_type3A_185 = arith.sitofp %shift_right_logical3A_184 : vector<512xi32> to vector<512xf32>
    %mul3A_186 = arith.constant 3.125000e-02 : f32
    %mul3A_187 = vector.broadcast %mul3A_186 : f32 to vector<512xf32>
    %mul3A_188 = arith.mulf %convert_element_type3A_185, %mul3A_187 : vector<512xf32>
    %sub3A_189 = arith.constant 8.192000e+03 : f32
    %sub3A_190 = vector.broadcast %sub3A_189 : f32 to vector<512xf32>
    %sub3A_191 = arith.subf %squeeze3A, %sub3A_190 : vector<512xf32>
    %add3A_192 = arith.addf %mul3A_188, %sub3A_191 : vector<512xf32>
    %mul3A_193 = arith.constant 512 : i32
    %mul3A_194 = arith.muli %arg0, %mul3A_193 : i32
    %add3A_195 = arith.constant 12288 : i32
    %add3A_196 = arith.addi %add3A_195, %mul3A_194 : i32
    %swap3A_197 = arith.index_cast %add3A_196 : i32 to index
    %swap3A_198 = vector.load %arg2[%swap3A_197] : memref<20480xi32, #tpu.memory_space<vmem>>, vector<512xi32>
    tpu.vector_store %arg2[%swap3A_197], %and3A_181 {strides = array<i32>} : memref<20480xi32, #tpu.memory_space<vmem>>, vector<512xi32>,
    %mul3A_199 = arith.constant 512 : i32
    %mul3A_200 = arith.muli %arg0, %mul3A_199 : i32
    %add3A_201 = arith.constant 12288 : i32
    %add3A_202 = arith.addi %add3A_201, %mul3A_200 : i32
    %swap3A_203 = arith.index_cast %add3A_202 : i32 to index
    %swap3A_204 = vector.load %arg3[%swap3A_203] : memref<20480xf32, #tpu.memory_space<vmem>>, vector<512xf32>
    tpu.vector_store %arg3[%swap3A_203], %add3A_192 {strides = array<i32>} : memref<20480xf32, #tpu.memory_space<vmem>>, vector<512xf32>,
    %and3A_205 = arith.constant 4095 : i32
    %and3A_206 = vector.broadcast %and3A_205 : i32 to vector<512xi32>
    %and3A_207 = arith.andi %reduce_min3A_60, %and3A_206 : vector<512xi32>
    %eq3A_208 = arith.cmpi eq, %and3A_207, %add3A_74 : vector<512xi32>
    %or3A_209 = arith.ori %or3A_177, %eq3A_208 : vector<512xi1>
    %select_n3A_210 = arith.select %or3A_209, %reduce_min3A_68, %reduce_min3A_60 : vector<512xi1>, vector<512xi32>
    %and3A_211 = arith.constant 4095 : i32
    %and3A_212 = vector.broadcast %and3A_211 : i32 to vector<512xi32>
    %and3A_213 = arith.andi %select_n3A_210, %and3A_212 : vector<512xi32>
    %shift_right_logical3A_214 = arith.constant 12 : i32
    %shift_right_logical3A_215 = vector.broadcast %shift_right_logical3A_214 : i32 to vector<512xi32>
    %shift_right_logical3A_216 = arith.shrui %select_n3A_210, %shift_right_logical3A_215 : vector<512xi32>
    %convert_element_type3A_217 = arith.sitofp %shift_right_logical3A_216 : vector<512xi32> to vector<512xf32>
    %mul3A_218 = arith.constant 3.125000e-02 : f32
    %mul3A_219 = vector.broadcast %mul3A_218 : f32 to vector<512xf32>
    %mul3A_220 = arith.mulf %convert_element_type3A_217, %mul3A_219 : vector<512xf32>
    %sub3A_221 = arith.constant 8.192000e+03 : f32
    %sub3A_222 = vector.broadcast %sub3A_221 : f32 to vector<512xf32>
    %sub3A_223 = arith.subf %squeeze3A, %sub3A_222 : vector<512xf32>
    %add3A_224 = arith.addf %mul3A_220, %sub3A_223 : vector<512xf32>
    %mul3A_225 = arith.constant 512 : i32
    %mul3A_226 = arith.muli %arg0, %mul3A_225 : i32
    %add3A_227 = arith.constant 16384 : i32
    %add3A_228 = arith.addi %add3A_227, %mul3A_226 : i32
    %swap3A_229 = arith.index_cast %add3A_228 : i32 to index
    %swap3A_230 = vector.load %arg2[%swap3A_229] : memref<20480xi32, #tpu.memory_space<vmem>>, vector<512xi32>
    tpu.vector_store %arg2[%swap3A_229], %and3A_213 {strides = array<i32>} : memref<20480xi32, #tpu.memory_space<vmem>>, vector<512xi32>,
    %mul3A_231 = arith.constant 512 : i32
    %mul3A_232 = arith.muli %arg0, %mul3A_231 : i32
    %add3A_233 = arith.constant 16384 : i32
    %add3A_234 = arith.addi %add3A_233, %mul3A_232 : i32
    %swap3A_235 = arith.index_cast %add3A_234 : i32 to index
    %swap3A_236 = vector.load %arg3[%swap3A_235] : memref<20480xf32, #tpu.memory_space<vmem>>, vector<512xf32>
    tpu.vector_store %arg3[%swap3A_235], %add3A_224 {strides = array<i32>} : memref<20480xf32, #tpu.memory_space<vmem>>, vector<512xf32>,
    return
  }
  func.func @transform_0(%arg0: i32) -> (i32, i32) {
    %c0_i32 = arith.constant 0 : i32
    %c0_i32_0 = arith.constant 0 : i32
    %c0_i32_1 = arith.constant 0 : i32
    return %c0_i32, %c0_i32_0 : i32, i32
  }
  func.func @transform_1(%arg0: i32) -> i32 {
    %c0_i32 = arith.constant 0 : i32
    %c0_i32_0 = arith.constant 0 : i32
    return %c0_i32 : i32
  }
  func.func @transform_2(%arg0: i32) -> i32 {
    %c0_i32 = arith.constant 0 : i32
    %c0_i32_0 = arith.constant 0 : i32
    return %c0_i32 : i32
  }
}

</mosaic_0001>

<sc_bundles>
// kernel: kernel.4.cloned.1.call-start
scs
__scs_entry_jumppad:
0x0: {  	(pc) =	sbr.rel $0x88, $3  }
0x1: {  	(tag) =	ssettag $0x0;
	lr =	simm.s32 $0x1  }
0x2: {  	[smem:$0x3FA0] =	sst lr;
	_ =	strace $0xD0000000  }
0x3: {  	_ = 	snop  }
0x4: {  	_ = 	snop  }
0x5: {  	_ = 	snop  }
0x6: {  	_ = 	snop  }
0x7: {  	_ = 	snop  }
__scs_overlays_trampoline_lowered:
0x8: {  	[smem:$0x3FAF] =	sst s0  }
0x9: {  	[smem:$0x3FB0] =	sst s1  }
0xa: {  	[smem:$0x3FB1] =	sst s2  }
0xb: {  	[smem:$0x3FB2] =	sst s3  }
0xc: {  	[smem:$0x3FB3] =	sst s4  }
0xd: {  	[smem:$0x3FB4] =	sst s5  }
0xe: {  	[smem:$0x3FB5] =	sst s6  }
0xf: {  	[smem:$0x3FB6] =	sst s7  }
0x10: {  	[smem:$0x3FB7] =	sst s8  }
0x11: {  	[smem:$0x3FB8] =	sst s9;
	s0 =	simm.s32 @!p0 $0x0  }
0x12: {  	s1 =	sld [smem:$0x3F9E];
	s0 =	simm.s32 @p0 $0x1  }
0x13: {  	[smem:$0x3FB9] =	sst s0;
	s0 =	simm.s32 @!p1 $0x0  }
0x14: {  	s2 =	sld [smem:$0x3F9D];
	s0 =	simm.s32 @p1 $0x1  }
0x15: {  	[smem:$0x3FBA] =	sst s0;
	s0 =	simm.s32 @!p2 $0x0  }
0x16: {  	s3 =	sld [smem:$0x3FDB];
	s0 =	simm.s32 @p2 $0x1  }
0x17: {  	s4 =	simm.s32 $0x1BF5;
	[smem:$0x3FBC] =	sst s0  }
0x18: {  	s0 =	sld [smem:$0x3F9F];
	_ =	swait.ge [sflag:s4], $0x0  }
0x19: {  	s7 =	sld [smem:$0x3FA0]  }
0x1a: {  	s8 =	sadd.s32 $0xFFFFE003, lr  }
0x1b: {  	s9 =	sadd.s32 $0xFFFFFEF7, lr;
	s5 =	simm.s32 $0xFFFFFFFF;
	p2 =	slt.u32 s8, $0xFFFFF086  }
0x1c: {  	p1 =	slt.u32 s9, $0xF7A;
	s5 =	simm.s32 @!p2 $0x0  }
0x1d: {  	s5 =	simm.s32 @p1 $0x1;
	p0 =	seq.s32 s7, s2  }
0x1e: {  	s7 =	smul.u32 @!p0 $0xF7A, s2;
	p2 =	seq.s32 @!p0 s5, $0x0  }
0x1f: {  	s9 =	smul.u32 $0xF7A, s1;
	s8 =	simm.s32 @!p0 $0x1BF5;
	p2 =	por !p2, p0  }
0x20: {  	[sflag:s8] =	ssyncset.s32 @!p0 $0xFFFFF086;
	s6 =	sadd.s32 @!p0 s3, s7;
	s7 =	simm.s32 @!p0 $0x108  }
0x21: {  	s3 =	sadd.s32 s3, s9;
	s6 =	sadd.s32 @!p0 $0x88, s6;
	s7 =	simm.s32 @p2 $0x1082  }
0x22: {  	[simem:s7], [sflag:s8] =	dma.local @!p0 [hbm:s6], $0xF7A  }
0x23: {  	s9 =	sor.u32 $0xD0000000, s2;
	s6 =	simm.s32 $0x108;
	_ =	swait.ge @!p0 [sflag:s8], $0x0  }
0x24: {  	s3 =	sadd.s32 $0x88, s3;
	s6 =	simm.s32 @!p1 $0x1082;
	[sflag:s4] =	ssyncset.s32 $0xFFFFF086  }
0x25: {  	[simem:s6], [sflag:s4] =	dma.local [hbm:s3], $0xF7A  }
0x26: {  	[smem:$0x3FA0] =	sst s1;
	(tag) =	ssettag s2;
	_ =	strace s9  }
0x27: {  	s1 =	sld [smem:$0x3FB0]  }
0x28: {  	s2 =	sld [smem:$0x3FB1]  }
0x29: {  	s4 =	sld [smem:$0x3FB3]  }
0x2a: {  	p0 =	seq.s32 s5, $0x0;
	s5 =	sld [smem:$0x3FB4]  }
0x2b: {  	s6 =	sld [smem:$0x3FB5]  }
0x2c: {  	s7 =	sld [smem:$0x3FB6]  }
0x2d: {  	s3 =	simm.s32 $0x108;
	s8 =	sld [smem:$0x3FB7]  }
0x2e: {  	s3 =	simm.s32 @!p0 $0x1082;
	s9 =	sld [smem:$0x3FB8]  }
0x2f: {  	lr =	sadd.s32 s0, s3;
	s0 =	sld [smem:$0x3FAF]  }
0x30: {  	s3 =	sld [smem:$0x3FB2]  }
0x31: {  	[smem:$0x3FBB] =	sst s10  }
0x32: {  	s10 =	sld [smem:$0x3FB9];
	_ =	sdelay $0x3  }
0x33: {  	p0 =	seq.s32 s10, $0x1;
	s10 =	sld [smem:$0x3FBB];
	_ =	sdelay $0x3  }
0x34: {  	[smem:$0x3FBB] =	sst s10  }
0x35: {  	s10 =	sld [smem:$0x3FBA];
	_ =	sdelay $0x3  }
0x36: {  	p1 =	seq.s32 s10, $0x1;
	s10 =	sld [smem:$0x3FBB];
	_ =	sdelay $0x3  }
0x37: {  	[smem:$0x3FBB] =	sst s10  }
0x38: {  	s10 =	sld [smem:$0x3FBC]  }
0x39: {  	_ = 	snop;
	(pc) =	sbr.ind lr, $3  }
0x3a: {  	_ = 	snop  }
0x3b: {  	_ = 	snop  }
0x3c: {  	p2 =	seq.s32 s10, $0x1;
	s10 =	sld [smem:$0x3FBB]  }
0x3d: {  	_ =	shalt  }
0x3e: {  	_ =	shalt  }
0x3f: {  	_ =	shalt  }
0x40: {  	_ =	shalt  }
0x41: {  	_ =	shalt  }
0x42: {  	_ =	shalt  }
0x43: {  	_ =	shalt  }
0x44: {  	_ =	shalt  }
0x45: {  	_ =	shalt  }
0x46: {  	_ =	shalt  }
0x47: {  	_ =	shalt  }
0x48: {  	_ =	shalt  }
0x49: {  	_ =	shalt  }
0x4a: {  	_ =	shalt  }
0x4b: {  	_ =	shalt  }
0x4c: {  	_ =	shalt  }
0x4d: {  	_ =	shalt  }
0x4e: {  	_ =	shalt  }
0x4f: {  	_ =	shalt  }
0x50: {  	_ =	shalt  }
0x51: {  	_ =	shalt  }
0x52: {  	_ =	shalt  }
0x53: {  	_ =	shalt  }
0x54: {  	_ =	shalt  }
0x55: {  	_ =	shalt  }
0x56: {  	_ =	shalt  }
0x57: {  	_ =	shalt  }
0x58: {  	_ =	shalt  }
0x59: {  	_ =	shalt  }
0x5a: {  	_ =	shalt  }
0x5b: {  	_ =	shalt  }
0x5c: {  	_ =	shalt  }
0x5d: {  	_ =	shalt  }
0x5e: {  	_ =	shalt  }
0x5f: {  	_ =	shalt  }
0x60: {  	_ =	shalt  }
0x61: {  	_ =	shalt  }
0x62: {  	_ =	shalt  }
0x63: {  	_ =	shalt  }
0x64: {  	_ =	shalt  }
0x65: {  	_ =	shalt  }
0x66: {  	_ =	shalt  }
0x67: {  	_ =	shalt  }
0x68: {  	_ =	shalt  }
0x69: {  	_ =	shalt  }
0x6a: {  	_ =	shalt  }
0x6b: {  	_ =	shalt  }
0x6c: {  	_ =	shalt  }
0x6d: {  	_ =	shalt  }
0x6e: {  	_ =	shalt  }
0x6f: {  	_ =	shalt  }
0x70: {  	_ =	shalt  }
0x71: {  	_ =	shalt  }
0x72: {  	_ =	shalt  }
0x73: {  	_ =	shalt  }
0x74: {  	_ =	shalt  }
0x75: {  	_ =	shalt  }
0x76: {  	_ =	shalt  }
0x77: {  	_ =	shalt  }
0x78: {  	_ =	shalt  }
0x79: {  	_ =	shalt  }
0x7a: {  	_ =	shalt  }
0x7b: {  	_ =	shalt  }
0x7c: {  	_ =	shalt  }
0x7d: {  	_ =	shalt  }
0x7e: {  	_ =	shalt  }
0x7f: {  	_ =	shalt  }
0x80: {  	_ =	shalt  }
0x81: {  	_ =	shalt  }
0x82: {  	_ =	shalt  }
0x83: {  	_ =	shalt  }
0x84: {  	_ =	shalt  }
0x85: {  	_ =	shalt  }
0x86: {  	_ =	shalt  }
0x87: {  	_ =	shalt  }
.Lfunc_end0:
.L_simem_size_0:
called_computation_lowered:
.L_overlay_start_0:
0x88: {  	s0 =	sld [smem:$0x3FD9]  }
0x89: {  	s1 =	sld [smem:$0x3FFE];
	_ =	sdelay $0x3  }
0x8a: {  	s0 =	sadd.s32 s1, s0  }
0x8b: {  	[smem:$0x3FC7] =	sst s0  }
0x8c: {  	_ = 	snop  }
0x8d: {  	s0 =	sld [smem:$0x3FD0];
	(tm) =	ssettm $0x1  }
0x8e: {  	s16 =	sld [smem:$0x3FFB];
	_ =	sdelay $0x3  }
0x8f: {  	_ =	strace s16  }
0x90: {  	s1 =	sld [smem:$0x3FFC];
	_ =	sdelay $0x3  }
0x91: {  	_ =	strace s1  }
0x92: {  	s1 =	sld [smem:$0x3FFD];
	_ =	sdelay $0x3  }
0x93: {  	_ =	strace s1  }
0x94: {  	_ =	strace $0x8FFFFFFF  }
0x95: {  	s17 =	sld [smem:$0x3FDB];
	_ =	sdelay $0x1  }
0x96: {  	s2 =	simm.s32 $_scs_section_size  }
0x97: {  	s3 =	simm.s32 $_size__tile_overlayer_lowered;
	s4 =	simm.s32 $_tile_overlayer_lowered  }
0x98: {  	s20 =	simm.s32 $0x1BFF;
	s19 =	sshll.u32 s4, $0x1;
	s1 =	sadd.s32 s2, s17  }
0x99: {  	s5 =	simm.s32 $0x0;
	s18 =	sshll.u32 s3, $0x1;
	s3 =	sadd.s32 s19, s1  }
0x9a: {  	[timem:s5], [sflag:s20] =	dma.local [hbm:s3], s18  }
0x9b: {  	_ =	swait.ge [sflag:s20], s18  }
0x9c: {  	s2 =	ssub.s32 $0x0, s18;
	[sflag:s20] =	ssyncset.done $0x0  }
0x9d: {  	[sflag:s20] =	ssyncadd.s32 s2;
	_ =	sdelay $0x1  }
0x9e: {  	s21 =	simm.s32 $0x1B8B  }
0x9f: {  	_ =	swait.ge [sflag:s21], $0x1  }
0xa0: {  	[sflag:s21] =	ssyncset.done $0x0  }
0xa1: {  	s23 =	simm.s32 $0x1B8E;
	s22 =	sld [smem:$0x3FFE];
	[sflag:s21] =	ssyncadd.s32 $0xFFFFFFFF  }
0xa2: {  	s24 =	simm.s32 $execute0_lowered;
	[smem:$0x3FD2] =	sst s23  }
0xa3: {  	s3 =	sshll.u32 s24, $0x1;
	_ =	strace $0x80000046;
	[dreg:$0x1] =	wrdreg $0xFFFFFFFF  }
0xa4: {  	s25 =	simm.s32 $_size_execute0_lowered;
	s1 =	sadd.s32 s1, s3;
	[dreg:$0x0] =	wrdreg $0x0  }
0xa5: {  	s3 =	sshll.u32 s25, $0x1;
	[dreg:$0x2] =	wrdreg s1  }
0xa6: {  	[dreg:$0x3] =	wrdreg s3  }
0xa7: {  	[dreg:$0x4] =	wrdreg $0xC0  }
0xa8: {  	_ =	task [dreg:s5], $0x5FFFF  }
0xa9: {  	[dreg:$0x1] =	wrdreg $0xFFFFFFFF  }
0xaa: {  	[dreg:$0x0] =	wrdreg $0x60  }
0xab: {  	[dreg:$0x2] =	wrdreg s22  }
0xac: {  	[dreg:$0x3] =	wrdreg s0  }
0xad: {  	[dreg:$0x4] =	wrdreg $0x9  }
0xae: {  	_ =	task.clear_ibuf [dreg:s5], $0x5FFFF;
	_ =	strace $0x90000046  }
0xaf: {  	s26 =	simm.s32 $0x9;
	_ =	strace $0x80000048  }
0xb0: {  	_ =	swait.ge [sflag:s26], $0x1  }
0xb1: {  	[sflag:s26] =	ssyncadd.s32 $0xFFFFFFFF  }
0xb2: {  	_ =	strace $0x90000048  }
0xb3: {  	_ =	sfence  }
0xb4: {  	s28 =	sld [smem:$0x0];
	_ =	sdelay $0x1  }
0xb5: {  	s29 =	srdreg.scid  }
0xb6: {  	s30 =	sshll.u32 s29, $0xD;
	s31 =	sshrl.u32 s29, $0x2  }
0xb7: {  	s2 =	sand.u32 $0x4000, s30;
	s1 =	sand.u32 $0x1, s29;
	s0 =	sadd.s32 s31, s28  }
0xb8: {  	s1 =	sor.u32 s2, s1;
	s0 =	sshll.u32 s0, $0x11  }
0xb9: {  	s0 =	sor.u32 s0, s1  }
0xba: {  	s0 =	sadd.s32 $0x8F2B, s0  }
0xbb: {  	[sflag:s0] =	ssyncadd.remote.s32 $0x1  }
0xbc: {  	_ =	sfence.sel $0xFFFF  }
0xbd: {  	[dreg:$0x0] =	wrdreg $0xFFFFFFFF;
	(pc) =	sbr.abs _section_cstart, $3  }
0xbe: {  	[dreg:$0x1] =	wrdreg $0xFFFFFFFF  }
0xbf: {  	_ =	task.clear_ibuf [dreg:s5], $0x2FFFF;
	_ =	strace $0x9FFFFFFF  }
0xc0: {  	(tm) =	ssettm $0x7FFFFFFF  }
0xc1: {  	_ =	shalt  }
tec
execute0_lowered:
.L_overlay_start_1:
0x0: {  	(tag) =	ssettag $0x1  }
0x1: {  	s4 =	rddreg [dreg:$0x0]  }
0x2: {  	s1 =	rddreg [dreg:$0x1];
	s2 =	simm.s32 $0x0  }
0x3: {  	[smem:$0x7FF] =	sst s2  }
0x4: {  	s0 =	rddreg [dreg:$0x2];
	s3 =	sadd.s32 $0xE00, s4;
	_ =	strace $0x80000047  }
0x5: {  	[tilespmem:s2], [sflag:$0x1] =	stream.linear.gather [hbm4b:s3+s2], $0x5000, $0x38;
	[tilespmem:$0x6680] =	vst v63  }
0x6: {  	s5 =	stileid.u32;
	s3 =	simm.s32 $0x1  }
0x7: {  	s6 =	sshll.u32 s5, $0x5;
	_ =	swait.ge [sflag:s3], $0x5000  }
0x8: {  	s9 =	sadd.s32 s6, s4;
	[sflag:s3] =	ssyncset.done $0x0  }
0x9: {  	s7 =	simm.s32 $0x5000;
	s8 =	sadd.s32 $0x1800, s9;
	[sflag:s3] =	ssyncadd.s32 $0xFFFFB000  }
0xa: {  	[tilespmem:s7], [sflag:$0x1] =	stream.linear.gather [hbm4b:s8+s2], $0x100, $0x38;
	[tilespmem:$0x6680] =	vst v63  }
0xb: {  	_ =	swait.ge [sflag:s3], $0x100  }
0xc: {  	[sflag:s3] =	ssyncset.done $0x0  }
0xd: {  	s10 =	simm.s32 $0x5100;
	s23 =	sadd.s32 $0x1A00, s9;
	[sflag:s3] =	ssyncadd.s32 $0xFFFFFF00  }
0xe: {  	[tilespmem:s10], [sflag:$0x1] =	stream.linear.gather [hbm4b:s23+s2], $0x100, $0x38;
	[tilespmem:$0x6680] =	vst v63  }
0xf: {  	_ =	swait.ge [sflag:s3], $0x100  }
0x10: {  	[sflag:s3] =	ssyncset.done $0x0  }
0x11: {  	s25 =	simm.s32 $0x5200;
	s24 =	sadd.s32 $0x1C00, s9;
	[sflag:s3] =	ssyncadd.s32 $0xFFFFFF00  }
0x12: {  	[tilespmem:s25], [sflag:$0x1] =	stream.linear.gather [hbm4b:s24+s2], $0x100, $0x38;
	[tilespmem:$0x6680] =	vst v63  }
0x13: {  	_ =	swait.ge [sflag:s3], $0x100  }
0x14: {  	[sflag:s3] =	ssyncset.done $0x0  }
0x15: {  	s28 =	simm.s32 $0x5300;
	s26 =	sadd.s32 $0x1E00, s9;
	[sflag:s3] =	ssyncadd.s32 $0xFFFFFF00  }
0x16: {  	[tilespmem:s28], [sflag:$0x1] =	stream.linear.gather [hbm4b:s26+s2], $0x100, $0x38;
	[tilespmem:$0x6680] =	vst v63  }
0x17: {  	_ =	swait.ge [sflag:s3], $0x100  }
0x18: {  	v11 =	vlaneseq.u32;
	s29 =	sshll.u32 s5, $0x8;
	[sflag:s3] =	ssyncset.done $0x0  }
0x19: {  	s30 =	simm.s32 $0x5400;
	v3 =	vor.u32 $0x1000, v11;
	v1 =	vor.u32 s29, v11;
	s9 =	sadd.s32 $0x2000, s9;
	[sflag:s3] =	ssyncadd.s32 $0xFFFFFF00  }
0x1a: {  	v3 =	vor.u32 s29, v3;
	[tilespmem:s30], [sflag:$0x1] =	stream.linear.gather [hbm4b:s9+s2], $0x100, $0x38;
	[tilespmem:$0x6680] =	vst v63  }
0x1b: {  	v7 =	vor.u32 $0x2000, v11;
	_ =	swait.ge [sflag:s3], $0x100  }
0x1c: {  	v7 =	vor.u32 s29, v7;
	[sflag:s3] =	ssyncset.done $0x0  }
0x1d: {  	v24 =	vor.u32 $0x100, v11;
	[sflag:s3] =	ssyncadd.s32 $0xFFFFFF00  }
0x1e: {  	v30 =	vor.u32 $0x200, v11;
	v38 =	vor.u32 $0x4000, v11;
	v2 =	vld.idx.msk [tilespmem:v1+s2+$0x0], $0xffff  }
0x1f: {  	v12 =	vor.u32 s29, v38;
	v3 =	vld.idx.msk [tilespmem:v3+s2+$0x0], $0xffff  }
0x20: {  	v41 =	vor.u32 $0x300, v11;
	v0 =	vld.idx.msk [tilespmem:v11+s7+$0x0], $0xffff  }
0x21: {  	v7 =	vld.idx.msk [tilespmem:v7+s2+$0x0], $0xffff  }
0x22: {  	v19 =	vld.idx.msk [tilespmem:v24+s7+$0x0], $0xffff  }
0x23: {  	v13 =	vld.idx.msk [tilespmem:v30+s7+$0x0], $0xffff;
	v4 =	vadd.s32 $0x1000, v2  }
0x24: {  	v12 =	vld.idx.msk [tilespmem:v12+s2+$0x0], $0xffff;
	v5 =	vadd.s32 $0x2000, v2  }
0x25: {  	v20 =	vld.idx.msk [tilespmem:v41+s7+$0x0], $0xffff;
	v8 =	vadd.s32 $0x4000, v2  }
0x26: {  	v25 =	vadd.s32 $0x1000, v3;
	v37 =	vld.idx.msk [tilespmem:v2+s2+$0x0], $0xffff  }
0x27: {  	v26 =	vadd.s32 $0x2000, v3;
	v60 =	vld.idx.msk [tilespmem:v3+s2+$0x0], $0xffff  }
0x28: {  	v27 =	vadd.s32 $0x3000, v3;
	v42 =	vld.idx.msk [tilespmem:v4+s2+$0x0], $0xffff  }
0x29: {  	v29 =	vadd.s32 $0x4000, v3;
	v44 =	vld.idx.msk [tilespmem:v5+s2+$0x0], $0xffff  }
0x2a: {  	v39 =	vld.idx.msk [tilespmem:v8+s2+$0x0], $0xffff  }
0x2b: {  	v31 =	vadd.s32 $0x1000, v7;
	v53 =	vld.idx.msk [tilespmem:v25+s2+$0x0], $0xffff  }
0x2c: {  	v34 =	vadd.s32 $0x2000, v7;
	v56 =	vld.idx.msk [tilespmem:v26+s2+$0x0], $0xffff  }
0x2d: {  	v36 =	vadd.s32 $0x3000, v7;
	v52 =	vld.idx.msk [tilespmem:v27+s2+$0x0], $0xffff  }
0x2e: {  	v40 =	vadd.s32 $0x4000, v7;
	v35 =	vld.idx.msk [tilespmem:v29+s2+$0x0], $0xffff  }
0x2f: {  	v26 =	vld.idx.msk [tilespmem:v7+s2+$0x0], $0xffff  }
0x30: {  	v18 =	vadd.s32 $0x1000, v12;
	v29 =	vld.idx.msk [tilespmem:v31+s2+$0x0], $0xffff  }
0x31: {  	v49 =	vadd.s32 $0x2000, v12;
	v27 =	vld.idx.msk [tilespmem:v34+s2+$0x0], $0xffff  }
0x32: {  	v17 =	vor.u32 $0x10, v11;
	v22 =	vadd.s32 $0x3000, v12;
	v57 =	vld.idx.msk [tilespmem:v36+s2+$0x0], $0xffff  }
0x33: {  	v28 =	vor.u32 $0x3000, v11;
	v15 =	vor.u32 $0x1010, v11;
	v3 =	vor.u32 s29, v17;
	v31 =	vld.idx.msk [tilespmem:v40+s2+$0x0], $0xffff  }
0x34: {  	v8 =	vor.u32 s29, v28;
	v28 =	vor.u32 s29, v15;
	v15 =	vld.idx.msk [tilespmem:v12+s2+$0x0], $0xffff  }
0x35: {  	v33 =	vld.idx.msk [tilespmem:v18+s2+$0x0], $0xffff  }
0x36: {  	v34 =	vld.idx.msk [tilespmem:v49+s2+$0x0], $0xffff  }
0x37: {  	v61 =	vor.u32 $0x110, v11;
	v38 =	vld.idx.msk [tilespmem:v22+s2+$0x0], $0xffff  }
0x38: {  	v6 =	vadd.s32 $0x3000, v2;
	v2 =	vor.u32 $0x20, v11;
	v25 =	vadd.s32 $0x4000, v12;
	v23 =	vld.idx.msk [tilespmem:v3+s2+$0x0], $0xffff  }
0x39: {  	v58 =	vor.u32 $0x2010, v11;
	v4 =	vor.u32 s29, v2;
	v10 =	vld.idx.msk [tilespmem:v8+s2+$0x0], $0xffff  }
0x3a: {  	v55 =	vld.idx.msk [tilespmem:v28+s2+$0x0], $0xffff;
	v28 =	vor.u32 s29, v58  }
0x3b: {  	v12 =	vld.idx.msk [tilespmem:v17+s7+$0x0], $0xffff  }
0x3c: {  	v17 =	vld.idx.msk [tilespmem:v61+s7+$0x0], $0xffff  }
0x3d: {  	v48 =	vor.u32 $0x400, v11;
	v40 =	vld.idx.msk [tilespmem:v25+s2+$0x0], $0xffff  }
0x3e: {  	[tilespmem:$0x1FCB0] =	vst v0;
	v0 =	vld.idx.msk [tilespmem:v4+s2+$0x0], $0xffff;
	v54 =	vadd.s32 $0x3000, v23  }
0x3f: {  	v28 =	vld.idx.msk [tilespmem:v28+s2+$0x0], $0xffff  }
0x40: {  	v43 =	vadd.s32 $0x1000, v10;
	v41 =	vld.idx.msk [tilespmem:v23+s2+$0x0], $0xffff  }
0x41: {  	v46 =	vadd.s32 $0x2000, v10;
	v16 =	vld.idx.msk [tilespmem:v10+s2+$0x0], $0xffff  }
0x42: {  	v14 =	vadd.s32 $0x3000, v10;
	v47 =	vadd.s32 $0x4000, v10;
	v10 =	vld.idx.msk [tilespmem:v48+s7+$0x0], $0xffff  }
0x43: {  	v50 =	vadd.s32 $0x1000, v23;
	v48 =	vld.idx.msk [tilespmem:v54+s2+$0x0], $0xffff  }
0x44: {  	v51 =	vadd.s32 $0x2000, v23;
	v49 =	vld.idx.msk [tilespmem:v55+s2+$0x0], $0xffff  }
0x45: {  	v30 =	vor.u32 $0x3010, v11;
	v63 =	vadd.s32 $0x2000, v55;
	v21 =	vld.idx.msk [tilespmem:v43+s2+$0x0], $0xffff  }
0x46: {  	v30 =	vor.u32 s29, v30;
	v24 =	vld.idx.msk [tilespmem:v46+s2+$0x0], $0xffff  }
0x47: {  	v59 =	vadd.s32 $0x4000, v23;
	v36 =	vld.idx.msk [tilespmem:v47+s2+$0x0], $0xffff  }
0x48: {  	v62 =	vadd.s32 $0x1000, v55;
	v43 =	vld.idx.msk [tilespmem:v50+s2+$0x0], $0xffff  }
0x49: {  	v8 =	vadd.s32 $0x3000, v55;
	v47 =	vld.idx.msk [tilespmem:v51+s2+$0x0], $0xffff  }
0x4a: {  	v7 =	vor.u32 $0x4010, v11;
	v9 =	vadd.s32 $0x4000, v55;
	v54 =	vld.idx.msk [tilespmem:v63+s2+$0x0], $0xffff  }
0x4b: {  	v63 =	vld.idx.msk [tilespmem:v30+s2+$0x0], $0xffff;
	v30 =	vor.u32 s29, v7  }
0x4c: {  	v46 =	vld.idx.msk [tilespmem:v59+s2+$0x0], $0xffff;
	v51 =	vor.u32 $0x210, v11  }
0x4d: {  	v50 =	vld.idx.msk [tilespmem:v62+s2+$0x0], $0xffff;
	v58 =	vadd.s32 $0x1000, v28  }
0x4e: {  	v55 =	vld.idx.msk [tilespmem:v8+s2+$0x0], $0xffff;
	v62 =	vadd.s32 $0x3000, v28  }
0x4f: {  	v59 =	vld.idx.msk [tilespmem:v9+s2+$0x0], $0xffff;
	v61 =	vadd.s32 $0x2000, v28  }
0x50: {  	v32 =	vadd.s32 $0x4000, v28;
	v30 =	vld.idx.msk [tilespmem:v30+s2+$0x0], $0xffff  }
0x51: {  	v18 =	vld.idx.msk [tilespmem:v51+s7+$0x0], $0xffff  }
0x52: {  	[tilespmem:$0x1FCE0] =	vst v50;
	v8 =	vld.idx.msk [tilespmem:v58+s2+$0x0], $0xffff;
	v50 =	vadd.s32 $0x1000, v63  }
0x53: {  	[tilespmem:$0x1FCD0] =	vst v49;
	v49 =	vld.idx.msk [tilespmem:v62+s2+$0x0], $0xffff  }
0x54: {  	v9 =	vor.u32 $0x310, v11;
	[tilespmem:$0x1FD00] =	vst v55;
	v55 =	vld.idx.msk [tilespmem:v61+s2+$0x0], $0xffff  }
0x55: {  	v51 =	vld.idx.msk [tilespmem:v32+s2+$0x0], $0xffff;
	v58 =	vadd.s32 $0x2000, v63  }
0x56: {  	[tilespmem:$0x1FD10] =	vst v59;
	v59 =	vadd.s32 $0x3000, v63;
	v61 =	vld.idx.msk [tilespmem:v63+s2+$0x0], $0xffff  }
0x57: {  	[tilespmem:$0x1FD20] =	vst v8;
	v8 =	vadd.s32 $0x4000, v63;
	v63 =	vld.idx.msk [tilespmem:v50+s2+$0x0], $0xffff;
	v25 =	vadd.s32 $0x1000, v30  }
0x58: {  	[tilespmem:$0x1FD30] =	vst v49;
	v49 =	vadd.s32 $0x2000, v30;
	v62 =	vadd.s32 $0x3000, v30;
	v50 =	vld.idx.msk [tilespmem:v30+s2+$0x0], $0xffff;
	v30 =	vadd.s32 $0x4000, v30  }
0x59: {  	v23 =	vld.idx.msk [tilespmem:v9+s7+$0x0], $0xffff;
	v9 =	vor.u32 $0x410, v11  }
0x5a: {  	[tilespmem:$0x1FD40] =	vst v51;
	v51 =	vld.idx.msk [tilespmem:v58+s2+$0x0], $0xffff  }
0x5b: {  	v58 =	vld.idx.msk [tilespmem:v59+s2+$0x0], $0xffff  }
0x5c: {  	v7 =	vadd.s32 $0x3000, v0;
	v59 =	vld.idx.msk [tilespmem:v8+s2+$0x0], $0xffff  }
0x5d: {  	v8 =	vor.u32 $0x1020, v11;
	v30 =	vld.idx.msk [tilespmem:v30+s2+$0x0], $0xffff  }
0x5e: {  	v22 =	vld.idx.msk [tilespmem:v9+s7+$0x0], $0xffff;
	v9 =	vor.u32 s29, v8  }
0x5f: {  	v45 =	vld.idx.msk [tilespmem:v6+s2+$0x0], $0xffff;
	v6 =	vadd.s32 $0x4000, v0  }
0x60: {  	[tilespmem:$0x1FCF0] =	vst v54;
	v54 =	vld.idx.msk [tilespmem:v28+s2+$0x0], $0xffff  }
0x61: {  	v7 =	vld.idx.msk [tilespmem:v7+s2+$0x0], $0xffff  }
0x62: {  	v28 =	vadd.s32 $0x1000, v0;
	[tilespmem:$0x1FD50] =	vst v30;
	v30 =	vadd.s32 $0x2000, v0;
	v0 =	vld.idx.msk [tilespmem:v0+s2+$0x0], $0xffff  }
0x63: {  	v5 =	vld.idx.msk [tilespmem:v9+s2+$0x0], $0xffff  }
0x64: {  	v6 =	vld.idx.msk [tilespmem:v6+s2+$0x0], $0xffff  }
0x65: {  	v32 =	vld.idx.msk [tilespmem:v25+s2+$0x0], $0xffff;
	v9 =	vor.u32 $0x2020, v11  }
0x66: {  	v25 =	vld.idx.msk [tilespmem:v2+s7+$0x0], $0xffff;
	v2 =	vor.u32 s29, v9  }
0x67: {  	v28 =	vld.idx.msk [tilespmem:v28+s2+$0x0], $0xffff;
	[tilespmem:$0x1FD60] =	vst v0;
	v0 =	vor.u32 $0x120, v11  }
0x68: {  	[tilespmem:$0x1FD90] =	vst v7;
	v7 =	vadd.s32 $0x1000, v5  }
0x69: {  	[tilespmem:$0x1FDA0] =	vst v6;
	v6 =	vadd.s32 $0x4000, v5;
	v30 =	vld.idx.msk [tilespmem:v30+s2+$0x0], $0xffff;
	_ =	sdelay $0x1  }
0x6a: {  	v2 =	vld.idx.msk [tilespmem:v2+s2+$0x0], $0xffff  }
0x6b: {  	[tilespmem:$0x1FD70] =	vst v28;
	v9 =	vor.u32 $0x3020, v11;
	v28 =	vld.idx.msk [tilespmem:v0+s7+$0x0], $0xffff  }
0x6c: {  	v8 =	vadd.s32 $0x2000, v5;
	v0 =	vor.u32 s29, v9;
	v9 =	vld.idx.msk [tilespmem:v7+s2+$0x0], $0xffff  }
0x6d: {  	vm1 =	veq.s32 v60, v1;
	vm5 =	veq.s32 v53, v1;
	v6 =	vld.idx.msk [tilespmem:v6+s2+$0x0], $0xffff;
	[tilespmem:$0x1FD80] =	vst v30;
	v30 =	vadd.s32 $0x3000, v5  }
0x6e: {  	vm2 =	veq.s32 v56, v1;
	vm5 =	vmor vm1, vm5  }
0x6f: {  	vm6 =	veq.s32 v52, v1;
	vm2 =	vmor vm5, vm2;
	v5 =	vld.idx.msk [tilespmem:v5+s2+$0x0], $0xffff;
	v7 =	vadd.s32 $0x1000, v2  }
0x70: {  	vm2 =	vmor vm2, vm6;
	vm6 =	veq.s32 v34, v1;
	v34 =	vld [tilespmem:$0x1FCB0]  }
0x71: {  	[tilespmem:$0x1FDC0] =	vst v9;
	v9 =	vld.idx.msk [tilespmem:v8+s2+$0x0], $0xffff  }
0x72: {  	[tilespmem:$0x1FDF0] =	vst v6;
	v6 =	vadd.s32 $0x2000, v2;
	v30 =	vld.idx.msk [tilespmem:v30+s2+$0x0], $0xffff  }
0x73: {  	v0 =	vld.idx.msk [tilespmem:v0+s2+$0x0], $0xffff  }
0x74: {  	[tilespmem:$0x1FDB0] =	vst v5;
	v5 =	vor.u32 $0x220, v11;
	v7 =	vld.idx.msk [tilespmem:v7+s2+$0x0], $0xffff  }
0x75: {  	v14 =	vld.idx.msk [tilespmem:v14+s2+$0x0], $0xffff  }
0x76: {  	v49 =	vld.idx.msk [tilespmem:v49+s2+$0x0], $0xffff;
	v8 =	vadd.s32 $0x3000, v2  }
0x77: {  	v6 =	vld.idx.msk [tilespmem:v6+s2+$0x0], $0xffff;
	[tilespmem:$0x1FDD0] =	vst v9  }
0x78: {  	[tilespmem:$0x1FDE0] =	vst v30;
	v9 =	vadd.s32 $0x4000, v2;
	v2 =	vld.idx.msk [tilespmem:v2+s2+$0x0], $0xffff  }
0x79: {  	v30 =	vld.idx.msk [tilespmem:v5+s7+$0x0], $0xffff;
	v5 =	vor.u32 $0x4020, v11;
	[tilespmem:$0x1FE10] =	vst v7;
	v7 =	vadd.s32 $0x2000, v0  }
0x7a: {  	v62 =	vld.idx.msk [tilespmem:v62+s2+$0x0], $0xffff;
	v5 =	vor.u32 s29, v5  }
0x7b: {  	vm15 =	veq.s32 v44, v1;
	vm13 =	veq.s32 v45, v1;
	v44 =	vld.idx.msk [tilespmem:v8+s2+$0x0], $0xffff;
	v45 =	vadd.s32 $0x4000, v0  }
0x7c: {  	[tilespmem:$0x1FE20] =	vst v6;
	v6 =	vadd.s32 $0x1000, v0;
	v60 =	vld.idx.msk [tilespmem:v0+s2+$0x0], $0xffff  }
0x7d: {  	vm10 =	veq.s32 v37, v1;
	vm12 =	veq.s32 v42, v1;
	[tilespmem:$0x1FE00] =	vst v2;
	v2 =	vor.u32 $0x320, v11;
	v42 =	vld.idx.msk [tilespmem:v9+s2+$0x0], $0xffff  }
0x7e: {  	vm11 =	veq.s32 v29, v1;
	v29 =	vor.u32 $0x420, v11;
	v9 =	vadd.s32 $0x3000, v0;
	v8 =	vld.idx.msk [tilespmem:v7+s2+$0x0], $0xffff  }
0x7f: {  	vm10 =	vmor vm10, vm12;
	vm12 =	veq.s32 v21, v1;
	v21 =	vor.u32 $0x1030, v11;
	v5 =	vld.idx.msk [tilespmem:v5+s2+$0x0], $0xffff  }
0x80: {  	vm4 =	veq.s32 v57, v1;
	v57 =	vld.idx.msk [tilespmem:v45+s2+$0x0], $0xffff;
	v0 =	vor.u32 s29, v21  }
0x81: {  	v37 =	vor.u32 $0x30, v11;
	v52 =	vld.idx.msk [tilespmem:v6+s2+$0x0], $0xffff  }
0x82: {  	vm14 =	veq.s32 v39, v1;
	vm7 =	veq.s32 v35, v1;
	v56 =	vld.idx.msk [tilespmem:v2+s7+$0x0], $0xffff  }
0x83: {  	vm8 =	veq.s32 v26, v1;
	vm3 =	veq.s32 v27, v1;
	v2 =	vor.u32 s29, v37;
	v53 =	vld.idx.msk [tilespmem:v9+s2+$0x0], $0xffff  }
0x84: {  	vm0 =	veq.s32 v31, v1;
	v31 =	vimm.s32 $0x0;
	v9 =	vld.idx.msk [tilespmem:v29+s7+$0x0], $0xffff;
	v35 =	vadd.s32 $0x1000, v5  }
0x85: {  	vm1 =	veq.s32 v15, v1;
	vm11 =	vmor vm8, vm11;
	v27 =	vld.idx.msk [tilespmem:v0+s2+$0x0], $0xffff;
	v39 =	vadd.s32 $0x2000, v5  }
0x86: {  	vm15 =	vmor vm10, vm15;
	vm5 =	veq.s32 v33, v1;
	v0 =	vld.idx.msk [tilespmem:v37+s7+$0x0], $0xffff;
	v45 =	vadd.s32 $0x3000, v5  }
0x87: {  	vm15 =	vmor vm15, vm13;
	v6 =	vsel vm0, $0xFFFFFFFF, v31;
	v31 =	vadd.s32 $0x4000, v5;
	v21 =	vld.idx.msk [tilespmem:v5+s2+$0x0], $0xffff  }
0x88: {  	vm15 =	vmor vm15, vm14;
	vm8 =	veq.s32 v41, v3;
	vm9 =	veq.s32 v16, v1;
	v26 =	vld.idx.msk [tilespmem:v2+s2+$0x0], $0xffff  }
0x89: {  	vm10 =	veq.s32 v24, v1;
	vm0 =	vmor vm2, vm7;
	v7 =	vld.idx.msk [tilespmem:v35+s2+$0x0], $0xffff;
	v35 =	vadd.f32 $0.0e+00, v34  }
0x8a: {  	vm7 =	veq.s32 v40, v1;
	v40 =	vor.u32 $0x2030, v11;
	v33 =	vadd.s32 $0x3000, v27;
	v24 =	vld.idx.msk [tilespmem:v39+s2+$0x0], $0xffff  }
0x8b: {  	[tilespmem:$0x1FCC0] =	vst v6;
	v6 =	vld.idx.msk [tilespmem:v45+s2+$0x0], $0xffff;
	v39 =	vnsel vm15, $0x0, v35;
	v15 =	vadd.f32 v19, v35;
	v19 =	vnsel vm0, $0x0, v19  }
0x8c: {  	vm13 =	veq.s32 v14, v1;
	v5 =	vld.idx.msk [tilespmem:v31+s2+$0x0], $0xffff;
	v16 =	vadd.f32 v19, v39;
	v39 =	vor.u32 s29, v40  }
0x8d: {  	vm14 =	veq.s32 v36, v1;
	vm12 =	vmor vm9, vm12;
	v35 =	vld [tilespmem:$0x1FCC0];
	v14 =	vadd.s32 $0x1000, v26  }
0x8e: {  	vm2 =	veq.s32 v38, v1;
	vm0 =	vmor vm11, vm3;
	v41 =	vld.idx.msk [tilespmem:v27+s2+$0x0], $0xffff;
	v36 =	vadd.s32 $0x2000, v26  }
0x8f: {  	vm3 =	vmor vm12, vm10;
	vm12 =	veq.s32 v46, v3;
	v38 =	vadd.s32 $0x3000, v26;
	v46 =	vld.idx.msk [tilespmem:v33+s2+$0x0], $0xffff  }
0x90: {  	v45 =	vadd.s32 $0x4000, v26;
	v26 =	vld.idx.msk [tilespmem:v26+s2+$0x0], $0xffff  }
0x91: {  	v34 =	vor.u32 $0x130, v11;
	v19 =	vld.idx.msk [tilespmem:v39+s2+$0x0], $0xffff  }
0x92: {  	vm15 =	vnez.u8 v35;
	v35 =	vadd.s32 $0x4000, v27;
	v14 =	vld.idx.msk [tilespmem:v14+s2+$0x0], $0xffff  }
0x93: {  	v1 =	vld.idx.msk [tilespmem:v36+s2+$0x0], $0xffff  }
0x94: {  	vm0 =	vmor vm0, vm4;
	v37 =	vld.idx.msk [tilespmem:v38+s2+$0x0], $0xffff;
	v38 =	vadd.s32 $0x1000, v27  }
0x95: {  	vm0 =	vmor vm0, vm15;
	v40 =	vld.idx.msk [tilespmem:v45+s2+$0x0], $0xffff;
	v45 =	vadd.s32 $0x2000, v27  }
0x96: {  	v15 =	vadd.f32 v13, v15;
	v36 =	vnsel vm0, $0x0, v13;
	v13 =	vld.idx.msk [tilespmem:v34+s7+$0x0], $0xffff  }
0x97: {  	vm10 =	veq.s32 v47, v3;
	v47 =	vld.idx.msk [tilespmem:v35+s2+$0x0], $0xffff  }
0x98: {  	vm9 =	veq.s32 v43, v3;
	v35 =	vld [tilespmem:$0x1FCE0]  }
0x99: {  	vm11 =	veq.s32 v48, v3;
	vm4 =	vmor vm3, vm13;
	v33 =	vadd.s32 $0x4000, v19;
	[tilespmem:$0x1FE40] =	vst v14;
	v43 =	vld.idx.msk [tilespmem:v38+s2+$0x0], $0xffff  }
0x9a: {  	vm0 =	vmor vm4, vm14;
	v34 =	vor.u32 $0x3030, v11;
	[tilespmem:$0x1FE60] =	vst v37;
	v48 =	vld.idx.msk [tilespmem:v45+s2+$0x0], $0xffff;
	v37 =	vadd.s32 $0x1000, v19  }
0x9b: {  	v31 =	vnsel vm0, $0x0, v20;
	[tilespmem:$0x1FE50] =	vst v1;
	v1 =	vadd.f32 v36, v16;
	v14 =	vor.u32 s29, v34;
	v34 =	vld [tilespmem:$0x1FCD0]  }
0x9c: {  	[tilespmem:$0x1FE70] =	vst v40;
	v36 =	vor.u32 $0x230, v11;
	v38 =	vadd.s32 $0x2000, v19;
	v40 =	vadd.s32 $0x3000, v19;
	v19 =	vld.idx.msk [tilespmem:v19+s2+$0x0], $0xffff  }
0x9d: {  	vm1 =	vmor vm1, vm5;
	v45 =	vor.u32 $0x4030, v11;
	v1 =	vadd.f32 v31, v1;
	v31 =	vld [tilespmem:$0x1FD20]  }
0x9e: {  	vm1 =	vmor vm1, vm6;
	[tilespmem:$0x1FE30] =	vst v26;
	v26 =	vor.u32 s29, v45;
	v45 =	vld.idx.msk [tilespmem:v33+s2+$0x0], $0xffff  }
0x9f: {  	vm1 =	vmor vm1, vm2;
	v15 =	vadd.f32 v20, v15;
	v16 =	vld.idx.msk [tilespmem:v37+s2+$0x0], $0xffff  }
0xa0: {  	vm1 =	vmor vm1, vm7;
	v14 =	vld.idx.msk [tilespmem:v14+s2+$0x0], $0xffff  }
0xa1: {  	v15 =	vadd.f32 v10, v15;
	v39 =	vnsel vm1, $0x0, v10;
	v10 =	vld.idx.msk [tilespmem:v36+s7+$0x0], $0xffff  }
0xa2: {  	v36 =	vld.idx.msk [tilespmem:v38+s2+$0x0], $0xffff  }
0xa3: {  	v1 =	vadd.f32 v39, v1;
	v39 =	vld.idx.msk [tilespmem:v40+s2+$0x0], $0xffff  }
0xa4: {  	vm0 =	vmor vm8, vm9;
	v37 =	vld [tilespmem:$0x1FCF0];
	[tilespmem:$0x1FE90] =	vst v16;
	v16 =	vor.u32 $0x330, v11  }
0xa5: {  	vm0 =	vmor vm0, vm10;
	v40 =	vld [tilespmem:$0x1FD10];
	[tilespmem:$0x1FE80] =	vst v19  }
0xa6: {  	vm5 =	veq.s32 v61, v3;
	vm13 =	veq.s32 v54, v3;
	vm0 =	vmor vm0, vm11;
	v38 =	vld [tilespmem:$0x1FD00];
	[tilespmem:$0x1FEC0] =	vst v45  }
0xa7: {  	vm0 =	vmor vm0, vm12;
	vm3 =	veq.s32 v34, v3;
	v34 =	vld [tilespmem:$0x1FD30];
	[tilespmem:$0x1FEA0] =	vst v36;
	v19 =	vadd.s32 $0x1000, v14  }
0xa8: {  	v15 =	vadd.f32 v12, v15;
	v12 =	vnsel vm0, $0x0, v12;
	v26 =	vld.idx.msk [tilespmem:v26+s2+$0x0], $0xffff;
	[tilespmem:$0x1FEB0] =	vst v39;
	v54 =	vadd.s32 $0x2000, v14  }
0xa9: {  	vm6 =	veq.s32 v51, v3;
	v27 =	vadd.f32 v12, v1;
	v33 =	vadd.s32 $0x3000, v14;
	v12 =	vld.idx.msk [tilespmem:v16+s7+$0x0], $0xffff  }
0xaa: {  	vm7 =	veq.s32 v35, v3;
	vm4 =	veq.s32 v40, v3;
	v35 =	vadd.s32 $0x4000, v14;
	v40 =	vld [tilespmem:$0x1FD40]  }
0xab: {  	vm2 =	veq.s32 v58, v3;
	v45 =	vor.u32 $0x430, v11;
	vm14 =	veq.s32 v37, v3;
	v37 =	vld.idx.msk [tilespmem:v14+s2+$0x0], $0xffff  }
0xac: {  	vm1 =	veq.s32 v50, v3;
	vm11 =	veq.s32 v63, v3;
	vm8 =	veq.s32 v38, v3;
	v38 =	vld.idx.msk [tilespmem:v19+s2+$0x0], $0xffff  }
0xad: {  	v15 =	vadd.f32 v17, v15;
	vm12 =	veq.s32 v55, v3;
	vm5 =	vmor vm5, vm11;
	v51 =	vld.idx.msk [tilespmem:v54+s2+$0x0], $0xffff  }
0xae: {  	vm0 =	veq.s32 v59, v3;
	vm3 =	vmor vm3, vm7;
	v58 =	vadd.s32 $0x1000, v26;
	v54 =	vld.idx.msk [tilespmem:v33+s2+$0x0], $0xffff  }
0xaf: {  	v15 =	vadd.f32 v18, v15;
	vm14 =	vmor vm3, vm14;
	v59 =	vadd.s32 $0x2000, v26;
	v61 =	vld.idx.msk [tilespmem:v35+s2+$0x0], $0xffff  }
0xb0: {  	vm14 =	vmor vm14, vm8;
	vm8 =	veq.s32 v62, v3;
	v62 =	vadd.s32 $0x3000, v26;
	v14 =	vld.idx.msk [tilespmem:v45+s7+$0x0], $0xffff  }
0xb1: {  	v15 =	vadd.f32 v23, v15;
	vm7 =	veq.s32 v32, v3;
	v16 =	vor.u32 $0x40, v11;
	v45 =	vld.idx.msk [tilespmem:v26+s2+$0x0], $0xffff  }
0xb2: {  	vm3 =	veq.s32 v49, v3;
	vm4 =	vmor vm14, vm4;
	v49 =	vld [tilespmem:$0x1FD50];
	v1 =	vor.u32 s29, v16  }
0xb3: {  	vm15 =	veq.s32 v31, v3;
	v39 =	vadd.s32 $0x4000, v26;
	v17 =	vnsel vm4, $0x0, v17;
	v29 =	vld.idx.msk [tilespmem:v58+s2+$0x0], $0xffff  }
0xb4: {  	vm1 =	vmor vm1, vm7;
	vm13 =	vmor vm13, vm15;
	v50 =	vadd.f32 v17, v27;
	v27 =	vld.idx.msk [tilespmem:v59+s2+$0x0], $0xffff  }
0xb5: {  	v31 =	vadd.f32 v22, v15;
	vm12 =	vmor vm13, vm12;
	vm9 =	veq.s32 v34, v3;
	v20 =	vld.idx.msk [tilespmem:v62+s2+$0x0], $0xffff  }
0xb6: {  	v36 =	vor.u32 $0x1040, v11;
	vm13 =	vmor vm12, vm9;
	vm10 =	veq.s32 v40, v3;
	v17 =	vld.idx.msk [tilespmem:v16+s7+$0x0], $0xffff  }
0xb7: {  	vm15 =	vmor vm5, vm6;
	v40 =	vor.u32 s29, v36;
	v63 =	vld.idx.msk [tilespmem:v1+s2+$0x0], $0xffff;
	vm4 =	vmor vm13, vm10  }
0xb8: {  	vm2 =	vmor vm15, vm2;
	vm1 =	vmor vm1, vm3;
	v58 =	vnsel vm4, $0x0, v18;
	v18 =	vld.idx.msk [tilespmem:v39+s2+$0x0], $0xffff  }
0xb9: {  	vm1 =	vmor vm1, vm8;
	v33 =	vor.u32 $0x2040, v11;
	vm14 =	veq.s32 v49, v3;
	v39 =	vld [tilespmem:$0x1FD80]  }
0xba: {  	v36 =	vld [tilespmem:$0x1FD70];
	vm7 =	vmor vm1, vm14;
	v3 =	vadd.f32 v58, v50;
	v50 =	vor.u32 $0x140, v11  }
0xbb: {  	vm0 =	vmor vm2, vm0;
	v16 =	vor.u32 s29, v33;
	v33 =	vnsel vm7, $0x0, v22;
	v22 =	vld [tilespmem:$0x1FDF0]  }
0xbc: {  	v49 =	vnsel vm0, $0x0, v23;
	v34 =	vld.idx.msk [tilespmem:v40+s2+$0x0], $0xffff  }
0xbd: {  	v3 =	vadd.f32 v49, v3;
	v49 =	vld [tilespmem:$0x1FD90];
	v59 =	vadd.s32 $0x2000, v63  }
0xbe: {  	v35 =	vadd.s32 $0x3000, v63;
	vm6 =	veq.s32 v39, v4;
	v39 =	vld [tilespmem:$0x1FDC0]  }
0xbf: {  	v15 =	vld.idx.msk [tilespmem:v50+s7+$0x0], $0xffff  }
0xc0: {  	v50 =	vld [tilespmem:$0x1FDA0]  }
0xc1: {  	v55 =	vadd.s32 $0x1000, v63;
	v40 =	vadd.s32 $0x4000, v63;
	v63 =	vld.idx.msk [tilespmem:v63+s2+$0x0], $0xffff  }
0xc2: {  	v58 =	vld.idx.msk [tilespmem:v59+s2+$0x0], $0xffff  }
0xc3: {  	v59 =	vld.idx.msk [tilespmem:v35+s2+$0x0], $0xffff  }
0xc4: {  	v35 =	vld [tilespmem:$0x1FD60]  }
0xc5: {  	vm7 =	veq.s32 v49, v4;
	v49 =	vld [tilespmem:$0x1FDD0]  }
0xc6: {  	v55 =	vld.idx.msk [tilespmem:v55+s2+$0x0], $0xffff  }
0xc7: {  	v26 =	vadd.s32 $0x1000, v34;
	v62 =	vld.idx.msk [tilespmem:v40+s2+$0x0], $0xffff  }
0xc8: {  	v23 =	vadd.f32 v33, v3;
	v3 =	vadd.s32 $0x2000, v34;
	v33 =	vld.idx.msk [tilespmem:v34+s2+$0x0], $0xffff  }
0xc9: {  	v32 =	vadd.s32 $0x4000, v34;
	vm9 =	veq.s32 v35, v4;
	v35 =	vld.idx.msk [tilespmem:v16+s2+$0x0], $0xffff  }
0xca: {  	v16 =	vadd.s32 $0x3000, v34;
	v34 =	vld [tilespmem:$0x1FDB0]  }
0xcb: {  	v40 =	vor.u32 $0x3040, v11;
	vm3 =	veq.s32 v50, v4;
	v50 =	vld [tilespmem:$0x1FDE0]  }
0xcc: {  	vm12 =	veq.s32 v36, v4;
	v36 =	vor.u32 s29, v40;
	v40 =	vld.idx.msk [tilespmem:v26+s2+$0x0], $0xffff;
	v26 =	vor.u32 $0x240, v11  }
0xcd: {  	v3 =	vld.idx.msk [tilespmem:v3+s2+$0x0], $0xffff  }
0xce: {  	v19 =	vor.u32 $0x340, v11;
	vm10 =	veq.s32 v22, v4;
	v22 =	vld.idx.msk [tilespmem:v32+s2+$0x0], $0xffff  }
0xcf: {  	vm13 =	veq.s32 v34, v4;
	v34 =	vld [tilespmem:$0x1FE10]  }
0xd0: {  	vm15 =	veq.s32 v39, v4;
	vm11 =	veq.s32 v50, v4;
	v50 =	vor.u32 $0x4040, v11;
	v39 =	vld.idx.msk [tilespmem:v16+s2+$0x0], $0xffff  }
0xd1: {  	v16 =	vld.idx.msk [tilespmem:v26+s7+$0x0], $0xffff;
	v26 =	vor.u32 s29, v50  }
0xd2: {  	vm2 =	veq.s32 v42, v4;
	v42 =	vor.u32 $0x50, v11;
	vm12 =	vmor vm9, vm12;
	[tilespmem:$0x1FED0] =	vst v33;
	v33 =	vld [tilespmem:$0x1FE00]  }
0xd3: {  	vm12 =	vmor vm12, vm6;
	vm6 =	veq.s32 v8, v4;
	v8 =	vld.idx.msk [tilespmem:v19+s7+$0x0], $0xffff;
	[tilespmem:$0x1FEF0] =	vst v3;
	v3 =	vadd.s32 $0x1000, v35  }
0xd4: {  	vm0 =	veq.s32 v60, v4;
	vm14 =	veq.s32 v49, v4;
	[tilespmem:$0x1FEE0] =	vst v40;
	v40 =	vld [tilespmem:$0x1FE20];
	v49 =	vadd.s32 $0x2000, v35  }
0xd5: {  	vm9 =	veq.s32 v52, v4;
	v60 =	vadd.s32 $0x4000, v35;
	vm8 =	veq.s32 v34, v4;
	v34 =	vld.idx.msk [tilespmem:v36+s2+$0x0], $0xffff  }
0xd6: {  	v19 =	vor.u32 $0x440, v11;
	vm15 =	vmor vm13, vm15;
	vm13 =	veq.s32 v7, v4;
	v7 =	vld.idx.msk [tilespmem:v26+s2+$0x0], $0xffff  }
0xd7: {  	vm1 =	veq.s32 v44, v4;
	vm0 =	vmor vm0, vm9;
	[tilespmem:$0x1FF00] =	vst v39;
	v39 =	vadd.s32 $0x3000, v35;
	v35 =	vld.idx.msk [tilespmem:v35+s2+$0x0], $0xffff  }
0xd8: {  	vm12 =	vmor vm12, vm7;
	vm7 =	veq.s32 v53, v4;
	vm0 =	vmor vm0, vm6;
	v36 =	vld.idx.msk [tilespmem:v3+s2+$0x0], $0xffff  }
0xd9: {  	vm12 =	vmor vm12, vm3;
	vm3 =	veq.s32 v57, v4;
	vm5 =	veq.s32 v40, v4;
	v40 =	vld.idx.msk [tilespmem:v49+s2+$0x0], $0xffff  }
0xda: {  	vm0 =	vmor vm0, vm7;
	v49 =	vadd.f32 v25, v31;
	v31 =	vld.idx.msk [tilespmem:v60+s2+$0x0], $0xffff;
	v50 =	vadd.s32 $0x1000, v34  }
0xdb: {  	vm0 =	vmor vm0, vm3;
	vm4 =	veq.s32 v33, v4;
	v26 =	vld.idx.msk [tilespmem:v19+s7+$0x0], $0xffff;
	v52 =	vadd.s32 $0x2000, v34  }
0xdc: {  	vm15 =	vmor vm15, vm14;
	vm14 =	veq.s32 v24, v4;
	v39 =	vld.idx.msk [tilespmem:v39+s2+$0x0], $0xffff;
	v53 =	vadd.s32 $0x3000, v34  }
0xdd: {  	vm15 =	vmor vm15, vm11;
	vm11 =	veq.s32 v6, v4;
	v24 =	vadd.s32 $0x4000, v34;
	v57 =	vld.idx.msk [tilespmem:v34+s2+$0x0], $0xffff  }
0xde: {  	vm15 =	vmor vm15, vm10;
	v3 =	vor.u32 s29, v42;
	vm4 =	vmor vm4, vm8;
	v32 =	vld.idx.msk [tilespmem:v7+s2+$0x0], $0xffff  }
0xdf: {  	vm10 =	veq.s32 v5, v4;
	v25 =	vnsel vm12, $0x0, v25;
	vm4 =	vmor vm4, vm5;
	v60 =	vld.idx.msk [tilespmem:v50+s2+$0x0], $0xffff  }
0xe0: {  	vm12 =	veq.s32 v21, v4;
	vm1 =	vmor vm4, vm1;
	v34 =	vadd.f32 v28, v49;
	v49 =	vld.idx.msk [tilespmem:v52+s2+$0x0], $0xffff  }
0xe1: {  	v33 =	vadd.f32 v25, v23;
	vm8 =	vmor vm12, vm13;
	vm1 =	vmor vm1, vm2;
	v52 =	vld.idx.msk [tilespmem:v53+s2+$0x0], $0xffff  }
0xe2: {  	v50 =	vnsel vm15, $0x0, v28;
	v53 =	vadd.s32 $0x1000, v7;
	v44 =	vld.idx.msk [tilespmem:v24+s2+$0x0], $0xffff;
	v23 =	vadd.f32 v30, v34  }
0xe3: {  	v24 =	vadd.s32 $0x2000, v7;
	v34 =	vld.idx.msk [tilespmem:v3+s2+$0x0], $0xffff;
	v30 =	vnsel vm1, $0x0, v30;
	vm1 =	vmor vm8, vm14  }
0xe4: {  	v21 =	vadd.f32 v50, v33;
	vm9 =	vmor vm1, vm11;
	v33 =	vadd.f32 v56, v23;
	v23 =	vld.idx.msk [tilespmem:v42+s7+$0x0], $0xffff  }
0xe5: {  	v50 =	vnsel vm0, $0x0, v56;
	vm0 =	vmor vm9, vm10;
	v42 =	vld [tilespmem:$0x1FE40]  }
0xe6: {  	vm9 =	veq.s32 v43, v2;
	v43 =	vld [tilespmem:$0x1FE90];
	[tilespmem:$0x1FF10] =	vst v57;
	v57 =	vadd.s32 $0x3000, v7;
	v30 =	vadd.f32 v30, v21  }
0xe7: {  	v19 =	vadd.s32 $0x4000, v7;
	v21 =	vadd.f32 v9, v33;
	v33 =	vld [tilespmem:$0x1FE30];
	[tilespmem:$0x1FF20] =	vst v60  }
0xe8: {  	v9 =	vnsel vm0, $0x0, v9;
	[tilespmem:$0x1FF40] =	vst v52;
	v60 =	vor.u32 $0x1050, v11;
	v52 =	vld.idx.msk [tilespmem:v53+s2+$0x0], $0xffff;
	v7 =	vadd.f32 v50, v30  }
0xe9: {  	v53 =	vld.idx.msk [tilespmem:v24+s2+$0x0], $0xffff;
	v25 =	vadd.s32 $0x1000, v34;
	v5 =	vor.u32 s29, v60;
	v60 =	vor.u32 $0x2050, v11  }
0xea: {  	v7 =	vadd.f32 v9, v7;
	v9 =	vor.u32 s29, v60;
	v60 =	vld [tilespmem:$0x1FE70]  }
0xeb: {  	[tilespmem:$0x1FF30] =	vst v49;
	v49 =	vadd.s32 $0x3000, v34;
	v56 =	vld.idx.msk [tilespmem:v57+s2+$0x0], $0xffff  }
0xec: {  	v57 =	vld.idx.msk [tilespmem:v19+s2+$0x0], $0xffff  }
0xed: {  	vm0 =	veq.s32 v33, v2;
	v33 =	vld.idx.msk [tilespmem:v34+s2+$0x0], $0xffff  }
0xee: {  	vm11 =	veq.s32 v42, v2;
	v42 =	vld.idx.msk [tilespmem:v25+s2+$0x0], $0xffff  }
0xef: {  	v19 =	vadd.s32 $0x4000, v34;
	v30 =	vld.idx.msk [tilespmem:v5+s2+$0x0], $0xffff  }
0xf0: {  	vm10 =	veq.s32 v48, v2;
	v25 =	vor.u32 $0x150, v11;
	v48 =	vld.idx.msk [tilespmem:v49+s2+$0x0], $0xffff  }
0xf1: {  	v28 =	vadd.s32 $0x2000, v34;
	[tilespmem:$0x1FF50] =	vst v56;
	v56 =	vld [tilespmem:$0x1FE50]  }
0xf2: {  	v49 =	vld.idx.msk [tilespmem:v9+s2+$0x0], $0xffff  }
0xf3: {  	[tilespmem:$0x1FF60] =	vst v57;
	v57 =	vld [tilespmem:$0x1FE60]  }
0xf4: {  	vm14 =	veq.s32 v60, v2;
	v60 =	vld.idx.msk [tilespmem:v19+s2+$0x0], $0xffff;
	v6 =	vadd.s32 $0x1000, v30  }
0xf5: {  	v9 =	vld.idx.msk [tilespmem:v25+s7+$0x0], $0xffff;
	v19 =	vadd.s32 $0x3000, v30  }
0xf6: {  	v50 =	vadd.s32 $0x4000, v30;
	vm12 =	veq.s32 v56, v2;
	v56 =	vld.idx.msk [tilespmem:v28+s2+$0x0], $0xffff  }
0xf7: {  	vm15 =	veq.s32 v41, v2;
	vm0 =	vmor vm0, vm11;
	v28 =	vld [tilespmem:$0x1FE80]  }
0xf8: {  	v41 =	vor.u32 $0x3050, v11;
	vm0 =	vmor vm0, vm12;
	vm12 =	veq.s32 v47, v2;
	v47 =	vld.idx.msk [tilespmem:v30+s2+$0x0], $0xffff  }
0xf9: {  	v25 =	vor.u32 s29, v41;
	v34 =	vadd.s32 $0x2000, v30;
	vm13 =	veq.s32 v57, v2;
	v41 =	vld.idx.msk [tilespmem:v6+s2+$0x0], $0xffff  }
0xfa: {  	vm11 =	veq.s32 v46, v2;
	vm0 =	vmor vm0, vm13;
	vm13 =	vmor vm15, vm9;
	v19 =	vld.idx.msk [tilespmem:v19+s2+$0x0], $0xffff  }
0xfb: {  	v57 =	vor.u32 $0x250, v11;
	vm0 =	vmor vm0, vm14;
	vm3 =	vmor vm13, vm10;
	v24 =	vld.idx.msk [tilespmem:v50+s2+$0x0], $0xffff  }
0xfc: {  	v50 =	vld [tilespmem:$0x1FEA0];
	vm1 =	vmor vm3, vm11;
	v46 =	vnsel vm0, $0x0, v0  }
0xfd: {  	v0 =	vadd.f32 v0, v21;
	vm14 =	vmor vm1, vm12;
	vm1 =	veq.s32 v43, v2;
	v43 =	vld [tilespmem:$0x1FEC0]  }
0xfe: {  	v7 =	vadd.f32 v46, v7;
	v46 =	vld.idx.msk [tilespmem:v34+s2+$0x0], $0xffff;
	v34 =	vadd.s32 $0x1000, v49;
	vm0 =	veq.s32 v28, v2  }
0xff: {  	v28 =	vld.idx.msk [tilespmem:v25+s2+$0x0], $0xffff;
	v21 =	vnsel vm14, $0x0, v13;
	v0 =	vadd.f32 v13, v0;
	v13 =	vadd.s32 $0x2000, v49  }
0x100: {  	v25 =	vadd.s32 $0x3000, v49;
	[tilespmem:$0x1FF70] =	vst v19;
	v19 =	vld.idx.msk [tilespmem:v57+s7+$0x0], $0xffff  }
0x101: {  	vm4 =	veq.s32 v29, v2;
	v4 =	vadd.f32 v21, v7;
	v21 =	vadd.s32 $0x4000, v49;
	[tilespmem:$0x1FF80] =	vst v24;
	v24 =	vld [tilespmem:$0x1FEB0]  }
0x102: {  	vm2 =	veq.s32 v45, v2;
	v57 =	vor.u32 $0x4050, v11;
	vm7 =	veq.s32 v43, v2;
	v43 =	vld.idx.msk [tilespmem:v49+s2+$0x0], $0xffff  }
0x103: {  	vm2 =	vmor vm2, vm4;
	vm8 =	veq.s32 v37, v2;
	v30 =	vor.u32 s29, v57;
	v37 =	vld.idx.msk [tilespmem:v34+s2+$0x0], $0xffff  }
0x104: {  	vm9 =	veq.s32 v38, v2;
	vm15 =	veq.s32 v27, v2;
	v49 =	vor.u32 $0x350, v11;
	v38 =	vld.idx.msk [tilespmem:v13+s2+$0x0], $0xffff  }
0x105: {  	vm10 =	veq.s32 v51, v2;
	vm9 =	vmor vm8, vm9;
	v29 =	vadd.s32 $0x1000, v28;
	v13 =	vld.idx.msk [tilespmem:v25+s2+$0x0], $0xffff  }
0x106: {  	vm13 =	vmor vm0, vm1;
	v7 =	vor.u32 $0x1060, v11;
	v45 =	vadd.s32 $0x4000, v28;
	v51 =	vld.idx.msk [tilespmem:v21+s2+$0x0], $0xffff  }
0x107: {  	vm1 =	veq.s32 v20, v2;
	vm5 =	veq.s32 v50, v2;
	v20 =	vor.u32 s29, v7;
	v50 =	vld.idx.msk [tilespmem:v28+s2+$0x0], $0xffff  }
0x108: {  	vm2 =	vmor vm2, vm15;
	vm15 =	veq.s32 v59, v1;
	vm11 =	veq.s32 v54, v2;
	v30 =	vld.idx.msk [tilespmem:v30+s2+$0x0], $0xffff  }
0x109: {  	vm12 =	veq.s32 v61, v2;
	v61 =	vor.u32 $0x60, v11;
	v54 =	vadd.s32 $0x2000, v28;
	v21 =	vld.idx.msk [tilespmem:v49+s7+$0x0], $0xffff  }
0x10a: {  	vm0 =	veq.s32 v18, v2;
	vm14 =	veq.s32 v58, v1;
	v57 =	vadd.s32 $0x3000, v28;
	v25 =	vld.idx.msk [tilespmem:v29+s2+$0x0], $0xffff  }
0x10b: {  	vm1 =	vmor vm2, vm1;
	vm6 =	veq.s32 v24, v2;
	v2 =	vor.u32 s29, v61;
	v28 =	vld.idx.msk [tilespmem:v45+s2+$0x0], $0xffff  }
0x10c: {  	v0 =	vadd.f32 v10, v0;
	vm5 =	vmor vm13, vm5;
	v24 =	vor.u32 $0x450, v11;
	v29 =	vld.idx.msk [tilespmem:v20+s2+$0x0], $0xffff  }
0x10d: {  	vm13 =	veq.s32 v55, v1;
	vm5 =	vmor vm5, vm6;
	vm6 =	vmor vm9, vm10;
	v20 =	vld [tilespmem:$0x1FED0]  }
0x10e: {  	v34 =	vadd.f32 v12, v0;
	vm5 =	vmor vm5, vm7;
	vm11 =	vmor vm6, vm11;
	[tilespmem:$0x1FF90] =	vst v51;
	v51 =	vld.idx.msk [tilespmem:v54+s2+$0x0], $0xffff  }
0x10f: {  	v0 =	vor.u32 $0x2060, v11;
	v10 =	vnsel vm5, $0x0, v10;
	vm5 =	vmor vm11, vm12;
	v54 =	vld.idx.msk [tilespmem:v57+s2+$0x0], $0xffff  }
0x110: {  	vm12 =	veq.s32 v63, v1;
	v4 =	vadd.f32 v10, v4;
	v10 =	vor.u32 s29, v0;
	v63 =	vld.idx.msk [tilespmem:v2+s2+$0x0], $0xffff  }
0x111: {  	vm0 =	vmor vm1, vm0;
	v27 =	vnsel vm5, $0x0, v12;
	vm8 =	vmor vm12, vm13;
	v24 =	vld.idx.msk [tilespmem:v24+s7+$0x0], $0xffff  }
0x112: {  	vm1 =	vmor vm8, vm14;
	v57 =	vadd.s32 $0x1000, v30;
	v4 =	vadd.f32 v27, v4;
	v27 =	vld [tilespmem:$0x1FEE0]  }
0x113: {  	v45 =	vadd.s32 $0x2000, v30;
	vm9 =	vmor vm1, vm15;
	vm15 =	veq.s32 v36, v1;
	v36 =	vld [tilespmem:$0x1FF10]  }
0x114: {  	vm7 =	veq.s32 v62, v1;
	v62 =	vnsel vm0, $0x0, v14;
	v6 =	vadd.s32 $0x3000, v30;
	v55 =	vld.idx.msk [tilespmem:v30+s2+$0x0], $0xffff  }
0x115: {  	v18 =	vadd.s32 $0x4000, v30;
	vm0 =	vmor vm9, vm7;
	vm9 =	veq.s32 v40, v1;
	v40 =	vld.idx.msk [tilespmem:v10+s2+$0x0], $0xffff  }
0x116: {  	v4 =	vadd.f32 v62, v4;
	v62 =	vld.idx.msk [tilespmem:v29+s2+$0x0], $0xffff  }
0x117: {  	v57 =	vld.idx.msk [tilespmem:v57+s2+$0x0], $0xffff  }
0x118: {  	[tilespmem:$0x1FFC0] =	vst v28;
	v28 =	vld.idx.msk [tilespmem:v45+s2+$0x0], $0xffff  }
0x119: {  	[tilespmem:$0x1FFA0] =	vst v51;
	v51 =	vadd.f32 v14, v34;
	v30 =	vor.u32 $0x160, v11;
	v34 =	vld.idx.msk [tilespmem:v6+s2+$0x0], $0xffff  }
0x11a: {  	[tilespmem:$0x1FFB0] =	vst v54;
	v45 =	vadd.s32 $0x1000, v63;
	v54 =	vld.idx.msk [tilespmem:v18+s2+$0x0], $0xffff  }
0x11b: {  	v18 =	vld.idx.msk [tilespmem:v61+s7+$0x0], $0xffff  }
0x11c: {  	v12 =	vnsel vm0, $0x0, v17;
	v10 =	vor.u32 $0x260, v11;
	v17 =	vadd.f32 v17, v51;
	v51 =	vld [tilespmem:$0x1FF00]  }
0x11d: {  	v14 =	vadd.s32 $0x2000, v63;
	v49 =	vld.idx.msk [tilespmem:v63+s2+$0x0], $0xffff  }
0x11e: {  	vm0 =	veq.s32 v20, v1;
	v20 =	vld.idx.msk [tilespmem:v30+s7+$0x0], $0xffff;
	[tilespmem:$0x1FFD0] =	vst v34;
	v34 =	vadd.s32 $0x3000, v63  }
0x11f: {  	v61 =	vadd.s32 $0x4000, v63;
	vm10 =	veq.s32 v27, v1;
	v27 =	vadd.s32 $0x3000, v29;
	v58 =	vld.idx.msk [tilespmem:v45+s2+$0x0], $0xffff  }
0x120: {  	vm0 =	vmor vm0, vm10;
	vm10 =	veq.s32 v39, v1;
	v39 =	vor.u32 $0x4060, v11;
	v45 =	vld [tilespmem:$0x1FEF0]  }
0x121: {  	v10 =	vld.idx.msk [tilespmem:v10+s7+$0x0], $0xffff;
	[tilespmem:$0x1FFE0] =	vst v62;
	v62 =	vor.u32 s29, v39  }
0x122: {  	v63 =	vld.idx.msk [tilespmem:v14+s2+$0x0], $0xffff  }
0x123: {  	vm12 =	veq.s32 v51, v1;
	v14 =	vadd.s32 $0x1000, v29;
	v51 =	vld.idx.msk [tilespmem:v34+s2+$0x0], $0xffff  }
0x124: {  	v34 =	vld.idx.msk [tilespmem:v61+s2+$0x0], $0xffff;
	v61 =	vadd.s32 $0x2000, v29  }
0x125: {  	v27 =	vld.idx.msk [tilespmem:v27+s2+$0x0], $0xffff;
	vm11 =	veq.s32 v45, v1;
	v45 =	vadd.s32 $0x4000, v29  }
0x126: {  	v5 =	vld.idx.msk [tilespmem:v62+s2+$0x0], $0xffff  }
0x127: {  	v59 =	vor.u32 $0x3060, v11;
	vm14 =	veq.s32 v35, v1;
	v35 =	vadd.s32 $0x3000, v40;
	v62 =	vld [tilespmem:$0x1FF60]  }
0x128: {  	vm13 =	veq.s32 v22, v1;
	v0 =	vadd.s32 $0x4000, v40;
	v22 =	vld.idx.msk [tilespmem:v14+s2+$0x0], $0xffff;
	vm0 =	vmor vm0, vm11  }
0x129: {  	v59 =	vor.u32 s29, v59;
	vm0 =	vmor vm0, vm12;
	vm12 =	vmor vm14, vm15;
	v30 =	vld.idx.msk [tilespmem:v61+s2+$0x0], $0xffff  }
0x12a: {  	v4 =	vadd.f32 v12, v4;
	v17 =	vadd.f32 v15, v17;
	vm3 =	vmor vm12, vm9;
	v29 =	vld.idx.msk [tilespmem:v45+s2+$0x0], $0xffff  }
0x12b: {  	vm11 =	veq.s32 v31, v1;
	vm0 =	vmor vm0, vm13;
	vm13 =	vmor vm3, vm10;
	v45 =	vld [tilespmem:$0x1FF20]  }
0x12c: {  	v15 =	vnsel vm0, $0x0, v15;
	vm0 =	vmor vm13, vm11;
	vm11 =	veq.s32 v32, v1;
	v32 =	vld.idx.msk [tilespmem:v35+s2+$0x0], $0xffff  }
0x12d: {  	v4 =	vadd.f32 v15, v4;
	v35 =	vld.idx.msk [tilespmem:v0+s2+$0x0], $0xffff  }
0x12e: {  	v15 =	vadd.s32 $0x1000, v40;
	v12 =	vnsel vm0, $0x0, v16;
	v16 =	vadd.f32 v16, v17;
	v17 =	vld.idx.msk [tilespmem:v59+s2+$0x0], $0xffff  }
0x12f: {  	v61 =	vadd.s32 $0x2000, v40;
	v59 =	vld [tilespmem:$0x1FF30]  }
0x130: {  	v39 =	vld.idx.msk [tilespmem:v5+s2+$0x0], $0xffff  }
0x131: {  	v0 =	vadd.s32 $0x1000, v5;
	vm15 =	veq.s32 v45, v1;
	v45 =	vld.idx.msk [tilespmem:v40+s2+$0x0], $0xffff  }
0x132: {  	v40 =	vld [tilespmem:$0x1FF40]  }
0x133: {  	vm14 =	veq.s32 v36, v1;
	vm12 =	veq.s32 v52, v1;
	v31 =	vld.idx.msk [tilespmem:v15+s2+$0x0], $0xffff;
	v15 =	vor.u32 $0x360, v11  }
0x134: {  	vm10 =	veq.s32 v44, v1;
	vm13 =	veq.s32 v53, v1;
	v44 =	vld.idx.msk [tilespmem:v61+s2+$0x0], $0xffff;
	vm8 =	veq.s32 v59, v1  }
0x135: {  	vm0 =	vmor vm14, vm15;
	v52 =	vadd.s32 $0x1000, v17;
	v53 =	vadd.s32 $0x2000, v17;
	v59 =	vld [tilespmem:$0x1FF50]  }
0x136: {  	vm0 =	vmor vm0, vm8;
	vm8 =	vmor vm11, vm12;
	vm12 =	veq.s32 v48, v3;
	v48 =	vld.idx.msk [tilespmem:v0+s2+$0x0], $0xffff  }
0x137: {  	v61 =	vadd.s32 $0x3000, v17;
	vm11 =	veq.s32 v56, v3;
	v56 =	vld [tilespmem:$0x1FF80]  }
0x138: {  	v7 =	vor.u32 $0x70, v11;
	v6 =	vadd.f32 v12, v4;
	v12 =	vadd.s32 $0x4000, v17;
	v15 =	vld.idx.msk [tilespmem:v15+s7+$0x0], $0xffff  }
0x139: {  	v4 =	vor.u32 s29, v7;
	vm9 =	veq.s32 v40, v1;
	v40 =	vld.idx.msk [tilespmem:v17+s2+$0x0], $0xffff  }
0x13a: {  	v14 =	vor.u32 $0x460, v11;
	v0 =	vor.u32 $0x2070, v11;
	vm14 =	veq.s32 v59, v1;
	v59 =	vld.idx.msk [tilespmem:v52+s2+$0x0], $0xffff  }
0x13b: {  	v16 =	vadd.f32 v8, v16;
	v0 =	vor.u32 s29, v0;
	v36 =	vld.idx.msk [tilespmem:v53+s2+$0x0], $0xffff  }
0x13c: {  	vm4 =	veq.s32 v41, v3;
	vm5 =	veq.s32 v46, v3;
	v61 =	vld.idx.msk [tilespmem:v61+s2+$0x0], $0xffff  }
0x13d: {  	v16 =	vadd.f32 v26, v16;
	vm15 =	veq.s32 v62, v1;
	v17 =	vor.u32 $0x1070, v11;
	v62 =	vld.idx.msk [tilespmem:v12+s2+$0x0], $0xffff  }
0x13e: {  	vm0 =	vmor vm0, vm9;
	vm9 =	veq.s32 v33, v3;
	v1 =	vadd.s32 $0x2000, v5;
	v52 =	vld.idx.msk [tilespmem:v4+s2+$0x0], $0xffff  }
0x13f: {  	v12 =	vld.idx.msk [tilespmem:v14+s7+$0x0], $0xffff;
	v53 =	vadd.s32 $0x4000, v5;
	v17 =	vor.u32 s29, v17;
	vm0 =	vmor vm0, vm10  }
0x140: {  	vm10 =	veq.s32 v42, v3;
	v42 =	vadd.s32 $0x3000, v5;
	v8 =	vnsel vm0, $0x0, v8;
	v0 =	vld.idx.msk [tilespmem:v0+s2+$0x0], $0xffff  }
0x141: {  	vm0 =	vmor vm8, vm13;
	vm1 =	vmor vm9, vm10;
	vm10 =	veq.s32 v38, v3;
	v38 =	vld [tilespmem:$0x1FF90]  }
0x142: {  	vm7 =	veq.s32 v56, v3;
	v6 =	vadd.f32 v8, v6;
	vm0 =	vmor vm0, vm14;
	v8 =	vld [tilespmem:$0x1FFA0]  }
0x143: {  	vm13 =	veq.s32 v60, v3;
	vm0 =	vmor vm0, vm15;
	vm15 =	veq.s32 v47, v3;
	v47 =	vld.idx.msk [tilespmem:v1+s2+$0x0], $0xffff  }
0x144: {  	vm8 =	veq.s32 v43, v3;
	vm9 =	veq.s32 v37, v3;
	v43 =	vor.u32 $0x4070, v11;
	v46 =	vld.idx.msk [tilespmem:v53+s2+$0x0], $0xffff  }
0x145: {  	vm1 =	vmor vm1, vm11;
	vm11 =	veq.s32 v13, v3;
	v14 =	vadd.s32 $0x1000, v52;
	v53 =	vld [tilespmem:$0x1FF70]  }
0x146: {  	vm14 =	vmor vm1, vm12;
	v26 =	vnsel vm0, $0x0, v26;
	v33 =	vadd.s32 $0x3000, v52;
	v17 =	vld.idx.msk [tilespmem:v17+s2+$0x0], $0xffff  }
0x147: {  	vm0 =	vmor vm14, vm13;
	v5 =	vadd.f32 v26, v6;
	v41 =	vld.idx.msk [tilespmem:v42+s2+$0x0], $0xffff;
	v42 =	vadd.s32 $0x2000, v52  }
0x148: {  	v6 =	vadd.f32 v23, v16;
	v16 =	vld.idx.msk [tilespmem:v7+s7+$0x0], $0xffff;
	v7 =	vadd.s32 $0x4000, v52;
	v26 =	vor.u32 $0x3070, v11  }
0x149: {  	vm13 =	veq.s32 v50, v3;
	vm14 =	veq.s32 v25, v3;
	v26 =	vor.u32 s29, v26;
	v56 =	vld.idx.msk [tilespmem:v52+s2+$0x0], $0xffff  }
0x14a: {  	v60 =	vnsel vm0, $0x0, v23;
	vm0 =	vmor vm15, vm4;
	vm6 =	veq.s32 v53, v3;
	v53 =	vld.idx.msk [tilespmem:v14+s2+$0x0], $0xffff  }
0x14b: {  	vm15 =	vmor vm13, vm14;
	vm0 =	vmor vm0, vm5;
	v14 =	vor.u32 $0x170, v11;
	v33 =	vld.idx.msk [tilespmem:v33+s2+$0x0], $0xffff  }
0x14c: {  	vm13 =	veq.s32 v58, v2;
	v37 =	vadd.s32 $0x3000, v17;
	vm0 =	vmor vm0, vm6;
	v42 =	vld.idx.msk [tilespmem:v42+s2+$0x0], $0xffff  }
0x14d: {  	vm14 =	veq.s32 v63, v2;
	v1 =	vadd.f32 v60, v5;
	v52 =	vld.idx.msk [tilespmem:v7+s2+$0x0], $0xffff;
	vm0 =	vmor vm0, vm7  }
0x14e: {  	vm12 =	veq.s32 v38, v3;
	v23 =	vadd.s32 $0x4000, v17;
	v26 =	vld.idx.msk [tilespmem:v26+s2+$0x0], $0xffff;
	v60 =	vnsel vm0, $0x0, v9  }
0x14f: {  	v6 =	vadd.f32 v9, v6;
	vm4 =	veq.s32 v8, v3;
	v1 =	vadd.f32 v60, v1;
	v60 =	vld.idx.msk [tilespmem:v17+s2+$0x0], $0xffff  }
0x150: {  	v5 =	vadd.s32 $0x3000, v0;
	v8 =	vor.u32 $0x80, v11;
	v9 =	vadd.s32 $0x1000, v17;
	v13 =	vld.idx.msk [tilespmem:v14+s7+$0x0], $0xffff  }
0x151: {  	v50 =	vadd.f32 v19, v6;
	v7 =	vadd.s32 $0x2000, v17;
	vm0 =	vmor vm8, vm9;
	v38 =	vld.idx.msk [tilespmem:v37+s2+$0x0], $0xffff  }
0x152: {  	vm7 =	veq.s32 v55, v3;
	vm8 =	veq.s32 v57, v3;
	vm0 =	vmor vm0, vm10;
	v14 =	vld [tilespmem:$0x1FFB0]  }
0x153: {  	vm9 =	veq.s32 v28, v3;
	vm0 =	vmor vm0, vm11;
	v37 =	vld.idx.msk [tilespmem:v23+s2+$0x0], $0xffff;
	v23 =	vadd.s32 $0x2000, v0  }
0x154: {  	v17 =	vld [tilespmem:$0x1FFC0];
	vm11 =	veq.s32 v54, v3;
	v54 =	vor.u32 $0xFFFFFF80, v11;
	vm0 =	vmor vm0, vm12  }
0x155: {  	vm12 =	veq.s32 v49, v2;
	v6 =	vnsel vm0, $0x0, v19;
	v25 =	vld.idx.msk [tilespmem:v9+s2+$0x0], $0xffff;
	v9 =	vor.u32 $0x270, v11  }
0x156: {  	v19 =	vor.u32 s29, v43;
	v43 =	vld.idx.msk [tilespmem:v7+s2+$0x0], $0xffff;
	v7 =	vadd.s32 $0x1000, v0;
	vm0 =	vmor vm15, vm4  }
0x157: {  	v55 =	vld.idx.msk [tilespmem:v0+s2+$0x0], $0xffff;
	vm1 =	vmor vm12, vm13;
	vm4 =	veq.s32 v51, v2;
	vm12 =	veq.s32 v31, v2  }
0x158: {  	vm13 =	veq.s32 v44, v2;
	vm15 =	vmor vm1, vm14;
	vm5 =	veq.s32 v14, v3;
	v57 =	vld.idx.msk [tilespmem:v23+s2+$0x0], $0xffff  }
0x159: {  	vm6 =	veq.s32 v17, v3;
	v17 =	vadd.f32 v6, v1;
	v23 =	vld [tilespmem:$0x1FFD0];
	vm0 =	vmor vm0, vm5  }
0x15a: {  	v6 =	vadd.f32 v21, v50;
	vm0 =	vmor vm0, vm6;
	v14 =	vld.idx.msk [tilespmem:v9+s7+$0x0], $0xffff;
	v9 =	vadd.s32 $0x4000, v0  }
0x15b: {  	v1 =	vor.u32 s29, v8;
	v50 =	vld.idx.msk [tilespmem:v7+s2+$0x0], $0xffff;
	v7 =	vor.u32 $0x370, v11;
	v21 =	vnsel vm0, $0x0, v21  }
0x15c: {  	v28 =	vld.idx.msk [tilespmem:v5+s2+$0x0], $0xffff;
	v6 =	vadd.f32 v24, v6;
	v0 =	vadd.f32 v21, v17;
	v17 =	vadd.s32 $0x1000, v26  }
0x15d: {  	vm14 =	veq.s32 v32, v2;
	vm5 =	veq.s32 v34, v2;
	v19 =	vld.idx.msk [tilespmem:v19+s2+$0x0], $0xffff;
	v21 =	vand.u32 v54, v1  }
0x15e: {  	v6 =	vadd.f32 v18, v6;
	v54 =	vld.idx.msk [tilespmem:v26+s2+$0x0], $0xffff;
	vm10 =	veq.s32 v23, v3;
	v3 =	vadd.s32 $0x2000, v26  }
0x15f: {  	vm0 =	vmor vm7, vm8;
	vm7 =	veq.s32 v22, v2;
	v23 =	vadd.s32 $0x3000, v26;
	v5 =	vld.idx.msk [tilespmem:v9+s2+$0x0], $0xffff  }
0x160: {  	vm8 =	veq.s32 v30, v2;
	vm0 =	vmor vm0, vm9;
	v6 =	vadd.f32 v20, v6;
	v9 =	vld.idx.msk [tilespmem:v7+s7+$0x0], $0xffff  }
0x161: {  	vm9 =	veq.s32 v27, v2;
	vm0 =	vmor vm0, vm10;
	vm10 =	veq.s32 v29, v2;
	v58 =	vld.idx.msk [tilespmem:v17+s2+$0x0], $0xffff  }
0x162: {  	vm0 =	vmor vm0, vm11;
	v6 =	vadd.f32 v10, v6;
	v7 =	vadd.s32 $0x4000, v26;
	v21 =	vld.idx.msk [tilespmem:v21+s2+$0x0], $0xffff  }
0x163: {  	v24 =	vnsel vm0, $0x0, v24;
	vm0 =	vmor vm15, vm4;
	v17 =	vor.u32 $0x470, v11;
	v49 =	vld.idx.msk [tilespmem:v3+s2+$0x0], $0xffff  }
0x164: {  	v0 =	vadd.f32 v24, v0;
	vm0 =	vmor vm0, vm5;
	v51 =	vld.idx.msk [tilespmem:v23+s2+$0x0], $0xffff;
	v23 =	vadd.s32 $0x1000, v19  }
0x165: {  	v24 =	vor.u32 $0x1080, v11;
	v63 =	vnsel vm0, $0x0, v18;
	v18 =	vadd.s32 $0x3000, v19;
	v22 =	vld.idx.msk [tilespmem:v19+s2+$0x0], $0xffff  }
0x166: {  	vm11 =	veq.s32 v45, v2;
	v24 =	vor.u32 s29, v24;
	v26 =	vadd.f32 v63, v0;
	v63 =	vld [tilespmem:$0x1FFE0]  }
0x167: {  	v45 =	vor.u32 $0x180, v11;
	v6 =	vadd.f32 v15, v6;
	v0 =	vadd.s32 $0x4000, v19;
	v34 =	vld.idx.msk [tilespmem:v7+s2+$0x0], $0xffff  }
0x168: {  	vm1 =	vmor vm11, vm12;
	vm4 =	veq.s32 v35, v2;
	vm11 =	veq.s32 v48, v2;
	v3 =	vld.idx.msk [tilespmem:v17+s7+$0x0], $0xffff  }
0x169: {  	vm12 =	veq.s32 v47, v2;
	v48 =	vor.u32 $0x90, v11;
	v6 =	vadd.f32 v12, v6;
	v27 =	vld.idx.msk [tilespmem:v23+s2+$0x0], $0xffff  }
0x16a: {  	vm15 =	vmor vm1, vm13;
	v7 =	vadd.s32 $0x2000, v19;
	v19 =	vor.u32 $0x2080, v11;
	v30 =	vld.idx.msk [tilespmem:v18+s2+$0x0], $0xffff  }
0x16b: {  	vm5 =	veq.s32 v40, v2;
	v6 =	vadd.f32 v16, v6;
	v19 =	vor.u32 s29, v19;
	v44 =	vld.idx.msk [tilespmem:v24+s2+$0x0], $0xffff  }
0x16c: {  	vm13 =	veq.s32 v41, v2;
	v18 =	vadd.s32 $0x2000, v21;
	v23 =	vadd.s32 $0x3000, v21;
	v17 =	vld.idx.msk [tilespmem:v0+s2+$0x0], $0xffff  }
0x16d: {  	v6 =	vadd.f32 v13, v6;
	vm6 =	veq.s32 v63, v2;
	v0 =	vld.idx.msk [tilespmem:v8+s7+$0x0], $0xffff;
	v63 =	vadd.s32 $0x4000, v21  }
0x16e: {  	vm0 =	vmor vm6, vm7;
	v31 =	vld.idx.msk [tilespmem:v21+s2+$0x0], $0xffff;
	vm6 =	veq.s32 v59, v2;
	vm7 =	veq.s32 v36, v2  }
0x16f: {  	v6 =	vadd.f32 v14, v6;
	vm0 =	vmor vm0, vm8;
	v29 =	vld.idx.msk [tilespmem:v7+s2+$0x0], $0xffff;
	v7 =	vadd.s32 $0x1000, v21  }
0x170: {  	v21 =	vor.u32 $0x3080, v11;
	vm8 =	veq.s32 v61, v2;
	vm0 =	vmor vm0, vm9;
	v19 =	vld.idx.msk [tilespmem:v19+s2+$0x0], $0xffff  }
0x171: {  	v21 =	vor.u32 s29, v21;
	vm9 =	veq.s32 v62, v2;
	vm0 =	vmor vm0, vm10;
	v35 =	vld.idx.msk [tilespmem:v18+s2+$0x0], $0xffff  }
0x172: {  	v62 =	vor.u32 $0x280, v11;
	v18 =	vadd.s32 $0x1000, v44;
	v20 =	vnsel vm0, $0x0, v20;
	v24 =	vld.idx.msk [tilespmem:v63+s2+$0x0], $0xffff  }
0x173: {  	v8 =	vadd.s32 $0x2000, v44;
	v61 =	vadd.s32 $0x4000, v44;
	v20 =	vadd.f32 v20, v26;
	v26 =	vld.idx.msk [tilespmem:v23+s2+$0x0], $0xffff  }
0x174: {  	vm10 =	veq.s32 v39, v2;
	vm0 =	vmor vm15, vm14;
	v63 =	vadd.s32 $0x3000, v44;
	v32 =	vld.idx.msk [tilespmem:v7+s2+$0x0], $0xffff  }
0x175: {  	vm14 =	veq.s32 v46, v2;
	v2 =	vor.u32 s29, v48;
	vm0 =	vmor vm0, vm4;
	v7 =	vld.idx.msk [tilespmem:v45+s7+$0x0], $0xffff  }
0x176: {  	vm15 =	veq.s32 v56, v4;
	vm4 =	veq.s32 v53, v4;
	v10 =	vnsel vm0, $0x0, v10;
	v59 =	vld.idx.msk [tilespmem:v44+s2+$0x0], $0xffff  }
0x177: {  	vm0 =	vmor vm5, vm6;
	vm5 =	veq.s32 v42, v4;
	vm6 =	veq.s32 v33, v4;
	v21 =	vld.idx.msk [tilespmem:v21+s2+$0x0], $0xffff  }
0x178: {  	vm0 =	vmor vm0, vm7;
	v20 =	vadd.f32 v10, v20;
	v47 =	vadd.s32 $0x2000, v19;
	v10 =	vld.idx.msk [tilespmem:v62+s7+$0x0], $0xffff  }
0x179: {  	v62 =	vadd.s32 $0x4000, v19;
	vm7 =	veq.s32 v52, v4;
	vm0 =	vmor vm0, vm8;
	v23 =	vld.idx.msk [tilespmem:v18+s2+$0x0], $0xffff  }
0x17a: {  	v18 =	vor.u32 $0x4080, v11;
	v36 =	vld.idx.msk [tilespmem:v8+s2+$0x0], $0xffff;
	vm8 =	veq.s32 v60, v4;
	vm0 =	vmor vm0, vm9  }
0x17b: {  	v39 =	vld.idx.msk [tilespmem:v63+s2+$0x0], $0xffff;
	v63 =	vadd.s32 $0x1000, v19;
	v18 =	vor.u32 s29, v18;
	vm9 =	veq.s32 v25, v4  }
0x17c: {  	v44 =	vnsel vm0, $0x0, v15;
	vm0 =	vmor vm10, vm11;
	v15 =	vld.idx.msk [tilespmem:v61+s2+$0x0], $0xffff;
	v61 =	vadd.s32 $0x3000, v19  }
0x17d: {  	v45 =	vld.idx.msk [tilespmem:v19+s2+$0x0], $0xffff;
	vm10 =	veq.s32 v43, v4;
	vm11 =	veq.s32 v38, v4;
	vm0 =	vmor vm0, vm12  }
0x17e: {  	v19 =	vadd.f32 v44, v20;
	v20 =	vor.u32 $0xFFFFFF90, v11;
	vm12 =	veq.s32 v37, v4;
	v44 =	vld.idx.msk [tilespmem:v47+s2+$0x0], $0xffff  }
0x17f: {  	vm0 =	vmor vm0, vm13;
	v56 =	vadd.s32 $0x1000, v21;
	v42 =	vld.idx.msk [tilespmem:v62+s2+$0x0], $0xffff;
	v62 =	vadd.s32 $0x3000, v21  }
0x180: {  	v20 =	vand.u32 v20, v2;
	v47 =	vor.u32 $0x480, v11;
	vm0 =	vmor vm0, vm14;
	v40 =	vld.idx.msk [tilespmem:v63+s2+$0x0], $0xffff  }
0x181: {  	v63 =	vor.u32 $0x380, v11;
	v12 =	vnsel vm0, $0x0, v12;
	vm0 =	vmor vm15, vm4;
	v18 =	vld.idx.msk [tilespmem:v18+s2+$0x0], $0xffff  }
0x182: {  	vm13 =	veq.s32 v55, v4;
	vm14 =	veq.s32 v50, v4;
	v41 =	vld.idx.msk [tilespmem:v61+s2+$0x0], $0xffff;
	vm0 =	vmor vm0, vm5  }
0x183: {  	vm15 =	veq.s32 v57, v4;
	vm0 =	vmor vm0, vm6;
	vm6 =	veq.s32 v5, v4;
	v5 =	vld.idx.msk [tilespmem:v48+s7+$0x0], $0xffff  }
0x184: {  	vm1 =	vmor vm13, vm14;
	vm13 =	veq.s32 v22, v4;
	vm14 =	veq.s32 v27, v4;
	v33 =	vld.idx.msk [tilespmem:v56+s2+$0x0], $0xffff  }
0x185: {  	v61 =	vadd.s32 $0x2000, v21;
	v12 =	vadd.f32 v12, v19;
	vm4 =	vmor vm1, vm15;
	v19 =	vld.idx.msk [tilespmem:v62+s2+$0x0], $0xffff  }
0x186: {  	vm5 =	veq.s32 v28, v4;
	vm0 =	vmor vm0, vm7;
	v8 =	vld.idx.msk [tilespmem:v63+s7+$0x0], $0xffff;
	v63 =	vadd.s32 $0x4000, v21  }
0x187: {  	vm15 =	veq.s32 v29, v4;
	v20 =	vld.idx.msk [tilespmem:v20+s2+$0x0], $0xffff;
	vm7 =	veq.s32 v54, v4;
	v16 =	vnsel vm0, $0x0, v16  }
0x188: {  	vm0 =	vmor vm8, vm9;
	vm8 =	veq.s32 v58, v4;
	v21 =	vld.idx.msk [tilespmem:v21+s2+$0x0], $0xffff;
	v38 =	vadd.s32 $0x1000, v18  }
0x189: {  	v58 =	vor.u32 $0x2090, v11;
	v56 =	vadd.f32 v16, v12;
	v62 =	vadd.s32 $0x2000, v18;
	v12 =	vld.idx.msk [tilespmem:v47+s7+$0x0], $0xffff  }
0x18a: {  	vm9 =	veq.s32 v49, v4;
	vm0 =	vmor vm0, vm10;
	v60 =	vadd.s32 $0x4000, v18;
	v25 =	vld.idx.msk [tilespmem:v61+s2+$0x0], $0xffff  }
0x18b: {  	vm1 =	vmor vm7, vm8;
	vm10 =	veq.s32 v51, v4;
	v61 =	vor.u32 $0x1090, v11;
	v16 =	vld.idx.msk [tilespmem:v63+s2+$0x0], $0xffff  }
0x18c: {  	vm7 =	veq.s32 v32, v1;
	v61 =	vor.u32 s29, v61;
	v63 =	vadd.s32 $0x3000, v18;
	v18 =	vld.idx.msk [tilespmem:v18+s2+$0x0], $0xffff  }
0x18d: {  	vm8 =	veq.s32 v35, v1;
	vm0 =	vmor vm0, vm11;
	vm1 =	vmor vm1, vm9;
	v43 =	vld.idx.msk [tilespmem:v38+s2+$0x0], $0xffff  }
0x18e: {  	vm0 =	vmor vm0, vm12;
	vm11 =	vmor vm1, vm10;
	v46 =	vld.idx.msk [tilespmem:v62+s2+$0x0], $0xffff;
	v62 =	vadd.s32 $0x1000, v20  }
0x18f: {  	vm12 =	veq.s32 v34, v4;
	v13 =	vnsel vm0, $0x0, v13;
	v37 =	vld.idx.msk [tilespmem:v60+s2+$0x0], $0xffff;
	v60 =	vadd.s32 $0x4000, v20  }
0x190: {  	vm10 =	veq.s32 v26, v1;
	v57 =	vadd.s32 $0x3000, v20;
	v52 =	vadd.f32 v13, v56;
	v13 =	vld.idx.msk [tilespmem:v20+s2+$0x0], $0xffff  }
0x191: {  	vm0 =	vmor vm4, vm5;
	vm4 =	veq.s32 v30, v4;
	v50 =	vld.idx.msk [tilespmem:v61+s2+$0x0], $0xffff;
	v61 =	vor.u32 s29, v58  }
0x192: {  	vm5 =	veq.s32 v17, v4;
	vm0 =	vmor vm0, vm6;
	v28 =	vld.idx.msk [tilespmem:v63+s2+$0x0], $0xffff;
	v63 =	vadd.s32 $0x2000, v20  }
0x193: {  	vm6 =	veq.s32 v31, v1;
	v14 =	vnsel vm0, $0x0, v14;
	v38 =	vld.idx.msk [tilespmem:v62+s2+$0x0], $0xffff;
	v62 =	vor.u32 $0x190, v11  }
0x194: {  	vm0 =	vmor vm11, vm12;
	vm1 =	vmor vm6, vm7;
	v20 =	vld.idx.msk [tilespmem:v60+s2+$0x0], $0xffff;
	v60 =	vor.u32 $0x3090, v11  }
0x195: {  	vm11 =	veq.s32 v24, v1;
	vm12 =	veq.s32 v59, v1;
	v34 =	vld.idx.msk [tilespmem:v57+s2+$0x0], $0xffff;
	v54 =	vor.u32 s29, v60  }
0x196: {  	v59 =	vor.u32 $0xFFFFFFA0, v11;
	vm6 =	veq.s32 v15, v1;
	v57 =	vadd.s32 $0x2000, v50;
	v53 =	vld.idx.msk [tilespmem:v61+s2+$0x0], $0xffff  }
0x197: {  	vm7 =	veq.s32 v45, v1;
	v14 =	vadd.f32 v14, v52;
	v58 =	vadd.s32 $0x3000, v50;
	v47 =	vld.idx.msk [tilespmem:v63+s2+$0x0], $0xffff  }
0x198: {  	v56 =	vnsel vm0, $0x0, v9;
	v9 =	vadd.f32 v9, v6;
	v61 =	vadd.s32 $0x4000, v50;
	v6 =	vld.idx.msk [tilespmem:v62+s7+$0x0], $0xffff  }
0x199: {  	vm0 =	vmor vm13, vm14;
	vm9 =	vmor vm1, vm8;
	v63 =	vadd.s32 $0x1000, v50;
	v22 =	vld.idx.msk [tilespmem:v50+s2+$0x0], $0xffff  }
0x19a: {  	v52 =	vor.u32 $0xA0, v11;
	vm13 =	veq.s32 v23, v1;
	v62 =	vor.u32 $0x4090, v11;
	v54 =	vld.idx.msk [tilespmem:v54+s2+$0x0], $0xffff  }
0x19b: {  	vm14 =	veq.s32 v36, v1;
	vm0 =	vmor vm0, vm15;
	v51 =	vor.u32 s29, v62;
	v29 =	vld.idx.msk [tilespmem:v57+s2+$0x0], $0xffff  }
0x19c: {  	v14 =	vadd.f32 v56, v14;
	vm0 =	vmor vm0, vm4;
	v62 =	vor.u32 $0x390, v11;
	v30 =	vld.idx.msk [tilespmem:v58+s2+$0x0], $0xffff  }
0x19d: {  	v9 =	vadd.f32 v3, v9;
	vm0 =	vmor vm0, vm5;
	v57 =	vadd.s32 $0x1000, v53;
	v48 =	vld.idx.msk [tilespmem:v61+s2+$0x0], $0xffff  }
0x19e: {  	v3 =	vnsel vm0, $0x0, v3;
	vm0 =	vmor vm9, vm10;
	v58 =	vadd.s32 $0x2000, v53;
	v27 =	vld.idx.msk [tilespmem:v63+s2+$0x0], $0xffff  }
0x19f: {  	v14 =	vadd.f32 v3, v14;
	vm0 =	vmor vm0, vm11;
	v60 =	vadd.s32 $0x3000, v53;
	v17 =	vld.idx.msk [tilespmem:v53+s2+$0x0], $0xffff  }
0x1a0: {  	v9 =	vadd.f32 v0, v9;
	v0 =	vnsel vm0, $0x0, v0;
	v61 =	vadd.s32 $0x4000, v53;
	v55 =	vld.idx.msk [tilespmem:v51+s2+$0x0], $0xffff  }
0x1a1: {  	vm8 =	veq.s32 v40, v1;
	vm15 =	veq.s32 v39, v1;
	v53 =	vadd.f32 v0, v14;
	v0 =	vld.idx.msk [tilespmem:v62+s7+$0x0], $0xffff  }
0x1a2: {  	vm1 =	vmor vm7, vm8;
	vm4 =	veq.s32 v19, v1;
	v63 =	vor.u32 $0x290, v11;
	v24 =	vld.idx.msk [tilespmem:v57+s2+$0x0], $0xffff  }
0x1a3: {  	vm9 =	veq.s32 v44, v1;
	vm10 =	veq.s32 v41, v1;
	v26 =	vld.idx.msk [tilespmem:v58+s2+$0x0], $0xffff;
	v57 =	vadd.s32 $0x2000, v54  }
0x1a4: {  	vm5 =	veq.s32 v16, v1;
	vm7 =	veq.s32 v43, v1;
	v31 =	vld.idx.msk [tilespmem:v60+s2+$0x0], $0xffff;
	v58 =	vadd.s32 $0x3000, v54  }
0x1a5: {  	vm8 =	veq.s32 v46, v1;
	v3 =	vor.u32 s29, v52;
	v32 =	vld.idx.msk [tilespmem:v61+s2+$0x0], $0xffff;
	v60 =	vadd.s32 $0x4000, v54  }
0x1a6: {  	vm1 =	vmor vm1, vm9;
	vm11 =	veq.s32 v42, v1;
	v61 =	vand.u32 v59, v3;
	v50 =	vld.idx.msk [tilespmem:v54+s2+$0x0], $0xffff  }
0x1a7: {  	vm0 =	vmor vm12, vm13;
	vm12 =	vmor vm1, vm10;
	v62 =	vor.u32 $0x490, v11;
	v4 =	vld.idx.msk [tilespmem:v63+s7+$0x0], $0xffff  }
0x1a8: {  	vm13 =	veq.s32 v21, v1;
	vm10 =	veq.s32 v37, v1;
	vm0 =	vmor vm0, vm14;
	v51 =	vld.idx.msk [tilespmem:v57+s2+$0x0], $0xffff  }
0x1a9: {  	vm14 =	veq.s32 v33, v1;
	vm0 =	vmor vm0, vm15;
	v63 =	vadd.s32 $0x1000, v54;
	v45 =	vld.idx.msk [tilespmem:v58+s2+$0x0], $0xffff  }
0x1aa: {  	vm15 =	veq.s32 v25, v1;
	vm0 =	vmor vm0, vm6;
	vm6 =	veq.s32 v18, v1;
	v14 =	vld.idx.msk [tilespmem:v60+s2+$0x0], $0xffff  }
0x1ab: {  	vm9 =	veq.s32 v28, v1;
	v59 =	vadd.s32 $0x2000, v55;
	v57 =	vadd.s32 $0x1000, v55;
	v61 =	vld.idx.msk [tilespmem:v61+s2+$0x0], $0xffff  }
0x1ac: {  	v58 =	vadd.f32 v7, v9;
	v60 =	vadd.s32 $0x3000, v55;
	v9 =	vld.idx.msk [tilespmem:v62+s7+$0x0], $0xffff;
	v7 =	vnsel vm0, $0x0, v7  }
0x1ad: {  	v62 =	vadd.s32 $0x4000, v55;
	vm0 =	vmor vm12, vm11;
	v7 =	vadd.f32 v7, v53;
	v36 =	vld.idx.msk [tilespmem:v55+s2+$0x0], $0xffff  }
0x1ae: {  	vm11 =	veq.s32 v13, v2;
	v40 =	vadd.f32 v10, v58;
	v10 =	vnsel vm0, $0x0, v10;
	v49 =	vld.idx.msk [tilespmem:v63+s2+$0x0], $0xffff  }
0x1af: {  	vm12 =	veq.s32 v38, v2;
	v63 =	vor.u32 $0x10A0, v11;
	v10 =	vadd.f32 v10, v7;
	v7 =	vld.idx.msk [tilespmem:v52+s7+$0x0], $0xffff  }
0x1b0: {  	vm0 =	vmor vm13, vm14;
	vm13 =	veq.s32 v47, v2;
	v39 =	vor.u32 s29, v63;
	v23 =	vld.idx.msk [tilespmem:v59+s2+$0x0], $0xffff  }
0x1b1: {  	vm14 =	veq.s32 v34, v2;
	vm0 =	vmor vm0, vm15;
	v35 =	vld.idx.msk [tilespmem:v57+s2+$0x0], $0xffff;
	v59 =	vadd.s32 $0x4000, v61  }
0x1b2: {  	v63 =	vor.u32 $0x20A0, v11;
	vm0 =	vmor vm0, vm4;
	v15 =	vld.idx.msk [tilespmem:v60+s2+$0x0], $0xffff;
	v56 =	vadd.s32 $0x1000, v61  }
0x1b3: {  	v40 =	vadd.f32 v8, v40;
	v21 =	vld.idx.msk [tilespmem:v62+s2+$0x0], $0xffff;
	v57 =	vadd.s32 $0x2000, v61;
	vm0 =	vmor vm0, vm5  }
0x1b4: {  	v58 =	vadd.s32 $0x3000, v61;
	v62 =	vnsel vm0, $0x0, v8;
	vm0 =	vmor vm6, vm7;
	v19 =	vld.idx.msk [tilespmem:v61+s2+$0x0], $0xffff  }
0x1b5: {  	v44 =	vor.u32 s29, v63;
	vm0 =	vmor vm0, vm8;
	v61 =	vor.u32 $0x1A0, v11;
	v53 =	vld.idx.msk [tilespmem:v39+s2+$0x0], $0xffff  }
0x1b6: {  	v60 =	vor.u32 $0x30A0, v11;
	vm0 =	vmor vm0, vm9;
	v18 =	vld.idx.msk [tilespmem:v59+s2+$0x0], $0xffff;
	v59 =	vor.u32 $0x40A0, v11  }
0x1b7: {  	v54 =	vor.u32 s29, v60;
	vm0 =	vmor vm0, vm10;
	v33 =	vld.idx.msk [tilespmem:v56+s2+$0x0], $0xffff;
	v41 =	vor.u32 s29, v59  }
0x1b8: {  	v39 =	vld.idx.msk [tilespmem:v57+s2+$0x0], $0xffff;
	v60 =	vnsel vm0, $0x0, v12;
	vm0 =	vmor vm11, vm12;
	v59 =	vor.u32 $0x3A0, v11  }
0x1b9: {  	vm15 =	veq.s32 v20, v2;
	v10 =	vadd.f32 v62, v10;
	v16 =	vld.idx.msk [tilespmem:v58+s2+$0x0], $0xffff;
	vm0 =	vmor vm0, vm13  }
0x1ba: {  	v12 =	vadd.f32 v12, v40;
	vm0 =	vmor vm0, vm14;
	v8 =	vld.idx.msk [tilespmem:v61+s7+$0x0], $0xffff;
	v61 =	vor.u32 $0x2A0, v11  }
0x1bb: {  	v44 =	vld.idx.msk [tilespmem:v44+s2+$0x0], $0xffff;
	v62 =	vadd.f32 v60, v10;
	vm0 =	vmor vm0, vm15;
	v63 =	vadd.s32 $0x1000, v53  }
0x1bc: {  	v12 =	vadd.f32 v5, v12;
	v56 =	vadd.s32 $0x2000, v53;
	v5 =	vnsel vm0, $0x0, v5;
	v41 =	vld.idx.msk [tilespmem:v41+s2+$0x0], $0xffff  }
0x1bd: {  	v57 =	vadd.s32 $0x3000, v53;
	v62 =	vadd.f32 v5, v62;
	v5 =	vld.idx.msk [tilespmem:v59+s7+$0x0], $0xffff  }
0x1be: {  	v58 =	vadd.s32 $0x4000, v53;
	v25 =	vld.idx.msk [tilespmem:v53+s2+$0x0], $0xffff  }
0x1bf: {  	v52 =	vor.u32 $0xB0, v11;
	vm4 =	veq.s32 v22, v2;
	vm5 =	veq.s32 v27, v2;
	v10 =	vld.idx.msk [tilespmem:v61+s7+$0x0], $0xffff  }
0x1c0: {  	vm6 =	vmor vm4, vm5;
	vm7 =	veq.s32 v29, v2;
	vm8 =	veq.s32 v30, v2;
	v28 =	vld.idx.msk [tilespmem:v63+s2+$0x0], $0xffff  }
0x1c1: {  	vm9 =	veq.s32 v48, v2;
	vm10 =	veq.s32 v17, v2;
	v55 =	vadd.s32 $0x2000, v44;
	v40 =	vld.idx.msk [tilespmem:v56+s2+$0x0], $0xffff  }
0x1c2: {  	vm11 =	veq.s32 v24, v2;
	vm0 =	vmor vm6, vm7;
	v37 =	vld.idx.msk [tilespmem:v57+s2+$0x0], $0xffff;
	v63 =	vadd.s32 $0x1000, v44  }
0x1c3: {  	vm12 =	veq.s32 v26, v2;
	vm0 =	vmor vm0, vm8;
	v13 =	vld.idx.msk [tilespmem:v58+s2+$0x0], $0xffff;
	v56 =	vadd.s32 $0x3000, v44  }
0x1c4: {  	vm13 =	veq.s32 v31, v2;
	vm0 =	vmor vm0, vm9;
	v57 =	vld.idx.msk [tilespmem:v54+s2+$0x0], $0xffff;
	v58 =	vadd.s32 $0x4000, v44  }
0x1c5: {  	vm14 =	veq.s32 v32, v2;
	v20 =	vld.idx.msk [tilespmem:v44+s2+$0x0], $0xffff;
	v54 =	vnsel vm0, $0x0, v6;
	vm0 =	vmor vm10, vm11  }
0x1c6: {  	v6 =	vadd.f32 v6, v12;
	v34 =	vld.idx.msk [tilespmem:v55+s2+$0x0], $0xffff;
	vm0 =	vmor vm0, vm12;
	v59 =	vadd.s32 $0x1000, v41  }
0x1c7: {  	v48 =	vadd.f32 v54, v62;
	vm0 =	vmor vm0, vm13;
	v62 =	vadd.s32 $0x4000, v41;
	v22 =	vld.idx.msk [tilespmem:v63+s2+$0x0], $0xffff  }
0x1c8: {  	vm0 =	vmor vm0, vm14;
	v27 =	vld.idx.msk [tilespmem:v56+s2+$0x0], $0xffff  }
0x1c9: {  	v6 =	vadd.f32 v4, v6;
	v4 =	vnsel vm0, $0x0, v4;
	v60 =	vadd.s32 $0x1000, v57;
	v29 =	vld.idx.msk [tilespmem:v58+s2+$0x0], $0xffff  }
0x1ca: {  	v1 =	vor.u32 s29, v52;
	v61 =	vadd.s32 $0x2000, v57;
	v48 =	vadd.f32 v4, v48;
	v4 =	vld.idx.msk [tilespmem:v52+s7+$0x0], $0xffff  }
0x1cb: {  	vm4 =	veq.s32 v15, v2;
	vm5 =	veq.s32 v21, v2;
	v63 =	vadd.s32 $0x3000, v57;
	v42 =	vld.idx.msk [tilespmem:v59+s2+$0x0], $0xffff  }
0x1cc: {  	vm15 =	veq.s32 v50, v2;
	v53 =	vor.u32 $0xFFFFFFB0, v11;
	v55 =	vadd.s32 $0x4000, v57;
	v32 =	vld.idx.msk [tilespmem:v62+s2+$0x0], $0xffff  }
0x1cd: {  	vm6 =	veq.s32 v19, v3;
	v56 =	vand.u32 v53, v1;
	v53 =	vor.u32 $0x20B0, v11;
	v30 =	vld.idx.msk [tilespmem:v57+s2+$0x0], $0xffff  }
0x1ce: {  	vm8 =	veq.s32 v49, v2;
	vm7 =	veq.s32 v33, v3;
	v47 =	vor.u32 s29, v53;
	v17 =	vld.idx.msk [tilespmem:v60+s2+$0x0], $0xffff  }
0x1cf: {  	vm9 =	veq.s32 v51, v2;
	vm1 =	vmor vm15, vm8;
	vm15 =	veq.s32 v23, v2;
	v31 =	vld.idx.msk [tilespmem:v61+s2+$0x0], $0xffff  }
0x1d0: {  	vm8 =	veq.s32 v39, v3;
	vm10 =	veq.s32 v45, v2;
	v57 =	vor.u32 $0x4A0, v11;
	v24 =	vld.idx.msk [tilespmem:v63+s2+$0x0], $0xffff  }
0x1d1: {  	vm11 =	vmor vm1, vm9;
	vm9 =	veq.s32 v16, v3;
	v26 =	vld.idx.msk [tilespmem:v55+s2+$0x0], $0xffff;
	v60 =	vadd.s32 $0x2000, v41  }
0x1d2: {  	vm12 =	veq.s32 v14, v2;
	v58 =	vor.u32 $0x10B0, v11;
	v61 =	vadd.s32 $0x3000, v41;
	v46 =	vld.idx.msk [tilespmem:v56+s2+$0x0], $0xffff  }
0x1d3: {  	vm13 =	veq.s32 v36, v2;
	vm14 =	veq.s32 v35, v2;
	v63 =	vor.u32 s29, v58;
	v47 =	vld.idx.msk [tilespmem:v47+s2+$0x0], $0xffff  }
0x1d4: {  	vm0 =	vmor vm11, vm10;
	v6 =	vadd.f32 v0, v6;
	v59 =	vor.u32 $0x1B0, v11;
	v41 =	vld.idx.msk [tilespmem:v41+s2+$0x0], $0xffff  }
0x1d5: {  	vm10 =	veq.s32 v18, v3;
	vm11 =	veq.s32 v25, v3;
	vm0 =	vmor vm0, vm12;
	v12 =	vld.idx.msk [tilespmem:v57+s7+$0x0], $0xffff  }
0x1d6: {  	vm12 =	veq.s32 v28, v3;
	v0 =	vnsel vm0, $0x0, v0;
	vm0 =	vmor vm13, vm14;
	v38 =	vld.idx.msk [tilespmem:v60+s2+$0x0], $0xffff  }
0x1d7: {  	v6 =	vadd.f32 v9, v6;
	vm13 =	veq.s32 v40, v3;
	v14 =	vld.idx.msk [tilespmem:v61+s2+$0x0], $0xffff;
	v54 =	vadd.s32 $0x1000, v46  }
0x1d8: {  	vm14 =	veq.s32 v37, v3;
	vm0 =	vmor vm0, vm15;
	v55 =	vadd.s32 $0x2000, v46;
	v57 =	vld.idx.msk [tilespmem:v63+s2+$0x0], $0xffff  }
0x1d9: {  	vm15 =	veq.s32 v13, v3;
	v56 =	vadd.s32 $0x3000, v46;
	v61 =	vadd.f32 v0, v48;
	v0 =	vld.idx.msk [tilespmem:v59+s7+$0x0], $0xffff  }
0x1da: {  	vm0 =	vmor vm0, vm4;
	v58 =	vadd.s32 $0x4000, v46;
	v60 =	vor.u32 $0x30B0, v11;
	v15 =	vld.idx.msk [tilespmem:v46+s2+$0x0], $0xffff  }
0x1db: {  	vm4 =	veq.s32 v20, v3;
	vm0 =	vmor vm0, vm5;
	v44 =	vor.u32 s29, v60;
	v25 =	vld.idx.msk [tilespmem:v47+s2+$0x0], $0xffff  }
0x1dc: {  	v62 =	vnsel vm0, $0x0, v9;
	vm0 =	vmor vm6, vm7;
	v59 =	vadd.s32 $0x1000, v47;
	v21 =	vld.idx.msk [tilespmem:v54+s2+$0x0], $0xffff  }
0x1dd: {  	vm5 =	veq.s32 v22, v3;
	vm6 =	veq.s32 v34, v3;
	v60 =	vadd.s32 $0x2000, v47;
	v23 =	vld.idx.msk [tilespmem:v55+s2+$0x0], $0xffff  }
0x1de: {  	vm0 =	vmor vm0, vm8;
	v36 =	vadd.f32 v62, v61;
	v61 =	vadd.s32 $0x3000, v47;
	v9 =	vld.idx.msk [tilespmem:v56+s2+$0x0], $0xffff  }
0x1df: {  	vm7 =	veq.s32 v27, v3;
	vm0 =	vmor vm0, vm9;
	v62 =	vadd.s32 $0x4000, v47;
	v19 =	vld.idx.msk [tilespmem:v58+s2+$0x0], $0xffff  }
0x1e0: {  	vm8 =	veq.s32 v29, v3;
	vm0 =	vmor vm0, vm10;
	vm9 =	veq.s32 v30, v3;
	v44 =	vld.idx.msk [tilespmem:v44+s2+$0x0], $0xffff  }
0x1e1: {  	vm10 =	veq.s32 v17, v3;
	v46 =	vor.u32 $0xC0, v11;
	v63 =	vadd.s32 $0x1000, v57;
	v13 =	vld.idx.msk [tilespmem:v59+s2+$0x0], $0xffff  }
0x1e2: {  	v2 =	vor.u32 s29, v46;
	v47 =	vor.u32 $0xFFFFFFC0, v11;
	v52 =	vadd.s32 $0x2000, v57;
	v28 =	vld.idx.msk [tilespmem:v60+s2+$0x0], $0xffff  }
0x1e3: {  	v53 =	vadd.s32 $0x3000, v57;
	v54 =	vor.u32 $0x40B0, v11;
	v55 =	vadd.s32 $0x4000, v57;
	v20 =	vld.idx.msk [tilespmem:v61+s2+$0x0], $0xffff  }
0x1e4: {  	v58 =	vadd.f32 v7, v6;
	v7 =	vnsel vm0, $0x0, v7;
	vm0 =	vmor vm11, vm12;
	v22 =	vld.idx.msk [tilespmem:v62+s2+$0x0], $0xffff  }
0x1e5: {  	vm11 =	veq.s32 v31, v3;
	v56 =	vor.u32 s29, v54;
	v60 =	vor.u32 $0x10C0, v11;
	v33 =	vld.idx.msk [tilespmem:v57+s2+$0x0], $0xffff  }
0x1e6: {  	vm12 =	veq.s32 v24, v3;
	vm0 =	vmor vm0, vm13;
	v34 =	vor.u32 s29, v60;
	v35 =	vld.idx.msk [tilespmem:v63+s2+$0x0], $0xffff  }
0x1e7: {  	v36 =	vadd.f32 v7, v36;
	vm0 =	vmor vm0, vm14;
	v57 =	vor.u32 $0x2B0, v11;
	v45 =	vld.idx.msk [tilespmem:v52+s2+$0x0], $0xffff  }
0x1e8: {  	vm13 =	veq.s32 v26, v3;
	v50 =	vadd.f32 v8, v58;
	vm0 =	vmor vm0, vm15;
	v18 =	vld.idx.msk [tilespmem:v53+s2+$0x0], $0xffff  }
0x1e9: {  	v58 =	vor.u32 $0x4B0, v11;
	v8 =	vnsel vm0, $0x0, v8;
	vm0 =	vmor vm4, vm5;
	v16 =	vld.idx.msk [tilespmem:v55+s2+$0x0], $0xffff  }
0x1ea: {  	vm14 =	veq.s32 v41, v3;
	v63 =	vor.u32 $0x3B0, v11;
	vm0 =	vmor vm0, vm6;
	v54 =	vld.idx.msk [tilespmem:v56+s2+$0x0], $0xffff  }
0x1eb: {  	vm15 =	veq.s32 v42, v3;
	v51 =	vadd.s32 $0x1000, v44;
	vm0 =	vmor vm0, vm7;
	v34 =	vld.idx.msk [tilespmem:v34+s2+$0x0], $0xffff  }
0x1ec: {  	v8 =	vadd.f32 v8, v36;
	v52 =	vadd.s32 $0x2000, v44;
	vm0 =	vmor vm0, vm8;
	v6 =	vld.idx.msk [tilespmem:v57+s7+$0x0], $0xffff  }
0x1ed: {  	v42 =	vor.u32 $0x10D0, v11;
	v53 =	vadd.s32 $0x3000, v44;
	v57 =	vnsel vm0, $0x0, v10;
	v39 =	vld.idx.msk [tilespmem:v44+s2+$0x0], $0xffff  }
0x1ee: {  	vm4 =	vmor vm14, vm15;
	v55 =	vadd.s32 $0x4000, v44;
	v59 =	vadd.f32 v57, v8;
	v8 =	vld.idx.msk [tilespmem:v58+s7+$0x0], $0xffff  }
0x1ef: {  	vm5 =	veq.s32 v38, v3;
	vm6 =	veq.s32 v14, v3;
	v56 =	vand.u32 v47, v2;
	v7 =	vld.idx.msk [tilespmem:v63+s7+$0x0], $0xffff  }
0x1f0: {  	v47 =	vor.u32 $0x20C0, v11;
	vm7 =	veq.s32 v32, v3;
	vm0 =	vmor vm9, vm10;
	v40 =	vld.idx.msk [tilespmem:v51+s2+$0x0], $0xffff  }
0x1f1: {  	vm8 =	veq.s32 v15, v1;
	v10 =	vadd.f32 v10, v50;
	vm0 =	vmor vm0, vm11;
	v30 =	vld.idx.msk [tilespmem:v52+s2+$0x0], $0xffff  }
0x1f2: {  	vm9 =	veq.s32 v21, v1;
	v57 =	vor.u32 $0x1C0, v11;
	vm0 =	vmor vm0, vm12;
	v17 =	vld.idx.msk [tilespmem:v53+s2+$0x0], $0xffff  }
0x1f3: {  	vm10 =	veq.s32 v23, v1;
	v61 =	vadd.s32 $0x1000, v54;
	v29 =	vld.idx.msk [tilespmem:v55+s2+$0x0], $0xffff;
	vm0 =	vmor vm0, vm13  }
0x1f4: {  	v10 =	vadd.f32 v5, v10;
	v62 =	vadd.s32 $0x2000, v54;
	v36 =	vld.idx.msk [tilespmem:v56+s2+$0x0], $0xffff;
	v5 =	vnsel vm0, $0x0, v5  }
0x1f5: {  	vm11 =	veq.s32 v9, v1;
	v63 =	vadd.s32 $0x3000, v54;
	v50 =	vadd.f32 v5, v59;
	v5 =	vld.idx.msk [tilespmem:v46+s7+$0x0], $0xffff  }
0x1f6: {  	vm12 =	veq.s32 v19, v1;
	vm14 =	veq.s32 v35, v1;
	v44 =	vadd.s32 $0x4000, v54;
	v37 =	vld.idx.msk [tilespmem:v54+s2+$0x0], $0xffff  }
0x1f7: {  	vm15 =	veq.s32 v45, v1;
	v55 =	vor.u32 s29, v47;
	v52 =	vadd.f32 v12, v10;
	v10 =	vld.idx.msk [tilespmem:v57+s7+$0x0], $0xffff  }
0x1f8: {  	v45 =	vor.u32 $0x2C0, v11;
	v56 =	vor.u32 $0x30C0, v11;
	vm13 =	veq.s32 v33, v1;
	v27 =	vld.idx.msk [tilespmem:v61+s2+$0x0], $0xffff  }
0x1f9: {  	vm0 =	vmor vm4, vm5;
	v58 =	vor.u32 s29, v56;
	v60 =	vadd.s32 $0x2000, v34;
	v31 =	vld.idx.msk [tilespmem:v62+s2+$0x0], $0xffff  }
0x1fa: {  	vm1 =	vmor vm13, vm14;
	vm0 =	vmor vm0, vm6;
	v59 =	vadd.s32 $0x1000, v34;
	v14 =	vld.idx.msk [tilespmem:v63+s2+$0x0], $0xffff  }
0x1fb: {  	vm1 =	vmor vm1, vm15;
	vm6 =	veq.s32 v18, v1;
	vm0 =	vmor vm0, vm7;
	v26 =	vld.idx.msk [tilespmem:v44+s2+$0x0], $0xffff  }
0x1fc: {  	vm13 =	veq.s32 v22, v1;
	vm7 =	vmor vm1, vm6;
	v53 =	vnsel vm0, $0x0, v12;
	v38 =	vld.idx.msk [tilespmem:v55+s2+$0x0], $0xffff  }
0x1fd: {  	v48 =	vadd.s32 $0x1000, v36;
	v61 =	vadd.s32 $0x3000, v34;
	v62 =	vadd.s32 $0x4000, v34;
	v34 =	vld.idx.msk [tilespmem:v34+s2+$0x0], $0xffff  }
0x1fe: {  	vm0 =	vmor vm8, vm9;
	vm8 =	veq.s32 v16, v1;
	v49 =	vadd.s32 $0x2000, v36;
	v16 =	vld.idx.msk [tilespmem:v60+s2+$0x0], $0xffff  }
0x1ff: {  	vm14 =	veq.s32 v39, v1;
	vm9 =	veq.s32 v25, v1;
	v51 =	vadd.s32 $0x3000, v36;
	v23 =	vld.idx.msk [tilespmem:v58+s2+$0x0], $0xffff  }
0x200: {  	v54 =	vadd.s32 $0x4000, v36;
	v32 =	vadd.f32 v53, v50;
	vm0 =	vmor vm0, vm10;
	v18 =	vld.idx.msk [tilespmem:v59+s2+$0x0], $0xffff  }
0x201: {  	v63 =	vor.u32 $0x40C0, v11;
	v44 =	vadd.f32 v4, v52;
	vm10 =	veq.s32 v13, v1;
	v15 =	vld.idx.msk [tilespmem:v36+s2+$0x0], $0xffff  }
0x202: {  	v53 =	vor.u32 $0x3C0, v11;
	vm15 =	veq.s32 v40, v1;
	vm6 =	veq.s32 v30, v1;
	v21 =	vld.idx.msk [tilespmem:v48+s2+$0x0], $0xffff  }
0x203: {  	vm0 =	vmor vm0, vm11;
	v35 =	vor.u32 s29, v63;
	vm11 =	veq.s32 v28, v1;
	v36 =	vld.idx.msk [tilespmem:v49+s2+$0x0], $0xffff  }
0x204: {  	vm1 =	vmor vm14, vm15;
	vm0 =	vmor vm0, vm12;
	v47 =	vadd.f32 v0, v44;
	v9 =	vld.idx.msk [tilespmem:v51+s2+$0x0], $0xffff  }
0x205: {  	vm12 =	veq.s32 v20, v1;
	v59 =	vor.u32 $0x4C0, v11;
	v4 =	vnsel vm0, $0x0, v4;
	v12 =	vld.idx.msk [tilespmem:v54+s2+$0x0], $0xffff  }
0x206: {  	vm0 =	vmor vm7, vm8;
	vm7 =	veq.s32 v17, v1;
	v4 =	vadd.f32 v4, v32;
	v19 =	vld.idx.msk [tilespmem:v61+s2+$0x0], $0xffff  }
0x207: {  	vm8 =	vmor vm1, vm6;
	v0 =	vnsel vm0, $0x0, v0;
	vm0 =	vmor vm9, vm10;
	v24 =	vld.idx.msk [tilespmem:v62+s2+$0x0], $0xffff  }
0x208: {  	v33 =	vadd.f32 v6, v47;
	vm9 =	veq.s32 v29, v1;
	v49 =	vadd.f32 v0, v4;
	v4 =	vld.idx.msk [tilespmem:v45+s7+$0x0], $0xffff  }
0x209: {  	v46 =	vadd.s32 $0x1000, v38;
	v48 =	vadd.s32 $0x2000, v38;
	vm0 =	vmor vm0, vm11;
	v35 =	vld.idx.msk [tilespmem:v35+s2+$0x0], $0xffff  }
0x20a: {  	v50 =	vadd.s32 $0x3000, v38;
	v52 =	vadd.s32 $0x4000, v38;
	vm0 =	vmor vm0, vm12;
	v0 =	vld.idx.msk [tilespmem:v53+s7+$0x0], $0xffff  }
0x20b: {  	v55 =	vadd.s32 $0x1000, v23;
	v56 =	vadd.s32 $0x2000, v23;
	vm0 =	vmor vm0, vm13;
	v28 =	vld.idx.msk [tilespmem:v38+s2+$0x0], $0xffff  }
0x20c: {  	v57 =	vadd.s32 $0x3000, v23;
	v58 =	vadd.s32 $0x4000, v23;
	v6 =	vnsel vm0, $0x0, v6;
	v23 =	vld.idx.msk [tilespmem:v23+s2+$0x0], $0xffff  }
0x20d: {  	vm10 =	veq.s32 v37, v1;
	v51 =	vor.u32 $0xD0, v11;
	v60 =	vadd.f32 v6, v49;
	v6 =	vld.idx.msk [tilespmem:v59+s7+$0x0], $0xffff  }
0x20e: {  	v54 =	vor.u32 $0xFFFFFFD0, v11;
	vm11 =	veq.s32 v27, v1;
	vm14 =	veq.s32 v26, v1;
	v20 =	vld.idx.msk [tilespmem:v46+s2+$0x0], $0xffff  }
0x20f: {  	v3 =	vor.u32 s29, v51;
	v33 =	vadd.f32 v7, v33;
	vm12 =	veq.s32 v31, v1;
	v38 =	vld.idx.msk [tilespmem:v48+s2+$0x0], $0xffff  }
0x210: {  	vm1 =	vmor vm10, vm11;
	v45 =	vor.u32 $0x20D0, v11;
	vm11 =	veq.s32 v16, v2;
	v39 =	vld.idx.msk [tilespmem:v50+s2+$0x0], $0xffff  }
0x211: {  	v22 =	vand.u32 v54, v3;
	vm13 =	veq.s32 v14, v1;
	vm0 =	vmor vm8, vm7;
	v13 =	vld.idx.msk [tilespmem:v52+s2+$0x0], $0xffff  }
0x212: {  	vm15 =	veq.s32 v15, v2;
	v15 =	vor.u32 s29, v45;
	vm7 =	veq.s32 v12, v2;
	v12 =	vld.idx.msk [tilespmem:v51+s7+$0x0], $0xffff  }
0x213: {  	v33 =	vadd.f32 v8, v33;
	vm8 =	veq.s32 v34, v2;
	vm0 =	vmor vm0, vm9;
	v29 =	vld.idx.msk [tilespmem:v55+s2+$0x0], $0xffff  }
0x214: {  	vm9 =	veq.s32 v18, v2;
	v7 =	vnsel vm0, $0x0, v7;
	vm0 =	vmor vm1, vm12;
	v37 =	vld.idx.msk [tilespmem:v56+s2+$0x0], $0xffff  }
0x215: {  	vm4 =	veq.s32 v21, v2;
	vm5 =	veq.s32 v36, v2;
	v52 =	vor.u32 $0x1D0, v11;
	v27 =	vld.idx.msk [tilespmem:v57+s2+$0x0], $0xffff  }
0x216: {  	vm6 =	veq.s32 v9, v2;
	v51 =	vadd.f32 v5, v33;
	v61 =	vadd.s32 $0x1000, v35;
	v17 =	vld.idx.msk [tilespmem:v58+s2+$0x0], $0xffff  }
0x217: {  	vm10 =	vmor vm8, vm9;
	vm12 =	veq.s32 v19, v2;
	v62 =	vadd.s32 $0x2000, v35;
	v40 =	vld.idx.msk [tilespmem:v22+s2+$0x0], $0xffff  }
0x218: {  	v63 =	vadd.s32 $0x3000, v35;
	v43 =	vadd.s32 $0x4000, v35;
	v7 =	vadd.f32 v7, v60;
	v15 =	vld.idx.msk [tilespmem:v15+s2+$0x0], $0xffff  }
0x219: {  	vm0 =	vmor vm0, vm13;
	vm13 =	veq.s32 v24, v2;
	v56 =	vor.u32 $0x30D0, v11;
	v44 =	vld.idx.msk [tilespmem:v35+s2+$0x0], $0xffff  }
0x21a: {  	v60 =	vor.u32 $0x2D0, v11;
	v22 =	vor.u32 s29, v42;
	vm0 =	vmor vm0, vm14;
	v35 =	vld.idx.msk [tilespmem:v52+s7+$0x0], $0xffff  }
0x21b: {  	v59 =	vor.u32 s29, v56;
	v8 =	vnsel vm0, $0x0, v8;
	vm0 =	vmor vm15, vm4;
	v30 =	vld.idx.msk [tilespmem:v61+s2+$0x0], $0xffff  }
0x21c: {  	vm14 =	veq.s32 v28, v2;
	vm0 =	vmor vm0, vm5;
	v7 =	vadd.f32 v8, v7;
	v31 =	vld.idx.msk [tilespmem:v62+s2+$0x0], $0xffff  }
0x21d: {  	v8 =	vadd.f32 v10, v51;
	vm0 =	vmor vm0, vm6;
	vm15 =	veq.s32 v20, v2;
	v46 =	vld.idx.msk [tilespmem:v63+s2+$0x0], $0xffff  }
0x21e: {  	vm8 =	veq.s32 v38, v2;
	vm9 =	veq.s32 v39, v2;
	v26 =	vld.idx.msk [tilespmem:v43+s2+$0x0], $0xffff;
	vm0 =	vmor vm0, vm7  }
0x21f: {  	v20 =	vld.idx.msk [tilespmem:v60+s7+$0x0], $0xffff;
	v47 =	vadd.s32 $0x1000, v40;
	v5 =	vnsel vm0, $0x0, v5;
	vm0 =	vmor vm10, vm11  }
0x220: {  	v61 =	vor.u32 $0x40D0, v11;
	v48 =	vadd.s32 $0x2000, v40;
	v22 =	vld.idx.msk [tilespmem:v22+s2+$0x0], $0xffff;
	vm0 =	vmor vm0, vm12  }
0x221: {  	v49 =	vadd.s32 $0x3000, v40;
	v50 =	vadd.s32 $0x4000, v40;
	vm0 =	vmor vm0, vm13;
	v14 =	vld.idx.msk [tilespmem:v40+s2+$0x0], $0xffff  }
0x222: {  	v28 =	vor.u32 s29, v61;
	v62 =	vadd.s32 $0x1000, v15;
	v57 =	vnsel vm0, $0x0, v10;
	v10 =	vld.idx.msk [tilespmem:v59+s2+$0x0], $0xffff  }
0x223: {  	v36 =	vadd.s32 $0x2000, v15;
	v38 =	vadd.s32 $0x3000, v15;
	v39 =	vadd.s32 $0x4000, v15;
	v15 =	vld.idx.msk [tilespmem:v15+s2+$0x0], $0xffff  }
0x224: {  	v18 =	vld.idx.msk [tilespmem:v47+s2+$0x0], $0xffff  }
0x225: {  	v16 =	vld.idx.msk [tilespmem:v48+s2+$0x0], $0xffff  }
0x226: {  	v9 =	vld.idx.msk [tilespmem:v49+s2+$0x0], $0xffff  }
0x227: {  	v41 =	vor.u32 $0x3D0, v11;
	v24 =	vld.idx.msk [tilespmem:v50+s2+$0x0], $0xffff  }
0x228: {  	v34 =	vor.u32 $0x30E0, v11;
	v51 =	vor.u32 $0x4D0, v11;
	v52 =	vor.u32 $0x10E0, v11;
	v47 =	vld.idx.msk [tilespmem:v28+s2+$0x0], $0xffff  }
0x229: {  	vm5 =	veq.s32 v27, v2;
	vm10 =	veq.s32 v13, v2;
	vm0 =	vmor vm14, vm15;
	v13 =	vld.idx.msk [tilespmem:v62+s2+$0x0], $0xffff  }
0x22a: {  	v8 =	vadd.f32 v4, v8;
	vm0 =	vmor vm0, vm8;
	v53 =	vadd.s32 $0x1000, v22;
	v33 =	vld.idx.msk [tilespmem:v36+s2+$0x0], $0xffff  }
0x22b: {  	vm12 =	veq.s32 v29, v2;
	v54 =	vadd.s32 $0x2000, v22;
	vm0 =	vmor vm0, vm9;
	v29 =	vld.idx.msk [tilespmem:v38+s2+$0x0], $0xffff  }
0x22c: {  	vm15 =	veq.s32 v44, v2;
	v55 =	vadd.s32 $0x3000, v22;
	vm0 =	vmor vm0, vm10;
	v44 =	vld.idx.msk [tilespmem:v39+s2+$0x0], $0xffff  }
0x22d: {  	vm11 =	veq.s32 v23, v2;
	v58 =	vadd.s32 $0x4000, v22;
	v42 =	vnsel vm0, $0x0, v4;
	v4 =	vld.idx.msk [tilespmem:v41+s7+$0x0], $0xffff  }
0x22e: {  	v8 =	vadd.f32 v0, v8;
	vm13 =	veq.s32 v37, v2;
	v40 =	vor.u32 $0xE0, v11;
	v22 =	vld.idx.msk [tilespmem:v22+s2+$0x0], $0xffff  }
0x22f: {  	v1 =	vor.u32 s29, v40;
	vm9 =	vmor vm11, vm12;
	v48 =	vor.u32 $0xFFFFFFE0, v11;
	v19 =	vld.idx.msk [tilespmem:v53+s2+$0x0], $0xffff  }
0x230: {  	vm0 =	vmor vm9, vm13;
	vm13 =	veq.s32 v26, v2;
	v26 =	vand.u32 v48, v1;
	v25 =	vld.idx.msk [tilespmem:v54+s2+$0x0], $0xffff  }
0x231: {  	v5 =	vadd.f32 v5, v7;
	v8 =	vadd.f32 v6, v8;
	v43 =	vadd.s32 $0x1000, v10;
	v7 =	vld.idx.msk [tilespmem:v55+s2+$0x0], $0xffff  }
0x232: {  	vm14 =	veq.s32 v17, v2;
	vm12 =	veq.s32 v46, v2;
	v45 =	vadd.s32 $0x2000, v10;
	v63 =	vld.idx.msk [tilespmem:v58+s2+$0x0], $0xffff  }
0x233: {  	v8 =	vadd.f32 v12, v8;
	v46 =	vadd.s32 $0x3000, v10;
	vm8 =	veq.s32 v9, v3;
	v9 =	vld.idx.msk [tilespmem:v51+s7+$0x0], $0xffff  }
0x234: {  	v5 =	vadd.f32 v57, v5;
	vm11 =	veq.s32 v31, v2;
	v49 =	vadd.s32 $0x4000, v10;
	v10 =	vld.idx.msk [tilespmem:v10+s2+$0x0], $0xffff  }
0x235: {  	vm10 =	veq.s32 v30, v2;
	v8 =	vadd.f32 v35, v8;
	v41 =	vor.u32 $0x40E0, v11;
	v26 =	vld.idx.msk [tilespmem:v26+s2+$0x0], $0xffff  }
0x236: {  	vm0 =	vmor vm0, vm5;
	v5 =	vadd.f32 v42, v5;
	v54 =	vadd.s32 $0x1000, v47;
	v50 =	vld.idx.msk [tilespmem:v43+s2+$0x0], $0xffff  }
0x237: {  	vm0 =	vmor vm0, vm14;
	vm14 =	vmor vm15, vm10;
	v55 =	vadd.s32 $0x2000, v47;
	v53 =	vld.idx.msk [tilespmem:v45+s2+$0x0], $0xffff  }
0x238: {  	vm15 =	veq.s32 v14, v3;
	vm4 =	veq.s32 v15, v3;
	v56 =	vadd.s32 $0x3000, v47;
	v2 =	vld.idx.msk [tilespmem:v46+s2+$0x0], $0xffff  }
0x239: {  	v0 =	vnsel vm0, $0x0, v0;
	vm0 =	vmor vm14, vm11;
	v57 =	vadd.s32 $0x4000, v47;
	v17 =	vld.idx.msk [tilespmem:v49+s2+$0x0], $0xffff  }
0x23a: {  	v8 =	vadd.f32 v20, v8;
	vm6 =	veq.s32 v18, v3;
	vm0 =	vmor vm0, vm12;
	v21 =	vld.idx.msk [tilespmem:v47+s2+$0x0], $0xffff  }
0x23b: {  	v0 =	vadd.f32 v0, v5;
	v5 =	vor.u32 s29, v52;
	vm0 =	vmor vm0, vm13;
	v14 =	vld.idx.msk [tilespmem:v54+s2+$0x0], $0xffff  }
0x23c: {  	v58 =	vor.u32 $0x20E0, v11;
	v6 =	vnsel vm0, $0x0, v6;
	v43 =	vor.u32 $0x2E0, v11;
	v18 =	vld.idx.msk [tilespmem:v55+s2+$0x0], $0xffff  }
0x23d: {  	vm7 =	veq.s32 v16, v3;
	v0 =	vadd.f32 v6, v0;
	v6 =	vor.u32 s29, v58;
	v16 =	vld.idx.msk [tilespmem:v56+s2+$0x0], $0xffff  }
0x23e: {  	vm10 =	veq.s32 v24, v3;
	vm1 =	vmor vm15, vm6;
	vm12 =	veq.s32 v19, v3;
	v19 =	vld.idx.msk [tilespmem:v57+s2+$0x0], $0xffff  }
0x23f: {  	vm14 =	veq.s32 v7, v3;
	v7 =	vld.idx.msk [tilespmem:v40+s7+$0x0], $0xffff;
	vm15 =	veq.s32 v63, v3;
	v63 =	vor.u32 $0x1E0, v11  }
0x240: {  	vm5 =	veq.s32 v13, v3;
	vm6 =	veq.s32 v33, v3;
	v5 =	vld.idx.msk [tilespmem:v5+s2+$0x0], $0xffff;
	v59 =	vadd.s32 $0x1000, v26  }
0x241: {  	vm1 =	vmor vm1, vm7;
	vm7 =	veq.s32 v29, v3;
	v60 =	vadd.s32 $0x2000, v26;
	v33 =	vld.idx.msk [tilespmem:v43+s7+$0x0], $0xffff  }
0x242: {  	v8 =	vadd.f32 v4, v8;
	vm9 =	vmor vm1, vm8;
	v61 =	vadd.s32 $0x3000, v26;
	v6 =	vld.idx.msk [tilespmem:v6+s2+$0x0], $0xffff  }
0x243: {  	vm11 =	veq.s32 v22, v3;
	vm0 =	vmor vm9, vm10;
	v62 =	vadd.s32 $0x4000, v26;
	v23 =	vld.idx.msk [tilespmem:v26+s2+$0x0], $0xffff  }
0x244: {  	vm8 =	veq.s32 v44, v3;
	v44 =	vor.u32 s29, v41;
	v12 =	vnsel vm0, $0x0, v12;
	v24 =	vld.idx.msk [tilespmem:v63+s7+$0x0], $0xffff  }
0x245: {  	vm13 =	veq.s32 v25, v3;
	vm0 =	vmor vm11, vm12;
	v0 =	vadd.f32 v12, v0;
	v12 =	vld.idx.msk [tilespmem:v59+s2+$0x0], $0xffff  }
0x246: {  	v8 =	vadd.f32 v9, v8;
	vm0 =	vmor vm0, vm13;
	v26 =	vor.u32 s29, v34;
	v22 =	vld.idx.msk [tilespmem:v60+s2+$0x0], $0xffff  }
0x247: {  	vm9 =	veq.s32 v10, v3;
	vm0 =	vmor vm0, vm14;
	v37 =	vadd.s32 $0x1000, v5;
	v13 =	vld.idx.msk [tilespmem:v61+s2+$0x0], $0xffff  }
0x248: {  	vm10 =	veq.s32 v50, v3;
	vm11 =	veq.s32 v53, v3;
	v38 =	vadd.s32 $0x2000, v5;
	v25 =	vld.idx.msk [tilespmem:v62+s2+$0x0], $0xffff  }
0x249: {  	vm12 =	veq.s32 v2, v3;
	vm0 =	vmor vm0, vm15;
	v39 =	vadd.s32 $0x3000, v5;
	v61 =	vld.idx.msk [tilespmem:v44+s2+$0x0], $0xffff  }
0x24a: {  	v50 =	vor.u32 $0xF0, v11;
	v36 =	vnsel vm0, $0x0, v35;
	v40 =	vadd.s32 $0x4000, v5;
	v5 =	vld.idx.msk [tilespmem:v5+s2+$0x0], $0xffff  }
0x24b: {  	vm13 =	veq.s32 v17, v3;
	v0 =	vadd.f32 v36, v0;
	v36 =	vor.u32 $0x4E0, v11;
	v26 =	vld.idx.msk [tilespmem:v26+s2+$0x0], $0xffff  }
0x24c: {  	vm14 =	veq.s32 v21, v3;
	v2 =	vor.u32 s29, v50;
	v59 =	vor.u32 $0xFFFFFFF0, v11;
	v15 =	vld.idx.msk [tilespmem:v37+s2+$0x0], $0xffff  }
0x24d: {  	v53 =	vor.u32 $0x3E0, v11;
	vm0 =	vmor vm4, vm5;
	v63 =	vand.u32 v59, v2;
	v27 =	vld.idx.msk [tilespmem:v38+s2+$0x0], $0xffff  }
0x24e: {  	vm15 =	veq.s32 v14, v3;
	v8 =	vadd.f32 v7, v8;
	v46 =	vadd.s32 $0x1000, v6;
	v45 =	vld.idx.msk [tilespmem:v39+s2+$0x0], $0xffff  }
0x24f: {  	vm0 =	vmor vm0, vm6;
	vm6 =	vmor vm14, vm15;
	v48 =	vadd.s32 $0x2000, v6;
	v47 =	vld.idx.msk [tilespmem:v40+s2+$0x0], $0xffff  }
0x250: {  	vm0 =	vmor vm0, vm7;
	vm7 =	veq.s32 v18, v3;
	v49 =	vadd.s32 $0x3000, v6;
	v21 =	vld.idx.msk [tilespmem:v36+s7+$0x0], $0xffff  }
0x251: {  	vm0 =	vmor vm0, vm8;
	vm1 =	vmor vm6, vm7;
	v51 =	vadd.s32 $0x4000, v6;
	v6 =	vld.idx.msk [tilespmem:v6+s2+$0x0], $0xffff  }
0x252: {  	vm8 =	veq.s32 v16, v3;
	v42 =	vnsel vm0, $0x0, v20;
	vm0 =	vmor vm9, vm10;
	v20 =	vld.idx.msk [tilespmem:v63+s2+$0x0], $0xffff  }
0x253: {  	vm9 =	vmor vm1, vm8;
	vm10 =	veq.s32 v19, v3;
	vm0 =	vmor vm0, vm11;
	v52 =	vld.idx.msk [tilespmem:v46+s2+$0x0], $0xffff  }
0x254: {  	v0 =	vadd.f32 v42, v0;
	vm0 =	vmor vm0, vm12;
	v39 =	vadd.s32 $0x1000, v61;
	v54 =	vld.idx.msk [tilespmem:v48+s2+$0x0], $0xffff  }
0x255: {  	vm11 =	veq.s32 v23, v1;
	vm0 =	vmor vm0, vm13;
	v40 =	vadd.s32 $0x2000, v61;
	v55 =	vld.idx.msk [tilespmem:v49+s2+$0x0], $0xffff  }
0x256: {  	v38 =	vor.u32 $0x10F0, v11;
	v41 =	vadd.s32 $0x3000, v61;
	v4 =	vnsel vm0, $0x0, v4;
	v57 =	vld.idx.msk [tilespmem:v51+s2+$0x0], $0xffff  }
0x257: {  	v8 =	vadd.f32 v24, v8;
	v42 =	vor.u32 s29, v38;
	v0 =	vadd.f32 v4, v0;
	v4 =	vld.idx.msk [tilespmem:v53+s7+$0x0], $0xffff  }
0x258: {  	vm12 =	veq.s32 v12, v1;
	vm13 =	veq.s32 v22, v1;
	v19 =	vadd.s32 $0x4000, v61;
	v43 =	vld.idx.msk [tilespmem:v61+s2+$0x0], $0xffff  }
0x259: {  	vm14 =	veq.s32 v13, v1;
	vm15 =	veq.s32 v25, v1;
	vm0 =	vmor vm9, vm10;
	v13 =	vld.idx.msk [tilespmem:v39+s2+$0x0], $0xffff  }
0x25a: {  	v8 =	vadd.f32 v33, v8;
	v34 =	vnsel vm0, $0x0, v9;
	vm0 =	vmor vm11, vm12;
	v44 =	vld.idx.msk [tilespmem:v40+s2+$0x0], $0xffff  }
0x25b: {  	vm8 =	veq.s32 v5, v1;
	v46 =	vor.u32 $0x20F0, v11;
	v56 =	vadd.s32 $0x1000, v26;
	v5 =	vld.idx.msk [tilespmem:v41+s2+$0x0], $0xffff  }
0x25c: {  	v58 =	vadd.s32 $0x2000, v26;
	v60 =	vadd.s32 $0x3000, v26;
	vm9 =	veq.s32 v15, v1;
	v15 =	vld.idx.msk [tilespmem:v42+s2+$0x0], $0xffff  }
0x25d: {  	v62 =	vadd.s32 $0x4000, v26;
	vm0 =	vmor vm0, vm13;
	v23 =	vor.u32 s29, v46;
	v19 =	vld.idx.msk [tilespmem:v19+s2+$0x0], $0xffff  }
0x25e: {  	v0 =	vadd.f32 v34, v0;
	vm0 =	vmor vm0, vm14;
	vm14 =	veq.s32 v6, v1;
	v6 =	vld.idx.msk [tilespmem:v50+s7+$0x0], $0xffff  }
0x25f: {  	vm10 =	veq.s32 v27, v1;
	vm12 =	veq.s32 v45, v1;
	vm13 =	veq.s32 v47, v1;
	v26 =	vld.idx.msk [tilespmem:v26+s2+$0x0], $0xffff  }
0x260: {  	vm0 =	vmor vm0, vm15;
	vm11 =	vmor vm8, vm9;
	v50 =	vor.u32 $0x30F0, v11;
	v35 =	vld.idx.msk [tilespmem:v56+s2+$0x0], $0xffff  }
0x261: {  	v39 =	vimm.s32 $0x0;
	v7 =	vnsel vm0, $0x0, v7;
	v45 =	vadd.s32 $0x1000, v20;
	v37 =	vld.idx.msk [tilespmem:v58+s2+$0x0], $0xffff  }
0x262: {  	vm0 =	vmor vm11, vm10;
	v47 =	vadd.s32 $0x2000, v20;
	v48 =	vadd.s32 $0x3000, v20;
	v3 =	vld.idx.msk [tilespmem:v60+s2+$0x0], $0xffff  }
0x263: {  	v27 =	vor.u32 s29, v50;
	v50 =	vor.u32 $0x2F0, v11;
	v0 =	vadd.f32 v7, v0;
	v17 =	vld.idx.msk [tilespmem:v62+s2+$0x0], $0xffff  }
0x264: {  	vm0 =	vmor vm0, vm12;
	vm15 =	veq.s32 v52, v1;
	vm4 =	veq.s32 v54, v1;
	v23 =	vld.idx.msk [tilespmem:v23+s2+$0x0], $0xffff  }
0x265: {  	vm5 =	veq.s32 v55, v1;
	vm6 =	veq.s32 v57, v1;
	v57 =	vor.u32 $0x40F0, v11;
	v49 =	vld.idx.msk [tilespmem:v20+s2+$0x0], $0xffff  }
0x266: {  	v8 =	vadd.f32 v4, v8;
	vm0 =	vmor vm0, vm13;
	v12 =	vor.u32 s29, v57;
	v10 =	vld.idx.msk [tilespmem:v45+s2+$0x0], $0xffff  }
0x267: {  	vm12 =	veq.s32 v43, v1;
	v24 =	vnsel vm0, $0x0, v24;
	vm0 =	vmor vm14, vm15;
	v51 =	vld.idx.msk [tilespmem:v47+s2+$0x0], $0xffff  }
0x268: {  	v20 =	vadd.s32 $0x4000, v20;
	v8 =	vadd.f32 v21, v8;
	vm0 =	vmor vm0, vm4;
	v14 =	vld.idx.msk [tilespmem:v48+s2+$0x0], $0xffff  }
0x269: {  	v52 =	vadd.s32 $0x1000, v15;
	v0 =	vadd.f32 v24, v0;
	v53 =	vadd.s32 $0x2000, v15;
	v60 =	vld.idx.msk [tilespmem:v27+s2+$0x0], $0xffff  }
0x26a: {  	v55 =	vadd.s32 $0x3000, v15;
	vm13 =	veq.s32 v13, v1;
	vm14 =	veq.s32 v44, v1;
	v57 =	vld.idx.msk [tilespmem:v50+s7+$0x0], $0xffff  }
0x26b: {  	vm4 =	veq.s32 v5, v1;
	vm0 =	vmor vm0, vm5;
	vm7 =	veq.s32 v26, v1;
	v56 =	vld.idx.msk [tilespmem:v15+s2+$0x0], $0xffff  }
0x26c: {  	vm1 =	vmor vm12, vm13;
	vm5 =	veq.s32 v19, v1;
	v47 =	vor.u32 $0x1F0, v11;
	v12 =	vld.idx.msk [tilespmem:v12+s2+$0x0], $0xffff  }
0x26d: {  	vm0 =	vmor vm0, vm6;
	vm15 =	vmor vm1, vm14;
	v15 =	vadd.s32 $0x4000, v15;
	v20 =	vld.idx.msk [tilespmem:v20+s2+$0x0], $0xffff  }
0x26e: {  	v54 =	vnsel vm0, $0x0, v33;
	vm8 =	veq.s32 v35, v1;
	v59 =	vadd.s32 $0x1000, v23;
	v25 =	vld.idx.msk [tilespmem:v52+s2+$0x0], $0xffff  }
0x26f: {  	vm9 =	veq.s32 v37, v1;
	vm10 =	veq.s32 v3, v1;
	v62 =	vadd.s32 $0x2000, v23;
	v58 =	vld.idx.msk [tilespmem:v53+s2+$0x0], $0xffff  }
0x270: {  	vm11 =	veq.s32 v17, v1;
	v28 =	vadd.s32 $0x3000, v23;
	vm0 =	vmor vm7, vm8;
	v61 =	vld.idx.msk [tilespmem:v55+s2+$0x0], $0xffff  }
0x271: {  	v0 =	vadd.f32 v54, v0;
	vm7 =	veq.s32 v49, v2;
	vm0 =	vmor vm0, vm9;
	v29 =	vld.idx.msk [tilespmem:v23+s2+$0x0], $0xffff  }
0x272: {  	v54 =	vor.u32 $0x3F0, v11;
	vm0 =	vmor vm0, vm10;
	v23 =	vadd.s32 $0x4000, v23;
	v63 =	vld.idx.msk [tilespmem:v15+s2+$0x0], $0xffff  }
0x273: {  	v31 =	vadd.s32 $0x1000, v60;
	v33 =	vadd.s32 $0x2000, v60;
	v35 =	vadd.s32 $0x3000, v60;
	v30 =	vld.idx.msk [tilespmem:v59+s2+$0x0], $0xffff  }
0x274: {  	v37 =	vadd.s32 $0x4000, v60;
	vm8 =	veq.s32 v10, v2;
	vm10 =	veq.s32 v51, v2;
	v32 =	vld.idx.msk [tilespmem:v62+s2+$0x0], $0xffff  }
0x275: {  	vm0 =	vmor vm0, vm11;
	vm11 =	veq.s32 v14, v2;
	vm7 =	vmor vm7, vm8;
	v15 =	vld.idx.msk [tilespmem:v28+s2+$0x0], $0xffff  }
0x276: {  	v4 =	vnsel vm0, $0x0, v4;
	vm0 =	vmor vm15, vm4;
	v40 =	vadd.s32 $0x1000, v12;
	v38 =	vld.idx.msk [tilespmem:v60+s2+$0x0], $0xffff  }
0x277: {  	vm12 =	veq.s32 v56, v2;
	v42 =	vadd.s32 $0x2000, v12;
	v0 =	vadd.f32 v4, v0;
	v4 =	vld.idx.msk [tilespmem:v47+s7+$0x0], $0xffff  }
0x278: {  	v44 =	vadd.s32 $0x3000, v12;
	v46 =	vadd.s32 $0x4000, v12;
	vm8 =	vmor vm7, vm10;
	v36 =	vld.idx.msk [tilespmem:v23+s2+$0x0], $0xffff  }
0x279: {  	v56 =	vadd.f32 v6, v8;
	vm0 =	vmor vm0, vm5;
	vm6 =	veq.s32 v20, v2;
	v1 =	vld.idx.msk [tilespmem:v31+s2+$0x0], $0xffff  }
0x27a: {  	vm11 =	vmor vm8, vm11;
	v34 =	vnsel vm0, $0x0, v21;
	v14 =	vsel vm6, $0xFFFFFFFF, v39;
	v41 =	vld.idx.msk [tilespmem:v33+s2+$0x0], $0xffff  }
0x27b: {  	vm13 =	veq.s32 v25, v2;
	vm14 =	veq.s32 v58, v2;
	vm9 =	veq.s32 v61, v2;
	v43 =	vld.idx.msk [tilespmem:v35+s2+$0x0], $0xffff  }
0x27c: {  	v58 =	vor.u32 $0x4F0, v11;
	v0 =	vadd.f32 v34, v0;
	[tilespmem:$0x1FFF0] =	vst v14;
	v45 =	vld.idx.msk [tilespmem:v37+s2+$0x0], $0xffff;
	vm12 =	vmor vm12, vm13  }
0x27d: {  	vm1 =	veq.s32 v29, v2;
	vm12 =	vmor vm12, vm14;
	v55 =	vld [tilespmem:$0x1FFF0];
	vm5 =	veq.s32 v63, v2  }
0x27e: {  	v48 =	vld.idx.msk [tilespmem:v12+s2+$0x0], $0xffff;
	vm6 =	veq.s32 v30, v2;
	vm3 =	veq.s32 v32, v2;
	vm9 =	vmor vm12, vm9  }
0x27f: {  	vm4 =	veq.s32 v15, v2;
	v49 =	vld.idx.msk [tilespmem:v40+s2+$0x0], $0xffff;
	vm7 =	veq.s32 v38, v2;
	vm5 =	vmor vm9, vm5  }
0x280: {  	v51 =	vld.idx.msk [tilespmem:v42+s2+$0x0], $0xffff;
	vm1 =	vmor vm1, vm6;
	v59 =	vadd.f32 v4, v56;
	v60 =	vnsel vm5, $0x0, v4  }
0x281: {  	v53 =	vld.idx.msk [tilespmem:v46+s2+$0x0], $0xffff;
	vm1 =	vmor vm1, vm3;
	vm2 =	veq.s32 v36, v2;
	vm15 =	veq.s32 v1, v2  }
0x282: {  	vm0 =	veq.s32 v41, v2;
	vm10 =	veq.s32 v43, v2;
	vm14 =	vnez.u8 v55  }
0x283: {  	v52 =	vld.idx.msk [tilespmem:v44+s2+$0x0], $0xffff;
	vm8 =	veq.s32 v45, v2;
	vm13 =	veq.s32 v48, v2;
	vm11 =	vmor vm11, vm14  }
0x284: {  	vm1 =	vmor vm1, vm4;
	v1 =	vadd.f32 v57, v59;
	v6 =	vnsel vm11, $0x0, v6  }
0x285: {  	v61 =	vld.idx.msk [tilespmem:v54+s7+$0x0], $0xffff;
	vm7 =	vmor vm7, vm15;
	vm1 =	vmor vm1, vm2;
	v0 =	vadd.f32 v6, v0  }
0x286: {  	vm14 =	veq.s32 v49, v2;
	vm12 =	veq.s32 v51, v2;
	vm9 =	veq.s32 v53, v2  }
0x287: {  	v62 =	vld.idx.msk [tilespmem:v58+s7+$0x0], $0xffff;
	vm0 =	vmor vm7, vm0;
	v63 =	vnsel vm1, $0x0, v57;
	v0 =	vadd.f32 v60, v0  }
0x288: {  	vm11 =	veq.s32 v52, v2;
	vm0 =	vmor vm0, vm10;
	vm14 =	vmor vm13, vm14  }
0x289: {  	vm0 =	vmor vm0, vm8;
	vm1 =	vmor vm14, vm12;
	v0 =	vadd.f32 v63, v0  }
0x28a: {  	v1 =	vadd.f32 v61, v1;
	v3 =	vnsel vm0, $0x0, v61;
	vm15 =	vmor vm1, vm11  }
0x28b: {  	vm0 =	vmor vm15, vm9;
	v0 =	vadd.f32 v3, v0  }
0x28c: {  	v1 =	vadd.f32 v62, v1;
	v2 =	vnsel vm0, $0x0, v62  }
0x28d: {  	v0 =	vadd.f32 v2, v0  }
0x28e: {  	s4 =	sadd.s32 $0x2200, s4;
	[tilespmem:$0x5500] =	vst v1  }
0x28f: {  	s31 =	simm.s32 $0x5500;
	s6 =	sadd.s32 s4, s6;
	[tilespmem:$0x5580] =	vst v0  }
0x290: {  	[hbm4b:s6+s2] =	stream.linear.scatter [tilespmem:s31], [sflag:$0x1], $0x100, $0x38;
	[tilespmem:$0x6680] =	vst v63  }
0x291: {  	_ =	swait.ge [sflag:s3], $0x100  }
0x292: {  	[sflag:s3] =	ssyncset.done $0x0  }
0x293: {  	[sflag:s3] =	ssyncadd.s32 $0xFFFFFF00  }
0x294: {  	p0 =	sne.s32 s5, $0x0;
	[bflag:$0x0] =	sbarrier.arrive $0xFFFF  }
0x295: {  	_ =	sfence.sel @p0 $0x180000  }
0x296: {  	[bflag:$0x0] =	sbarrier.arrive @p0 $0xFFFF  }
0x297: {  	_ =	strace @p0 $0x90000047  }
0x298: {  	[bflag:$0x2] =	sbarrier.arrive @p0 $0xFFFF  }
0x299: {  	_ =	shalt @p0  }
.LBB2_1:
0x29a: {  	s5 =	simm.s32 $0x5600  }
0x29b: {  	[tilespmem:s5], [sflag:$0x1] =	stream.linear.gather [hbm4b:s4+s2], $0x1000, $0x38;
	[tilespmem:$0x6680] =	vst v63  }
0x29c: {  	_ =	swait.ge [sflag:s3], $0x1000  }
0x29d: {  	[sflag:s3] =	ssyncset.done $0x0  }
0x29e: {  	[sflag:s3] =	ssyncadd.s32 $0xFFFFF000  }
0x29f: {  	v0 =	vld [tilespmem:$0x5600]  }
0x2a0: {  	v1 =	vld [tilespmem:$0x5680]  }
0x2a1: {  	v2 =	vld [tilespmem:$0x5700]  }
0x2a2: {  	v3 =	vld [tilespmem:$0x5780]  }
0x2a3: {  	v4 =	vld [tilespmem:$0x5800]  }
0x2a4: {  	v5 =	vld [tilespmem:$0x5880];
	v0 =	vadd.f32 $0.0e+00, v0  }
0x2a5: {  	v6 =	vld [tilespmem:$0x5900];
	v1 =	vadd.f32 $0.0e+00, v1  }
0x2a6: {  	v37 =	vld [tilespmem:$0x5980];
	v0 =	vadd.f32 v2, v0  }
0x2a7: {  	v38 =	vld [tilespmem:$0x5A00];
	v1 =	vadd.f32 v3, v1  }
0x2a8: {  	v39 =	vld [tilespmem:$0x5A80];
	v0 =	vadd.f32 v4, v0  }
0x2a9: {  	v40 =	vld [tilespmem:$0x5B00];
	v1 =	vadd.f32 v5, v1  }
0x2aa: {  	v41 =	vld [tilespmem:$0x5B80];
	v0 =	vadd.f32 v6, v0  }
0x2ab: {  	v42 =	vld [tilespmem:$0x5C00];
	v1 =	vadd.f32 v37, v1  }
0x2ac: {  	v43 =	vld [tilespmem:$0x5C80];
	v0 =	vadd.f32 v38, v0  }
0x2ad: {  	v44 =	vld [tilespmem:$0x5D00];
	v1 =	vadd.f32 v39, v1  }
0x2ae: {  	v45 =	vld [tilespmem:$0x5D80];
	v0 =	vadd.f32 v40, v0  }
0x2af: {  	v46 =	vld [tilespmem:$0x5E00];
	v1 =	vadd.f32 v41, v1  }
0x2b0: {  	v47 =	vld [tilespmem:$0x5E80];
	v0 =	vadd.f32 v42, v0  }
0x2b1: {  	v48 =	vld [tilespmem:$0x5F00];
	v1 =	vadd.f32 v43, v1  }
0x2b2: {  	v49 =	vld [tilespmem:$0x5F80];
	v0 =	vadd.f32 v44, v0  }
0x2b3: {  	v50 =	vld [tilespmem:$0x6000];
	v1 =	vadd.f32 v45, v1  }
0x2b4: {  	v51 =	vld [tilespmem:$0x6080];
	v0 =	vadd.f32 v46, v0  }
0x2b5: {  	v52 =	vld [tilespmem:$0x6100];
	v1 =	vadd.f32 v47, v1  }
0x2b6: {  	v53 =	vld [tilespmem:$0x6180];
	v0 =	vadd.f32 v48, v0  }
0x2b7: {  	v54 =	vld [tilespmem:$0x6200];
	v1 =	vadd.f32 v49, v1  }
0x2b8: {  	v55 =	vld [tilespmem:$0x6280];
	v0 =	vadd.f32 v50, v0  }
0x2b9: {  	v56 =	vld [tilespmem:$0x6300];
	v1 =	vadd.f32 v51, v1  }
0x2ba: {  	v57 =	vld [tilespmem:$0x6380];
	v0 =	vadd.f32 v52, v0  }
0x2bb: {  	v58 =	vld [tilespmem:$0x6400];
	v1 =	vadd.f32 v53, v1  }
0x2bc: {  	v59 =	vld [tilespmem:$0x6480];
	v0 =	vadd.f32 v54, v0  }
0x2bd: {  	v60 =	vld [tilespmem:$0x6500];
	v1 =	vadd.f32 v55, v1  }
0x2be: {  	v61 =	vld [tilespmem:$0x6580];
	v0 =	vadd.f32 v56, v0  }
0x2bf: {  	v1 =	vadd.f32 v57, v1  }
0x2c0: {  	v0 =	vadd.f32 v58, v0  }
0x2c1: {  	v1 =	vadd.f32 v59, v1  }
0x2c2: {  	v0 =	vadd.f32 v60, v0  }
0x2c3: {  	v1 =	vadd.f32 v61, v1  }
0x2c4: {  	(xrf2) =	vadd.scan.msk.f32 $0xffff, v0  }
0x2c5: {  	(xrf2) =	vadd.scan.msk.f32 $0xffff, v1;
	_ =	sdelay $0x8  }
0x2c6: {  	v0, _, _ =	vpop (xrf2)  }
0x2c7: {  	(v2sf) =	vpush v0, $0xF;
	v62, _, _ =	vpop (xrf2)  }
0x2c8: {  	(v2sf) =	vpush v62, $0xF;
	_ =	sdelay $0xd  }
0x2c9: {  	s29 =	spop (v2sf)  }
0x2ca: {  	s30 =	spop (v2sf)  }
0x2cb: {  	s5 =	smul.f32 $-5.000000000e-01, s30;
	_ =	sdelay $0x1  }
0x2cc: {  	s4 =	sadd.f32 s5, s29;
	_ =	sdelay $0x1  }
0x2cd: {  	s4 =	smul.f32 $2.441406250e-04, s4;
	_ =	sdelay $0x1  }
0x2ce: {  	v63 =	vmov s4  }
0x2cf: {  	s31 =	simm.s32 $0x6600;
	[tilespmem:$0x6600] =	vst v63  }
0x2d0: {  	[hbm4b:s1+s2] =	stream.linear.scatter [tilespmem:s31], [sflag:$0x1], $0x1, $0x38;
	[tilespmem:$0x6680] =	vst v63  }
0x2d1: {  	_ =	swait.ge [sflag:s3], $0x1  }
0x2d2: {  	[sflag:s3] =	ssyncset.done $0x0  }
0x2d3: {  	[sflag:s3] =	ssyncadd.s32 $0xFFFFFFFF  }
0x2d4: {  	_ =	sfence.sel $0x180000  }
0x2d5: {  	[bflag:$0x0] =	sbarrier.arrive $0xFFFF  }
0x2d6: {  	_ =	strace $0x90000047  }
0x2d7: {  	s0 =	sadd.s32 $0x100000, s0;
	[bflag:$0x2] =	sbarrier.arrive $0xFFFF  }
0x2d8: {  	[sflag:s0] =	ssyncadd.tile.s32 $0x1;
	_ =	shalt  }
.Lfunc_end2:
_tile_overlayer_lowered:
.L_overlay_start_2:
0x2d9: {  	(tag) =	ssettag $0x2  }
0x2da: {  	s0 =	rddreg [dreg:$0x0];
	s2 =	stileid.u32  }
0x2db: {  	s1 =	rddreg [dreg:$0x1];
	p0 =	sne.s32 s2, $0x0  }
0x2dc: {  	s3 =	rddreg [dreg:$0x2];
	[bflag:$0x3] =	sbarrier.arrive $0xFFFF;
	s2 =	simm.s32 @!p0 $0x1C01  }
0x2dd: {  	[timem:s3], [sflag:s2] =	dma.local @!p0 [hbm:s0], s1  }
0x2de: {  	s0 =	simm.s32 @!p0 $0x1  }
0x2df: {  	_ =	swait.ge @!p0 [sflag:s0], s1  }
0x2e0: {  	s1 =	ssub.s32 @!p0 $0x0, s1;
	[sflag:s0] =	ssyncset.done @!p0 $0x0  }
0x2e1: {  	[sflag:s0] =	ssyncadd.s32 @!p0 s1  }
0x2e2: {  	[bflag:$0x3] =	sbarrier.arrive $0xFFFF  }
0x2e3: {  	_ =	shalt  }

</sc_bundles>
